<compile_context>
chip_gen: v7x
topology: tpu7x:2x2x1
jax: 0.10.2.dev20260603
libtpu: 0.0.44.dev20260713+nightly
codegen_flags: <defaults>
</compile_context>

<pallas_src>
import jax
import jax.numpy as jnp
from jax import lax
from jax.experimental import pallas as pl
from jax.experimental.pallas import tpu as pltpu
from jax.experimental.pallas import tpu_sc as plsc

N = 10000
D = 128
E = 320000
C_OUT = 10

NC = 2
NS = 16
NW = NC * NS
EPW = E // NW
K = 80
CHUNKS = EPW // K
RPT = 624
REM = N - NS * RPT


def _sc_agg_body(h_hbm, eidx_hbm, out_hbm,
                 ring, rows0, rows1, rows2, rows3, acc,
                 isem0, isem1, isem2, isem3, isem4, isem5, isem6, isem7,
                 gsem0, gsem1, gsem2, gsem3, ssem0, ssem1, ssem2, ssem3,
                 hsem0, hsem1):
    c = lax.axis_index("c")
    s = lax.axis_index("s")
    wid = c * NS + s
    rows = (rows0, rows1, rows2, rows3)
    isems = (isem0, isem1, isem2, isem3, isem4, isem5, isem6, isem7)
    gsems = (gsem0, gsem1, gsem2, gsem3)
    ssems = (ssem0, ssem1, ssem2, ssem3)

    NZC = RPT // K
    ZT = RPT - NZC * K

    @pl.when(c == 0)
    def _():
        pltpu.async_copy(h_hbm.at[pl.ds(s * RPT, RPT)],
                         acc.at[pl.ds(s * RPT, RPT)], hsem0)

        @pl.when(s == 0)
        def _():
            pltpu.async_copy(h_hbm.at[pl.ds(NS * RPT, REM)],
                             acc.at[pl.ds(NS * RPT, REM)], hsem1)

    @pl.when(c == 1)
    def _():
        def _zrow(r, carry):
            for jj in range(D // 16):
                rows3[r, pl.ds(jj * 16, 16)] = jnp.zeros((16,), jnp.float32)
            return carry

        lax.fori_loop(0, K, _zrow, 0)
        for i in range(NZC):
            pltpu.async_copy(rows3, acc.at[pl.ds(s * RPT + i * K, K)], hsem0)
        pltpu.async_copy(rows3.at[pl.ds(0, ZT)],
                         acc.at[pl.ds(s * RPT + NZC * K, ZT)], hsem0)

        @pl.when(s == 0)
        def _():
            pltpu.async_copy(rows3.at[pl.ds(0, REM)],
                             acc.at[pl.ds(NS * RPT, REM)], hsem1)

    def _iload(g, t):
        pltpu.async_copy(eidx_hbm.at[wid, g], ring.at[t], isems[t])

    def _iwait(t):
        pltpu.make_async_copy(eidx_hbm.at[0, 0], ring.at[t],
                              isems[t]).wait()

    def _gather(t, b):
        pltpu.async_copy(h_hbm.at[ring.at[t, 0]], rows[b], gsems[b])

    def _gdrain(b):
        pltpu.make_async_copy(h_hbm.at[pl.ds(0, K)], rows[b],
                              gsems[b]).wait()

    def _scat(t, b):
        pltpu.async_copy(rows[b], acc.at[ring.at[t, 1]], ssems[b], add=True)

    def _sdrain(b):
        pltpu.make_async_copy(h_hbm.at[pl.ds(0, K)], rows[b],
                              ssems[b]).wait()

    for t in range(6):
        _iload(t, t)
    _iwait(0)
    _gather(0, 0)
    _iwait(1)
    _gather(1, 1)
    _iwait(2)
    _gather(2, 2)

    @pl.when(c == 0)
    def _():
        pltpu.make_async_copy(h_hbm.at[pl.ds(0, RPT)],
                              acc.at[pl.ds(s * RPT, RPT)], hsem0).wait()

    @pl.when(c == 1)
    def _():
        for i in range(NZC):
            pltpu.make_async_copy(h_hbm.at[pl.ds(0, K)], rows3, hsem0).wait()
        pltpu.make_async_copy(h_hbm.at[pl.ds(0, ZT)],
                              rows3.at[pl.ds(0, ZT)], hsem0).wait()

    @pl.when(s == 0)
    def _():
        pltpu.make_async_copy(h_hbm.at[pl.ds(0, REM)],
                              acc.at[pl.ds(NS * RPT, REM)], hsem1).wait()

    plsc.subcore_barrier()

    def _oct(q, carry):
        g = 8 * q
        for j in range(8):
            ch = g + j
            b, t = j % 4, j
            _gdrain(b)
            _scat(t, b)

            @pl.when(ch + 2 < CHUNKS)
            def _():
                @pl.when(ch >= 2)
                def _():
                    _sdrain((b + 2) % 4)

                @pl.when(ch >= 1)
                def _():
                    _iwait((t + 2) % 8)
                    _gather((t + 2) % 8, (b + 2) % 4)

            @pl.when(ch + 6 < CHUNKS)
            def _():
                _iload(ch + 6, (t + 6) % 8)

        return carry

    lax.fori_loop(0, CHUNKS // 8, _oct, 0)
    for ch in range((CHUNKS // 8) * 8, CHUNKS):
        b, t = ch % 4, ch % 8
        _gdrain(b)
        _scat(t, b)
        if ch + 2 < CHUNKS:
            _sdrain((b + 2) % 4)
            _iwait((t + 2) % 8)
            _gather((t + 2) % 8, (b + 2) % 4)
    for b in range(4):
        _sdrain(b)
    plsc.subcore_barrier()

    pltpu.sync_copy(acc.at[pl.ds(s * RPT, RPT)],
                    out_hbm.at[pl.ds(c * N + s * RPT, RPT)])

    @pl.when(s == 0)
    def _():
        pltpu.sync_copy(acc.at[pl.ds(NS * RPT, REM)],
                        out_hbm.at[pl.ds(c * N + NS * RPT, REM)])


_SC_AGG_CACHE = {}


def _sc_agg(h, eidx):
    if "k" not in _SC_AGG_CACHE:
        _SC_AGG_CACHE["k"] = pl.kernel(
            _sc_agg_body,
            out_type=jax.ShapeDtypeStruct((2 * N, D), jnp.float32),
            mesh=plsc.VectorSubcoreMesh(core_axis_name="c",
                                        subcore_axis_name="s"),
            scratch_types=[
                pltpu.VMEM((8, 2, K), jnp.int32),
                pltpu.VMEM((K, D), jnp.float32),
                pltpu.VMEM((K, D), jnp.float32),
                pltpu.VMEM((K, D), jnp.float32),
                pltpu.VMEM((K, D), jnp.float32),
                pltpu.VMEM_SHARED((N, D), jnp.float32),
            ] + [pltpu.SemaphoreType.DMA] * 18,
        )
    return _SC_AGG_CACHE["k"](h, eidx)


BLK = 2000
GRID = N // BLK

_row_spec = pl.BlockSpec((BLK, D), lambda i: (i, 0))
_pb_spec = pl.BlockSpec((BLK, D), lambda i: (i + GRID, 0))
_w_spec = pl.BlockSpec((D, D), lambda i: (0, 0))
_b_spec = pl.BlockSpec((1, D), lambda i: (0, 0))


def _mlp_body(pa_ref, pb_ref, w1_ref, b1_ref, w2_ref, b2_ref, o_ref):
    m = pa_ref[...] + pb_ref[...]
    t = jnp.maximum(
        jnp.dot(m, w1_ref[...], preferred_element_type=jnp.float32)
        + b1_ref[...], 0.0)
    o_ref[...] = jnp.maximum(
        jnp.dot(t, w2_ref[...], preferred_element_type=jnp.float32)
        + b2_ref[...], 0.0)


_mlp1 = pl.pallas_call(
    _mlp_body,
    grid=(GRID,),
    in_specs=[_row_spec, _pb_spec, _w_spec, _b_spec, _w_spec, _b_spec],
    out_specs=_row_spec,
    out_shape=jax.ShapeDtypeStruct((N, D), jnp.float32),
)


def _mlp_pool_body(pa_ref, pb_ref, w1_ref, b1_ref, w2_ref, b2_ref,
                   wo_ref, bo_ref, o_ref, acc_ref):
    i = pl.program_id(0)
    m = pa_ref[...] + pb_ref[...]
    t = jnp.maximum(
        jnp.dot(m, w1_ref[...], preferred_element_type=jnp.float32)
        + b1_ref[...], 0.0)
    h2 = jnp.maximum(
        jnp.dot(t, w2_ref[...], preferred_element_type=jnp.float32)
        + b2_ref[...], 0.0)
    ps = jnp.sum(h2, axis=0, keepdims=True)

    @pl.when(i == 0)
    def _():
        acc_ref[...] = ps

    @pl.when(i != 0)
    def _():
        acc_ref[...] = acc_ref[...] + ps

    @pl.when(i == GRID - 1)
    def _():
        o_ref[...] = (jnp.dot(acc_ref[...] * 2.0, wo_ref[...],
                              preferred_element_type=jnp.float32)
                      + bo_ref[...])


_mlp2 = pl.pallas_call(
    _mlp_pool_body,
    grid=(GRID,),
    in_specs=[_row_spec, _pb_spec, _w_spec, _b_spec, _w_spec, _b_spec,
              pl.BlockSpec((D, C_OUT), lambda i: (0, 0)),
              pl.BlockSpec((1, C_OUT), lambda i: (0, 0))],
    out_specs=pl.BlockSpec((1, C_OUT), lambda i: (0, 0)),
    out_shape=jax.ShapeDtypeStruct((1, C_OUT), jnp.float32),
    scratch_shapes=[pltpu.VMEM((1, D), jnp.float32)],
)


def kernel(x, edge_index, train_index, target_index, W1a, b1a, W2a, b2a,
           W1b, b1b, W2b, b2b, Wout, bout, att_train_k, att_target_k,
           att_train_q, att_target_q):
    eidx = (edge_index.astype(jnp.int32)
            .reshape(2, NW, CHUNKS, K).transpose(1, 2, 0, 3))
    p1 = _sc_agg(x, eidx)
    h1 = _mlp1(p1, p1, W1a, b1a.reshape(1, D), W2a, b2a.reshape(1, D))
    p2 = _sc_agg(h1, eidx)
    out = _mlp2(p2, p2, W1b, b1b.reshape(1, D), W2b, b2b.reshape(1, D),
                Wout, bout.reshape(1, C_OUT))
    return out

# --- scband reference (transcript-rebuilt; emitter-appended) ---
"""Pipeline reference for scband-qginwith-pooling-42125039239794 (READ-ONLY COPY).

The authoritative reference and input builder live on the scoring server;
editing this copy changes nothing except your own understanding.
"""

import jax, jax.numpy as jnp
import numpy as np

N = 10000
E = 320000
D = 128
H = 128
C = 10

def _xavier(k, fan_in, fan_out):
    limit = float(np.sqrt(6.0 / (fan_in + fan_out)))
    return jax.random.uniform(k, (fan_in, fan_out), minval=-limit, maxval=limit, dtype=jnp.float32)

def setup_inputs(seed: int = 0) -> dict:
    key = jax.random.key(seed)
    ks = jax.random.split(key, 16)
    x = jax.random.normal(ks[0], (N, D), dtype=jnp.float32)
    edge_index = jax.random.randint(ks[1], (2, E), 0, N)
    return {
        'x': x,
        'edge_index': edge_index,
        'train_index': 5,
        'target_index': 7,
        'W1a': _xavier(ks[2], D, H), 'b1a': jnp.zeros((H,), jnp.float32),
        'W2a': _xavier(ks[3], H, H), 'b2a': jnp.zeros((H,), jnp.float32),
        'W1b': _xavier(ks[4], H, H), 'b1b': jnp.zeros((H,), jnp.float32),
        'W2b': _xavier(ks[5], H, H), 'b2b': jnp.zeros((H,), jnp.float32),
        'Wout': _xavier(ks[6], H, C), 'bout': jnp.zeros((C,), jnp.float32),
        'att_train_k': _xavier(ks[7], H, H),
        'att_target_k': _xavier(ks[8], H, H),
        'att_train_q': _xavier(ks[9], H, H),
        'att_target_q': _xavier(ks[10], H, H),
    }

def reference(x, edge_index, train_index, target_index, W1a, b1a, W2a, b2a, W1b, b1b, W2b, b2b, Wout, bout, att_train_k, att_target_k, att_train_q, att_target_q):
    src = edge_index[0]
    dst = edge_index[1]
    def gin(h, W1, b1, W2, b2):
        # GINConv, train_eps=False, eps=0: mlp(x + sum_{j in N(i)} x_j)
        agg = jnp.zeros_like(h).at[dst].add(h[src])
        m = h + agg
        m = jnp.maximum(m @ W1 + b1, 0.0)
        return m @ W2 + b2
    x = jnp.maximum(gin(x, W1a, b1a, W2a, b2a), 0.0)
    x = jnp.maximum(gin(x, W1b, b1b, W2b, b2b), 0.0)
    zero_row = jnp.zeros((x.shape[1],), dtype=x.dtype)
    x_train = jnp.where(train_index == -1, zero_row, x[train_index])[None, :]
    x_target = jnp.where(target_index == -1, zero_row, x[target_index])[None, :]
    q_train = x_train @ att_train_q
    q_target = x_target @ att_target_q
    k_train = x @ att_train_k
    k_target = x @ att_target_k
    train = q_train @ k_train.T
    target = q_target @ k_target.T
    train = jax.nn.softmax(train, axis=0)
    target = jax.nn.softmax(target, axis=0)
    x1 = train @ x
    x2 = target @ x
    out = (x1 + x2) @ Wout + bout
    return out

if __name__ == "__main__":
    import jax
    _d = setup_inputs()
    print(jax.jit(kernel)(*tuple(_d.values())))

</pallas_src>

<mosaic_0001>
#map = affine_map<(d0, d1) -> (0, 0)>
#map1 = affine_map<(d0, d1) -> (0, 0, 0, 0)>
module attributes {stable_mosaic.version = 14 : i64} {
  func.func @_sc_agg_body(%arg0: i32, %arg1: i32, %arg2: memref<10000x128xf32, #tpu.memory_space<hbm>>, %arg3: memref<32x125x2x80xi32, #tpu.memory_space<hbm>>, %arg4: memref<20000x128xf32, #tpu.memory_space<hbm>>, %arg5: memref<8x2x80xi32, #tpu.memory_space<vmem>>, %arg6: memref<80x128xf32, #tpu.memory_space<vmem>>, %arg7: memref<80x128xf32, #tpu.memory_space<vmem>>, %arg8: memref<80x128xf32, #tpu.memory_space<vmem>>, %arg9: memref<80x128xf32, #tpu.memory_space<vmem>>, %arg10: memref<10000x128xf32, #tpu.memory_space<vmem_shared>>, %arg11: memref<!tpu.dma_semaphore, #tpu.memory_space<semaphore_mem>>, %arg12: memref<!tpu.dma_semaphore, #tpu.memory_space<semaphore_mem>>, %arg13: memref<!tpu.dma_semaphore, #tpu.memory_space<semaphore_mem>>, %arg14: memref<!tpu.dma_semaphore, #tpu.memory_space<semaphore_mem>>, %arg15: memref<!tpu.dma_semaphore, #tpu.memory_space<semaphore_mem>>, %arg16: memref<!tpu.dma_semaphore, #tpu.memory_space<semaphore_mem>>, %arg17: memref<!tpu.dma_semaphore, #tpu.memory_space<semaphore_mem>>, %arg18: memref<!tpu.dma_semaphore, #tpu.memory_space<semaphore_mem>>, %arg19: memref<!tpu.dma_semaphore, #tpu.memory_space<semaphore_mem>>, %arg20: memref<!tpu.dma_semaphore, #tpu.memory_space<semaphore_mem>>, %arg21: memref<!tpu.dma_semaphore, #tpu.memory_space<semaphore_mem>>, %arg22: memref<!tpu.dma_semaphore, #tpu.memory_space<semaphore_mem>>, %arg23: memref<!tpu.dma_semaphore, #tpu.memory_space<semaphore_mem>>, %arg24: memref<!tpu.dma_semaphore, #tpu.memory_space<semaphore_mem>>, %arg25: memref<!tpu.dma_semaphore, #tpu.memory_space<semaphore_mem>>, %arg26: memref<!tpu.dma_semaphore, #tpu.memory_space<semaphore_mem>>, %arg27: memref<!tpu.dma_semaphore, #tpu.memory_space<semaphore_mem>>, %arg28: memref<!tpu.dma_semaphore, #tpu.memory_space<semaphore_mem>>) attributes {dimension_semantics = [#tpu.dimension_semantics<core_parallel>, #tpu.dimension_semantics<subcore_parallel>], iteration_bounds = array<i64: 2, 16>, scalar_prefetch = 0 : i64, scratch_operands = 24 : i64, tpu.core_type = #tpu.core_type<sc_vector_subcore>, window_params = [{transform_indices = #map}, {transform_indices = #map1}, {transform_indices = #map}]} {
    %mul3A = arith.constant 16 : i32
    %mul3A_0 = arith.muli %arg0, %mul3A : i32
    %add3A = arith.addi %mul3A_0, %arg1 : i32
    %eq3A = arith.constant 0 : i32
    %eq3A_1 = arith.cmpi eq, %arg0, %eq3A : i32
    %convert_element_type3A = arith.extui %eq3A_1 : i1 to i32
    %cond3A = arith.constant 0 : i32
    %cond3A_2 = arith.cmpi ne, %convert_element_type3A, %cond3A : i32
    scf.if %cond3A_2 {
      %mul3A_421 = arith.constant 624 : i32
      %mul3A_422 = arith.muli %arg1, %mul3A_421 : i32
      %mul3A_423 = arith.constant 624 : i32
      %mul3A_424 = arith.muli %arg1, %mul3A_423 : i32
      %dma_start3A_425 = arith.constant 0 : i32
      %dma_start3A_426 = tpu.memref_slice %arg10[%mul3A_424, %dma_start3A_425] : memref<10000x128xf32, #tpu.memory_space<vmem_shared>> -> memref<624x128xf32, #tpu.memory_space<vmem_shared>>
      %dma_start3A_427 = arith.constant 0 : i32
      %dma_start3A_428 = tpu.memref_slice %arg2[%mul3A_422, %dma_start3A_427] : memref<10000x128xf32, #tpu.memory_space<hbm>> -> memref<624x128xf32, #tpu.memory_space<hbm>>
      tpu.enqueue_dma source(%dma_start3A_428 : memref<624x128xf32, #tpu.memory_space<hbm>>) target(%dma_start3A_426 : memref<624x128xf32, #tpu.memory_space<vmem_shared>>) target_semaphore(%arg27 : memref<!tpu.dma_semaphore, #tpu.memory_space<semaphore_mem>>)
      %eq3A_429 = arith.constant 0 : i32
      %eq3A_430 = arith.cmpi eq, %arg1, %eq3A_429 : i32
      %convert_element_type3A_431 = arith.extui %eq3A_430 : i1 to i32
      %cond3A_432 = arith.constant 0 : i32
      %cond3A_433 = arith.cmpi ne, %convert_element_type3A_431, %cond3A_432 : i32
      scf.if %cond3A_433 {
        %dma_start3A_434 = arith.constant 9984 : i32
        %dma_start3A_435 = arith.constant 0 : i32
        %dma_start3A_436 = tpu.memref_slice %arg10[%dma_start3A_434, %dma_start3A_435] : memref<10000x128xf32, #tpu.memory_space<vmem_shared>> -> memref<16x128xf32, #tpu.memory_space<vmem_shared>>
        %dma_start3A_437 = arith.constant 9984 : i32
        %dma_start3A_438 = arith.constant 0 : i32
        %dma_start3A_439 = tpu.memref_slice %arg2[%dma_start3A_437, %dma_start3A_438] : memref<10000x128xf32, #tpu.memory_space<hbm>> -> memref<16x128xf32, #tpu.memory_space<hbm>>
        tpu.enqueue_dma source(%dma_start3A_439 : memref<16x128xf32, #tpu.memory_space<hbm>>) target(%dma_start3A_436 : memref<16x128xf32, #tpu.memory_space<vmem_shared>>) target_semaphore(%arg28 : memref<!tpu.dma_semaphore, #tpu.memory_space<semaphore_mem>>)
      } else {
      }
    } else {
    }
    %eq3A_3 = arith.constant 1 : i32
    %eq3A_4 = arith.cmpi eq, %arg0, %eq3A_3 : i32
    %convert_element_type3A_5 = arith.extui %eq3A_4 : i1 to i32
    %cond3A_6 = arith.constant 0 : i32
    %cond3A_7 = arith.cmpi ne, %convert_element_type3A_5, %cond3A_6 : i32
    scf.if %cond3A_7 {
      %scan3A_421 = arith.constant 0 : i32
      %scan3A_422 = arith.constant 0 : i32
      %scan3A_423 = arith.constant 80 : i32
      %scan3A_424 = arith.addi %scan3A_422, %scan3A_423 : i32
      %scan3A_425 = arith.constant 1 : i32
      scf.for %scan3A_502 = %scan3A_422 to %scan3A_424 step %scan3A_425  : i32 {
        %broadcast_in_dim3A = arith.constant 0.000000e+00 : f32
        %broadcast_in_dim3A_503 = vector.broadcast %broadcast_in_dim3A : f32 to vector<16xf32>
        %swap3A = arith.index_cast %scan3A_502 : i32 to index
        %swap3A_504 = arith.constant 0 : index
        %swap3A_505 = tpu.vector_load %arg9[%swap3A, %swap3A_504] {strides = array<i32>} : memref<80x128xf32, #tpu.memory_space<vmem>>, vector<1x16xf32>,
        %swap3A_506 = vector.shape_cast %swap3A_505 : vector<1x16xf32> to vector<16xf32>
        %swap3A_507 = vector.shape_cast %broadcast_in_dim3A_503 : vector<16xf32> to vector<1x16xf32>
        tpu.vector_store %arg9[%swap3A, %swap3A_504], %swap3A_507 {strides = array<i32>} : memref<80x128xf32, #tpu.memory_space<vmem>>, vector<1x16xf32>,
        %broadcast_in_dim3A_508 = arith.constant 0.000000e+00 : f32
        %broadcast_in_dim3A_509 = vector.broadcast %broadcast_in_dim3A_508 : f32 to vector<16xf32>
        %swap3A_510 = arith.index_cast %scan3A_502 : i32 to index
        %swap3A_511 = arith.constant 16 : index
        %swap3A_512 = tpu.vector_load %arg9[%swap3A_510, %swap3A_511] {strides = array<i32>} : memref<80x128xf32, #tpu.memory_space<vmem>>, vector<1x16xf32>,
        %swap3A_513 = vector.shape_cast %swap3A_512 : vector<1x16xf32> to vector<16xf32>
        %swap3A_514 = vector.shape_cast %broadcast_in_dim3A_509 : vector<16xf32> to vector<1x16xf32>
        tpu.vector_store %arg9[%swap3A_510, %swap3A_511], %swap3A_514 {strides = array<i32>} : memref<80x128xf32, #tpu.memory_space<vmem>>, vector<1x16xf32>,
        %broadcast_in_dim3A_515 = arith.constant 0.000000e+00 : f32
        %broadcast_in_dim3A_516 = vector.broadcast %broadcast_in_dim3A_515 : f32 to vector<16xf32>
        %swap3A_517 = arith.index_cast %scan3A_502 : i32 to index
        %swap3A_518 = arith.constant 32 : index
        %swap3A_519 = tpu.vector_load %arg9[%swap3A_517, %swap3A_518] {strides = array<i32>} : memref<80x128xf32, #tpu.memory_space<vmem>>, vector<1x16xf32>,
        %swap3A_520 = vector.shape_cast %swap3A_519 : vector<1x16xf32> to vector<16xf32>
        %swap3A_521 = vector.shape_cast %broadcast_in_dim3A_516 : vector<16xf32> to vector<1x16xf32>
        tpu.vector_store %arg9[%swap3A_517, %swap3A_518], %swap3A_521 {strides = array<i32>} : memref<80x128xf32, #tpu.memory_space<vmem>>, vector<1x16xf32>,
        %broadcast_in_dim3A_522 = arith.constant 0.000000e+00 : f32
        %broadcast_in_dim3A_523 = vector.broadcast %broadcast_in_dim3A_522 : f32 to vector<16xf32>
        %swap3A_524 = arith.index_cast %scan3A_502 : i32 to index
        %swap3A_525 = arith.constant 48 : index
        %swap3A_526 = tpu.vector_load %arg9[%swap3A_524, %swap3A_525] {strides = array<i32>} : memref<80x128xf32, #tpu.memory_space<vmem>>, vector<1x16xf32>,
        %swap3A_527 = vector.shape_cast %swap3A_526 : vector<1x16xf32> to vector<16xf32>
        %swap3A_528 = vector.shape_cast %broadcast_in_dim3A_523 : vector<16xf32> to vector<1x16xf32>
        tpu.vector_store %arg9[%swap3A_524, %swap3A_525], %swap3A_528 {strides = array<i32>} : memref<80x128xf32, #tpu.memory_space<vmem>>, vector<1x16xf32>,
        %broadcast_in_dim3A_529 = arith.constant 0.000000e+00 : f32
        %broadcast_in_dim3A_530 = vector.broadcast %broadcast_in_dim3A_529 : f32 to vector<16xf32>
        %swap3A_531 = arith.index_cast %scan3A_502 : i32 to index
        %swap3A_532 = arith.constant 64 : index
        %swap3A_533 = tpu.vector_load %arg9[%swap3A_531, %swap3A_532] {strides = array<i32>} : memref<80x128xf32, #tpu.memory_space<vmem>>, vector<1x16xf32>,
        %swap3A_534 = vector.shape_cast %swap3A_533 : vector<1x16xf32> to vector<16xf32>
        %swap3A_535 = vector.shape_cast %broadcast_in_dim3A_530 : vector<16xf32> to vector<1x16xf32>
        tpu.vector_store %arg9[%swap3A_531, %swap3A_532], %swap3A_535 {strides = array<i32>} : memref<80x128xf32, #tpu.memory_space<vmem>>, vector<1x16xf32>,
        %broadcast_in_dim3A_536 = arith.constant 0.000000e+00 : f32
        %broadcast_in_dim3A_537 = vector.broadcast %broadcast_in_dim3A_536 : f32 to vector<16xf32>
        %swap3A_538 = arith.index_cast %scan3A_502 : i32 to index
        %swap3A_539 = arith.constant 80 : index
        %swap3A_540 = tpu.vector_load %arg9[%swap3A_538, %swap3A_539] {strides = array<i32>} : memref<80x128xf32, #tpu.memory_space<vmem>>, vector<1x16xf32>,
        %swap3A_541 = vector.shape_cast %swap3A_540 : vector<1x16xf32> to vector<16xf32>
        %swap3A_542 = vector.shape_cast %broadcast_in_dim3A_537 : vector<16xf32> to vector<1x16xf32>
        tpu.vector_store %arg9[%swap3A_538, %swap3A_539], %swap3A_542 {strides = array<i32>} : memref<80x128xf32, #tpu.memory_space<vmem>>, vector<1x16xf32>,
        %broadcast_in_dim3A_543 = arith.constant 0.000000e+00 : f32
        %broadcast_in_dim3A_544 = vector.broadcast %broadcast_in_dim3A_543 : f32 to vector<16xf32>
        %swap3A_545 = arith.index_cast %scan3A_502 : i32 to index
        %swap3A_546 = arith.constant 96 : index
        %swap3A_547 = tpu.vector_load %arg9[%swap3A_545, %swap3A_546] {strides = array<i32>} : memref<80x128xf32, #tpu.memory_space<vmem>>, vector<1x16xf32>,
        %swap3A_548 = vector.shape_cast %swap3A_547 : vector<1x16xf32> to vector<16xf32>
        %swap3A_549 = vector.shape_cast %broadcast_in_dim3A_544 : vector<16xf32> to vector<1x16xf32>
        tpu.vector_store %arg9[%swap3A_545, %swap3A_546], %swap3A_549 {strides = array<i32>} : memref<80x128xf32, #tpu.memory_space<vmem>>, vector<1x16xf32>,
        %broadcast_in_dim3A_550 = arith.constant 0.000000e+00 : f32
        %broadcast_in_dim3A_551 = vector.broadcast %broadcast_in_dim3A_550 : f32 to vector<16xf32>
        %swap3A_552 = arith.index_cast %scan3A_502 : i32 to index
        %swap3A_553 = arith.constant 112 : index
        %swap3A_554 = tpu.vector_load %arg9[%swap3A_552, %swap3A_553] {strides = array<i32>} : memref<80x128xf32, #tpu.memory_space<vmem>>, vector<1x16xf32>,
        %swap3A_555 = vector.shape_cast %swap3A_554 : vector<1x16xf32> to vector<16xf32>
        %swap3A_556 = vector.shape_cast %broadcast_in_dim3A_551 : vector<16xf32> to vector<1x16xf32>
        tpu.vector_store %arg9[%swap3A_552, %swap3A_553], %swap3A_556 {strides = array<i32>} : memref<80x128xf32, #tpu.memory_space<vmem>>, vector<1x16xf32>,
      }
      %scan3A_426 = arith.constant 80 : i32
      %mul3A_427 = arith.constant 624 : i32
      %mul3A_428 = arith.muli %arg1, %mul3A_427 : i32
      %add3A_429 = arith.constant 0 : i32
      %add3A_430 = arith.addi %mul3A_428, %add3A_429 : i32
      %dma_start3A_431 = arith.constant 0 : i32
      %dma_start3A_432 = tpu.memref_slice %arg10[%add3A_430, %dma_start3A_431] : memref<10000x128xf32, #tpu.memory_space<vmem_shared>> -> memref<80x128xf32, #tpu.memory_space<vmem_shared>>
      %dma_start3A_433 = arith.constant 0 : i32
      %dma_start3A_434 = tpu.memref_slice %arg10[%add3A_430, %dma_start3A_433] : memref<10000x128xf32, #tpu.memory_space<vmem_shared>> -> memref<80x128xf32, #tpu.memory_space<vmem_shared>>
      tpu.enqueue_dma source(%arg9 : memref<80x128xf32, #tpu.memory_space<vmem>>) target(%dma_start3A_434 : memref<80x128xf32, #tpu.memory_space<vmem_shared>>) target_semaphore(%arg27 : memref<!tpu.dma_semaphore, #tpu.memory_space<semaphore_mem>>)
      %mul3A_435 = arith.constant 624 : i32
      %mul3A_436 = arith.muli %arg1, %mul3A_435 : i32
      %add3A_437 = arith.constant 80 : i32
      %add3A_438 = arith.addi %mul3A_436, %add3A_437 : i32
      %dma_start3A_439 = arith.constant 0 : i32
      %dma_start3A_440 = tpu.memref_slice %arg10[%add3A_438, %dma_start3A_439] : memref<10000x128xf32, #tpu.memory_space<vmem_shared>> -> memref<80x128xf32, #tpu.memory_space<vmem_shared>>
      %dma_start3A_441 = arith.constant 0 : i32
      %dma_start3A_442 = tpu.memref_slice %arg10[%add3A_438, %dma_start3A_441] : memref<10000x128xf32, #tpu.memory_space<vmem_shared>> -> memref<80x128xf32, #tpu.memory_space<vmem_shared>>
      tpu.enqueue_dma source(%arg9 : memref<80x128xf32, #tpu.memory_space<vmem>>) target(%dma_start3A_442 : memref<80x128xf32, #tpu.memory_space<vmem_shared>>) target_semaphore(%arg27 : memref<!tpu.dma_semaphore, #tpu.memory_space<semaphore_mem>>)
      %mul3A_443 = arith.constant 624 : i32
      %mul3A_444 = arith.muli %arg1, %mul3A_443 : i32
      %add3A_445 = arith.constant 160 : i32
      %add3A_446 = arith.addi %mul3A_444, %add3A_445 : i32
      %dma_start3A_447 = arith.constant 0 : i32
      %dma_start3A_448 = tpu.memref_slice %arg10[%add3A_446, %dma_start3A_447] : memref<10000x128xf32, #tpu.memory_space<vmem_shared>> -> memref<80x128xf32, #tpu.memory_space<vmem_shared>>
      %dma_start3A_449 = arith.constant 0 : i32
      %dma_start3A_450 = tpu.memref_slice %arg10[%add3A_446, %dma_start3A_449] : memref<10000x128xf32, #tpu.memory_space<vmem_shared>> -> memref<80x128xf32, #tpu.memory_space<vmem_shared>>
      tpu.enqueue_dma source(%arg9 : memref<80x128xf32, #tpu.memory_space<vmem>>) target(%dma_start3A_450 : memref<80x128xf32, #tpu.memory_space<vmem_shared>>) target_semaphore(%arg27 : memref<!tpu.dma_semaphore, #tpu.memory_space<semaphore_mem>>)
      %mul3A_451 = arith.constant 624 : i32
      %mul3A_452 = arith.muli %arg1, %mul3A_451 : i32
      %add3A_453 = arith.constant 240 : i32
      %add3A_454 = arith.addi %mul3A_452, %add3A_453 : i32
      %dma_start3A_455 = arith.constant 0 : i32
      %dma_start3A_456 = tpu.memref_slice %arg10[%add3A_454, %dma_start3A_455] : memref<10000x128xf32, #tpu.memory_space<vmem_shared>> -> memref<80x128xf32, #tpu.memory_space<vmem_shared>>
      %dma_start3A_457 = arith.constant 0 : i32
      %dma_start3A_458 = tpu.memref_slice %arg10[%add3A_454, %dma_start3A_457] : memref<10000x128xf32, #tpu.memory_space<vmem_shared>> -> memref<80x128xf32, #tpu.memory_space<vmem_shared>>
      tpu.enqueue_dma source(%arg9 : memref<80x128xf32, #tpu.memory_space<vmem>>) target(%dma_start3A_458 : memref<80x128xf32, #tpu.memory_space<vmem_shared>>) target_semaphore(%arg27 : memref<!tpu.dma_semaphore, #tpu.memory_space<semaphore_mem>>)
      %mul3A_459 = arith.constant 624 : i32
      %mul3A_460 = arith.muli %arg1, %mul3A_459 : i32
      %add3A_461 = arith.constant 320 : i32
      %add3A_462 = arith.addi %mul3A_460, %add3A_461 : i32
      %dma_start3A_463 = arith.constant 0 : i32
      %dma_start3A_464 = tpu.memref_slice %arg10[%add3A_462, %dma_start3A_463] : memref<10000x128xf32, #tpu.memory_space<vmem_shared>> -> memref<80x128xf32, #tpu.memory_space<vmem_shared>>
      %dma_start3A_465 = arith.constant 0 : i32
      %dma_start3A_466 = tpu.memref_slice %arg10[%add3A_462, %dma_start3A_465] : memref<10000x128xf32, #tpu.memory_space<vmem_shared>> -> memref<80x128xf32, #tpu.memory_space<vmem_shared>>
      tpu.enqueue_dma source(%arg9 : memref<80x128xf32, #tpu.memory_space<vmem>>) target(%dma_start3A_466 : memref<80x128xf32, #tpu.memory_space<vmem_shared>>) target_semaphore(%arg27 : memref<!tpu.dma_semaphore, #tpu.memory_space<semaphore_mem>>)
      %mul3A_467 = arith.constant 624 : i32
      %mul3A_468 = arith.muli %arg1, %mul3A_467 : i32
      %add3A_469 = arith.constant 400 : i32
      %add3A_470 = arith.addi %mul3A_468, %add3A_469 : i32
      %dma_start3A_471 = arith.constant 0 : i32
      %dma_start3A_472 = tpu.memref_slice %arg10[%add3A_470, %dma_start3A_471] : memref<10000x128xf32, #tpu.memory_space<vmem_shared>> -> memref<80x128xf32, #tpu.memory_space<vmem_shared>>
      %dma_start3A_473 = arith.constant 0 : i32
      %dma_start3A_474 = tpu.memref_slice %arg10[%add3A_470, %dma_start3A_473] : memref<10000x128xf32, #tpu.memory_space<vmem_shared>> -> memref<80x128xf32, #tpu.memory_space<vmem_shared>>
      tpu.enqueue_dma source(%arg9 : memref<80x128xf32, #tpu.memory_space<vmem>>) target(%dma_start3A_474 : memref<80x128xf32, #tpu.memory_space<vmem_shared>>) target_semaphore(%arg27 : memref<!tpu.dma_semaphore, #tpu.memory_space<semaphore_mem>>)
      %mul3A_475 = arith.constant 624 : i32
      %mul3A_476 = arith.muli %arg1, %mul3A_475 : i32
      %add3A_477 = arith.constant 480 : i32
      %add3A_478 = arith.addi %mul3A_476, %add3A_477 : i32
      %dma_start3A_479 = arith.constant 0 : i32
      %dma_start3A_480 = tpu.memref_slice %arg10[%add3A_478, %dma_start3A_479] : memref<10000x128xf32, #tpu.memory_space<vmem_shared>> -> memref<80x128xf32, #tpu.memory_space<vmem_shared>>
      %dma_start3A_481 = arith.constant 0 : i32
      %dma_start3A_482 = tpu.memref_slice %arg10[%add3A_478, %dma_start3A_481] : memref<10000x128xf32, #tpu.memory_space<vmem_shared>> -> memref<80x128xf32, #tpu.memory_space<vmem_shared>>
      tpu.enqueue_dma source(%arg9 : memref<80x128xf32, #tpu.memory_space<vmem>>) target(%dma_start3A_482 : memref<80x128xf32, #tpu.memory_space<vmem_shared>>) target_semaphore(%arg27 : memref<!tpu.dma_semaphore, #tpu.memory_space<semaphore_mem>>)
      %mul3A_483 = arith.constant 624 : i32
      %mul3A_484 = arith.muli %arg1, %mul3A_483 : i32
      %add3A_485 = arith.constant 560 : i32
      %add3A_486 = arith.addi %mul3A_484, %add3A_485 : i32
      %dma_start3A_487 = arith.constant 0 : i32
      %dma_start3A_488 = arith.constant 0 : i32
      %dma_start3A_489 = tpu.memref_slice %arg9[%dma_start3A_487, %dma_start3A_488] : memref<80x128xf32, #tpu.memory_space<vmem>> -> memref<64x128xf32, #tpu.memory_space<vmem>>
      %dma_start3A_490 = arith.constant 0 : i32
      %dma_start3A_491 = tpu.memref_slice %arg10[%add3A_486, %dma_start3A_490] : memref<10000x128xf32, #tpu.memory_space<vmem_shared>> -> memref<64x128xf32, #tpu.memory_space<vmem_shared>>
      %dma_start3A_492 = arith.constant 0 : i32
      %dma_start3A_493 = tpu.memref_slice %arg10[%add3A_486, %dma_start3A_492] : memref<10000x128xf32, #tpu.memory_space<vmem_shared>> -> memref<64x128xf32, #tpu.memory_space<vmem_shared>>
      %dma_start3A_494 = arith.constant 0 : i32
      %dma_start3A_495 = arith.constant 0 : i32
      %dma_start3A_496 = tpu.memref_slice %arg9[%dma_start3A_494, %dma_start3A_495] : memref<80x128xf32, #tpu.memory_space<vmem>> -> memref<64x128xf32, #tpu.memory_space<vmem>>
      tpu.enqueue_dma source(%dma_start3A_496 : memref<64x128xf32, #tpu.memory_space<vmem>>) target(%dma_start3A_493 : memref<64x128xf32, #tpu.memory_space<vmem_shared>>) target_semaphore(%arg27 : memref<!tpu.dma_semaphore, #tpu.memory_space<semaphore_mem>>)
      %eq3A_497 = arith.constant 0 : i32
      %eq3A_498 = arith.cmpi eq, %arg1, %eq3A_497 : i32
      %convert_element_type3A_499 = arith.extui %eq3A_498 : i1 to i32
      %cond3A_500 = arith.constant 0 : i32
      %cond3A_501 = arith.cmpi ne, %convert_element_type3A_499, %cond3A_500 : i32
      scf.if %cond3A_501 {
        %dma_start3A_502 = arith.constant 0 : i32
        %dma_start3A_503 = arith.constant 0 : i32
        %dma_start3A_504 = tpu.memref_slice %arg9[%dma_start3A_502, %dma_start3A_503] : memref<80x128xf32, #tpu.memory_space<vmem>> -> memref<16x128xf32, #tpu.memory_space<vmem>>
        %dma_start3A_505 = arith.constant 9984 : i32
        %dma_start3A_506 = arith.constant 0 : i32
        %dma_start3A_507 = tpu.memref_slice %arg10[%dma_start3A_505, %dma_start3A_506] : memref<10000x128xf32, #tpu.memory_space<vmem_shared>> -> memref<16x128xf32, #tpu.memory_space<vmem_shared>>
        %dma_start3A_508 = arith.constant 9984 : i32
        %dma_start3A_509 = arith.constant 0 : i32
        %dma_start3A_510 = tpu.memref_slice %arg10[%dma_start3A_508, %dma_start3A_509] : memref<10000x128xf32, #tpu.memory_space<vmem_shared>> -> memref<16x128xf32, #tpu.memory_space<vmem_shared>>
        %dma_start3A_511 = arith.constant 0 : i32
        %dma_start3A_512 = arith.constant 0 : i32
        %dma_start3A_513 = tpu.memref_slice %arg9[%dma_start3A_511, %dma_start3A_512] : memref<80x128xf32, #tpu.memory_space<vmem>> -> memref<16x128xf32, #tpu.memory_space<vmem>>
        tpu.enqueue_dma source(%dma_start3A_513 : memref<16x128xf32, #tpu.memory_space<vmem>>) target(%dma_start3A_510 : memref<16x128xf32, #tpu.memory_space<vmem_shared>>) target_semaphore(%arg28 : memref<!tpu.dma_semaphore, #tpu.memory_space<semaphore_mem>>)
      } else {
      }
    } else {
    }
    %dma_start3A = arith.constant 0 : i32
    %dma_start3A_8 = arith.constant 0 : i32
    %dma_start3A_9 = arith.constant 0 : i32
    %dma_start3A_10 = arith.constant 0 : i32
    %dma_start3A_11 = tpu.memref_slice %arg5[%dma_start3A_8, %dma_start3A_9, %dma_start3A_10] : memref<8x2x80xi32, #tpu.memory_space<vmem>> -> memref<1x2x80xi32, #tpu.memory_space<vmem>>
    %dma_start3A_12 = tpu.memref_squeeze %dma_start3A_11 : memref<1x2x80xi32, #tpu.memory_space<vmem>> -> memref<2x80xi32, #tpu.memory_space<vmem>>
    %dma_start3A_13 = arith.constant 0 : i32
    %dma_start3A_14 = arith.constant 0 : i32
    %dma_start3A_15 = tpu.memref_slice %arg3[%add3A, %dma_start3A, %dma_start3A_13, %dma_start3A_14] : memref<32x125x2x80xi32, #tpu.memory_space<hbm>> -> memref<1x1x2x80xi32, #tpu.memory_space<hbm>>
    %dma_start3A_16 = tpu.memref_squeeze %dma_start3A_15 : memref<1x1x2x80xi32, #tpu.memory_space<hbm>> -> memref<2x80xi32, #tpu.memory_space<hbm>>
    %dma_start3A_17 = arith.constant 0 : i32
    %dma_start3A_18 = arith.constant 0 : i32
    %dma_start3A_19 = tpu.memref_slice %arg5[%dma_start3A_8, %dma_start3A_17, %dma_start3A_18] : memref<8x2x80xi32, #tpu.memory_space<vmem>> -> memref<1x2x80xi32, #tpu.memory_space<vmem>>
    %dma_start3A_20 = tpu.memref_squeeze %dma_start3A_19 : memref<1x2x80xi32, #tpu.memory_space<vmem>> -> memref<2x80xi32, #tpu.memory_space<vmem>>
    %dma_start3A_21 = arith.constant 0 : i32
    %dma_start3A_22 = arith.constant 0 : i32
    %dma_start3A_23 = tpu.memref_slice %arg3[%add3A, %dma_start3A, %dma_start3A_21, %dma_start3A_22] : memref<32x125x2x80xi32, #tpu.memory_space<hbm>> -> memref<1x1x2x80xi32, #tpu.memory_space<hbm>>
    %dma_start3A_24 = tpu.memref_squeeze %dma_start3A_23 : memref<1x1x2x80xi32, #tpu.memory_space<hbm>> -> memref<2x80xi32, #tpu.memory_space<hbm>>
    tpu.enqueue_dma source(%dma_start3A_24 : memref<2x80xi32, #tpu.memory_space<hbm>>) target(%dma_start3A_20 : memref<2x80xi32, #tpu.memory_space<vmem>>) target_semaphore(%arg11 : memref<!tpu.dma_semaphore, #tpu.memory_space<semaphore_mem>>)
    %dma_start3A_25 = arith.constant 1 : i32
    %dma_start3A_26 = arith.constant 1 : i32
    %dma_start3A_27 = arith.constant 0 : i32
    %dma_start3A_28 = arith.constant 0 : i32
    %dma_start3A_29 = tpu.memref_slice %arg5[%dma_start3A_26, %dma_start3A_27, %dma_start3A_28] : memref<8x2x80xi32, #tpu.memory_space<vmem>> -> memref<1x2x80xi32, #tpu.memory_space<vmem>>
    %dma_start3A_30 = tpu.memref_squeeze %dma_start3A_29 : memref<1x2x80xi32, #tpu.memory_space<vmem>> -> memref<2x80xi32, #tpu.memory_space<vmem>>
    %dma_start3A_31 = arith.constant 0 : i32
    %dma_start3A_32 = arith.constant 0 : i32
    %dma_start3A_33 = tpu.memref_slice %arg3[%add3A, %dma_start3A_25, %dma_start3A_31, %dma_start3A_32] : memref<32x125x2x80xi32, #tpu.memory_space<hbm>> -> memref<1x1x2x80xi32, #tpu.memory_space<hbm>>
    %dma_start3A_34 = tpu.memref_squeeze %dma_start3A_33 : memref<1x1x2x80xi32, #tpu.memory_space<hbm>> -> memref<2x80xi32, #tpu.memory_space<hbm>>
    %dma_start3A_35 = arith.constant 0 : i32
    %dma_start3A_36 = arith.constant 0 : i32
    %dma_start3A_37 = tpu.memref_slice %arg5[%dma_start3A_26, %dma_start3A_35, %dma_start3A_36] : memref<8x2x80xi32, #tpu.memory_space<vmem>> -> memref<1x2x80xi32, #tpu.memory_space<vmem>>
    %dma_start3A_38 = tpu.memref_squeeze %dma_start3A_37 : memref<1x2x80xi32, #tpu.memory_space<vmem>> -> memref<2x80xi32, #tpu.memory_space<vmem>>
    %dma_start3A_39 = arith.constant 0 : i32
    %dma_start3A_40 = arith.constant 0 : i32
    %dma_start3A_41 = tpu.memref_slice %arg3[%add3A, %dma_start3A_25, %dma_start3A_39, %dma_start3A_40] : memref<32x125x2x80xi32, #tpu.memory_space<hbm>> -> memref<1x1x2x80xi32, #tpu.memory_space<hbm>>
    %dma_start3A_42 = tpu.memref_squeeze %dma_start3A_41 : memref<1x1x2x80xi32, #tpu.memory_space<hbm>> -> memref<2x80xi32, #tpu.memory_space<hbm>>
    tpu.enqueue_dma source(%dma_start3A_42 : memref<2x80xi32, #tpu.memory_space<hbm>>) target(%dma_start3A_38 : memref<2x80xi32, #tpu.memory_space<vmem>>) target_semaphore(%arg12 : memref<!tpu.dma_semaphore, #tpu.memory_space<semaphore_mem>>)
    %dma_start3A_43 = arith.constant 2 : i32
    %dma_start3A_44 = arith.constant 2 : i32
    %dma_start3A_45 = arith.constant 0 : i32
    %dma_start3A_46 = arith.constant 0 : i32
    %dma_start3A_47 = tpu.memref_slice %arg5[%dma_start3A_44, %dma_start3A_45, %dma_start3A_46] : memref<8x2x80xi32, #tpu.memory_space<vmem>> -> memref<1x2x80xi32, #tpu.memory_space<vmem>>
    %dma_start3A_48 = tpu.memref_squeeze %dma_start3A_47 : memref<1x2x80xi32, #tpu.memory_space<vmem>> -> memref<2x80xi32, #tpu.memory_space<vmem>>
    %dma_start3A_49 = arith.constant 0 : i32
    %dma_start3A_50 = arith.constant 0 : i32
    %dma_start3A_51 = tpu.memref_slice %arg3[%add3A, %dma_start3A_43, %dma_start3A_49, %dma_start3A_50] : memref<32x125x2x80xi32, #tpu.memory_space<hbm>> -> memref<1x1x2x80xi32, #tpu.memory_space<hbm>>
    %dma_start3A_52 = tpu.memref_squeeze %dma_start3A_51 : memref<1x1x2x80xi32, #tpu.memory_space<hbm>> -> memref<2x80xi32, #tpu.memory_space<hbm>>
    %dma_start3A_53 = arith.constant 0 : i32
    %dma_start3A_54 = arith.constant 0 : i32
    %dma_start3A_55 = tpu.memref_slice %arg5[%dma_start3A_44, %dma_start3A_53, %dma_start3A_54] : memref<8x2x80xi32, #tpu.memory_space<vmem>> -> memref<1x2x80xi32, #tpu.memory_space<vmem>>
    %dma_start3A_56 = tpu.memref_squeeze %dma_start3A_55 : memref<1x2x80xi32, #tpu.memory_space<vmem>> -> memref<2x80xi32, #tpu.memory_space<vmem>>
    %dma_start3A_57 = arith.constant 0 : i32
    %dma_start3A_58 = arith.constant 0 : i32
    %dma_start3A_59 = tpu.memref_slice %arg3[%add3A, %dma_start3A_43, %dma_start3A_57, %dma_start3A_58] : memref<32x125x2x80xi32, #tpu.memory_space<hbm>> -> memref<1x1x2x80xi32, #tpu.memory_space<hbm>>
    %dma_start3A_60 = tpu.memref_squeeze %dma_start3A_59 : memref<1x1x2x80xi32, #tpu.memory_space<hbm>> -> memref<2x80xi32, #tpu.memory_space<hbm>>
    tpu.enqueue_dma source(%dma_start3A_60 : memref<2x80xi32, #tpu.memory_space<hbm>>) target(%dma_start3A_56 : memref<2x80xi32, #tpu.memory_space<vmem>>) target_semaphore(%arg13 : memref<!tpu.dma_semaphore, #tpu.memory_space<semaphore_mem>>)
    %dma_start3A_61 = arith.constant 3 : i32
    %dma_start3A_62 = arith.constant 3 : i32
    %dma_start3A_63 = arith.constant 0 : i32
    %dma_start3A_64 = arith.constant 0 : i32
    %dma_start3A_65 = tpu.memref_slice %arg5[%dma_start3A_62, %dma_start3A_63, %dma_start3A_64] : memref<8x2x80xi32, #tpu.memory_space<vmem>> -> memref<1x2x80xi32, #tpu.memory_space<vmem>>
    %dma_start3A_66 = tpu.memref_squeeze %dma_start3A_65 : memref<1x2x80xi32, #tpu.memory_space<vmem>> -> memref<2x80xi32, #tpu.memory_space<vmem>>
    %dma_start3A_67 = arith.constant 0 : i32
    %dma_start3A_68 = arith.constant 0 : i32
    %dma_start3A_69 = tpu.memref_slice %arg3[%add3A, %dma_start3A_61, %dma_start3A_67, %dma_start3A_68] : memref<32x125x2x80xi32, #tpu.memory_space<hbm>> -> memref<1x1x2x80xi32, #tpu.memory_space<hbm>>
    %dma_start3A_70 = tpu.memref_squeeze %dma_start3A_69 : memref<1x1x2x80xi32, #tpu.memory_space<hbm>> -> memref<2x80xi32, #tpu.memory_space<hbm>>
    %dma_start3A_71 = arith.constant 0 : i32
    %dma_start3A_72 = arith.constant 0 : i32
    %dma_start3A_73 = tpu.memref_slice %arg5[%dma_start3A_62, %dma_start3A_71, %dma_start3A_72] : memref<8x2x80xi32, #tpu.memory_space<vmem>> -> memref<1x2x80xi32, #tpu.memory_space<vmem>>
    %dma_start3A_74 = tpu.memref_squeeze %dma_start3A_73 : memref<1x2x80xi32, #tpu.memory_space<vmem>> -> memref<2x80xi32, #tpu.memory_space<vmem>>
    %dma_start3A_75 = arith.constant 0 : i32
    %dma_start3A_76 = arith.constant 0 : i32
    %dma_start3A_77 = tpu.memref_slice %arg3[%add3A, %dma_start3A_61, %dma_start3A_75, %dma_start3A_76] : memref<32x125x2x80xi32, #tpu.memory_space<hbm>> -> memref<1x1x2x80xi32, #tpu.memory_space<hbm>>
    %dma_start3A_78 = tpu.memref_squeeze %dma_start3A_77 : memref<1x1x2x80xi32, #tpu.memory_space<hbm>> -> memref<2x80xi32, #tpu.memory_space<hbm>>
    tpu.enqueue_dma source(%dma_start3A_78 : memref<2x80xi32, #tpu.memory_space<hbm>>) target(%dma_start3A_74 : memref<2x80xi32, #tpu.memory_space<vmem>>) target_semaphore(%arg14 : memref<!tpu.dma_semaphore, #tpu.memory_space<semaphore_mem>>)
    %dma_start3A_79 = arith.constant 4 : i32
    %dma_start3A_80 = arith.constant 4 : i32
    %dma_start3A_81 = arith.constant 0 : i32
    %dma_start3A_82 = arith.constant 0 : i32
    %dma_start3A_83 = tpu.memref_slice %arg5[%dma_start3A_80, %dma_start3A_81, %dma_start3A_82] : memref<8x2x80xi32, #tpu.memory_space<vmem>> -> memref<1x2x80xi32, #tpu.memory_space<vmem>>
    %dma_start3A_84 = tpu.memref_squeeze %dma_start3A_83 : memref<1x2x80xi32, #tpu.memory_space<vmem>> -> memref<2x80xi32, #tpu.memory_space<vmem>>
    %dma_start3A_85 = arith.constant 0 : i32
    %dma_start3A_86 = arith.constant 0 : i32
    %dma_start3A_87 = tpu.memref_slice %arg3[%add3A, %dma_start3A_79, %dma_start3A_85, %dma_start3A_86] : memref<32x125x2x80xi32, #tpu.memory_space<hbm>> -> memref<1x1x2x80xi32, #tpu.memory_space<hbm>>
    %dma_start3A_88 = tpu.memref_squeeze %dma_start3A_87 : memref<1x1x2x80xi32, #tpu.memory_space<hbm>> -> memref<2x80xi32, #tpu.memory_space<hbm>>
    %dma_start3A_89 = arith.constant 0 : i32
    %dma_start3A_90 = arith.constant 0 : i32
    %dma_start3A_91 = tpu.memref_slice %arg5[%dma_start3A_80, %dma_start3A_89, %dma_start3A_90] : memref<8x2x80xi32, #tpu.memory_space<vmem>> -> memref<1x2x80xi32, #tpu.memory_space<vmem>>
    %dma_start3A_92 = tpu.memref_squeeze %dma_start3A_91 : memref<1x2x80xi32, #tpu.memory_space<vmem>> -> memref<2x80xi32, #tpu.memory_space<vmem>>
    %dma_start3A_93 = arith.constant 0 : i32
    %dma_start3A_94 = arith.constant 0 : i32
    %dma_start3A_95 = tpu.memref_slice %arg3[%add3A, %dma_start3A_79, %dma_start3A_93, %dma_start3A_94] : memref<32x125x2x80xi32, #tpu.memory_space<hbm>> -> memref<1x1x2x80xi32, #tpu.memory_space<hbm>>
    %dma_start3A_96 = tpu.memref_squeeze %dma_start3A_95 : memref<1x1x2x80xi32, #tpu.memory_space<hbm>> -> memref<2x80xi32, #tpu.memory_space<hbm>>
    tpu.enqueue_dma source(%dma_start3A_96 : memref<2x80xi32, #tpu.memory_space<hbm>>) target(%dma_start3A_92 : memref<2x80xi32, #tpu.memory_space<vmem>>) target_semaphore(%arg15 : memref<!tpu.dma_semaphore, #tpu.memory_space<semaphore_mem>>)
    %dma_start3A_97 = arith.constant 5 : i32
    %dma_start3A_98 = arith.constant 5 : i32
    %dma_start3A_99 = arith.constant 0 : i32
    %dma_start3A_100 = arith.constant 0 : i32
    %dma_start3A_101 = tpu.memref_slice %arg5[%dma_start3A_98, %dma_start3A_99, %dma_start3A_100] : memref<8x2x80xi32, #tpu.memory_space<vmem>> -> memref<1x2x80xi32, #tpu.memory_space<vmem>>
    %dma_start3A_102 = tpu.memref_squeeze %dma_start3A_101 : memref<1x2x80xi32, #tpu.memory_space<vmem>> -> memref<2x80xi32, #tpu.memory_space<vmem>>
    %dma_start3A_103 = arith.constant 0 : i32
    %dma_start3A_104 = arith.constant 0 : i32
    %dma_start3A_105 = tpu.memref_slice %arg3[%add3A, %dma_start3A_97, %dma_start3A_103, %dma_start3A_104] : memref<32x125x2x80xi32, #tpu.memory_space<hbm>> -> memref<1x1x2x80xi32, #tpu.memory_space<hbm>>
    %dma_start3A_106 = tpu.memref_squeeze %dma_start3A_105 : memref<1x1x2x80xi32, #tpu.memory_space<hbm>> -> memref<2x80xi32, #tpu.memory_space<hbm>>
    %dma_start3A_107 = arith.constant 0 : i32
    %dma_start3A_108 = arith.constant 0 : i32
    %dma_start3A_109 = tpu.memref_slice %arg5[%dma_start3A_98, %dma_start3A_107, %dma_start3A_108] : memref<8x2x80xi32, #tpu.memory_space<vmem>> -> memref<1x2x80xi32, #tpu.memory_space<vmem>>
    %dma_start3A_110 = tpu.memref_squeeze %dma_start3A_109 : memref<1x2x80xi32, #tpu.memory_space<vmem>> -> memref<2x80xi32, #tpu.memory_space<vmem>>
    %dma_start3A_111 = arith.constant 0 : i32
    %dma_start3A_112 = arith.constant 0 : i32
    %dma_start3A_113 = tpu.memref_slice %arg3[%add3A, %dma_start3A_97, %dma_start3A_111, %dma_start3A_112] : memref<32x125x2x80xi32, #tpu.memory_space<hbm>> -> memref<1x1x2x80xi32, #tpu.memory_space<hbm>>
    %dma_start3A_114 = tpu.memref_squeeze %dma_start3A_113 : memref<1x1x2x80xi32, #tpu.memory_space<hbm>> -> memref<2x80xi32, #tpu.memory_space<hbm>>
    tpu.enqueue_dma source(%dma_start3A_114 : memref<2x80xi32, #tpu.memory_space<hbm>>) target(%dma_start3A_110 : memref<2x80xi32, #tpu.memory_space<vmem>>) target_semaphore(%arg16 : memref<!tpu.dma_semaphore, #tpu.memory_space<semaphore_mem>>)
    %dma_wait3A = arith.constant 0 : i32
    %dma_wait3A_115 = arith.constant 0 : i32
    %dma_wait3A_116 = arith.constant 0 : i32
    %dma_wait3A_117 = arith.constant 0 : i32
    %dma_wait3A_118 = arith.constant 0 : i32
    %dma_wait3A_119 = tpu.memref_slice %arg5[%dma_wait3A_116, %dma_wait3A_117, %dma_wait3A_118] : memref<8x2x80xi32, #tpu.memory_space<vmem>> -> memref<1x2x80xi32, #tpu.memory_space<vmem>>
    %dma_wait3A_120 = tpu.memref_squeeze %dma_wait3A_119 : memref<1x2x80xi32, #tpu.memory_space<vmem>> -> memref<2x80xi32, #tpu.memory_space<vmem>>
    %dma_wait3A_121 = arith.constant 0 : i32
    %dma_wait3A_122 = arith.constant 0 : i32
    %dma_wait3A_123 = tpu.memref_slice %arg3[%dma_wait3A, %dma_wait3A_115, %dma_wait3A_121, %dma_wait3A_122] : memref<32x125x2x80xi32, #tpu.memory_space<hbm>> -> memref<1x1x2x80xi32, #tpu.memory_space<hbm>>
    %dma_wait3A_124 = tpu.memref_squeeze %dma_wait3A_123 : memref<1x1x2x80xi32, #tpu.memory_space<hbm>> -> memref<2x80xi32, #tpu.memory_space<hbm>>
    %dma_wait3A_125 = arith.constant 0 : i32
    %dma_wait3A_126 = arith.constant 0 : i32
    %dma_wait3A_127 = tpu.memref_slice %arg5[%dma_wait3A_116, %dma_wait3A_125, %dma_wait3A_126] : memref<8x2x80xi32, #tpu.memory_space<vmem>> -> memref<1x2x80xi32, #tpu.memory_space<vmem>>
    %dma_wait3A_128 = tpu.memref_squeeze %dma_wait3A_127 : memref<1x2x80xi32, #tpu.memory_space<vmem>> -> memref<2x80xi32, #tpu.memory_space<vmem>>
    %dma_wait3A_129 = arith.constant 0 : i32
    %dma_wait3A_130 = arith.constant 0 : i32
    %dma_wait3A_131 = tpu.memref_slice %arg3[%dma_wait3A, %dma_wait3A_115, %dma_wait3A_129, %dma_wait3A_130] : memref<32x125x2x80xi32, #tpu.memory_space<hbm>> -> memref<1x1x2x80xi32, #tpu.memory_space<hbm>>
    %dma_wait3A_132 = tpu.memref_squeeze %dma_wait3A_131 : memref<1x1x2x80xi32, #tpu.memory_space<hbm>> -> memref<2x80xi32, #tpu.memory_space<hbm>>
    tpu.wait_dma2 semaphore(%arg11 : memref<!tpu.dma_semaphore, #tpu.memory_space<semaphore_mem>>) src(%dma_wait3A_132 : memref<2x80xi32, #tpu.memory_space<hbm>>) dst(%dma_wait3A_128 : memref<2x80xi32, #tpu.memory_space<vmem>>)
    %dma_start3A_133 = arith.constant 0 : i32
    %dma_start3A_134 = arith.constant 0 : i32
    %dma_start3A_135 = arith.constant 0 : i32
    %dma_start3A_136 = tpu.memref_slice %arg5[%dma_start3A_133, %dma_start3A_134, %dma_start3A_135] : memref<8x2x80xi32, #tpu.memory_space<vmem>> -> memref<1x1x80xi32, #tpu.memory_space<vmem>>
    %dma_start3A_137 = tpu.memref_squeeze %dma_start3A_136 : memref<1x1x80xi32, #tpu.memory_space<vmem>> -> memref<80xi32, #tpu.memory_space<vmem>>
    %dma_start3A_138 = arith.constant 0 : i32
    %dma_start3A_139 = arith.constant 0 : i32
    %dma_start3A_140 = tpu.memref_slice %arg2[%dma_start3A_138, %dma_start3A_139] : memref<10000x128xf32, #tpu.memory_space<hbm>> -> memref<10000x128xf32, #tpu.memory_space<hbm>>
    tpu.enqueue_indirect_dma source(%dma_start3A_140 : memref<10000x128xf32, #tpu.memory_space<hbm>>) target(%arg6 : memref<80x128xf32, #tpu.memory_space<vmem>>) offsets(%dma_start3A_137 : memref<80xi32, #tpu.memory_space<vmem>>) semaphore(%arg19 : memref<!tpu.dma_semaphore, #tpu.memory_space<semaphore_mem>>)
    %dma_wait3A_141 = arith.constant 0 : i32
    %dma_wait3A_142 = arith.constant 0 : i32
    %dma_wait3A_143 = arith.constant 1 : i32
    %dma_wait3A_144 = arith.constant 0 : i32
    %dma_wait3A_145 = arith.constant 0 : i32
    %dma_wait3A_146 = tpu.memref_slice %arg5[%dma_wait3A_143, %dma_wait3A_144, %dma_wait3A_145] : memref<8x2x80xi32, #tpu.memory_space<vmem>> -> memref<1x2x80xi32, #tpu.memory_space<vmem>>
    %dma_wait3A_147 = tpu.memref_squeeze %dma_wait3A_146 : memref<1x2x80xi32, #tpu.memory_space<vmem>> -> memref<2x80xi32, #tpu.memory_space<vmem>>
    %dma_wait3A_148 = arith.constant 0 : i32
    %dma_wait3A_149 = arith.constant 0 : i32
    %dma_wait3A_150 = tpu.memref_slice %arg3[%dma_wait3A_141, %dma_wait3A_142, %dma_wait3A_148, %dma_wait3A_149] : memref<32x125x2x80xi32, #tpu.memory_space<hbm>> -> memref<1x1x2x80xi32, #tpu.memory_space<hbm>>
    %dma_wait3A_151 = tpu.memref_squeeze %dma_wait3A_150 : memref<1x1x2x80xi32, #tpu.memory_space<hbm>> -> memref<2x80xi32, #tpu.memory_space<hbm>>
    %dma_wait3A_152 = arith.constant 0 : i32
    %dma_wait3A_153 = arith.constant 0 : i32
    %dma_wait3A_154 = tpu.memref_slice %arg5[%dma_wait3A_143, %dma_wait3A_152, %dma_wait3A_153] : memref<8x2x80xi32, #tpu.memory_space<vmem>> -> memref<1x2x80xi32, #tpu.memory_space<vmem>>
    %dma_wait3A_155 = tpu.memref_squeeze %dma_wait3A_154 : memref<1x2x80xi32, #tpu.memory_space<vmem>> -> memref<2x80xi32, #tpu.memory_space<vmem>>
    %dma_wait3A_156 = arith.constant 0 : i32
    %dma_wait3A_157 = arith.constant 0 : i32
    %dma_wait3A_158 = tpu.memref_slice %arg3[%dma_wait3A_141, %dma_wait3A_142, %dma_wait3A_156, %dma_wait3A_157] : memref<32x125x2x80xi32, #tpu.memory_space<hbm>> -> memref<1x1x2x80xi32, #tpu.memory_space<hbm>>
    %dma_wait3A_159 = tpu.memref_squeeze %dma_wait3A_158 : memref<1x1x2x80xi32, #tpu.memory_space<hbm>> -> memref<2x80xi32, #tpu.memory_space<hbm>>
    tpu.wait_dma2 semaphore(%arg12 : memref<!tpu.dma_semaphore, #tpu.memory_space<semaphore_mem>>) src(%dma_wait3A_159 : memref<2x80xi32, #tpu.memory_space<hbm>>) dst(%dma_wait3A_155 : memref<2x80xi32, #tpu.memory_space<vmem>>)
    %dma_start3A_160 = arith.constant 1 : i32
    %dma_start3A_161 = arith.constant 0 : i32
    %dma_start3A_162 = arith.constant 0 : i32
    %dma_start3A_163 = tpu.memref_slice %arg5[%dma_start3A_160, %dma_start3A_161, %dma_start3A_162] : memref<8x2x80xi32, #tpu.memory_space<vmem>> -> memref<1x1x80xi32, #tpu.memory_space<vmem>>
    %dma_start3A_164 = tpu.memref_squeeze %dma_start3A_163 : memref<1x1x80xi32, #tpu.memory_space<vmem>> -> memref<80xi32, #tpu.memory_space<vmem>>
    %dma_start3A_165 = arith.constant 0 : i32
    %dma_start3A_166 = arith.constant 0 : i32
    %dma_start3A_167 = tpu.memref_slice %arg2[%dma_start3A_165, %dma_start3A_166] : memref<10000x128xf32, #tpu.memory_space<hbm>> -> memref<10000x128xf32, #tpu.memory_space<hbm>>
    tpu.enqueue_indirect_dma source(%dma_start3A_167 : memref<10000x128xf32, #tpu.memory_space<hbm>>) target(%arg7 : memref<80x128xf32, #tpu.memory_space<vmem>>) offsets(%dma_start3A_164 : memref<80xi32, #tpu.memory_space<vmem>>) semaphore(%arg20 : memref<!tpu.dma_semaphore, #tpu.memory_space<semaphore_mem>>)
    %dma_wait3A_168 = arith.constant 0 : i32
    %dma_wait3A_169 = arith.constant 0 : i32
    %dma_wait3A_170 = arith.constant 2 : i32
    %dma_wait3A_171 = arith.constant 0 : i32
    %dma_wait3A_172 = arith.constant 0 : i32
    %dma_wait3A_173 = tpu.memref_slice %arg5[%dma_wait3A_170, %dma_wait3A_171, %dma_wait3A_172] : memref<8x2x80xi32, #tpu.memory_space<vmem>> -> memref<1x2x80xi32, #tpu.memory_space<vmem>>
    %dma_wait3A_174 = tpu.memref_squeeze %dma_wait3A_173 : memref<1x2x80xi32, #tpu.memory_space<vmem>> -> memref<2x80xi32, #tpu.memory_space<vmem>>
    %dma_wait3A_175 = arith.constant 0 : i32
    %dma_wait3A_176 = arith.constant 0 : i32
    %dma_wait3A_177 = tpu.memref_slice %arg3[%dma_wait3A_168, %dma_wait3A_169, %dma_wait3A_175, %dma_wait3A_176] : memref<32x125x2x80xi32, #tpu.memory_space<hbm>> -> memref<1x1x2x80xi32, #tpu.memory_space<hbm>>
    %dma_wait3A_178 = tpu.memref_squeeze %dma_wait3A_177 : memref<1x1x2x80xi32, #tpu.memory_space<hbm>> -> memref<2x80xi32, #tpu.memory_space<hbm>>
    %dma_wait3A_179 = arith.constant 0 : i32
    %dma_wait3A_180 = arith.constant 0 : i32
    %dma_wait3A_181 = tpu.memref_slice %arg5[%dma_wait3A_170, %dma_wait3A_179, %dma_wait3A_180] : memref<8x2x80xi32, #tpu.memory_space<vmem>> -> memref<1x2x80xi32, #tpu.memory_space<vmem>>
    %dma_wait3A_182 = tpu.memref_squeeze %dma_wait3A_181 : memref<1x2x80xi32, #tpu.memory_space<vmem>> -> memref<2x80xi32, #tpu.memory_space<vmem>>
    %dma_wait3A_183 = arith.constant 0 : i32
    %dma_wait3A_184 = arith.constant 0 : i32
    %dma_wait3A_185 = tpu.memref_slice %arg3[%dma_wait3A_168, %dma_wait3A_169, %dma_wait3A_183, %dma_wait3A_184] : memref<32x125x2x80xi32, #tpu.memory_space<hbm>> -> memref<1x1x2x80xi32, #tpu.memory_space<hbm>>
    %dma_wait3A_186 = tpu.memref_squeeze %dma_wait3A_185 : memref<1x1x2x80xi32, #tpu.memory_space<hbm>> -> memref<2x80xi32, #tpu.memory_space<hbm>>
    tpu.wait_dma2 semaphore(%arg13 : memref<!tpu.dma_semaphore, #tpu.memory_space<semaphore_mem>>) src(%dma_wait3A_186 : memref<2x80xi32, #tpu.memory_space<hbm>>) dst(%dma_wait3A_182 : memref<2x80xi32, #tpu.memory_space<vmem>>)
    %dma_start3A_187 = arith.constant 2 : i32
    %dma_start3A_188 = arith.constant 0 : i32
    %dma_start3A_189 = arith.constant 0 : i32
    %dma_start3A_190 = tpu.memref_slice %arg5[%dma_start3A_187, %dma_start3A_188, %dma_start3A_189] : memref<8x2x80xi32, #tpu.memory_space<vmem>> -> memref<1x1x80xi32, #tpu.memory_space<vmem>>
    %dma_start3A_191 = tpu.memref_squeeze %dma_start3A_190 : memref<1x1x80xi32, #tpu.memory_space<vmem>> -> memref<80xi32, #tpu.memory_space<vmem>>
    %dma_start3A_192 = arith.constant 0 : i32
    %dma_start3A_193 = arith.constant 0 : i32
    %dma_start3A_194 = tpu.memref_slice %arg2[%dma_start3A_192, %dma_start3A_193] : memref<10000x128xf32, #tpu.memory_space<hbm>> -> memref<10000x128xf32, #tpu.memory_space<hbm>>
    tpu.enqueue_indirect_dma source(%dma_start3A_194 : memref<10000x128xf32, #tpu.memory_space<hbm>>) target(%arg8 : memref<80x128xf32, #tpu.memory_space<vmem>>) offsets(%dma_start3A_191 : memref<80xi32, #tpu.memory_space<vmem>>) semaphore(%arg21 : memref<!tpu.dma_semaphore, #tpu.memory_space<semaphore_mem>>)
    %eq3A_195 = arith.constant 0 : i32
    %eq3A_196 = arith.cmpi eq, %arg0, %eq3A_195 : i32
    %convert_element_type3A_197 = arith.extui %eq3A_196 : i1 to i32
    %cond3A_198 = arith.constant 0 : i32
    %cond3A_199 = arith.cmpi ne, %convert_element_type3A_197, %cond3A_198 : i32
    scf.if %cond3A_199 {
      %mul3A_421 = arith.constant 624 : i32
      %mul3A_422 = arith.muli %arg1, %mul3A_421 : i32
      %dma_wait3A_423 = arith.constant 0 : i32
      %dma_wait3A_424 = tpu.memref_slice %arg10[%mul3A_422, %dma_wait3A_423] : memref<10000x128xf32, #tpu.memory_space<vmem_shared>> -> memref<624x128xf32, #tpu.memory_space<vmem_shared>>
      %dma_wait3A_425 = arith.constant 0 : i32
      %dma_wait3A_426 = arith.constant 0 : i32
      %dma_wait3A_427 = tpu.memref_slice %arg2[%dma_wait3A_425, %dma_wait3A_426] : memref<10000x128xf32, #tpu.memory_space<hbm>> -> memref<624x128xf32, #tpu.memory_space<hbm>>
      tpu.wait_dma2 semaphore(%arg27 : memref<!tpu.dma_semaphore, #tpu.memory_space<semaphore_mem>>) src(%dma_wait3A_427 : memref<624x128xf32, #tpu.memory_space<hbm>>) dst(%dma_wait3A_424 : memref<624x128xf32, #tpu.memory_space<vmem_shared>>)
    } else {
    }
    %eq3A_200 = arith.constant 1 : i32
    %eq3A_201 = arith.cmpi eq, %arg0, %eq3A_200 : i32
    %convert_element_type3A_202 = arith.extui %eq3A_201 : i1 to i32
    %cond3A_203 = arith.constant 0 : i32
    %cond3A_204 = arith.cmpi ne, %convert_element_type3A_202, %cond3A_203 : i32
    scf.if %cond3A_204 {
      %dma_wait3A_421 = arith.constant 0 : i32
      %dma_wait3A_422 = arith.constant 0 : i32
      %dma_wait3A_423 = tpu.memref_slice %arg2[%dma_wait3A_421, %dma_wait3A_422] : memref<10000x128xf32, #tpu.memory_space<hbm>> -> memref<80x128xf32, #tpu.memory_space<hbm>>
      %dma_wait3A_424 = arith.constant 0 : i32
      %dma_wait3A_425 = arith.constant 0 : i32
      %dma_wait3A_426 = tpu.memref_slice %arg2[%dma_wait3A_424, %dma_wait3A_425] : memref<10000x128xf32, #tpu.memory_space<hbm>> -> memref<80x128xf32, #tpu.memory_space<hbm>>
      tpu.wait_dma2 semaphore(%arg27 : memref<!tpu.dma_semaphore, #tpu.memory_space<semaphore_mem>>) src(%dma_wait3A_426 : memref<80x128xf32, #tpu.memory_space<hbm>>) dst(%arg9 : memref<80x128xf32, #tpu.memory_space<vmem>>)
      %dma_wait3A_427 = arith.constant 0 : i32
      %dma_wait3A_428 = arith.constant 0 : i32
      %dma_wait3A_429 = tpu.memref_slice %arg2[%dma_wait3A_427, %dma_wait3A_428] : memref<10000x128xf32, #tpu.memory_space<hbm>> -> memref<80x128xf32, #tpu.memory_space<hbm>>
      %dma_wait3A_430 = arith.constant 0 : i32
      %dma_wait3A_431 = arith.constant 0 : i32
      %dma_wait3A_432 = tpu.memref_slice %arg2[%dma_wait3A_430, %dma_wait3A_431] : memref<10000x128xf32, #tpu.memory_space<hbm>> -> memref<80x128xf32, #tpu.memory_space<hbm>>
      tpu.wait_dma2 semaphore(%arg27 : memref<!tpu.dma_semaphore, #tpu.memory_space<semaphore_mem>>) src(%dma_wait3A_432 : memref<80x128xf32, #tpu.memory_space<hbm>>) dst(%arg9 : memref<80x128xf32, #tpu.memory_space<vmem>>)
      %dma_wait3A_433 = arith.constant 0 : i32
      %dma_wait3A_434 = arith.constant 0 : i32
      %dma_wait3A_435 = tpu.memref_slice %arg2[%dma_wait3A_433, %dma_wait3A_434] : memref<10000x128xf32, #tpu.memory_space<hbm>> -> memref<80x128xf32, #tpu.memory_space<hbm>>
      %dma_wait3A_436 = arith.constant 0 : i32
      %dma_wait3A_437 = arith.constant 0 : i32
      %dma_wait3A_438 = tpu.memref_slice %arg2[%dma_wait3A_436, %dma_wait3A_437] : memref<10000x128xf32, #tpu.memory_space<hbm>> -> memref<80x128xf32, #tpu.memory_space<hbm>>
      tpu.wait_dma2 semaphore(%arg27 : memref<!tpu.dma_semaphore, #tpu.memory_space<semaphore_mem>>) src(%dma_wait3A_438 : memref<80x128xf32, #tpu.memory_space<hbm>>) dst(%arg9 : memref<80x128xf32, #tpu.memory_space<vmem>>)
      %dma_wait3A_439 = arith.constant 0 : i32
      %dma_wait3A_440 = arith.constant 0 : i32
      %dma_wait3A_441 = tpu.memref_slice %arg2[%dma_wait3A_439, %dma_wait3A_440] : memref<10000x128xf32, #tpu.memory_space<hbm>> -> memref<80x128xf32, #tpu.memory_space<hbm>>
      %dma_wait3A_442 = arith.constant 0 : i32
      %dma_wait3A_443 = arith.constant 0 : i32
      %dma_wait3A_444 = tpu.memref_slice %arg2[%dma_wait3A_442, %dma_wait3A_443] : memref<10000x128xf32, #tpu.memory_space<hbm>> -> memref<80x128xf32, #tpu.memory_space<hbm>>
      tpu.wait_dma2 semaphore(%arg27 : memref<!tpu.dma_semaphore, #tpu.memory_space<semaphore_mem>>) src(%dma_wait3A_444 : memref<80x128xf32, #tpu.memory_space<hbm>>) dst(%arg9 : memref<80x128xf32, #tpu.memory_space<vmem>>)
      %dma_wait3A_445 = arith.constant 0 : i32
      %dma_wait3A_446 = arith.constant 0 : i32
      %dma_wait3A_447 = tpu.memref_slice %arg2[%dma_wait3A_445, %dma_wait3A_446] : memref<10000x128xf32, #tpu.memory_space<hbm>> -> memref<80x128xf32, #tpu.memory_space<hbm>>
      %dma_wait3A_448 = arith.constant 0 : i32
      %dma_wait3A_449 = arith.constant 0 : i32
      %dma_wait3A_450 = tpu.memref_slice %arg2[%dma_wait3A_448, %dma_wait3A_449] : memref<10000x128xf32, #tpu.memory_space<hbm>> -> memref<80x128xf32, #tpu.memory_space<hbm>>
      tpu.wait_dma2 semaphore(%arg27 : memref<!tpu.dma_semaphore, #tpu.memory_space<semaphore_mem>>) src(%dma_wait3A_450 : memref<80x128xf32, #tpu.memory_space<hbm>>) dst(%arg9 : memref<80x128xf32, #tpu.memory_space<vmem>>)
      %dma_wait3A_451 = arith.constant 0 : i32
      %dma_wait3A_452 = arith.constant 0 : i32
      %dma_wait3A_453 = tpu.memref_slice %arg2[%dma_wait3A_451, %dma_wait3A_452] : memref<10000x128xf32, #tpu.memory_space<hbm>> -> memref<80x128xf32, #tpu.memory_space<hbm>>
      %dma_wait3A_454 = arith.constant 0 : i32
      %dma_wait3A_455 = arith.constant 0 : i32
      %dma_wait3A_456 = tpu.memref_slice %arg2[%dma_wait3A_454, %dma_wait3A_455] : memref<10000x128xf32, #tpu.memory_space<hbm>> -> memref<80x128xf32, #tpu.memory_space<hbm>>
      tpu.wait_dma2 semaphore(%arg27 : memref<!tpu.dma_semaphore, #tpu.memory_space<semaphore_mem>>) src(%dma_wait3A_456 : memref<80x128xf32, #tpu.memory_space<hbm>>) dst(%arg9 : memref<80x128xf32, #tpu.memory_space<vmem>>)
      %dma_wait3A_457 = arith.constant 0 : i32
      %dma_wait3A_458 = arith.constant 0 : i32
      %dma_wait3A_459 = tpu.memref_slice %arg2[%dma_wait3A_457, %dma_wait3A_458] : memref<10000x128xf32, #tpu.memory_space<hbm>> -> memref<80x128xf32, #tpu.memory_space<hbm>>
      %dma_wait3A_460 = arith.constant 0 : i32
      %dma_wait3A_461 = arith.constant 0 : i32
      %dma_wait3A_462 = tpu.memref_slice %arg2[%dma_wait3A_460, %dma_wait3A_461] : memref<10000x128xf32, #tpu.memory_space<hbm>> -> memref<80x128xf32, #tpu.memory_space<hbm>>
      tpu.wait_dma2 semaphore(%arg27 : memref<!tpu.dma_semaphore, #tpu.memory_space<semaphore_mem>>) src(%dma_wait3A_462 : memref<80x128xf32, #tpu.memory_space<hbm>>) dst(%arg9 : memref<80x128xf32, #tpu.memory_space<vmem>>)
      %dma_wait3A_463 = arith.constant 0 : i32
      %dma_wait3A_464 = arith.constant 0 : i32
      %dma_wait3A_465 = tpu.memref_slice %arg9[%dma_wait3A_463, %dma_wait3A_464] : memref<80x128xf32, #tpu.memory_space<vmem>> -> memref<64x128xf32, #tpu.memory_space<vmem>>
      %dma_wait3A_466 = arith.constant 0 : i32
      %dma_wait3A_467 = arith.constant 0 : i32
      %dma_wait3A_468 = tpu.memref_slice %arg2[%dma_wait3A_466, %dma_wait3A_467] : memref<10000x128xf32, #tpu.memory_space<hbm>> -> memref<64x128xf32, #tpu.memory_space<hbm>>
      %dma_wait3A_469 = arith.constant 0 : i32
      %dma_wait3A_470 = arith.constant 0 : i32
      %dma_wait3A_471 = tpu.memref_slice %arg9[%dma_wait3A_469, %dma_wait3A_470] : memref<80x128xf32, #tpu.memory_space<vmem>> -> memref<64x128xf32, #tpu.memory_space<vmem>>
      %dma_wait3A_472 = arith.constant 0 : i32
      %dma_wait3A_473 = arith.constant 0 : i32
      %dma_wait3A_474 = tpu.memref_slice %arg2[%dma_wait3A_472, %dma_wait3A_473] : memref<10000x128xf32, #tpu.memory_space<hbm>> -> memref<64x128xf32, #tpu.memory_space<hbm>>
      tpu.wait_dma2 semaphore(%arg27 : memref<!tpu.dma_semaphore, #tpu.memory_space<semaphore_mem>>) src(%dma_wait3A_474 : memref<64x128xf32, #tpu.memory_space<hbm>>) dst(%dma_wait3A_471 : memref<64x128xf32, #tpu.memory_space<vmem>>)
    } else {
    }
    %eq3A_205 = arith.constant 0 : i32
    %eq3A_206 = arith.cmpi eq, %arg1, %eq3A_205 : i32
    %convert_element_type3A_207 = arith.extui %eq3A_206 : i1 to i32
    %cond3A_208 = arith.constant 0 : i32
    %cond3A_209 = arith.cmpi ne, %convert_element_type3A_207, %cond3A_208 : i32
    scf.if %cond3A_209 {
      %dma_wait3A_421 = arith.constant 9984 : i32
      %dma_wait3A_422 = arith.constant 0 : i32
      %dma_wait3A_423 = tpu.memref_slice %arg10[%dma_wait3A_421, %dma_wait3A_422] : memref<10000x128xf32, #tpu.memory_space<vmem_shared>> -> memref<16x128xf32, #tpu.memory_space<vmem_shared>>
      %dma_wait3A_424 = arith.constant 0 : i32
      %dma_wait3A_425 = arith.constant 0 : i32
      %dma_wait3A_426 = tpu.memref_slice %arg2[%dma_wait3A_424, %dma_wait3A_425] : memref<10000x128xf32, #tpu.memory_space<hbm>> -> memref<16x128xf32, #tpu.memory_space<hbm>>
      tpu.wait_dma2 semaphore(%arg28 : memref<!tpu.dma_semaphore, #tpu.memory_space<semaphore_mem>>) src(%dma_wait3A_426 : memref<16x128xf32, #tpu.memory_space<hbm>>) dst(%dma_wait3A_423 : memref<16x128xf32, #tpu.memory_space<vmem_shared>>)
    } else {
    }
    %barrier3A = arith.constant 0 : index
    tpu.barrier barrier_id(%barrier3A)
    %scan3A = arith.constant 0 : i32
    %scan3A_210 = arith.constant 0 : i32
    %scan3A_211 = arith.constant 15 : i32
    %scan3A_212 = arith.addi %scan3A_210, %scan3A_211 : i32
    %scan3A_213 = arith.constant 1 : i32
    scf.for %scan3A_421 = %scan3A_210 to %scan3A_212 step %scan3A_213  : i32 {
      %mul3A_422 = arith.constant 8 : i32
      %mul3A_423 = arith.muli %mul3A_422, %scan3A_421 : i32
      %add3A_424 = arith.constant 0 : i32
      %add3A_425 = arith.addi %mul3A_423, %add3A_424 : i32
      %dma_wait3A_426 = arith.constant 0 : i32
      %dma_wait3A_427 = arith.constant 0 : i32
      %dma_wait3A_428 = tpu.memref_slice %arg2[%dma_wait3A_426, %dma_wait3A_427] : memref<10000x128xf32, #tpu.memory_space<hbm>> -> memref<80x128xf32, #tpu.memory_space<hbm>>
      %dma_wait3A_429 = arith.constant 0 : i32
      %dma_wait3A_430 = arith.constant 0 : i32
      %dma_wait3A_431 = tpu.memref_slice %arg2[%dma_wait3A_429, %dma_wait3A_430] : memref<10000x128xf32, #tpu.memory_space<hbm>> -> memref<80x128xf32, #tpu.memory_space<hbm>>
      tpu.wait_dma2 semaphore(%arg19 : memref<!tpu.dma_semaphore, #tpu.memory_space<semaphore_mem>>) src(%dma_wait3A_431 : memref<80x128xf32, #tpu.memory_space<hbm>>) dst(%arg6 : memref<80x128xf32, #tpu.memory_space<vmem>>)
      %dma_start3A_432 = arith.constant 0 : i32
      %dma_start3A_433 = arith.constant 1 : i32
      %dma_start3A_434 = arith.constant 0 : i32
      %dma_start3A_435 = tpu.memref_slice %arg5[%dma_start3A_432, %dma_start3A_433, %dma_start3A_434] : memref<8x2x80xi32, #tpu.memory_space<vmem>> -> memref<1x1x80xi32, #tpu.memory_space<vmem>>
      %dma_start3A_436 = tpu.memref_squeeze %dma_start3A_435 : memref<1x1x80xi32, #tpu.memory_space<vmem>> -> memref<80xi32, #tpu.memory_space<vmem>>
      %dma_start3A_437 = arith.constant 0 : i32
      %dma_start3A_438 = arith.constant 0 : i32
      %dma_start3A_439 = tpu.memref_slice %arg10[%dma_start3A_437, %dma_start3A_438] : memref<10000x128xf32, #tpu.memory_space<vmem_shared>> -> memref<10000x128xf32, #tpu.memory_space<vmem_shared>>
      tpu.enqueue_indirect_dma source(%arg6 : memref<80x128xf32, #tpu.memory_space<vmem>>) target(%dma_start3A_439 : memref<10000x128xf32, #tpu.memory_space<vmem_shared>>) offsets(%dma_start3A_436 : memref<80xi32, #tpu.memory_space<vmem>>) semaphore(%arg23 : memref<!tpu.dma_semaphore, #tpu.memory_space<semaphore_mem>>) {add = true}
      %add3A_440 = arith.constant 2 : i32
      %add3A_441 = arith.addi %add3A_425, %add3A_440 : i32
      %lt3A = arith.constant 125 : i32
      %lt3A_442 = arith.cmpi slt, %add3A_441, %lt3A : i32
      %convert_element_type3A_443 = arith.extui %lt3A_442 : i1 to i32
      %cond3A_444 = arith.constant 0 : i32
      %cond3A_445 = arith.cmpi ne, %convert_element_type3A_443, %cond3A_444 : i32
      scf.if %cond3A_445 {
        %ge3A = arith.constant 2 : i32
        %ge3A_663 = arith.cmpi sge, %add3A_425, %ge3A : i32
        %convert_element_type3A_664 = arith.extui %ge3A_663 : i1 to i32
        %cond3A_665 = arith.constant 0 : i32
        %cond3A_666 = arith.cmpi ne, %convert_element_type3A_664, %cond3A_665 : i32
        scf.if %cond3A_666 {
          %dma_wait3A_672 = arith.constant 0 : i32
          %dma_wait3A_673 = arith.constant 0 : i32
          %dma_wait3A_674 = tpu.memref_slice %arg2[%dma_wait3A_672, %dma_wait3A_673] : memref<10000x128xf32, #tpu.memory_space<hbm>> -> memref<80x128xf32, #tpu.memory_space<hbm>>
          %dma_wait3A_675 = arith.constant 0 : i32
          %dma_wait3A_676 = arith.constant 0 : i32
          %dma_wait3A_677 = tpu.memref_slice %arg2[%dma_wait3A_675, %dma_wait3A_676] : memref<10000x128xf32, #tpu.memory_space<hbm>> -> memref<80x128xf32, #tpu.memory_space<hbm>>
          tpu.wait_dma2 semaphore(%arg25 : memref<!tpu.dma_semaphore, #tpu.memory_space<semaphore_mem>>) src(%dma_wait3A_677 : memref<80x128xf32, #tpu.memory_space<hbm>>) dst(%arg8 : memref<80x128xf32, #tpu.memory_space<vmem>>)
        } else {
        }
        %ge3A_667 = arith.constant 1 : i32
        %ge3A_668 = arith.cmpi sge, %add3A_425, %ge3A_667 : i32
        %convert_element_type3A_669 = arith.extui %ge3A_668 : i1 to i32
        %cond3A_670 = arith.constant 0 : i32
        %cond3A_671 = arith.cmpi ne, %convert_element_type3A_669, %cond3A_670 : i32
        scf.if %cond3A_671 {
          %dma_wait3A_672 = arith.constant 0 : i32
          %dma_wait3A_673 = arith.constant 0 : i32
          %dma_wait3A_674 = arith.constant 2 : i32
          %dma_wait3A_675 = arith.constant 0 : i32
          %dma_wait3A_676 = arith.constant 0 : i32
          %dma_wait3A_677 = tpu.memref_slice %arg5[%dma_wait3A_674, %dma_wait3A_675, %dma_wait3A_676] : memref<8x2x80xi32, #tpu.memory_space<vmem>> -> memref<1x2x80xi32, #tpu.memory_space<vmem>>
          %dma_wait3A_678 = tpu.memref_squeeze %dma_wait3A_677 : memref<1x2x80xi32, #tpu.memory_space<vmem>> -> memref<2x80xi32, #tpu.memory_space<vmem>>
          %dma_wait3A_679 = arith.constant 0 : i32
          %dma_wait3A_680 = arith.constant 0 : i32
          %dma_wait3A_681 = tpu.memref_slice %arg3[%dma_wait3A_672, %dma_wait3A_673, %dma_wait3A_679, %dma_wait3A_680] : memref<32x125x2x80xi32, #tpu.memory_space<hbm>> -> memref<1x1x2x80xi32, #tpu.memory_space<hbm>>
          %dma_wait3A_682 = tpu.memref_squeeze %dma_wait3A_681 : memref<1x1x2x80xi32, #tpu.memory_space<hbm>> -> memref<2x80xi32, #tpu.memory_space<hbm>>
          %dma_wait3A_683 = arith.constant 0 : i32
          %dma_wait3A_684 = arith.constant 0 : i32
          %dma_wait3A_685 = tpu.memref_slice %arg5[%dma_wait3A_674, %dma_wait3A_683, %dma_wait3A_684] : memref<8x2x80xi32, #tpu.memory_space<vmem>> -> memref<1x2x80xi32, #tpu.memory_space<vmem>>
          %dma_wait3A_686 = tpu.memref_squeeze %dma_wait3A_685 : memref<1x2x80xi32, #tpu.memory_space<vmem>> -> memref<2x80xi32, #tpu.memory_space<vmem>>
          %dma_wait3A_687 = arith.constant 0 : i32
          %dma_wait3A_688 = arith.constant 0 : i32
          %dma_wait3A_689 = tpu.memref_slice %arg3[%dma_wait3A_672, %dma_wait3A_673, %dma_wait3A_687, %dma_wait3A_688] : memref<32x125x2x80xi32, #tpu.memory_space<hbm>> -> memref<1x1x2x80xi32, #tpu.memory_space<hbm>>
          %dma_wait3A_690 = tpu.memref_squeeze %dma_wait3A_689 : memref<1x1x2x80xi32, #tpu.memory_space<hbm>> -> memref<2x80xi32, #tpu.memory_space<hbm>>
          tpu.wait_dma2 semaphore(%arg13 : memref<!tpu.dma_semaphore, #tpu.memory_space<semaphore_mem>>) src(%dma_wait3A_690 : memref<2x80xi32, #tpu.memory_space<hbm>>) dst(%dma_wait3A_686 : memref<2x80xi32, #tpu.memory_space<vmem>>)
          %dma_start3A_691 = arith.constant 2 : i32
          %dma_start3A_692 = arith.constant 0 : i32
          %dma_start3A_693 = arith.constant 0 : i32
          %dma_start3A_694 = tpu.memref_slice %arg5[%dma_start3A_691, %dma_start3A_692, %dma_start3A_693] : memref<8x2x80xi32, #tpu.memory_space<vmem>> -> memref<1x1x80xi32, #tpu.memory_space<vmem>>
          %dma_start3A_695 = tpu.memref_squeeze %dma_start3A_694 : memref<1x1x80xi32, #tpu.memory_space<vmem>> -> memref<80xi32, #tpu.memory_space<vmem>>
          %dma_start3A_696 = arith.constant 0 : i32
          %dma_start3A_697 = arith.constant 0 : i32
          %dma_start3A_698 = tpu.memref_slice %arg2[%dma_start3A_696, %dma_start3A_697] : memref<10000x128xf32, #tpu.memory_space<hbm>> -> memref<10000x128xf32, #tpu.memory_space<hbm>>
          tpu.enqueue_indirect_dma source(%dma_start3A_698 : memref<10000x128xf32, #tpu.memory_space<hbm>>) target(%arg8 : memref<80x128xf32, #tpu.memory_space<vmem>>) offsets(%dma_start3A_695 : memref<80xi32, #tpu.memory_space<vmem>>) semaphore(%arg21 : memref<!tpu.dma_semaphore, #tpu.memory_space<semaphore_mem>>)
        } else {
        }
      } else {
      }
      %add3A_446 = arith.constant 6 : i32
      %add3A_447 = arith.addi %add3A_425, %add3A_446 : i32
      %lt3A_448 = arith.constant 125 : i32
      %lt3A_449 = arith.cmpi slt, %add3A_447, %lt3A_448 : i32
      %convert_element_type3A_450 = arith.extui %lt3A_449 : i1 to i32
      %cond3A_451 = arith.constant 0 : i32
      %cond3A_452 = arith.cmpi ne, %convert_element_type3A_450, %cond3A_451 : i32
      scf.if %cond3A_452 {
        %add3A_663 = arith.constant 6 : i32
        %add3A_664 = arith.addi %add3A_425, %add3A_663 : i32
        %dma_start3A_665 = arith.constant 6 : i32
        %dma_start3A_666 = arith.constant 0 : i32
        %dma_start3A_667 = arith.constant 0 : i32
        %dma_start3A_668 = tpu.memref_slice %arg5[%dma_start3A_665, %dma_start3A_666, %dma_start3A_667] : memref<8x2x80xi32, #tpu.memory_space<vmem>> -> memref<1x2x80xi32, #tpu.memory_space<vmem>>
        %dma_start3A_669 = tpu.memref_squeeze %dma_start3A_668 : memref<1x2x80xi32, #tpu.memory_space<vmem>> -> memref<2x80xi32, #tpu.memory_space<vmem>>
        %dma_start3A_670 = arith.constant 0 : i32
        %dma_start3A_671 = arith.constant 0 : i32
        %dma_start3A_672 = tpu.memref_slice %arg3[%add3A, %add3A_664, %dma_start3A_670, %dma_start3A_671] : memref<32x125x2x80xi32, #tpu.memory_space<hbm>> -> memref<1x1x2x80xi32, #tpu.memory_space<hbm>>
        %dma_start3A_673 = tpu.memref_squeeze %dma_start3A_672 : memref<1x1x2x80xi32, #tpu.memory_space<hbm>> -> memref<2x80xi32, #tpu.memory_space<hbm>>
        %dma_start3A_674 = arith.constant 0 : i32
        %dma_start3A_675 = arith.constant 0 : i32
        %dma_start3A_676 = tpu.memref_slice %arg5[%dma_start3A_665, %dma_start3A_674, %dma_start3A_675] : memref<8x2x80xi32, #tpu.memory_space<vmem>> -> memref<1x2x80xi32, #tpu.memory_space<vmem>>
        %dma_start3A_677 = tpu.memref_squeeze %dma_start3A_676 : memref<1x2x80xi32, #tpu.memory_space<vmem>> -> memref<2x80xi32, #tpu.memory_space<vmem>>
        %dma_start3A_678 = arith.constant 0 : i32
        %dma_start3A_679 = arith.constant 0 : i32
        %dma_start3A_680 = tpu.memref_slice %arg3[%add3A, %add3A_664, %dma_start3A_678, %dma_start3A_679] : memref<32x125x2x80xi32, #tpu.memory_space<hbm>> -> memref<1x1x2x80xi32, #tpu.memory_space<hbm>>
        %dma_start3A_681 = tpu.memref_squeeze %dma_start3A_680 : memref<1x1x2x80xi32, #tpu.memory_space<hbm>> -> memref<2x80xi32, #tpu.memory_space<hbm>>
        tpu.enqueue_dma source(%dma_start3A_681 : memref<2x80xi32, #tpu.memory_space<hbm>>) target(%dma_start3A_677 : memref<2x80xi32, #tpu.memory_space<vmem>>) target_semaphore(%arg17 : memref<!tpu.dma_semaphore, #tpu.memory_space<semaphore_mem>>)
      } else {
      }
      %add3A_453 = arith.constant 1 : i32
      %add3A_454 = arith.addi %mul3A_423, %add3A_453 : i32
      %dma_wait3A_455 = arith.constant 0 : i32
      %dma_wait3A_456 = arith.constant 0 : i32
      %dma_wait3A_457 = tpu.memref_slice %arg2[%dma_wait3A_455, %dma_wait3A_456] : memref<10000x128xf32, #tpu.memory_space<hbm>> -> memref<80x128xf32, #tpu.memory_space<hbm>>
      %dma_wait3A_458 = arith.constant 0 : i32
      %dma_wait3A_459 = arith.constant 0 : i32
      %dma_wait3A_460 = tpu.memref_slice %arg2[%dma_wait3A_458, %dma_wait3A_459] : memref<10000x128xf32, #tpu.memory_space<hbm>> -> memref<80x128xf32, #tpu.memory_space<hbm>>
      tpu.wait_dma2 semaphore(%arg20 : memref<!tpu.dma_semaphore, #tpu.memory_space<semaphore_mem>>) src(%dma_wait3A_460 : memref<80x128xf32, #tpu.memory_space<hbm>>) dst(%arg7 : memref<80x128xf32, #tpu.memory_space<vmem>>)
      %dma_start3A_461 = arith.constant 1 : i32
      %dma_start3A_462 = arith.constant 1 : i32
      %dma_start3A_463 = arith.constant 0 : i32
      %dma_start3A_464 = tpu.memref_slice %arg5[%dma_start3A_461, %dma_start3A_462, %dma_start3A_463] : memref<8x2x80xi32, #tpu.memory_space<vmem>> -> memref<1x1x80xi32, #tpu.memory_space<vmem>>
      %dma_start3A_465 = tpu.memref_squeeze %dma_start3A_464 : memref<1x1x80xi32, #tpu.memory_space<vmem>> -> memref<80xi32, #tpu.memory_space<vmem>>
      %dma_start3A_466 = arith.constant 0 : i32
      %dma_start3A_467 = arith.constant 0 : i32
      %dma_start3A_468 = tpu.memref_slice %arg10[%dma_start3A_466, %dma_start3A_467] : memref<10000x128xf32, #tpu.memory_space<vmem_shared>> -> memref<10000x128xf32, #tpu.memory_space<vmem_shared>>
      tpu.enqueue_indirect_dma source(%arg7 : memref<80x128xf32, #tpu.memory_space<vmem>>) target(%dma_start3A_468 : memref<10000x128xf32, #tpu.memory_space<vmem_shared>>) offsets(%dma_start3A_465 : memref<80xi32, #tpu.memory_space<vmem>>) semaphore(%arg24 : memref<!tpu.dma_semaphore, #tpu.memory_space<semaphore_mem>>) {add = true}
      %add3A_469 = arith.constant 2 : i32
      %add3A_470 = arith.addi %add3A_454, %add3A_469 : i32
      %lt3A_471 = arith.constant 125 : i32
      %lt3A_472 = arith.cmpi slt, %add3A_470, %lt3A_471 : i32
      %convert_element_type3A_473 = arith.extui %lt3A_472 : i1 to i32
      %cond3A_474 = arith.constant 0 : i32
      %cond3A_475 = arith.cmpi ne, %convert_element_type3A_473, %cond3A_474 : i32
      scf.if %cond3A_475 {
        %ge3A = arith.constant 2 : i32
        %ge3A_663 = arith.cmpi sge, %add3A_454, %ge3A : i32
        %convert_element_type3A_664 = arith.extui %ge3A_663 : i1 to i32
        %cond3A_665 = arith.constant 0 : i32
        %cond3A_666 = arith.cmpi ne, %convert_element_type3A_664, %cond3A_665 : i32
        scf.if %cond3A_666 {
          %dma_wait3A_672 = arith.constant 0 : i32
          %dma_wait3A_673 = arith.constant 0 : i32
          %dma_wait3A_674 = tpu.memref_slice %arg2[%dma_wait3A_672, %dma_wait3A_673] : memref<10000x128xf32, #tpu.memory_space<hbm>> -> memref<80x128xf32, #tpu.memory_space<hbm>>
          %dma_wait3A_675 = arith.constant 0 : i32
          %dma_wait3A_676 = arith.constant 0 : i32
          %dma_wait3A_677 = tpu.memref_slice %arg2[%dma_wait3A_675, %dma_wait3A_676] : memref<10000x128xf32, #tpu.memory_space<hbm>> -> memref<80x128xf32, #tpu.memory_space<hbm>>
          tpu.wait_dma2 semaphore(%arg26 : memref<!tpu.dma_semaphore, #tpu.memory_space<semaphore_mem>>) src(%dma_wait3A_677 : memref<80x128xf32, #tpu.memory_space<hbm>>) dst(%arg9 : memref<80x128xf32, #tpu.memory_space<vmem>>)
        } else {
        }
        %ge3A_667 = arith.constant 1 : i32
        %ge3A_668 = arith.cmpi sge, %add3A_454, %ge3A_667 : i32
        %convert_element_type3A_669 = arith.extui %ge3A_668 : i1 to i32
        %cond3A_670 = arith.constant 0 : i32
        %cond3A_671 = arith.cmpi ne, %convert_element_type3A_669, %cond3A_670 : i32
        scf.if %cond3A_671 {
          %dma_wait3A_672 = arith.constant 0 : i32
          %dma_wait3A_673 = arith.constant 0 : i32
          %dma_wait3A_674 = arith.constant 3 : i32
          %dma_wait3A_675 = arith.constant 0 : i32
          %dma_wait3A_676 = arith.constant 0 : i32
          %dma_wait3A_677 = tpu.memref_slice %arg5[%dma_wait3A_674, %dma_wait3A_675, %dma_wait3A_676] : memref<8x2x80xi32, #tpu.memory_space<vmem>> -> memref<1x2x80xi32, #tpu.memory_space<vmem>>
          %dma_wait3A_678 = tpu.memref_squeeze %dma_wait3A_677 : memref<1x2x80xi32, #tpu.memory_space<vmem>> -> memref<2x80xi32, #tpu.memory_space<vmem>>
          %dma_wait3A_679 = arith.constant 0 : i32
          %dma_wait3A_680 = arith.constant 0 : i32
          %dma_wait3A_681 = tpu.memref_slice %arg3[%dma_wait3A_672, %dma_wait3A_673, %dma_wait3A_679, %dma_wait3A_680] : memref<32x125x2x80xi32, #tpu.memory_space<hbm>> -> memref<1x1x2x80xi32, #tpu.memory_space<hbm>>
          %dma_wait3A_682 = tpu.memref_squeeze %dma_wait3A_681 : memref<1x1x2x80xi32, #tpu.memory_space<hbm>> -> memref<2x80xi32, #tpu.memory_space<hbm>>
          %dma_wait3A_683 = arith.constant 0 : i32
          %dma_wait3A_684 = arith.constant 0 : i32
          %dma_wait3A_685 = tpu.memref_slice %arg5[%dma_wait3A_674, %dma_wait3A_683, %dma_wait3A_684] : memref<8x2x80xi32, #tpu.memory_space<vmem>> -> memref<1x2x80xi32, #tpu.memory_space<vmem>>
          %dma_wait3A_686 = tpu.memref_squeeze %dma_wait3A_685 : memref<1x2x80xi32, #tpu.memory_space<vmem>> -> memref<2x80xi32, #tpu.memory_space<vmem>>
          %dma_wait3A_687 = arith.constant 0 : i32
          %dma_wait3A_688 = arith.constant 0 : i32
          %dma_wait3A_689 = tpu.memref_slice %arg3[%dma_wait3A_672, %dma_wait3A_673, %dma_wait3A_687, %dma_wait3A_688] : memref<32x125x2x80xi32, #tpu.memory_space<hbm>> -> memref<1x1x2x80xi32, #tpu.memory_space<hbm>>
          %dma_wait3A_690 = tpu.memref_squeeze %dma_wait3A_689 : memref<1x1x2x80xi32, #tpu.memory_space<hbm>> -> memref<2x80xi32, #tpu.memory_space<hbm>>
          tpu.wait_dma2 semaphore(%arg14 : memref<!tpu.dma_semaphore, #tpu.memory_space<semaphore_mem>>) src(%dma_wait3A_690 : memref<2x80xi32, #tpu.memory_space<hbm>>) dst(%dma_wait3A_686 : memref<2x80xi32, #tpu.memory_space<vmem>>)
          %dma_start3A_691 = arith.constant 3 : i32
          %dma_start3A_692 = arith.constant 0 : i32
          %dma_start3A_693 = arith.constant 0 : i32
          %dma_start3A_694 = tpu.memref_slice %arg5[%dma_start3A_691, %dma_start3A_692, %dma_start3A_693] : memref<8x2x80xi32, #tpu.memory_space<vmem>> -> memref<1x1x80xi32, #tpu.memory_space<vmem>>
          %dma_start3A_695 = tpu.memref_squeeze %dma_start3A_694 : memref<1x1x80xi32, #tpu.memory_space<vmem>> -> memref<80xi32, #tpu.memory_space<vmem>>
          %dma_start3A_696 = arith.constant 0 : i32
          %dma_start3A_697 = arith.constant 0 : i32
          %dma_start3A_698 = tpu.memref_slice %arg2[%dma_start3A_696, %dma_start3A_697] : memref<10000x128xf32, #tpu.memory_space<hbm>> -> memref<10000x128xf32, #tpu.memory_space<hbm>>
          tpu.enqueue_indirect_dma source(%dma_start3A_698 : memref<10000x128xf32, #tpu.memory_space<hbm>>) target(%arg9 : memref<80x128xf32, #tpu.memory_space<vmem>>) offsets(%dma_start3A_695 : memref<80xi32, #tpu.memory_space<vmem>>) semaphore(%arg22 : memref<!tpu.dma_semaphore, #tpu.memory_space<semaphore_mem>>)
        } else {
        }
      } else {
      }
      %add3A_476 = arith.constant 6 : i32
      %add3A_477 = arith.addi %add3A_454, %add3A_476 : i32
      %lt3A_478 = arith.constant 125 : i32
      %lt3A_479 = arith.cmpi slt, %add3A_477, %lt3A_478 : i32
      %convert_element_type3A_480 = arith.extui %lt3A_479 : i1 to i32
      %cond3A_481 = arith.constant 0 : i32
      %cond3A_482 = arith.cmpi ne, %convert_element_type3A_480, %cond3A_481 : i32
      scf.if %cond3A_482 {
        %add3A_663 = arith.constant 6 : i32
        %add3A_664 = arith.addi %add3A_454, %add3A_663 : i32
        %dma_start3A_665 = arith.constant 7 : i32
        %dma_start3A_666 = arith.constant 0 : i32
        %dma_start3A_667 = arith.constant 0 : i32
        %dma_start3A_668 = tpu.memref_slice %arg5[%dma_start3A_665, %dma_start3A_666, %dma_start3A_667] : memref<8x2x80xi32, #tpu.memory_space<vmem>> -> memref<1x2x80xi32, #tpu.memory_space<vmem>>
        %dma_start3A_669 = tpu.memref_squeeze %dma_start3A_668 : memref<1x2x80xi32, #tpu.memory_space<vmem>> -> memref<2x80xi32, #tpu.memory_space<vmem>>
        %dma_start3A_670 = arith.constant 0 : i32
        %dma_start3A_671 = arith.constant 0 : i32
        %dma_start3A_672 = tpu.memref_slice %arg3[%add3A, %add3A_664, %dma_start3A_670, %dma_start3A_671] : memref<32x125x2x80xi32, #tpu.memory_space<hbm>> -> memref<1x1x2x80xi32, #tpu.memory_space<hbm>>
        %dma_start3A_673 = tpu.memref_squeeze %dma_start3A_672 : memref<1x1x2x80xi32, #tpu.memory_space<hbm>> -> memref<2x80xi32, #tpu.memory_space<hbm>>
        %dma_start3A_674 = arith.constant 0 : i32
        %dma_start3A_675 = arith.constant 0 : i32
        %dma_start3A_676 = tpu.memref_slice %arg5[%dma_start3A_665, %dma_start3A_674, %dma_start3A_675] : memref<8x2x80xi32, #tpu.memory_space<vmem>> -> memref<1x2x80xi32, #tpu.memory_space<vmem>>
        %dma_start3A_677 = tpu.memref_squeeze %dma_start3A_676 : memref<1x2x80xi32, #tpu.memory_space<vmem>> -> memref<2x80xi32, #tpu.memory_space<vmem>>
        %dma_start3A_678 = arith.constant 0 : i32
        %dma_start3A_679 = arith.constant 0 : i32
        %dma_start3A_680 = tpu.memref_slice %arg3[%add3A, %add3A_664, %dma_start3A_678, %dma_start3A_679] : memref<32x125x2x80xi32, #tpu.memory_space<hbm>> -> memref<1x1x2x80xi32, #tpu.memory_space<hbm>>
        %dma_start3A_681 = tpu.memref_squeeze %dma_start3A_680 : memref<1x1x2x80xi32, #tpu.memory_space<hbm>> -> memref<2x80xi32, #tpu.memory_space<hbm>>
        tpu.enqueue_dma source(%dma_start3A_681 : memref<2x80xi32, #tpu.memory_space<hbm>>) target(%dma_start3A_677 : memref<2x80xi32, #tpu.memory_space<vmem>>) target_semaphore(%arg18 : memref<!tpu.dma_semaphore, #tpu.memory_space<semaphore_mem>>)
      } else {
      }
      %add3A_483 = arith.constant 2 : i32
      %add3A_484 = arith.addi %mul3A_423, %add3A_483 : i32
      %dma_wait3A_485 = arith.constant 0 : i32
      %dma_wait3A_486 = arith.constant 0 : i32
      %dma_wait3A_487 = tpu.memref_slice %arg2[%dma_wait3A_485, %dma_wait3A_486] : memref<10000x128xf32, #tpu.memory_space<hbm>> -> memref<80x128xf32, #tpu.memory_space<hbm>>
      %dma_wait3A_488 = arith.constant 0 : i32
      %dma_wait3A_489 = arith.constant 0 : i32
      %dma_wait3A_490 = tpu.memref_slice %arg2[%dma_wait3A_488, %dma_wait3A_489] : memref<10000x128xf32, #tpu.memory_space<hbm>> -> memref<80x128xf32, #tpu.memory_space<hbm>>
      tpu.wait_dma2 semaphore(%arg21 : memref<!tpu.dma_semaphore, #tpu.memory_space<semaphore_mem>>) src(%dma_wait3A_490 : memref<80x128xf32, #tpu.memory_space<hbm>>) dst(%arg8 : memref<80x128xf32, #tpu.memory_space<vmem>>)
      %dma_start3A_491 = arith.constant 2 : i32
      %dma_start3A_492 = arith.constant 1 : i32
      %dma_start3A_493 = arith.constant 0 : i32
      %dma_start3A_494 = tpu.memref_slice %arg5[%dma_start3A_491, %dma_start3A_492, %dma_start3A_493] : memref<8x2x80xi32, #tpu.memory_space<vmem>> -> memref<1x1x80xi32, #tpu.memory_space<vmem>>
      %dma_start3A_495 = tpu.memref_squeeze %dma_start3A_494 : memref<1x1x80xi32, #tpu.memory_space<vmem>> -> memref<80xi32, #tpu.memory_space<vmem>>
      %dma_start3A_496 = arith.constant 0 : i32
      %dma_start3A_497 = arith.constant 0 : i32
      %dma_start3A_498 = tpu.memref_slice %arg10[%dma_start3A_496, %dma_start3A_497] : memref<10000x128xf32, #tpu.memory_space<vmem_shared>> -> memref<10000x128xf32, #tpu.memory_space<vmem_shared>>
      tpu.enqueue_indirect_dma source(%arg8 : memref<80x128xf32, #tpu.memory_space<vmem>>) target(%dma_start3A_498 : memref<10000x128xf32, #tpu.memory_space<vmem_shared>>) offsets(%dma_start3A_495 : memref<80xi32, #tpu.memory_space<vmem>>) semaphore(%arg25 : memref<!tpu.dma_semaphore, #tpu.memory_space<semaphore_mem>>) {add = true}
      %add3A_499 = arith.constant 2 : i32
      %add3A_500 = arith.addi %add3A_484, %add3A_499 : i32
      %lt3A_501 = arith.constant 125 : i32
      %lt3A_502 = arith.cmpi slt, %add3A_500, %lt3A_501 : i32
      %convert_element_type3A_503 = arith.extui %lt3A_502 : i1 to i32
      %cond3A_504 = arith.constant 0 : i32
      %cond3A_505 = arith.cmpi ne, %convert_element_type3A_503, %cond3A_504 : i32
      scf.if %cond3A_505 {
        %ge3A = arith.constant 2 : i32
        %ge3A_663 = arith.cmpi sge, %add3A_484, %ge3A : i32
        %convert_element_type3A_664 = arith.extui %ge3A_663 : i1 to i32
        %cond3A_665 = arith.constant 0 : i32
        %cond3A_666 = arith.cmpi ne, %convert_element_type3A_664, %cond3A_665 : i32
        scf.if %cond3A_666 {
          %dma_wait3A_672 = arith.constant 0 : i32
          %dma_wait3A_673 = arith.constant 0 : i32
          %dma_wait3A_674 = tpu.memref_slice %arg2[%dma_wait3A_672, %dma_wait3A_673] : memref<10000x128xf32, #tpu.memory_space<hbm>> -> memref<80x128xf32, #tpu.memory_space<hbm>>
          %dma_wait3A_675 = arith.constant 0 : i32
          %dma_wait3A_676 = arith.constant 0 : i32
          %dma_wait3A_677 = tpu.memref_slice %arg2[%dma_wait3A_675, %dma_wait3A_676] : memref<10000x128xf32, #tpu.memory_space<hbm>> -> memref<80x128xf32, #tpu.memory_space<hbm>>
          tpu.wait_dma2 semaphore(%arg23 : memref<!tpu.dma_semaphore, #tpu.memory_space<semaphore_mem>>) src(%dma_wait3A_677 : memref<80x128xf32, #tpu.memory_space<hbm>>) dst(%arg6 : memref<80x128xf32, #tpu.memory_space<vmem>>)
        } else {
        }
        %ge3A_667 = arith.constant 1 : i32
        %ge3A_668 = arith.cmpi sge, %add3A_484, %ge3A_667 : i32
        %convert_element_type3A_669 = arith.extui %ge3A_668 : i1 to i32
        %cond3A_670 = arith.constant 0 : i32
        %cond3A_671 = arith.cmpi ne, %convert_element_type3A_669, %cond3A_670 : i32
        scf.if %cond3A_671 {
          %dma_wait3A_672 = arith.constant 0 : i32
          %dma_wait3A_673 = arith.constant 0 : i32
          %dma_wait3A_674 = arith.constant 4 : i32
          %dma_wait3A_675 = arith.constant 0 : i32
          %dma_wait3A_676 = arith.constant 0 : i32
          %dma_wait3A_677 = tpu.memref_slice %arg5[%dma_wait3A_674, %dma_wait3A_675, %dma_wait3A_676] : memref<8x2x80xi32, #tpu.memory_space<vmem>> -> memref<1x2x80xi32, #tpu.memory_space<vmem>>
          %dma_wait3A_678 = tpu.memref_squeeze %dma_wait3A_677 : memref<1x2x80xi32, #tpu.memory_space<vmem>> -> memref<2x80xi32, #tpu.memory_space<vmem>>
          %dma_wait3A_679 = arith.constant 0 : i32
          %dma_wait3A_680 = arith.constant 0 : i32
          %dma_wait3A_681 = tpu.memref_slice %arg3[%dma_wait3A_672, %dma_wait3A_673, %dma_wait3A_679, %dma_wait3A_680] : memref<32x125x2x80xi32, #tpu.memory_space<hbm>> -> memref<1x1x2x80xi32, #tpu.memory_space<hbm>>
          %dma_wait3A_682 = tpu.memref_squeeze %dma_wait3A_681 : memref<1x1x2x80xi32, #tpu.memory_space<hbm>> -> memref<2x80xi32, #tpu.memory_space<hbm>>
          %dma_wait3A_683 = arith.constant 0 : i32
          %dma_wait3A_684 = arith.constant 0 : i32
          %dma_wait3A_685 = tpu.memref_slice %arg5[%dma_wait3A_674, %dma_wait3A_683, %dma_wait3A_684] : memref<8x2x80xi32, #tpu.memory_space<vmem>> -> memref<1x2x80xi32, #tpu.memory_space<vmem>>
          %dma_wait3A_686 = tpu.memref_squeeze %dma_wait3A_685 : memref<1x2x80xi32, #tpu.memory_space<vmem>> -> memref<2x80xi32, #tpu.memory_space<vmem>>
          %dma_wait3A_687 = arith.constant 0 : i32
          %dma_wait3A_688 = arith.constant 0 : i32
          %dma_wait3A_689 = tpu.memref_slice %arg3[%dma_wait3A_672, %dma_wait3A_673, %dma_wait3A_687, %dma_wait3A_688] : memref<32x125x2x80xi32, #tpu.memory_space<hbm>> -> memref<1x1x2x80xi32, #tpu.memory_space<hbm>>
          %dma_wait3A_690 = tpu.memref_squeeze %dma_wait3A_689 : memref<1x1x2x80xi32, #tpu.memory_space<hbm>> -> memref<2x80xi32, #tpu.memory_space<hbm>>
          tpu.wait_dma2 semaphore(%arg15 : memref<!tpu.dma_semaphore, #tpu.memory_space<semaphore_mem>>) src(%dma_wait3A_690 : memref<2x80xi32, #tpu.memory_space<hbm>>) dst(%dma_wait3A_686 : memref<2x80xi32, #tpu.memory_space<vmem>>)
          %dma_start3A_691 = arith.constant 4 : i32
          %dma_start3A_692 = arith.constant 0 : i32
          %dma_start3A_693 = arith.constant 0 : i32
          %dma_start3A_694 = tpu.memref_slice %arg5[%dma_start3A_691, %dma_start3A_692, %dma_start3A_693] : memref<8x2x80xi32, #tpu.memory_space<vmem>> -> memref<1x1x80xi32, #tpu.memory_space<vmem>>
          %dma_start3A_695 = tpu.memref_squeeze %dma_start3A_694 : memref<1x1x80xi32, #tpu.memory_space<vmem>> -> memref<80xi32, #tpu.memory_space<vmem>>
          %dma_start3A_696 = arith.constant 0 : i32
          %dma_start3A_697 = arith.constant 0 : i32
          %dma_start3A_698 = tpu.memref_slice %arg2[%dma_start3A_696, %dma_start3A_697] : memref<10000x128xf32, #tpu.memory_space<hbm>> -> memref<10000x128xf32, #tpu.memory_space<hbm>>
          tpu.enqueue_indirect_dma source(%dma_start3A_698 : memref<10000x128xf32, #tpu.memory_space<hbm>>) target(%arg6 : memref<80x128xf32, #tpu.memory_space<vmem>>) offsets(%dma_start3A_695 : memref<80xi32, #tpu.memory_space<vmem>>) semaphore(%arg19 : memref<!tpu.dma_semaphore, #tpu.memory_space<semaphore_mem>>)
        } else {
        }
      } else {
      }
      %add3A_506 = arith.constant 6 : i32
      %add3A_507 = arith.addi %add3A_484, %add3A_506 : i32
      %lt3A_508 = arith.constant 125 : i32
      %lt3A_509 = arith.cmpi slt, %add3A_507, %lt3A_508 : i32
      %convert_element_type3A_510 = arith.extui %lt3A_509 : i1 to i32
      %cond3A_511 = arith.constant 0 : i32
      %cond3A_512 = arith.cmpi ne, %convert_element_type3A_510, %cond3A_511 : i32
      scf.if %cond3A_512 {
        %add3A_663 = arith.constant 6 : i32
        %add3A_664 = arith.addi %add3A_484, %add3A_663 : i32
        %dma_start3A_665 = arith.constant 0 : i32
        %dma_start3A_666 = arith.constant 0 : i32
        %dma_start3A_667 = arith.constant 0 : i32
        %dma_start3A_668 = tpu.memref_slice %arg5[%dma_start3A_665, %dma_start3A_666, %dma_start3A_667] : memref<8x2x80xi32, #tpu.memory_space<vmem>> -> memref<1x2x80xi32, #tpu.memory_space<vmem>>
        %dma_start3A_669 = tpu.memref_squeeze %dma_start3A_668 : memref<1x2x80xi32, #tpu.memory_space<vmem>> -> memref<2x80xi32, #tpu.memory_space<vmem>>
        %dma_start3A_670 = arith.constant 0 : i32
        %dma_start3A_671 = arith.constant 0 : i32
        %dma_start3A_672 = tpu.memref_slice %arg3[%add3A, %add3A_664, %dma_start3A_670, %dma_start3A_671] : memref<32x125x2x80xi32, #tpu.memory_space<hbm>> -> memref<1x1x2x80xi32, #tpu.memory_space<hbm>>
        %dma_start3A_673 = tpu.memref_squeeze %dma_start3A_672 : memref<1x1x2x80xi32, #tpu.memory_space<hbm>> -> memref<2x80xi32, #tpu.memory_space<hbm>>
        %dma_start3A_674 = arith.constant 0 : i32
        %dma_start3A_675 = arith.constant 0 : i32
        %dma_start3A_676 = tpu.memref_slice %arg5[%dma_start3A_665, %dma_start3A_674, %dma_start3A_675] : memref<8x2x80xi32, #tpu.memory_space<vmem>> -> memref<1x2x80xi32, #tpu.memory_space<vmem>>
        %dma_start3A_677 = tpu.memref_squeeze %dma_start3A_676 : memref<1x2x80xi32, #tpu.memory_space<vmem>> -> memref<2x80xi32, #tpu.memory_space<vmem>>
        %dma_start3A_678 = arith.constant 0 : i32
        %dma_start3A_679 = arith.constant 0 : i32
        %dma_start3A_680 = tpu.memref_slice %arg3[%add3A, %add3A_664, %dma_start3A_678, %dma_start3A_679] : memref<32x125x2x80xi32, #tpu.memory_space<hbm>> -> memref<1x1x2x80xi32, #tpu.memory_space<hbm>>
        %dma_start3A_681 = tpu.memref_squeeze %dma_start3A_680 : memref<1x1x2x80xi32, #tpu.memory_space<hbm>> -> memref<2x80xi32, #tpu.memory_space<hbm>>
        tpu.enqueue_dma source(%dma_start3A_681 : memref<2x80xi32, #tpu.memory_space<hbm>>) target(%dma_start3A_677 : memref<2x80xi32, #tpu.memory_space<vmem>>) target_semaphore(%arg11 : memref<!tpu.dma_semaphore, #tpu.memory_space<semaphore_mem>>)
      } else {
      }
      %add3A_513 = arith.constant 3 : i32
      %add3A_514 = arith.addi %mul3A_423, %add3A_513 : i32
      %dma_wait3A_515 = arith.constant 0 : i32
      %dma_wait3A_516 = arith.constant 0 : i32
      %dma_wait3A_517 = tpu.memref_slice %arg2[%dma_wait3A_515, %dma_wait3A_516] : memref<10000x128xf32, #tpu.memory_space<hbm>> -> memref<80x128xf32, #tpu.memory_space<hbm>>
      %dma_wait3A_518 = arith.constant 0 : i32
      %dma_wait3A_519 = arith.constant 0 : i32
      %dma_wait3A_520 = tpu.memref_slice %arg2[%dma_wait3A_518, %dma_wait3A_519] : memref<10000x128xf32, #tpu.memory_space<hbm>> -> memref<80x128xf32, #tpu.memory_space<hbm>>
      tpu.wait_dma2 semaphore(%arg22 : memref<!tpu.dma_semaphore, #tpu.memory_space<semaphore_mem>>) src(%dma_wait3A_520 : memref<80x128xf32, #tpu.memory_space<hbm>>) dst(%arg9 : memref<80x128xf32, #tpu.memory_space<vmem>>)
      %dma_start3A_521 = arith.constant 3 : i32
      %dma_start3A_522 = arith.constant 1 : i32
      %dma_start3A_523 = arith.constant 0 : i32
      %dma_start3A_524 = tpu.memref_slice %arg5[%dma_start3A_521, %dma_start3A_522, %dma_start3A_523] : memref<8x2x80xi32, #tpu.memory_space<vmem>> -> memref<1x1x80xi32, #tpu.memory_space<vmem>>
      %dma_start3A_525 = tpu.memref_squeeze %dma_start3A_524 : memref<1x1x80xi32, #tpu.memory_space<vmem>> -> memref<80xi32, #tpu.memory_space<vmem>>
      %dma_start3A_526 = arith.constant 0 : i32
      %dma_start3A_527 = arith.constant 0 : i32
      %dma_start3A_528 = tpu.memref_slice %arg10[%dma_start3A_526, %dma_start3A_527] : memref<10000x128xf32, #tpu.memory_space<vmem_shared>> -> memref<10000x128xf32, #tpu.memory_space<vmem_shared>>
      tpu.enqueue_indirect_dma source(%arg9 : memref<80x128xf32, #tpu.memory_space<vmem>>) target(%dma_start3A_528 : memref<10000x128xf32, #tpu.memory_space<vmem_shared>>) offsets(%dma_start3A_525 : memref<80xi32, #tpu.memory_space<vmem>>) semaphore(%arg26 : memref<!tpu.dma_semaphore, #tpu.memory_space<semaphore_mem>>) {add = true}
      %add3A_529 = arith.constant 2 : i32
      %add3A_530 = arith.addi %add3A_514, %add3A_529 : i32
      %lt3A_531 = arith.constant 125 : i32
      %lt3A_532 = arith.cmpi slt, %add3A_530, %lt3A_531 : i32
      %convert_element_type3A_533 = arith.extui %lt3A_532 : i1 to i32
      %cond3A_534 = arith.constant 0 : i32
      %cond3A_535 = arith.cmpi ne, %convert_element_type3A_533, %cond3A_534 : i32
      scf.if %cond3A_535 {
        %ge3A = arith.constant 2 : i32
        %ge3A_663 = arith.cmpi sge, %add3A_514, %ge3A : i32
        %convert_element_type3A_664 = arith.extui %ge3A_663 : i1 to i32
        %cond3A_665 = arith.constant 0 : i32
        %cond3A_666 = arith.cmpi ne, %convert_element_type3A_664, %cond3A_665 : i32
        scf.if %cond3A_666 {
          %dma_wait3A_672 = arith.constant 0 : i32
          %dma_wait3A_673 = arith.constant 0 : i32
          %dma_wait3A_674 = tpu.memref_slice %arg2[%dma_wait3A_672, %dma_wait3A_673] : memref<10000x128xf32, #tpu.memory_space<hbm>> -> memref<80x128xf32, #tpu.memory_space<hbm>>
          %dma_wait3A_675 = arith.constant 0 : i32
          %dma_wait3A_676 = arith.constant 0 : i32
          %dma_wait3A_677 = tpu.memref_slice %arg2[%dma_wait3A_675, %dma_wait3A_676] : memref<10000x128xf32, #tpu.memory_space<hbm>> -> memref<80x128xf32, #tpu.memory_space<hbm>>
          tpu.wait_dma2 semaphore(%arg24 : memref<!tpu.dma_semaphore, #tpu.memory_space<semaphore_mem>>) src(%dma_wait3A_677 : memref<80x128xf32, #tpu.memory_space<hbm>>) dst(%arg7 : memref<80x128xf32, #tpu.memory_space<vmem>>)
        } else {
        }
        %ge3A_667 = arith.constant 1 : i32
        %ge3A_668 = arith.cmpi sge, %add3A_514, %ge3A_667 : i32
        %convert_element_type3A_669 = arith.extui %ge3A_668 : i1 to i32
        %cond3A_670 = arith.constant 0 : i32
        %cond3A_671 = arith.cmpi ne, %convert_element_type3A_669, %cond3A_670 : i32
        scf.if %cond3A_671 {
          %dma_wait3A_672 = arith.constant 0 : i32
          %dma_wait3A_673 = arith.constant 0 : i32
          %dma_wait3A_674 = arith.constant 5 : i32
          %dma_wait3A_675 = arith.constant 0 : i32
          %dma_wait3A_676 = arith.constant 0 : i32
          %dma_wait3A_677 = tpu.memref_slice %arg5[%dma_wait3A_674, %dma_wait3A_675, %dma_wait3A_676] : memref<8x2x80xi32, #tpu.memory_space<vmem>> -> memref<1x2x80xi32, #tpu.memory_space<vmem>>
          %dma_wait3A_678 = tpu.memref_squeeze %dma_wait3A_677 : memref<1x2x80xi32, #tpu.memory_space<vmem>> -> memref<2x80xi32, #tpu.memory_space<vmem>>
          %dma_wait3A_679 = arith.constant 0 : i32
          %dma_wait3A_680 = arith.constant 0 : i32
          %dma_wait3A_681 = tpu.memref_slice %arg3[%dma_wait3A_672, %dma_wait3A_673, %dma_wait3A_679, %dma_wait3A_680] : memref<32x125x2x80xi32, #tpu.memory_space<hbm>> -> memref<1x1x2x80xi32, #tpu.memory_space<hbm>>
          %dma_wait3A_682 = tpu.memref_squeeze %dma_wait3A_681 : memref<1x1x2x80xi32, #tpu.memory_space<hbm>> -> memref<2x80xi32, #tpu.memory_space<hbm>>
          %dma_wait3A_683 = arith.constant 0 : i32
          %dma_wait3A_684 = arith.constant 0 : i32
          %dma_wait3A_685 = tpu.memref_slice %arg5[%dma_wait3A_674, %dma_wait3A_683, %dma_wait3A_684] : memref<8x2x80xi32, #tpu.memory_space<vmem>> -> memref<1x2x80xi32, #tpu.memory_space<vmem>>
          %dma_wait3A_686 = tpu.memref_squeeze %dma_wait3A_685 : memref<1x2x80xi32, #tpu.memory_space<vmem>> -> memref<2x80xi32, #tpu.memory_space<vmem>>
          %dma_wait3A_687 = arith.constant 0 : i32
          %dma_wait3A_688 = arith.constant 0 : i32
          %dma_wait3A_689 = tpu.memref_slice %arg3[%dma_wait3A_672, %dma_wait3A_673, %dma_wait3A_687, %dma_wait3A_688] : memref<32x125x2x80xi32, #tpu.memory_space<hbm>> -> memref<1x1x2x80xi32, #tpu.memory_space<hbm>>
          %dma_wait3A_690 = tpu.memref_squeeze %dma_wait3A_689 : memref<1x1x2x80xi32, #tpu.memory_space<hbm>> -> memref<2x80xi32, #tpu.memory_space<hbm>>
          tpu.wait_dma2 semaphore(%arg16 : memref<!tpu.dma_semaphore, #tpu.memory_space<semaphore_mem>>) src(%dma_wait3A_690 : memref<2x80xi32, #tpu.memory_space<hbm>>) dst(%dma_wait3A_686 : memref<2x80xi32, #tpu.memory_space<vmem>>)
          %dma_start3A_691 = arith.constant 5 : i32
          %dma_start3A_692 = arith.constant 0 : i32
          %dma_start3A_693 = arith.constant 0 : i32
          %dma_start3A_694 = tpu.memref_slice %arg5[%dma_start3A_691, %dma_start3A_692, %dma_start3A_693] : memref<8x2x80xi32, #tpu.memory_space<vmem>> -> memref<1x1x80xi32, #tpu.memory_space<vmem>>
          %dma_start3A_695 = tpu.memref_squeeze %dma_start3A_694 : memref<1x1x80xi32, #tpu.memory_space<vmem>> -> memref<80xi32, #tpu.memory_space<vmem>>
          %dma_start3A_696 = arith.constant 0 : i32
          %dma_start3A_697 = arith.constant 0 : i32
          %dma_start3A_698 = tpu.memref_slice %arg2[%dma_start3A_696, %dma_start3A_697] : memref<10000x128xf32, #tpu.memory_space<hbm>> -> memref<10000x128xf32, #tpu.memory_space<hbm>>
          tpu.enqueue_indirect_dma source(%dma_start3A_698 : memref<10000x128xf32, #tpu.memory_space<hbm>>) target(%arg7 : memref<80x128xf32, #tpu.memory_space<vmem>>) offsets(%dma_start3A_695 : memref<80xi32, #tpu.memory_space<vmem>>) semaphore(%arg20 : memref<!tpu.dma_semaphore, #tpu.memory_space<semaphore_mem>>)
        } else {
        }
      } else {
      }
      %add3A_536 = arith.constant 6 : i32
      %add3A_537 = arith.addi %add3A_514, %add3A_536 : i32
      %lt3A_538 = arith.constant 125 : i32
      %lt3A_539 = arith.cmpi slt, %add3A_537, %lt3A_538 : i32
      %convert_element_type3A_540 = arith.extui %lt3A_539 : i1 to i32
      %cond3A_541 = arith.constant 0 : i32
      %cond3A_542 = arith.cmpi ne, %convert_element_type3A_540, %cond3A_541 : i32
      scf.if %cond3A_542 {
        %add3A_663 = arith.constant 6 : i32
        %add3A_664 = arith.addi %add3A_514, %add3A_663 : i32
        %dma_start3A_665 = arith.constant 1 : i32
        %dma_start3A_666 = arith.constant 0 : i32
        %dma_start3A_667 = arith.constant 0 : i32
        %dma_start3A_668 = tpu.memref_slice %arg5[%dma_start3A_665, %dma_start3A_666, %dma_start3A_667] : memref<8x2x80xi32, #tpu.memory_space<vmem>> -> memref<1x2x80xi32, #tpu.memory_space<vmem>>
        %dma_start3A_669 = tpu.memref_squeeze %dma_start3A_668 : memref<1x2x80xi32, #tpu.memory_space<vmem>> -> memref<2x80xi32, #tpu.memory_space<vmem>>
        %dma_start3A_670 = arith.constant 0 : i32
        %dma_start3A_671 = arith.constant 0 : i32
        %dma_start3A_672 = tpu.memref_slice %arg3[%add3A, %add3A_664, %dma_start3A_670, %dma_start3A_671] : memref<32x125x2x80xi32, #tpu.memory_space<hbm>> -> memref<1x1x2x80xi32, #tpu.memory_space<hbm>>
        %dma_start3A_673 = tpu.memref_squeeze %dma_start3A_672 : memref<1x1x2x80xi32, #tpu.memory_space<hbm>> -> memref<2x80xi32, #tpu.memory_space<hbm>>
        %dma_start3A_674 = arith.constant 0 : i32
        %dma_start3A_675 = arith.constant 0 : i32
        %dma_start3A_676 = tpu.memref_slice %arg5[%dma_start3A_665, %dma_start3A_674, %dma_start3A_675] : memref<8x2x80xi32, #tpu.memory_space<vmem>> -> memref<1x2x80xi32, #tpu.memory_space<vmem>>
        %dma_start3A_677 = tpu.memref_squeeze %dma_start3A_676 : memref<1x2x80xi32, #tpu.memory_space<vmem>> -> memref<2x80xi32, #tpu.memory_space<vmem>>
        %dma_start3A_678 = arith.constant 0 : i32
        %dma_start3A_679 = arith.constant 0 : i32
        %dma_start3A_680 = tpu.memref_slice %arg3[%add3A, %add3A_664, %dma_start3A_678, %dma_start3A_679] : memref<32x125x2x80xi32, #tpu.memory_space<hbm>> -> memref<1x1x2x80xi32, #tpu.memory_space<hbm>>
        %dma_start3A_681 = tpu.memref_squeeze %dma_start3A_680 : memref<1x1x2x80xi32, #tpu.memory_space<hbm>> -> memref<2x80xi32, #tpu.memory_space<hbm>>
        tpu.enqueue_dma source(%dma_start3A_681 : memref<2x80xi32, #tpu.memory_space<hbm>>) target(%dma_start3A_677 : memref<2x80xi32, #tpu.memory_space<vmem>>) target_semaphore(%arg12 : memref<!tpu.dma_semaphore, #tpu.memory_space<semaphore_mem>>)
      } else {
      }
      %add3A_543 = arith.constant 4 : i32
      %add3A_544 = arith.addi %mul3A_423, %add3A_543 : i32
      %dma_wait3A_545 = arith.constant 0 : i32
      %dma_wait3A_546 = arith.constant 0 : i32
      %dma_wait3A_547 = tpu.memref_slice %arg2[%dma_wait3A_545, %dma_wait3A_546] : memref<10000x128xf32, #tpu.memory_space<hbm>> -> memref<80x128xf32, #tpu.memory_space<hbm>>
      %dma_wait3A_548 = arith.constant 0 : i32
      %dma_wait3A_549 = arith.constant 0 : i32
      %dma_wait3A_550 = tpu.memref_slice %arg2[%dma_wait3A_548, %dma_wait3A_549] : memref<10000x128xf32, #tpu.memory_space<hbm>> -> memref<80x128xf32, #tpu.memory_space<hbm>>
      tpu.wait_dma2 semaphore(%arg19 : memref<!tpu.dma_semaphore, #tpu.memory_space<semaphore_mem>>) src(%dma_wait3A_550 : memref<80x128xf32, #tpu.memory_space<hbm>>) dst(%arg6 : memref<80x128xf32, #tpu.memory_space<vmem>>)
      %dma_start3A_551 = arith.constant 4 : i32
      %dma_start3A_552 = arith.constant 1 : i32
      %dma_start3A_553 = arith.constant 0 : i32
      %dma_start3A_554 = tpu.memref_slice %arg5[%dma_start3A_551, %dma_start3A_552, %dma_start3A_553] : memref<8x2x80xi32, #tpu.memory_space<vmem>> -> memref<1x1x80xi32, #tpu.memory_space<vmem>>
      %dma_start3A_555 = tpu.memref_squeeze %dma_start3A_554 : memref<1x1x80xi32, #tpu.memory_space<vmem>> -> memref<80xi32, #tpu.memory_space<vmem>>
      %dma_start3A_556 = arith.constant 0 : i32
      %dma_start3A_557 = arith.constant 0 : i32
      %dma_start3A_558 = tpu.memref_slice %arg10[%dma_start3A_556, %dma_start3A_557] : memref<10000x128xf32, #tpu.memory_space<vmem_shared>> -> memref<10000x128xf32, #tpu.memory_space<vmem_shared>>
      tpu.enqueue_indirect_dma source(%arg6 : memref<80x128xf32, #tpu.memory_space<vmem>>) target(%dma_start3A_558 : memref<10000x128xf32, #tpu.memory_space<vmem_shared>>) offsets(%dma_start3A_555 : memref<80xi32, #tpu.memory_space<vmem>>) semaphore(%arg23 : memref<!tpu.dma_semaphore, #tpu.memory_space<semaphore_mem>>) {add = true}
      %add3A_559 = arith.constant 2 : i32
      %add3A_560 = arith.addi %add3A_544, %add3A_559 : i32
      %lt3A_561 = arith.constant 125 : i32
      %lt3A_562 = arith.cmpi slt, %add3A_560, %lt3A_561 : i32
      %convert_element_type3A_563 = arith.extui %lt3A_562 : i1 to i32
      %cond3A_564 = arith.constant 0 : i32
      %cond3A_565 = arith.cmpi ne, %convert_element_type3A_563, %cond3A_564 : i32
      scf.if %cond3A_565 {
        %ge3A = arith.constant 2 : i32
        %ge3A_663 = arith.cmpi sge, %add3A_544, %ge3A : i32
        %convert_element_type3A_664 = arith.extui %ge3A_663 : i1 to i32
        %cond3A_665 = arith.constant 0 : i32
        %cond3A_666 = arith.cmpi ne, %convert_element_type3A_664, %cond3A_665 : i32
        scf.if %cond3A_666 {
          %dma_wait3A_672 = arith.constant 0 : i32
          %dma_wait3A_673 = arith.constant 0 : i32
          %dma_wait3A_674 = tpu.memref_slice %arg2[%dma_wait3A_672, %dma_wait3A_673] : memref<10000x128xf32, #tpu.memory_space<hbm>> -> memref<80x128xf32, #tpu.memory_space<hbm>>
          %dma_wait3A_675 = arith.constant 0 : i32
          %dma_wait3A_676 = arith.constant 0 : i32
          %dma_wait3A_677 = tpu.memref_slice %arg2[%dma_wait3A_675, %dma_wait3A_676] : memref<10000x128xf32, #tpu.memory_space<hbm>> -> memref<80x128xf32, #tpu.memory_space<hbm>>
          tpu.wait_dma2 semaphore(%arg25 : memref<!tpu.dma_semaphore, #tpu.memory_space<semaphore_mem>>) src(%dma_wait3A_677 : memref<80x128xf32, #tpu.memory_space<hbm>>) dst(%arg8 : memref<80x128xf32, #tpu.memory_space<vmem>>)
        } else {
        }
        %ge3A_667 = arith.constant 1 : i32
        %ge3A_668 = arith.cmpi sge, %add3A_544, %ge3A_667 : i32
        %convert_element_type3A_669 = arith.extui %ge3A_668 : i1 to i32
        %cond3A_670 = arith.constant 0 : i32
        %cond3A_671 = arith.cmpi ne, %convert_element_type3A_669, %cond3A_670 : i32
        scf.if %cond3A_671 {
          %dma_wait3A_672 = arith.constant 0 : i32
          %dma_wait3A_673 = arith.constant 0 : i32
          %dma_wait3A_674 = arith.constant 6 : i32
          %dma_wait3A_675 = arith.constant 0 : i32
          %dma_wait3A_676 = arith.constant 0 : i32
          %dma_wait3A_677 = tpu.memref_slice %arg5[%dma_wait3A_674, %dma_wait3A_675, %dma_wait3A_676] : memref<8x2x80xi32, #tpu.memory_space<vmem>> -> memref<1x2x80xi32, #tpu.memory_space<vmem>>
          %dma_wait3A_678 = tpu.memref_squeeze %dma_wait3A_677 : memref<1x2x80xi32, #tpu.memory_space<vmem>> -> memref<2x80xi32, #tpu.memory_space<vmem>>
          %dma_wait3A_679 = arith.constant 0 : i32
          %dma_wait3A_680 = arith.constant 0 : i32
          %dma_wait3A_681 = tpu.memref_slice %arg3[%dma_wait3A_672, %dma_wait3A_673, %dma_wait3A_679, %dma_wait3A_680] : memref<32x125x2x80xi32, #tpu.memory_space<hbm>> -> memref<1x1x2x80xi32, #tpu.memory_space<hbm>>
          %dma_wait3A_682 = tpu.memref_squeeze %dma_wait3A_681 : memref<1x1x2x80xi32, #tpu.memory_space<hbm>> -> memref<2x80xi32, #tpu.memory_space<hbm>>
          %dma_wait3A_683 = arith.constant 0 : i32
          %dma_wait3A_684 = arith.constant 0 : i32
          %dma_wait3A_685 = tpu.memref_slice %arg5[%dma_wait3A_674, %dma_wait3A_683, %dma_wait3A_684] : memref<8x2x80xi32, #tpu.memory_space<vmem>> -> memref<1x2x80xi32, #tpu.memory_space<vmem>>
          %dma_wait3A_686 = tpu.memref_squeeze %dma_wait3A_685 : memref<1x2x80xi32, #tpu.memory_space<vmem>> -> memref<2x80xi32, #tpu.memory_space<vmem>>
          %dma_wait3A_687 = arith.constant 0 : i32
          %dma_wait3A_688 = arith.constant 0 : i32
          %dma_wait3A_689 = tpu.memref_slice %arg3[%dma_wait3A_672, %dma_wait3A_673, %dma_wait3A_687, %dma_wait3A_688] : memref<32x125x2x80xi32, #tpu.memory_space<hbm>> -> memref<1x1x2x80xi32, #tpu.memory_space<hbm>>
          %dma_wait3A_690 = tpu.memref_squeeze %dma_wait3A_689 : memref<1x1x2x80xi32, #tpu.memory_space<hbm>> -> memref<2x80xi32, #tpu.memory_space<hbm>>
          tpu.wait_dma2 semaphore(%arg17 : memref<!tpu.dma_semaphore, #tpu.memory_space<semaphore_mem>>) src(%dma_wait3A_690 : memref<2x80xi32, #tpu.memory_space<hbm>>) dst(%dma_wait3A_686 : memref<2x80xi32, #tpu.memory_space<vmem>>)
          %dma_start3A_691 = arith.constant 6 : i32
          %dma_start3A_692 = arith.constant 0 : i32
          %dma_start3A_693 = arith.constant 0 : i32
          %dma_start3A_694 = tpu.memref_slice %arg5[%dma_start3A_691, %dma_start3A_692, %dma_start3A_693] : memref<8x2x80xi32, #tpu.memory_space<vmem>> -> memref<1x1x80xi32, #tpu.memory_space<vmem>>
          %dma_start3A_695 = tpu.memref_squeeze %dma_start3A_694 : memref<1x1x80xi32, #tpu.memory_space<vmem>> -> memref<80xi32, #tpu.memory_space<vmem>>
          %dma_start3A_696 = arith.constant 0 : i32
          %dma_start3A_697 = arith.constant 0 : i32
          %dma_start3A_698 = tpu.memref_slice %arg2[%dma_start3A_696, %dma_start3A_697] : memref<10000x128xf32, #tpu.memory_space<hbm>> -> memref<10000x128xf32, #tpu.memory_space<hbm>>
          tpu.enqueue_indirect_dma source(%dma_start3A_698 : memref<10000x128xf32, #tpu.memory_space<hbm>>) target(%arg8 : memref<80x128xf32, #tpu.memory_space<vmem>>) offsets(%dma_start3A_695 : memref<80xi32, #tpu.memory_space<vmem>>) semaphore(%arg21 : memref<!tpu.dma_semaphore, #tpu.memory_space<semaphore_mem>>)
        } else {
        }
      } else {
      }
      %add3A_566 = arith.constant 6 : i32
      %add3A_567 = arith.addi %add3A_544, %add3A_566 : i32
      %lt3A_568 = arith.constant 125 : i32
      %lt3A_569 = arith.cmpi slt, %add3A_567, %lt3A_568 : i32
      %convert_element_type3A_570 = arith.extui %lt3A_569 : i1 to i32
      %cond3A_571 = arith.constant 0 : i32
      %cond3A_572 = arith.cmpi ne, %convert_element_type3A_570, %cond3A_571 : i32
      scf.if %cond3A_572 {
        %add3A_663 = arith.constant 6 : i32
        %add3A_664 = arith.addi %add3A_544, %add3A_663 : i32
        %dma_start3A_665 = arith.constant 2 : i32
        %dma_start3A_666 = arith.constant 0 : i32
        %dma_start3A_667 = arith.constant 0 : i32
        %dma_start3A_668 = tpu.memref_slice %arg5[%dma_start3A_665, %dma_start3A_666, %dma_start3A_667] : memref<8x2x80xi32, #tpu.memory_space<vmem>> -> memref<1x2x80xi32, #tpu.memory_space<vmem>>
        %dma_start3A_669 = tpu.memref_squeeze %dma_start3A_668 : memref<1x2x80xi32, #tpu.memory_space<vmem>> -> memref<2x80xi32, #tpu.memory_space<vmem>>
        %dma_start3A_670 = arith.constant 0 : i32
        %dma_start3A_671 = arith.constant 0 : i32
        %dma_start3A_672 = tpu.memref_slice %arg3[%add3A, %add3A_664, %dma_start3A_670, %dma_start3A_671] : memref<32x125x2x80xi32, #tpu.memory_space<hbm>> -> memref<1x1x2x80xi32, #tpu.memory_space<hbm>>
        %dma_start3A_673 = tpu.memref_squeeze %dma_start3A_672 : memref<1x1x2x80xi32, #tpu.memory_space<hbm>> -> memref<2x80xi32, #tpu.memory_space<hbm>>
        %dma_start3A_674 = arith.constant 0 : i32
        %dma_start3A_675 = arith.constant 0 : i32
        %dma_start3A_676 = tpu.memref_slice %arg5[%dma_start3A_665, %dma_start3A_674, %dma_start3A_675] : memref<8x2x80xi32, #tpu.memory_space<vmem>> -> memref<1x2x80xi32, #tpu.memory_space<vmem>>
        %dma_start3A_677 = tpu.memref_squeeze %dma_start3A_676 : memref<1x2x80xi32, #tpu.memory_space<vmem>> -> memref<2x80xi32, #tpu.memory_space<vmem>>
        %dma_start3A_678 = arith.constant 0 : i32
        %dma_start3A_679 = arith.constant 0 : i32
        %dma_start3A_680 = tpu.memref_slice %arg3[%add3A, %add3A_664, %dma_start3A_678, %dma_start3A_679] : memref<32x125x2x80xi32, #tpu.memory_space<hbm>> -> memref<1x1x2x80xi32, #tpu.memory_space<hbm>>
        %dma_start3A_681 = tpu.memref_squeeze %dma_start3A_680 : memref<1x1x2x80xi32, #tpu.memory_space<hbm>> -> memref<2x80xi32, #tpu.memory_space<hbm>>
        tpu.enqueue_dma source(%dma_start3A_681 : memref<2x80xi32, #tpu.memory_space<hbm>>) target(%dma_start3A_677 : memref<2x80xi32, #tpu.memory_space<vmem>>) target_semaphore(%arg13 : memref<!tpu.dma_semaphore, #tpu.memory_space<semaphore_mem>>)
      } else {
      }
      %add3A_573 = arith.constant 5 : i32
      %add3A_574 = arith.addi %mul3A_423, %add3A_573 : i32
      %dma_wait3A_575 = arith.constant 0 : i32
      %dma_wait3A_576 = arith.constant 0 : i32
      %dma_wait3A_577 = tpu.memref_slice %arg2[%dma_wait3A_575, %dma_wait3A_576] : memref<10000x128xf32, #tpu.memory_space<hbm>> -> memref<80x128xf32, #tpu.memory_space<hbm>>
      %dma_wait3A_578 = arith.constant 0 : i32
      %dma_wait3A_579 = arith.constant 0 : i32
      %dma_wait3A_580 = tpu.memref_slice %arg2[%dma_wait3A_578, %dma_wait3A_579] : memref<10000x128xf32, #tpu.memory_space<hbm>> -> memref<80x128xf32, #tpu.memory_space<hbm>>
      tpu.wait_dma2 semaphore(%arg20 : memref<!tpu.dma_semaphore, #tpu.memory_space<semaphore_mem>>) src(%dma_wait3A_580 : memref<80x128xf32, #tpu.memory_space<hbm>>) dst(%arg7 : memref<80x128xf32, #tpu.memory_space<vmem>>)
      %dma_start3A_581 = arith.constant 5 : i32
      %dma_start3A_582 = arith.constant 1 : i32
      %dma_start3A_583 = arith.constant 0 : i32
      %dma_start3A_584 = tpu.memref_slice %arg5[%dma_start3A_581, %dma_start3A_582, %dma_start3A_583] : memref<8x2x80xi32, #tpu.memory_space<vmem>> -> memref<1x1x80xi32, #tpu.memory_space<vmem>>
      %dma_start3A_585 = tpu.memref_squeeze %dma_start3A_584 : memref<1x1x80xi32, #tpu.memory_space<vmem>> -> memref<80xi32, #tpu.memory_space<vmem>>
      %dma_start3A_586 = arith.constant 0 : i32
      %dma_start3A_587 = arith.constant 0 : i32
      %dma_start3A_588 = tpu.memref_slice %arg10[%dma_start3A_586, %dma_start3A_587] : memref<10000x128xf32, #tpu.memory_space<vmem_shared>> -> memref<10000x128xf32, #tpu.memory_space<vmem_shared>>
      tpu.enqueue_indirect_dma source(%arg7 : memref<80x128xf32, #tpu.memory_space<vmem>>) target(%dma_start3A_588 : memref<10000x128xf32, #tpu.memory_space<vmem_shared>>) offsets(%dma_start3A_585 : memref<80xi32, #tpu.memory_space<vmem>>) semaphore(%arg24 : memref<!tpu.dma_semaphore, #tpu.memory_space<semaphore_mem>>) {add = true}
      %add3A_589 = arith.constant 2 : i32
      %add3A_590 = arith.addi %add3A_574, %add3A_589 : i32
      %lt3A_591 = arith.constant 125 : i32
      %lt3A_592 = arith.cmpi slt, %add3A_590, %lt3A_591 : i32
      %convert_element_type3A_593 = arith.extui %lt3A_592 : i1 to i32
      %cond3A_594 = arith.constant 0 : i32
      %cond3A_595 = arith.cmpi ne, %convert_element_type3A_593, %cond3A_594 : i32
      scf.if %cond3A_595 {
        %ge3A = arith.constant 2 : i32
        %ge3A_663 = arith.cmpi sge, %add3A_574, %ge3A : i32
        %convert_element_type3A_664 = arith.extui %ge3A_663 : i1 to i32
        %cond3A_665 = arith.constant 0 : i32
        %cond3A_666 = arith.cmpi ne, %convert_element_type3A_664, %cond3A_665 : i32
        scf.if %cond3A_666 {
          %dma_wait3A_672 = arith.constant 0 : i32
          %dma_wait3A_673 = arith.constant 0 : i32
          %dma_wait3A_674 = tpu.memref_slice %arg2[%dma_wait3A_672, %dma_wait3A_673] : memref<10000x128xf32, #tpu.memory_space<hbm>> -> memref<80x128xf32, #tpu.memory_space<hbm>>
          %dma_wait3A_675 = arith.constant 0 : i32
          %dma_wait3A_676 = arith.constant 0 : i32
          %dma_wait3A_677 = tpu.memref_slice %arg2[%dma_wait3A_675, %dma_wait3A_676] : memref<10000x128xf32, #tpu.memory_space<hbm>> -> memref<80x128xf32, #tpu.memory_space<hbm>>
          tpu.wait_dma2 semaphore(%arg26 : memref<!tpu.dma_semaphore, #tpu.memory_space<semaphore_mem>>) src(%dma_wait3A_677 : memref<80x128xf32, #tpu.memory_space<hbm>>) dst(%arg9 : memref<80x128xf32, #tpu.memory_space<vmem>>)
        } else {
        }
        %ge3A_667 = arith.constant 1 : i32
        %ge3A_668 = arith.cmpi sge, %add3A_574, %ge3A_667 : i32
        %convert_element_type3A_669 = arith.extui %ge3A_668 : i1 to i32
        %cond3A_670 = arith.constant 0 : i32
        %cond3A_671 = arith.cmpi ne, %convert_element_type3A_669, %cond3A_670 : i32
        scf.if %cond3A_671 {
          %dma_wait3A_672 = arith.constant 0 : i32
          %dma_wait3A_673 = arith.constant 0 : i32
          %dma_wait3A_674 = arith.constant 7 : i32
          %dma_wait3A_675 = arith.constant 0 : i32
          %dma_wait3A_676 = arith.constant 0 : i32
          %dma_wait3A_677 = tpu.memref_slice %arg5[%dma_wait3A_674, %dma_wait3A_675, %dma_wait3A_676] : memref<8x2x80xi32, #tpu.memory_space<vmem>> -> memref<1x2x80xi32, #tpu.memory_space<vmem>>
          %dma_wait3A_678 = tpu.memref_squeeze %dma_wait3A_677 : memref<1x2x80xi32, #tpu.memory_space<vmem>> -> memref<2x80xi32, #tpu.memory_space<vmem>>
          %dma_wait3A_679 = arith.constant 0 : i32
          %dma_wait3A_680 = arith.constant 0 : i32
          %dma_wait3A_681 = tpu.memref_slice %arg3[%dma_wait3A_672, %dma_wait3A_673, %dma_wait3A_679, %dma_wait3A_680] : memref<32x125x2x80xi32, #tpu.memory_space<hbm>> -> memref<1x1x2x80xi32, #tpu.memory_space<hbm>>
          %dma_wait3A_682 = tpu.memref_squeeze %dma_wait3A_681 : memref<1x1x2x80xi32, #tpu.memory_space<hbm>> -> memref<2x80xi32, #tpu.memory_space<hbm>>
          %dma_wait3A_683 = arith.constant 0 : i32
          %dma_wait3A_684 = arith.constant 0 : i32
          %dma_wait3A_685 = tpu.memref_slice %arg5[%dma_wait3A_674, %dma_wait3A_683, %dma_wait3A_684] : memref<8x2x80xi32, #tpu.memory_space<vmem>> -> memref<1x2x80xi32, #tpu.memory_space<vmem>>
          %dma_wait3A_686 = tpu.memref_squeeze %dma_wait3A_685 : memref<1x2x80xi32, #tpu.memory_space<vmem>> -> memref<2x80xi32, #tpu.memory_space<vmem>>
          %dma_wait3A_687 = arith.constant 0 : i32
          %dma_wait3A_688 = arith.constant 0 : i32
          %dma_wait3A_689 = tpu.memref_slice %arg3[%dma_wait3A_672, %dma_wait3A_673, %dma_wait3A_687, %dma_wait3A_688] : memref<32x125x2x80xi32, #tpu.memory_space<hbm>> -> memref<1x1x2x80xi32, #tpu.memory_space<hbm>>
          %dma_wait3A_690 = tpu.memref_squeeze %dma_wait3A_689 : memref<1x1x2x80xi32, #tpu.memory_space<hbm>> -> memref<2x80xi32, #tpu.memory_space<hbm>>
          tpu.wait_dma2 semaphore(%arg18 : memref<!tpu.dma_semaphore, #tpu.memory_space<semaphore_mem>>) src(%dma_wait3A_690 : memref<2x80xi32, #tpu.memory_space<hbm>>) dst(%dma_wait3A_686 : memref<2x80xi32, #tpu.memory_space<vmem>>)
          %dma_start3A_691 = arith.constant 7 : i32
          %dma_start3A_692 = arith.constant 0 : i32
          %dma_start3A_693 = arith.constant 0 : i32
          %dma_start3A_694 = tpu.memref_slice %arg5[%dma_start3A_691, %dma_start3A_692, %dma_start3A_693] : memref<8x2x80xi32, #tpu.memory_space<vmem>> -> memref<1x1x80xi32, #tpu.memory_space<vmem>>
          %dma_start3A_695 = tpu.memref_squeeze %dma_start3A_694 : memref<1x1x80xi32, #tpu.memory_space<vmem>> -> memref<80xi32, #tpu.memory_space<vmem>>
          %dma_start3A_696 = arith.constant 0 : i32
          %dma_start3A_697 = arith.constant 0 : i32
          %dma_start3A_698 = tpu.memref_slice %arg2[%dma_start3A_696, %dma_start3A_697] : memref<10000x128xf32, #tpu.memory_space<hbm>> -> memref<10000x128xf32, #tpu.memory_space<hbm>>
          tpu.enqueue_indirect_dma source(%dma_start3A_698 : memref<10000x128xf32, #tpu.memory_space<hbm>>) target(%arg9 : memref<80x128xf32, #tpu.memory_space<vmem>>) offsets(%dma_start3A_695 : memref<80xi32, #tpu.memory_space<vmem>>) semaphore(%arg22 : memref<!tpu.dma_semaphore, #tpu.memory_space<semaphore_mem>>)
        } else {
        }
      } else {
      }
      %add3A_596 = arith.constant 6 : i32
      %add3A_597 = arith.addi %add3A_574, %add3A_596 : i32
      %lt3A_598 = arith.constant 125 : i32
      %lt3A_599 = arith.cmpi slt, %add3A_597, %lt3A_598 : i32
      %convert_element_type3A_600 = arith.extui %lt3A_599 : i1 to i32
      %cond3A_601 = arith.constant 0 : i32
      %cond3A_602 = arith.cmpi ne, %convert_element_type3A_600, %cond3A_601 : i32
      scf.if %cond3A_602 {
        %add3A_663 = arith.constant 6 : i32
        %add3A_664 = arith.addi %add3A_574, %add3A_663 : i32
        %dma_start3A_665 = arith.constant 3 : i32
        %dma_start3A_666 = arith.constant 0 : i32
        %dma_start3A_667 = arith.constant 0 : i32
        %dma_start3A_668 = tpu.memref_slice %arg5[%dma_start3A_665, %dma_start3A_666, %dma_start3A_667] : memref<8x2x80xi32, #tpu.memory_space<vmem>> -> memref<1x2x80xi32, #tpu.memory_space<vmem>>
        %dma_start3A_669 = tpu.memref_squeeze %dma_start3A_668 : memref<1x2x80xi32, #tpu.memory_space<vmem>> -> memref<2x80xi32, #tpu.memory_space<vmem>>
        %dma_start3A_670 = arith.constant 0 : i32
        %dma_start3A_671 = arith.constant 0 : i32
        %dma_start3A_672 = tpu.memref_slice %arg3[%add3A, %add3A_664, %dma_start3A_670, %dma_start3A_671] : memref<32x125x2x80xi32, #tpu.memory_space<hbm>> -> memref<1x1x2x80xi32, #tpu.memory_space<hbm>>
        %dma_start3A_673 = tpu.memref_squeeze %dma_start3A_672 : memref<1x1x2x80xi32, #tpu.memory_space<hbm>> -> memref<2x80xi32, #tpu.memory_space<hbm>>
        %dma_start3A_674 = arith.constant 0 : i32
        %dma_start3A_675 = arith.constant 0 : i32
        %dma_start3A_676 = tpu.memref_slice %arg5[%dma_start3A_665, %dma_start3A_674, %dma_start3A_675] : memref<8x2x80xi32, #tpu.memory_space<vmem>> -> memref<1x2x80xi32, #tpu.memory_space<vmem>>
        %dma_start3A_677 = tpu.memref_squeeze %dma_start3A_676 : memref<1x2x80xi32, #tpu.memory_space<vmem>> -> memref<2x80xi32, #tpu.memory_space<vmem>>
        %dma_start3A_678 = arith.constant 0 : i32
        %dma_start3A_679 = arith.constant 0 : i32
        %dma_start3A_680 = tpu.memref_slice %arg3[%add3A, %add3A_664, %dma_start3A_678, %dma_start3A_679] : memref<32x125x2x80xi32, #tpu.memory_space<hbm>> -> memref<1x1x2x80xi32, #tpu.memory_space<hbm>>
        %dma_start3A_681 = tpu.memref_squeeze %dma_start3A_680 : memref<1x1x2x80xi32, #tpu.memory_space<hbm>> -> memref<2x80xi32, #tpu.memory_space<hbm>>
        tpu.enqueue_dma source(%dma_start3A_681 : memref<2x80xi32, #tpu.memory_space<hbm>>) target(%dma_start3A_677 : memref<2x80xi32, #tpu.memory_space<vmem>>) target_semaphore(%arg14 : memref<!tpu.dma_semaphore, #tpu.memory_space<semaphore_mem>>)
      } else {
      }
      %add3A_603 = arith.constant 6 : i32
      %add3A_604 = arith.addi %mul3A_423, %add3A_603 : i32
      %dma_wait3A_605 = arith.constant 0 : i32
      %dma_wait3A_606 = arith.constant 0 : i32
      %dma_wait3A_607 = tpu.memref_slice %arg2[%dma_wait3A_605, %dma_wait3A_606] : memref<10000x128xf32, #tpu.memory_space<hbm>> -> memref<80x128xf32, #tpu.memory_space<hbm>>
      %dma_wait3A_608 = arith.constant 0 : i32
      %dma_wait3A_609 = arith.constant 0 : i32
      %dma_wait3A_610 = tpu.memref_slice %arg2[%dma_wait3A_608, %dma_wait3A_609] : memref<10000x128xf32, #tpu.memory_space<hbm>> -> memref<80x128xf32, #tpu.memory_space<hbm>>
      tpu.wait_dma2 semaphore(%arg21 : memref<!tpu.dma_semaphore, #tpu.memory_space<semaphore_mem>>) src(%dma_wait3A_610 : memref<80x128xf32, #tpu.memory_space<hbm>>) dst(%arg8 : memref<80x128xf32, #tpu.memory_space<vmem>>)
      %dma_start3A_611 = arith.constant 6 : i32
      %dma_start3A_612 = arith.constant 1 : i32
      %dma_start3A_613 = arith.constant 0 : i32
      %dma_start3A_614 = tpu.memref_slice %arg5[%dma_start3A_611, %dma_start3A_612, %dma_start3A_613] : memref<8x2x80xi32, #tpu.memory_space<vmem>> -> memref<1x1x80xi32, #tpu.memory_space<vmem>>
      %dma_start3A_615 = tpu.memref_squeeze %dma_start3A_614 : memref<1x1x80xi32, #tpu.memory_space<vmem>> -> memref<80xi32, #tpu.memory_space<vmem>>
      %dma_start3A_616 = arith.constant 0 : i32
      %dma_start3A_617 = arith.constant 0 : i32
      %dma_start3A_618 = tpu.memref_slice %arg10[%dma_start3A_616, %dma_start3A_617] : memref<10000x128xf32, #tpu.memory_space<vmem_shared>> -> memref<10000x128xf32, #tpu.memory_space<vmem_shared>>
      tpu.enqueue_indirect_dma source(%arg8 : memref<80x128xf32, #tpu.memory_space<vmem>>) target(%dma_start3A_618 : memref<10000x128xf32, #tpu.memory_space<vmem_shared>>) offsets(%dma_start3A_615 : memref<80xi32, #tpu.memory_space<vmem>>) semaphore(%arg25 : memref<!tpu.dma_semaphore, #tpu.memory_space<semaphore_mem>>) {add = true}
      %add3A_619 = arith.constant 2 : i32
      %add3A_620 = arith.addi %add3A_604, %add3A_619 : i32
      %lt3A_621 = arith.constant 125 : i32
      %lt3A_622 = arith.cmpi slt, %add3A_620, %lt3A_621 : i32
      %convert_element_type3A_623 = arith.extui %lt3A_622 : i1 to i32
      %cond3A_624 = arith.constant 0 : i32
      %cond3A_625 = arith.cmpi ne, %convert_element_type3A_623, %cond3A_624 : i32
      scf.if %cond3A_625 {
        %ge3A = arith.constant 2 : i32
        %ge3A_663 = arith.cmpi sge, %add3A_604, %ge3A : i32
        %convert_element_type3A_664 = arith.extui %ge3A_663 : i1 to i32
        %cond3A_665 = arith.constant 0 : i32
        %cond3A_666 = arith.cmpi ne, %convert_element_type3A_664, %cond3A_665 : i32
        scf.if %cond3A_666 {
          %dma_wait3A_672 = arith.constant 0 : i32
          %dma_wait3A_673 = arith.constant 0 : i32
          %dma_wait3A_674 = tpu.memref_slice %arg2[%dma_wait3A_672, %dma_wait3A_673] : memref<10000x128xf32, #tpu.memory_space<hbm>> -> memref<80x128xf32, #tpu.memory_space<hbm>>
          %dma_wait3A_675 = arith.constant 0 : i32
          %dma_wait3A_676 = arith.constant 0 : i32
          %dma_wait3A_677 = tpu.memref_slice %arg2[%dma_wait3A_675, %dma_wait3A_676] : memref<10000x128xf32, #tpu.memory_space<hbm>> -> memref<80x128xf32, #tpu.memory_space<hbm>>
          tpu.wait_dma2 semaphore(%arg23 : memref<!tpu.dma_semaphore, #tpu.memory_space<semaphore_mem>>) src(%dma_wait3A_677 : memref<80x128xf32, #tpu.memory_space<hbm>>) dst(%arg6 : memref<80x128xf32, #tpu.memory_space<vmem>>)
        } else {
        }
        %ge3A_667 = arith.constant 1 : i32
        %ge3A_668 = arith.cmpi sge, %add3A_604, %ge3A_667 : i32
        %convert_element_type3A_669 = arith.extui %ge3A_668 : i1 to i32
        %cond3A_670 = arith.constant 0 : i32
        %cond3A_671 = arith.cmpi ne, %convert_element_type3A_669, %cond3A_670 : i32
        scf.if %cond3A_671 {
          %dma_wait3A_672 = arith.constant 0 : i32
          %dma_wait3A_673 = arith.constant 0 : i32
          %dma_wait3A_674 = arith.constant 0 : i32
          %dma_wait3A_675 = arith.constant 0 : i32
          %dma_wait3A_676 = arith.constant 0 : i32
          %dma_wait3A_677 = tpu.memref_slice %arg5[%dma_wait3A_674, %dma_wait3A_675, %dma_wait3A_676] : memref<8x2x80xi32, #tpu.memory_space<vmem>> -> memref<1x2x80xi32, #tpu.memory_space<vmem>>
          %dma_wait3A_678 = tpu.memref_squeeze %dma_wait3A_677 : memref<1x2x80xi32, #tpu.memory_space<vmem>> -> memref<2x80xi32, #tpu.memory_space<vmem>>
          %dma_wait3A_679 = arith.constant 0 : i32
          %dma_wait3A_680 = arith.constant 0 : i32
          %dma_wait3A_681 = tpu.memref_slice %arg3[%dma_wait3A_672, %dma_wait3A_673, %dma_wait3A_679, %dma_wait3A_680] : memref<32x125x2x80xi32, #tpu.memory_space<hbm>> -> memref<1x1x2x80xi32, #tpu.memory_space<hbm>>
          %dma_wait3A_682 = tpu.memref_squeeze %dma_wait3A_681 : memref<1x1x2x80xi32, #tpu.memory_space<hbm>> -> memref<2x80xi32, #tpu.memory_space<hbm>>
          %dma_wait3A_683 = arith.constant 0 : i32
          %dma_wait3A_684 = arith.constant 0 : i32
          %dma_wait3A_685 = tpu.memref_slice %arg5[%dma_wait3A_674, %dma_wait3A_683, %dma_wait3A_684] : memref<8x2x80xi32, #tpu.memory_space<vmem>> -> memref<1x2x80xi32, #tpu.memory_space<vmem>>
          %dma_wait3A_686 = tpu.memref_squeeze %dma_wait3A_685 : memref<1x2x80xi32, #tpu.memory_space<vmem>> -> memref<2x80xi32, #tpu.memory_space<vmem>>
          %dma_wait3A_687 = arith.constant 0 : i32
          %dma_wait3A_688 = arith.constant 0 : i32
          %dma_wait3A_689 = tpu.memref_slice %arg3[%dma_wait3A_672, %dma_wait3A_673, %dma_wait3A_687, %dma_wait3A_688] : memref<32x125x2x80xi32, #tpu.memory_space<hbm>> -> memref<1x1x2x80xi32, #tpu.memory_space<hbm>>
          %dma_wait3A_690 = tpu.memref_squeeze %dma_wait3A_689 : memref<1x1x2x80xi32, #tpu.memory_space<hbm>> -> memref<2x80xi32, #tpu.memory_space<hbm>>
          tpu.wait_dma2 semaphore(%arg11 : memref<!tpu.dma_semaphore, #tpu.memory_space<semaphore_mem>>) src(%dma_wait3A_690 : memref<2x80xi32, #tpu.memory_space<hbm>>) dst(%dma_wait3A_686 : memref<2x80xi32, #tpu.memory_space<vmem>>)
          %dma_start3A_691 = arith.constant 0 : i32
          %dma_start3A_692 = arith.constant 0 : i32
          %dma_start3A_693 = arith.constant 0 : i32
          %dma_start3A_694 = tpu.memref_slice %arg5[%dma_start3A_691, %dma_start3A_692, %dma_start3A_693] : memref<8x2x80xi32, #tpu.memory_space<vmem>> -> memref<1x1x80xi32, #tpu.memory_space<vmem>>
          %dma_start3A_695 = tpu.memref_squeeze %dma_start3A_694 : memref<1x1x80xi32, #tpu.memory_space<vmem>> -> memref<80xi32, #tpu.memory_space<vmem>>
          %dma_start3A_696 = arith.constant 0 : i32
          %dma_start3A_697 = arith.constant 0 : i32
          %dma_start3A_698 = tpu.memref_slice %arg2[%dma_start3A_696, %dma_start3A_697] : memref<10000x128xf32, #tpu.memory_space<hbm>> -> memref<10000x128xf32, #tpu.memory_space<hbm>>
          tpu.enqueue_indirect_dma source(%dma_start3A_698 : memref<10000x128xf32, #tpu.memory_space<hbm>>) target(%arg6 : memref<80x128xf32, #tpu.memory_space<vmem>>) offsets(%dma_start3A_695 : memref<80xi32, #tpu.memory_space<vmem>>) semaphore(%arg19 : memref<!tpu.dma_semaphore, #tpu.memory_space<semaphore_mem>>)
        } else {
        }
      } else {
      }
      %add3A_626 = arith.constant 6 : i32
      %add3A_627 = arith.addi %add3A_604, %add3A_626 : i32
      %lt3A_628 = arith.constant 125 : i32
      %lt3A_629 = arith.cmpi slt, %add3A_627, %lt3A_628 : i32
      %convert_element_type3A_630 = arith.extui %lt3A_629 : i1 to i32
      %cond3A_631 = arith.constant 0 : i32
      %cond3A_632 = arith.cmpi ne, %convert_element_type3A_630, %cond3A_631 : i32
      scf.if %cond3A_632 {
        %add3A_663 = arith.constant 6 : i32
        %add3A_664 = arith.addi %add3A_604, %add3A_663 : i32
        %dma_start3A_665 = arith.constant 4 : i32
        %dma_start3A_666 = arith.constant 0 : i32
        %dma_start3A_667 = arith.constant 0 : i32
        %dma_start3A_668 = tpu.memref_slice %arg5[%dma_start3A_665, %dma_start3A_666, %dma_start3A_667] : memref<8x2x80xi32, #tpu.memory_space<vmem>> -> memref<1x2x80xi32, #tpu.memory_space<vmem>>
        %dma_start3A_669 = tpu.memref_squeeze %dma_start3A_668 : memref<1x2x80xi32, #tpu.memory_space<vmem>> -> memref<2x80xi32, #tpu.memory_space<vmem>>
        %dma_start3A_670 = arith.constant 0 : i32
        %dma_start3A_671 = arith.constant 0 : i32
        %dma_start3A_672 = tpu.memref_slice %arg3[%add3A, %add3A_664, %dma_start3A_670, %dma_start3A_671] : memref<32x125x2x80xi32, #tpu.memory_space<hbm>> -> memref<1x1x2x80xi32, #tpu.memory_space<hbm>>
        %dma_start3A_673 = tpu.memref_squeeze %dma_start3A_672 : memref<1x1x2x80xi32, #tpu.memory_space<hbm>> -> memref<2x80xi32, #tpu.memory_space<hbm>>
        %dma_start3A_674 = arith.constant 0 : i32
        %dma_start3A_675 = arith.constant 0 : i32
        %dma_start3A_676 = tpu.memref_slice %arg5[%dma_start3A_665, %dma_start3A_674, %dma_start3A_675] : memref<8x2x80xi32, #tpu.memory_space<vmem>> -> memref<1x2x80xi32, #tpu.memory_space<vmem>>
        %dma_start3A_677 = tpu.memref_squeeze %dma_start3A_676 : memref<1x2x80xi32, #tpu.memory_space<vmem>> -> memref<2x80xi32, #tpu.memory_space<vmem>>
        %dma_start3A_678 = arith.constant 0 : i32
        %dma_start3A_679 = arith.constant 0 : i32
        %dma_start3A_680 = tpu.memref_slice %arg3[%add3A, %add3A_664, %dma_start3A_678, %dma_start3A_679] : memref<32x125x2x80xi32, #tpu.memory_space<hbm>> -> memref<1x1x2x80xi32, #tpu.memory_space<hbm>>
        %dma_start3A_681 = tpu.memref_squeeze %dma_start3A_680 : memref<1x1x2x80xi32, #tpu.memory_space<hbm>> -> memref<2x80xi32, #tpu.memory_space<hbm>>
        tpu.enqueue_dma source(%dma_start3A_681 : memref<2x80xi32, #tpu.memory_space<hbm>>) target(%dma_start3A_677 : memref<2x80xi32, #tpu.memory_space<vmem>>) target_semaphore(%arg15 : memref<!tpu.dma_semaphore, #tpu.memory_space<semaphore_mem>>)
      } else {
      }
      %add3A_633 = arith.constant 7 : i32
      %add3A_634 = arith.addi %mul3A_423, %add3A_633 : i32
      %dma_wait3A_635 = arith.constant 0 : i32
      %dma_wait3A_636 = arith.constant 0 : i32
      %dma_wait3A_637 = tpu.memref_slice %arg2[%dma_wait3A_635, %dma_wait3A_636] : memref<10000x128xf32, #tpu.memory_space<hbm>> -> memref<80x128xf32, #tpu.memory_space<hbm>>
      %dma_wait3A_638 = arith.constant 0 : i32
      %dma_wait3A_639 = arith.constant 0 : i32
      %dma_wait3A_640 = tpu.memref_slice %arg2[%dma_wait3A_638, %dma_wait3A_639] : memref<10000x128xf32, #tpu.memory_space<hbm>> -> memref<80x128xf32, #tpu.memory_space<hbm>>
      tpu.wait_dma2 semaphore(%arg22 : memref<!tpu.dma_semaphore, #tpu.memory_space<semaphore_mem>>) src(%dma_wait3A_640 : memref<80x128xf32, #tpu.memory_space<hbm>>) dst(%arg9 : memref<80x128xf32, #tpu.memory_space<vmem>>)
      %dma_start3A_641 = arith.constant 7 : i32
      %dma_start3A_642 = arith.constant 1 : i32
      %dma_start3A_643 = arith.constant 0 : i32
      %dma_start3A_644 = tpu.memref_slice %arg5[%dma_start3A_641, %dma_start3A_642, %dma_start3A_643] : memref<8x2x80xi32, #tpu.memory_space<vmem>> -> memref<1x1x80xi32, #tpu.memory_space<vmem>>
      %dma_start3A_645 = tpu.memref_squeeze %dma_start3A_644 : memref<1x1x80xi32, #tpu.memory_space<vmem>> -> memref<80xi32, #tpu.memory_space<vmem>>
      %dma_start3A_646 = arith.constant 0 : i32
      %dma_start3A_647 = arith.constant 0 : i32
      %dma_start3A_648 = tpu.memref_slice %arg10[%dma_start3A_646, %dma_start3A_647] : memref<10000x128xf32, #tpu.memory_space<vmem_shared>> -> memref<10000x128xf32, #tpu.memory_space<vmem_shared>>
      tpu.enqueue_indirect_dma source(%arg9 : memref<80x128xf32, #tpu.memory_space<vmem>>) target(%dma_start3A_648 : memref<10000x128xf32, #tpu.memory_space<vmem_shared>>) offsets(%dma_start3A_645 : memref<80xi32, #tpu.memory_space<vmem>>) semaphore(%arg26 : memref<!tpu.dma_semaphore, #tpu.memory_space<semaphore_mem>>) {add = true}
      %add3A_649 = arith.constant 2 : i32
      %add3A_650 = arith.addi %add3A_634, %add3A_649 : i32
      %lt3A_651 = arith.constant 125 : i32
      %lt3A_652 = arith.cmpi slt, %add3A_650, %lt3A_651 : i32
      %convert_element_type3A_653 = arith.extui %lt3A_652 : i1 to i32
      %cond3A_654 = arith.constant 0 : i32
      %cond3A_655 = arith.cmpi ne, %convert_element_type3A_653, %cond3A_654 : i32
      scf.if %cond3A_655 {
        %ge3A = arith.constant 2 : i32
        %ge3A_663 = arith.cmpi sge, %add3A_634, %ge3A : i32
        %convert_element_type3A_664 = arith.extui %ge3A_663 : i1 to i32
        %cond3A_665 = arith.constant 0 : i32
        %cond3A_666 = arith.cmpi ne, %convert_element_type3A_664, %cond3A_665 : i32
        scf.if %cond3A_666 {
          %dma_wait3A_672 = arith.constant 0 : i32
          %dma_wait3A_673 = arith.constant 0 : i32
          %dma_wait3A_674 = tpu.memref_slice %arg2[%dma_wait3A_672, %dma_wait3A_673] : memref<10000x128xf32, #tpu.memory_space<hbm>> -> memref<80x128xf32, #tpu.memory_space<hbm>>
          %dma_wait3A_675 = arith.constant 0 : i32
          %dma_wait3A_676 = arith.constant 0 : i32
          %dma_wait3A_677 = tpu.memref_slice %arg2[%dma_wait3A_675, %dma_wait3A_676] : memref<10000x128xf32, #tpu.memory_space<hbm>> -> memref<80x128xf32, #tpu.memory_space<hbm>>
          tpu.wait_dma2 semaphore(%arg24 : memref<!tpu.dma_semaphore, #tpu.memory_space<semaphore_mem>>) src(%dma_wait3A_677 : memref<80x128xf32, #tpu.memory_space<hbm>>) dst(%arg7 : memref<80x128xf32, #tpu.memory_space<vmem>>)
        } else {
        }
        %ge3A_667 = arith.constant 1 : i32
        %ge3A_668 = arith.cmpi sge, %add3A_634, %ge3A_667 : i32
        %convert_element_type3A_669 = arith.extui %ge3A_668 : i1 to i32
        %cond3A_670 = arith.constant 0 : i32
        %cond3A_671 = arith.cmpi ne, %convert_element_type3A_669, %cond3A_670 : i32
        scf.if %cond3A_671 {
          %dma_wait3A_672 = arith.constant 0 : i32
          %dma_wait3A_673 = arith.constant 0 : i32
          %dma_wait3A_674 = arith.constant 1 : i32
          %dma_wait3A_675 = arith.constant 0 : i32
          %dma_wait3A_676 = arith.constant 0 : i32
          %dma_wait3A_677 = tpu.memref_slice %arg5[%dma_wait3A_674, %dma_wait3A_675, %dma_wait3A_676] : memref<8x2x80xi32, #tpu.memory_space<vmem>> -> memref<1x2x80xi32, #tpu.memory_space<vmem>>
          %dma_wait3A_678 = tpu.memref_squeeze %dma_wait3A_677 : memref<1x2x80xi32, #tpu.memory_space<vmem>> -> memref<2x80xi32, #tpu.memory_space<vmem>>
          %dma_wait3A_679 = arith.constant 0 : i32
          %dma_wait3A_680 = arith.constant 0 : i32
          %dma_wait3A_681 = tpu.memref_slice %arg3[%dma_wait3A_672, %dma_wait3A_673, %dma_wait3A_679, %dma_wait3A_680] : memref<32x125x2x80xi32, #tpu.memory_space<hbm>> -> memref<1x1x2x80xi32, #tpu.memory_space<hbm>>
          %dma_wait3A_682 = tpu.memref_squeeze %dma_wait3A_681 : memref<1x1x2x80xi32, #tpu.memory_space<hbm>> -> memref<2x80xi32, #tpu.memory_space<hbm>>
          %dma_wait3A_683 = arith.constant 0 : i32
          %dma_wait3A_684 = arith.constant 0 : i32
          %dma_wait3A_685 = tpu.memref_slice %arg5[%dma_wait3A_674, %dma_wait3A_683, %dma_wait3A_684] : memref<8x2x80xi32, #tpu.memory_space<vmem>> -> memref<1x2x80xi32, #tpu.memory_space<vmem>>
          %dma_wait3A_686 = tpu.memref_squeeze %dma_wait3A_685 : memref<1x2x80xi32, #tpu.memory_space<vmem>> -> memref<2x80xi32, #tpu.memory_space<vmem>>
          %dma_wait3A_687 = arith.constant 0 : i32
          %dma_wait3A_688 = arith.constant 0 : i32
          %dma_wait3A_689 = tpu.memref_slice %arg3[%dma_wait3A_672, %dma_wait3A_673, %dma_wait3A_687, %dma_wait3A_688] : memref<32x125x2x80xi32, #tpu.memory_space<hbm>> -> memref<1x1x2x80xi32, #tpu.memory_space<hbm>>
          %dma_wait3A_690 = tpu.memref_squeeze %dma_wait3A_689 : memref<1x1x2x80xi32, #tpu.memory_space<hbm>> -> memref<2x80xi32, #tpu.memory_space<hbm>>
          tpu.wait_dma2 semaphore(%arg12 : memref<!tpu.dma_semaphore, #tpu.memory_space<semaphore_mem>>) src(%dma_wait3A_690 : memref<2x80xi32, #tpu.memory_space<hbm>>) dst(%dma_wait3A_686 : memref<2x80xi32, #tpu.memory_space<vmem>>)
          %dma_start3A_691 = arith.constant 1 : i32
          %dma_start3A_692 = arith.constant 0 : i32
          %dma_start3A_693 = arith.constant 0 : i32
          %dma_start3A_694 = tpu.memref_slice %arg5[%dma_start3A_691, %dma_start3A_692, %dma_start3A_693] : memref<8x2x80xi32, #tpu.memory_space<vmem>> -> memref<1x1x80xi32, #tpu.memory_space<vmem>>
          %dma_start3A_695 = tpu.memref_squeeze %dma_start3A_694 : memref<1x1x80xi32, #tpu.memory_space<vmem>> -> memref<80xi32, #tpu.memory_space<vmem>>
          %dma_start3A_696 = arith.constant 0 : i32
          %dma_start3A_697 = arith.constant 0 : i32
          %dma_start3A_698 = tpu.memref_slice %arg2[%dma_start3A_696, %dma_start3A_697] : memref<10000x128xf32, #tpu.memory_space<hbm>> -> memref<10000x128xf32, #tpu.memory_space<hbm>>
          tpu.enqueue_indirect_dma source(%dma_start3A_698 : memref<10000x128xf32, #tpu.memory_space<hbm>>) target(%arg7 : memref<80x128xf32, #tpu.memory_space<vmem>>) offsets(%dma_start3A_695 : memref<80xi32, #tpu.memory_space<vmem>>) semaphore(%arg20 : memref<!tpu.dma_semaphore, #tpu.memory_space<semaphore_mem>>)
        } else {
        }
      } else {
      }
      %add3A_656 = arith.constant 6 : i32
      %add3A_657 = arith.addi %add3A_634, %add3A_656 : i32
      %lt3A_658 = arith.constant 125 : i32
      %lt3A_659 = arith.cmpi slt, %add3A_657, %lt3A_658 : i32
      %convert_element_type3A_660 = arith.extui %lt3A_659 : i1 to i32
      %cond3A_661 = arith.constant 0 : i32
      %cond3A_662 = arith.cmpi ne, %convert_element_type3A_660, %cond3A_661 : i32
      scf.if %cond3A_662 {
        %add3A_663 = arith.constant 6 : i32
        %add3A_664 = arith.addi %add3A_634, %add3A_663 : i32
        %dma_start3A_665 = arith.constant 5 : i32
        %dma_start3A_666 = arith.constant 0 : i32
        %dma_start3A_667 = arith.constant 0 : i32
        %dma_start3A_668 = tpu.memref_slice %arg5[%dma_start3A_665, %dma_start3A_666, %dma_start3A_667] : memref<8x2x80xi32, #tpu.memory_space<vmem>> -> memref<1x2x80xi32, #tpu.memory_space<vmem>>
        %dma_start3A_669 = tpu.memref_squeeze %dma_start3A_668 : memref<1x2x80xi32, #tpu.memory_space<vmem>> -> memref<2x80xi32, #tpu.memory_space<vmem>>
        %dma_start3A_670 = arith.constant 0 : i32
        %dma_start3A_671 = arith.constant 0 : i32
        %dma_start3A_672 = tpu.memref_slice %arg3[%add3A, %add3A_664, %dma_start3A_670, %dma_start3A_671] : memref<32x125x2x80xi32, #tpu.memory_space<hbm>> -> memref<1x1x2x80xi32, #tpu.memory_space<hbm>>
        %dma_start3A_673 = tpu.memref_squeeze %dma_start3A_672 : memref<1x1x2x80xi32, #tpu.memory_space<hbm>> -> memref<2x80xi32, #tpu.memory_space<hbm>>
        %dma_start3A_674 = arith.constant 0 : i32
        %dma_start3A_675 = arith.constant 0 : i32
        %dma_start3A_676 = tpu.memref_slice %arg5[%dma_start3A_665, %dma_start3A_674, %dma_start3A_675] : memref<8x2x80xi32, #tpu.memory_space<vmem>> -> memref<1x2x80xi32, #tpu.memory_space<vmem>>
        %dma_start3A_677 = tpu.memref_squeeze %dma_start3A_676 : memref<1x2x80xi32, #tpu.memory_space<vmem>> -> memref<2x80xi32, #tpu.memory_space<vmem>>
        %dma_start3A_678 = arith.constant 0 : i32
        %dma_start3A_679 = arith.constant 0 : i32
        %dma_start3A_680 = tpu.memref_slice %arg3[%add3A, %add3A_664, %dma_start3A_678, %dma_start3A_679] : memref<32x125x2x80xi32, #tpu.memory_space<hbm>> -> memref<1x1x2x80xi32, #tpu.memory_space<hbm>>
        %dma_start3A_681 = tpu.memref_squeeze %dma_start3A_680 : memref<1x1x2x80xi32, #tpu.memory_space<hbm>> -> memref<2x80xi32, #tpu.memory_space<hbm>>
        tpu.enqueue_dma source(%dma_start3A_681 : memref<2x80xi32, #tpu.memory_space<hbm>>) target(%dma_start3A_677 : memref<2x80xi32, #tpu.memory_space<vmem>>) target_semaphore(%arg16 : memref<!tpu.dma_semaphore, #tpu.memory_space<semaphore_mem>>)
      } else {
      }
    }
    %scan3A_214 = arith.constant 15 : i32
    %dma_wait3A_215 = arith.constant 0 : i32
    %dma_wait3A_216 = arith.constant 0 : i32
    %dma_wait3A_217 = tpu.memref_slice %arg2[%dma_wait3A_215, %dma_wait3A_216] : memref<10000x128xf32, #tpu.memory_space<hbm>> -> memref<80x128xf32, #tpu.memory_space<hbm>>
    %dma_wait3A_218 = arith.constant 0 : i32
    %dma_wait3A_219 = arith.constant 0 : i32
    %dma_wait3A_220 = tpu.memref_slice %arg2[%dma_wait3A_218, %dma_wait3A_219] : memref<10000x128xf32, #tpu.memory_space<hbm>> -> memref<80x128xf32, #tpu.memory_space<hbm>>
    tpu.wait_dma2 semaphore(%arg19 : memref<!tpu.dma_semaphore, #tpu.memory_space<semaphore_mem>>) src(%dma_wait3A_220 : memref<80x128xf32, #tpu.memory_space<hbm>>) dst(%arg6 : memref<80x128xf32, #tpu.memory_space<vmem>>)
    %dma_start3A_221 = arith.constant 0 : i32
    %dma_start3A_222 = arith.constant 1 : i32
    %dma_start3A_223 = arith.constant 0 : i32
    %dma_start3A_224 = tpu.memref_slice %arg5[%dma_start3A_221, %dma_start3A_222, %dma_start3A_223] : memref<8x2x80xi32, #tpu.memory_space<vmem>> -> memref<1x1x80xi32, #tpu.memory_space<vmem>>
    %dma_start3A_225 = tpu.memref_squeeze %dma_start3A_224 : memref<1x1x80xi32, #tpu.memory_space<vmem>> -> memref<80xi32, #tpu.memory_space<vmem>>
    %dma_start3A_226 = arith.constant 0 : i32
    %dma_start3A_227 = arith.constant 0 : i32
    %dma_start3A_228 = tpu.memref_slice %arg10[%dma_start3A_226, %dma_start3A_227] : memref<10000x128xf32, #tpu.memory_space<vmem_shared>> -> memref<10000x128xf32, #tpu.memory_space<vmem_shared>>
    tpu.enqueue_indirect_dma source(%arg6 : memref<80x128xf32, #tpu.memory_space<vmem>>) target(%dma_start3A_228 : memref<10000x128xf32, #tpu.memory_space<vmem_shared>>) offsets(%dma_start3A_225 : memref<80xi32, #tpu.memory_space<vmem>>) semaphore(%arg23 : memref<!tpu.dma_semaphore, #tpu.memory_space<semaphore_mem>>) {add = true}
    %dma_wait3A_229 = arith.constant 0 : i32
    %dma_wait3A_230 = arith.constant 0 : i32
    %dma_wait3A_231 = tpu.memref_slice %arg2[%dma_wait3A_229, %dma_wait3A_230] : memref<10000x128xf32, #tpu.memory_space<hbm>> -> memref<80x128xf32, #tpu.memory_space<hbm>>
    %dma_wait3A_232 = arith.constant 0 : i32
    %dma_wait3A_233 = arith.constant 0 : i32
    %dma_wait3A_234 = tpu.memref_slice %arg2[%dma_wait3A_232, %dma_wait3A_233] : memref<10000x128xf32, #tpu.memory_space<hbm>> -> memref<80x128xf32, #tpu.memory_space<hbm>>
    tpu.wait_dma2 semaphore(%arg25 : memref<!tpu.dma_semaphore, #tpu.memory_space<semaphore_mem>>) src(%dma_wait3A_234 : memref<80x128xf32, #tpu.memory_space<hbm>>) dst(%arg8 : memref<80x128xf32, #tpu.memory_space<vmem>>)
    %dma_wait3A_235 = arith.constant 0 : i32
    %dma_wait3A_236 = arith.constant 0 : i32
    %dma_wait3A_237 = arith.constant 2 : i32
    %dma_wait3A_238 = arith.constant 0 : i32
    %dma_wait3A_239 = arith.constant 0 : i32
    %dma_wait3A_240 = tpu.memref_slice %arg5[%dma_wait3A_237, %dma_wait3A_238, %dma_wait3A_239] : memref<8x2x80xi32, #tpu.memory_space<vmem>> -> memref<1x2x80xi32, #tpu.memory_space<vmem>>
    %dma_wait3A_241 = tpu.memref_squeeze %dma_wait3A_240 : memref<1x2x80xi32, #tpu.memory_space<vmem>> -> memref<2x80xi32, #tpu.memory_space<vmem>>
    %dma_wait3A_242 = arith.constant 0 : i32
    %dma_wait3A_243 = arith.constant 0 : i32
    %dma_wait3A_244 = tpu.memref_slice %arg3[%dma_wait3A_235, %dma_wait3A_236, %dma_wait3A_242, %dma_wait3A_243] : memref<32x125x2x80xi32, #tpu.memory_space<hbm>> -> memref<1x1x2x80xi32, #tpu.memory_space<hbm>>
    %dma_wait3A_245 = tpu.memref_squeeze %dma_wait3A_244 : memref<1x1x2x80xi32, #tpu.memory_space<hbm>> -> memref<2x80xi32, #tpu.memory_space<hbm>>
    %dma_wait3A_246 = arith.constant 0 : i32
    %dma_wait3A_247 = arith.constant 0 : i32
    %dma_wait3A_248 = tpu.memref_slice %arg5[%dma_wait3A_237, %dma_wait3A_246, %dma_wait3A_247] : memref<8x2x80xi32, #tpu.memory_space<vmem>> -> memref<1x2x80xi32, #tpu.memory_space<vmem>>
    %dma_wait3A_249 = tpu.memref_squeeze %dma_wait3A_248 : memref<1x2x80xi32, #tpu.memory_space<vmem>> -> memref<2x80xi32, #tpu.memory_space<vmem>>
    %dma_wait3A_250 = arith.constant 0 : i32
    %dma_wait3A_251 = arith.constant 0 : i32
    %dma_wait3A_252 = tpu.memref_slice %arg3[%dma_wait3A_235, %dma_wait3A_236, %dma_wait3A_250, %dma_wait3A_251] : memref<32x125x2x80xi32, #tpu.memory_space<hbm>> -> memref<1x1x2x80xi32, #tpu.memory_space<hbm>>
    %dma_wait3A_253 = tpu.memref_squeeze %dma_wait3A_252 : memref<1x1x2x80xi32, #tpu.memory_space<hbm>> -> memref<2x80xi32, #tpu.memory_space<hbm>>
    tpu.wait_dma2 semaphore(%arg13 : memref<!tpu.dma_semaphore, #tpu.memory_space<semaphore_mem>>) src(%dma_wait3A_253 : memref<2x80xi32, #tpu.memory_space<hbm>>) dst(%dma_wait3A_249 : memref<2x80xi32, #tpu.memory_space<vmem>>)
    %dma_start3A_254 = arith.constant 2 : i32
    %dma_start3A_255 = arith.constant 0 : i32
    %dma_start3A_256 = arith.constant 0 : i32
    %dma_start3A_257 = tpu.memref_slice %arg5[%dma_start3A_254, %dma_start3A_255, %dma_start3A_256] : memref<8x2x80xi32, #tpu.memory_space<vmem>> -> memref<1x1x80xi32, #tpu.memory_space<vmem>>
    %dma_start3A_258 = tpu.memref_squeeze %dma_start3A_257 : memref<1x1x80xi32, #tpu.memory_space<vmem>> -> memref<80xi32, #tpu.memory_space<vmem>>
    %dma_start3A_259 = arith.constant 0 : i32
    %dma_start3A_260 = arith.constant 0 : i32
    %dma_start3A_261 = tpu.memref_slice %arg2[%dma_start3A_259, %dma_start3A_260] : memref<10000x128xf32, #tpu.memory_space<hbm>> -> memref<10000x128xf32, #tpu.memory_space<hbm>>
    tpu.enqueue_indirect_dma source(%dma_start3A_261 : memref<10000x128xf32, #tpu.memory_space<hbm>>) target(%arg8 : memref<80x128xf32, #tpu.memory_space<vmem>>) offsets(%dma_start3A_258 : memref<80xi32, #tpu.memory_space<vmem>>) semaphore(%arg21 : memref<!tpu.dma_semaphore, #tpu.memory_space<semaphore_mem>>)
    %dma_wait3A_262 = arith.constant 0 : i32
    %dma_wait3A_263 = arith.constant 0 : i32
    %dma_wait3A_264 = tpu.memref_slice %arg2[%dma_wait3A_262, %dma_wait3A_263] : memref<10000x128xf32, #tpu.memory_space<hbm>> -> memref<80x128xf32, #tpu.memory_space<hbm>>
    %dma_wait3A_265 = arith.constant 0 : i32
    %dma_wait3A_266 = arith.constant 0 : i32
    %dma_wait3A_267 = tpu.memref_slice %arg2[%dma_wait3A_265, %dma_wait3A_266] : memref<10000x128xf32, #tpu.memory_space<hbm>> -> memref<80x128xf32, #tpu.memory_space<hbm>>
    tpu.wait_dma2 semaphore(%arg20 : memref<!tpu.dma_semaphore, #tpu.memory_space<semaphore_mem>>) src(%dma_wait3A_267 : memref<80x128xf32, #tpu.memory_space<hbm>>) dst(%arg7 : memref<80x128xf32, #tpu.memory_space<vmem>>)
    %dma_start3A_268 = arith.constant 1 : i32
    %dma_start3A_269 = arith.constant 1 : i32
    %dma_start3A_270 = arith.constant 0 : i32
    %dma_start3A_271 = tpu.memref_slice %arg5[%dma_start3A_268, %dma_start3A_269, %dma_start3A_270] : memref<8x2x80xi32, #tpu.memory_space<vmem>> -> memref<1x1x80xi32, #tpu.memory_space<vmem>>
    %dma_start3A_272 = tpu.memref_squeeze %dma_start3A_271 : memref<1x1x80xi32, #tpu.memory_space<vmem>> -> memref<80xi32, #tpu.memory_space<vmem>>
    %dma_start3A_273 = arith.constant 0 : i32
    %dma_start3A_274 = arith.constant 0 : i32
    %dma_start3A_275 = tpu.memref_slice %arg10[%dma_start3A_273, %dma_start3A_274] : memref<10000x128xf32, #tpu.memory_space<vmem_shared>> -> memref<10000x128xf32, #tpu.memory_space<vmem_shared>>
    tpu.enqueue_indirect_dma source(%arg7 : memref<80x128xf32, #tpu.memory_space<vmem>>) target(%dma_start3A_275 : memref<10000x128xf32, #tpu.memory_space<vmem_shared>>) offsets(%dma_start3A_272 : memref<80xi32, #tpu.memory_space<vmem>>) semaphore(%arg24 : memref<!tpu.dma_semaphore, #tpu.memory_space<semaphore_mem>>) {add = true}
    %dma_wait3A_276 = arith.constant 0 : i32
    %dma_wait3A_277 = arith.constant 0 : i32
    %dma_wait3A_278 = tpu.memref_slice %arg2[%dma_wait3A_276, %dma_wait3A_277] : memref<10000x128xf32, #tpu.memory_space<hbm>> -> memref<80x128xf32, #tpu.memory_space<hbm>>
    %dma_wait3A_279 = arith.constant 0 : i32
    %dma_wait3A_280 = arith.constant 0 : i32
    %dma_wait3A_281 = tpu.memref_slice %arg2[%dma_wait3A_279, %dma_wait3A_280] : memref<10000x128xf32, #tpu.memory_space<hbm>> -> memref<80x128xf32, #tpu.memory_space<hbm>>
    tpu.wait_dma2 semaphore(%arg26 : memref<!tpu.dma_semaphore, #tpu.memory_space<semaphore_mem>>) src(%dma_wait3A_281 : memref<80x128xf32, #tpu.memory_space<hbm>>) dst(%arg9 : memref<80x128xf32, #tpu.memory_space<vmem>>)
    %dma_wait3A_282 = arith.constant 0 : i32
    %dma_wait3A_283 = arith.constant 0 : i32
    %dma_wait3A_284 = arith.constant 3 : i32
    %dma_wait3A_285 = arith.constant 0 : i32
    %dma_wait3A_286 = arith.constant 0 : i32
    %dma_wait3A_287 = tpu.memref_slice %arg5[%dma_wait3A_284, %dma_wait3A_285, %dma_wait3A_286] : memref<8x2x80xi32, #tpu.memory_space<vmem>> -> memref<1x2x80xi32, #tpu.memory_space<vmem>>
    %dma_wait3A_288 = tpu.memref_squeeze %dma_wait3A_287 : memref<1x2x80xi32, #tpu.memory_space<vmem>> -> memref<2x80xi32, #tpu.memory_space<vmem>>
    %dma_wait3A_289 = arith.constant 0 : i32
    %dma_wait3A_290 = arith.constant 0 : i32
    %dma_wait3A_291 = tpu.memref_slice %arg3[%dma_wait3A_282, %dma_wait3A_283, %dma_wait3A_289, %dma_wait3A_290] : memref<32x125x2x80xi32, #tpu.memory_space<hbm>> -> memref<1x1x2x80xi32, #tpu.memory_space<hbm>>
    %dma_wait3A_292 = tpu.memref_squeeze %dma_wait3A_291 : memref<1x1x2x80xi32, #tpu.memory_space<hbm>> -> memref<2x80xi32, #tpu.memory_space<hbm>>
    %dma_wait3A_293 = arith.constant 0 : i32
    %dma_wait3A_294 = arith.constant 0 : i32
    %dma_wait3A_295 = tpu.memref_slice %arg5[%dma_wait3A_284, %dma_wait3A_293, %dma_wait3A_294] : memref<8x2x80xi32, #tpu.memory_space<vmem>> -> memref<1x2x80xi32, #tpu.memory_space<vmem>>
    %dma_wait3A_296 = tpu.memref_squeeze %dma_wait3A_295 : memref<1x2x80xi32, #tpu.memory_space<vmem>> -> memref<2x80xi32, #tpu.memory_space<vmem>>
    %dma_wait3A_297 = arith.constant 0 : i32
    %dma_wait3A_298 = arith.constant 0 : i32
    %dma_wait3A_299 = tpu.memref_slice %arg3[%dma_wait3A_282, %dma_wait3A_283, %dma_wait3A_297, %dma_wait3A_298] : memref<32x125x2x80xi32, #tpu.memory_space<hbm>> -> memref<1x1x2x80xi32, #tpu.memory_space<hbm>>
    %dma_wait3A_300 = tpu.memref_squeeze %dma_wait3A_299 : memref<1x1x2x80xi32, #tpu.memory_space<hbm>> -> memref<2x80xi32, #tpu.memory_space<hbm>>
    tpu.wait_dma2 semaphore(%arg14 : memref<!tpu.dma_semaphore, #tpu.memory_space<semaphore_mem>>) src(%dma_wait3A_300 : memref<2x80xi32, #tpu.memory_space<hbm>>) dst(%dma_wait3A_296 : memref<2x80xi32, #tpu.memory_space<vmem>>)
    %dma_start3A_301 = arith.constant 3 : i32
    %dma_start3A_302 = arith.constant 0 : i32
    %dma_start3A_303 = arith.constant 0 : i32
    %dma_start3A_304 = tpu.memref_slice %arg5[%dma_start3A_301, %dma_start3A_302, %dma_start3A_303] : memref<8x2x80xi32, #tpu.memory_space<vmem>> -> memref<1x1x80xi32, #tpu.memory_space<vmem>>
    %dma_start3A_305 = tpu.memref_squeeze %dma_start3A_304 : memref<1x1x80xi32, #tpu.memory_space<vmem>> -> memref<80xi32, #tpu.memory_space<vmem>>
    %dma_start3A_306 = arith.constant 0 : i32
    %dma_start3A_307 = arith.constant 0 : i32
    %dma_start3A_308 = tpu.memref_slice %arg2[%dma_start3A_306, %dma_start3A_307] : memref<10000x128xf32, #tpu.memory_space<hbm>> -> memref<10000x128xf32, #tpu.memory_space<hbm>>
    tpu.enqueue_indirect_dma source(%dma_start3A_308 : memref<10000x128xf32, #tpu.memory_space<hbm>>) target(%arg9 : memref<80x128xf32, #tpu.memory_space<vmem>>) offsets(%dma_start3A_305 : memref<80xi32, #tpu.memory_space<vmem>>) semaphore(%arg22 : memref<!tpu.dma_semaphore, #tpu.memory_space<semaphore_mem>>)
    %dma_wait3A_309 = arith.constant 0 : i32
    %dma_wait3A_310 = arith.constant 0 : i32
    %dma_wait3A_311 = tpu.memref_slice %arg2[%dma_wait3A_309, %dma_wait3A_310] : memref<10000x128xf32, #tpu.memory_space<hbm>> -> memref<80x128xf32, #tpu.memory_space<hbm>>
    %dma_wait3A_312 = arith.constant 0 : i32
    %dma_wait3A_313 = arith.constant 0 : i32
    %dma_wait3A_314 = tpu.memref_slice %arg2[%dma_wait3A_312, %dma_wait3A_313] : memref<10000x128xf32, #tpu.memory_space<hbm>> -> memref<80x128xf32, #tpu.memory_space<hbm>>
    tpu.wait_dma2 semaphore(%arg21 : memref<!tpu.dma_semaphore, #tpu.memory_space<semaphore_mem>>) src(%dma_wait3A_314 : memref<80x128xf32, #tpu.memory_space<hbm>>) dst(%arg8 : memref<80x128xf32, #tpu.memory_space<vmem>>)
    %dma_start3A_315 = arith.constant 2 : i32
    %dma_start3A_316 = arith.constant 1 : i32
    %dma_start3A_317 = arith.constant 0 : i32
    %dma_start3A_318 = tpu.memref_slice %arg5[%dma_start3A_315, %dma_start3A_316, %dma_start3A_317] : memref<8x2x80xi32, #tpu.memory_space<vmem>> -> memref<1x1x80xi32, #tpu.memory_space<vmem>>
    %dma_start3A_319 = tpu.memref_squeeze %dma_start3A_318 : memref<1x1x80xi32, #tpu.memory_space<vmem>> -> memref<80xi32, #tpu.memory_space<vmem>>
    %dma_start3A_320 = arith.constant 0 : i32
    %dma_start3A_321 = arith.constant 0 : i32
    %dma_start3A_322 = tpu.memref_slice %arg10[%dma_start3A_320, %dma_start3A_321] : memref<10000x128xf32, #tpu.memory_space<vmem_shared>> -> memref<10000x128xf32, #tpu.memory_space<vmem_shared>>
    tpu.enqueue_indirect_dma source(%arg8 : memref<80x128xf32, #tpu.memory_space<vmem>>) target(%dma_start3A_322 : memref<10000x128xf32, #tpu.memory_space<vmem_shared>>) offsets(%dma_start3A_319 : memref<80xi32, #tpu.memory_space<vmem>>) semaphore(%arg25 : memref<!tpu.dma_semaphore, #tpu.memory_space<semaphore_mem>>) {add = true}
    %dma_wait3A_323 = arith.constant 0 : i32
    %dma_wait3A_324 = arith.constant 0 : i32
    %dma_wait3A_325 = tpu.memref_slice %arg2[%dma_wait3A_323, %dma_wait3A_324] : memref<10000x128xf32, #tpu.memory_space<hbm>> -> memref<80x128xf32, #tpu.memory_space<hbm>>
    %dma_wait3A_326 = arith.constant 0 : i32
    %dma_wait3A_327 = arith.constant 0 : i32
    %dma_wait3A_328 = tpu.memref_slice %arg2[%dma_wait3A_326, %dma_wait3A_327] : memref<10000x128xf32, #tpu.memory_space<hbm>> -> memref<80x128xf32, #tpu.memory_space<hbm>>
    tpu.wait_dma2 semaphore(%arg23 : memref<!tpu.dma_semaphore, #tpu.memory_space<semaphore_mem>>) src(%dma_wait3A_328 : memref<80x128xf32, #tpu.memory_space<hbm>>) dst(%arg6 : memref<80x128xf32, #tpu.memory_space<vmem>>)
    %dma_wait3A_329 = arith.constant 0 : i32
    %dma_wait3A_330 = arith.constant 0 : i32
    %dma_wait3A_331 = arith.constant 4 : i32
    %dma_wait3A_332 = arith.constant 0 : i32
    %dma_wait3A_333 = arith.constant 0 : i32
    %dma_wait3A_334 = tpu.memref_slice %arg5[%dma_wait3A_331, %dma_wait3A_332, %dma_wait3A_333] : memref<8x2x80xi32, #tpu.memory_space<vmem>> -> memref<1x2x80xi32, #tpu.memory_space<vmem>>
    %dma_wait3A_335 = tpu.memref_squeeze %dma_wait3A_334 : memref<1x2x80xi32, #tpu.memory_space<vmem>> -> memref<2x80xi32, #tpu.memory_space<vmem>>
    %dma_wait3A_336 = arith.constant 0 : i32
    %dma_wait3A_337 = arith.constant 0 : i32
    %dma_wait3A_338 = tpu.memref_slice %arg3[%dma_wait3A_329, %dma_wait3A_330, %dma_wait3A_336, %dma_wait3A_337] : memref<32x125x2x80xi32, #tpu.memory_space<hbm>> -> memref<1x1x2x80xi32, #tpu.memory_space<hbm>>
    %dma_wait3A_339 = tpu.memref_squeeze %dma_wait3A_338 : memref<1x1x2x80xi32, #tpu.memory_space<hbm>> -> memref<2x80xi32, #tpu.memory_space<hbm>>
    %dma_wait3A_340 = arith.constant 0 : i32
    %dma_wait3A_341 = arith.constant 0 : i32
    %dma_wait3A_342 = tpu.memref_slice %arg5[%dma_wait3A_331, %dma_wait3A_340, %dma_wait3A_341] : memref<8x2x80xi32, #tpu.memory_space<vmem>> -> memref<1x2x80xi32, #tpu.memory_space<vmem>>
    %dma_wait3A_343 = tpu.memref_squeeze %dma_wait3A_342 : memref<1x2x80xi32, #tpu.memory_space<vmem>> -> memref<2x80xi32, #tpu.memory_space<vmem>>
    %dma_wait3A_344 = arith.constant 0 : i32
    %dma_wait3A_345 = arith.constant 0 : i32
    %dma_wait3A_346 = tpu.memref_slice %arg3[%dma_wait3A_329, %dma_wait3A_330, %dma_wait3A_344, %dma_wait3A_345] : memref<32x125x2x80xi32, #tpu.memory_space<hbm>> -> memref<1x1x2x80xi32, #tpu.memory_space<hbm>>
    %dma_wait3A_347 = tpu.memref_squeeze %dma_wait3A_346 : memref<1x1x2x80xi32, #tpu.memory_space<hbm>> -> memref<2x80xi32, #tpu.memory_space<hbm>>
    tpu.wait_dma2 semaphore(%arg15 : memref<!tpu.dma_semaphore, #tpu.memory_space<semaphore_mem>>) src(%dma_wait3A_347 : memref<2x80xi32, #tpu.memory_space<hbm>>) dst(%dma_wait3A_343 : memref<2x80xi32, #tpu.memory_space<vmem>>)
    %dma_start3A_348 = arith.constant 4 : i32
    %dma_start3A_349 = arith.constant 0 : i32
    %dma_start3A_350 = arith.constant 0 : i32
    %dma_start3A_351 = tpu.memref_slice %arg5[%dma_start3A_348, %dma_start3A_349, %dma_start3A_350] : memref<8x2x80xi32, #tpu.memory_space<vmem>> -> memref<1x1x80xi32, #tpu.memory_space<vmem>>
    %dma_start3A_352 = tpu.memref_squeeze %dma_start3A_351 : memref<1x1x80xi32, #tpu.memory_space<vmem>> -> memref<80xi32, #tpu.memory_space<vmem>>
    %dma_start3A_353 = arith.constant 0 : i32
    %dma_start3A_354 = arith.constant 0 : i32
    %dma_start3A_355 = tpu.memref_slice %arg2[%dma_start3A_353, %dma_start3A_354] : memref<10000x128xf32, #tpu.memory_space<hbm>> -> memref<10000x128xf32, #tpu.memory_space<hbm>>
    tpu.enqueue_indirect_dma source(%dma_start3A_355 : memref<10000x128xf32, #tpu.memory_space<hbm>>) target(%arg6 : memref<80x128xf32, #tpu.memory_space<vmem>>) offsets(%dma_start3A_352 : memref<80xi32, #tpu.memory_space<vmem>>) semaphore(%arg19 : memref<!tpu.dma_semaphore, #tpu.memory_space<semaphore_mem>>)
    %dma_wait3A_356 = arith.constant 0 : i32
    %dma_wait3A_357 = arith.constant 0 : i32
    %dma_wait3A_358 = tpu.memref_slice %arg2[%dma_wait3A_356, %dma_wait3A_357] : memref<10000x128xf32, #tpu.memory_space<hbm>> -> memref<80x128xf32, #tpu.memory_space<hbm>>
    %dma_wait3A_359 = arith.constant 0 : i32
    %dma_wait3A_360 = arith.constant 0 : i32
    %dma_wait3A_361 = tpu.memref_slice %arg2[%dma_wait3A_359, %dma_wait3A_360] : memref<10000x128xf32, #tpu.memory_space<hbm>> -> memref<80x128xf32, #tpu.memory_space<hbm>>
    tpu.wait_dma2 semaphore(%arg22 : memref<!tpu.dma_semaphore, #tpu.memory_space<semaphore_mem>>) src(%dma_wait3A_361 : memref<80x128xf32, #tpu.memory_space<hbm>>) dst(%arg9 : memref<80x128xf32, #tpu.memory_space<vmem>>)
    %dma_start3A_362 = arith.constant 3 : i32
    %dma_start3A_363 = arith.constant 1 : i32
    %dma_start3A_364 = arith.constant 0 : i32
    %dma_start3A_365 = tpu.memref_slice %arg5[%dma_start3A_362, %dma_start3A_363, %dma_start3A_364] : memref<8x2x80xi32, #tpu.memory_space<vmem>> -> memref<1x1x80xi32, #tpu.memory_space<vmem>>
    %dma_start3A_366 = tpu.memref_squeeze %dma_start3A_365 : memref<1x1x80xi32, #tpu.memory_space<vmem>> -> memref<80xi32, #tpu.memory_space<vmem>>
    %dma_start3A_367 = arith.constant 0 : i32
    %dma_start3A_368 = arith.constant 0 : i32
    %dma_start3A_369 = tpu.memref_slice %arg10[%dma_start3A_367, %dma_start3A_368] : memref<10000x128xf32, #tpu.memory_space<vmem_shared>> -> memref<10000x128xf32, #tpu.memory_space<vmem_shared>>
    tpu.enqueue_indirect_dma source(%arg9 : memref<80x128xf32, #tpu.memory_space<vmem>>) target(%dma_start3A_369 : memref<10000x128xf32, #tpu.memory_space<vmem_shared>>) offsets(%dma_start3A_366 : memref<80xi32, #tpu.memory_space<vmem>>) semaphore(%arg26 : memref<!tpu.dma_semaphore, #tpu.memory_space<semaphore_mem>>) {add = true}
    %dma_wait3A_370 = arith.constant 0 : i32
    %dma_wait3A_371 = arith.constant 0 : i32
    %dma_wait3A_372 = tpu.memref_slice %arg2[%dma_wait3A_370, %dma_wait3A_371] : memref<10000x128xf32, #tpu.memory_space<hbm>> -> memref<80x128xf32, #tpu.memory_space<hbm>>
    %dma_wait3A_373 = arith.constant 0 : i32
    %dma_wait3A_374 = arith.constant 0 : i32
    %dma_wait3A_375 = tpu.memref_slice %arg2[%dma_wait3A_373, %dma_wait3A_374] : memref<10000x128xf32, #tpu.memory_space<hbm>> -> memref<80x128xf32, #tpu.memory_space<hbm>>
    tpu.wait_dma2 semaphore(%arg19 : memref<!tpu.dma_semaphore, #tpu.memory_space<semaphore_mem>>) src(%dma_wait3A_375 : memref<80x128xf32, #tpu.memory_space<hbm>>) dst(%arg6 : memref<80x128xf32, #tpu.memory_space<vmem>>)
    %dma_start3A_376 = arith.constant 4 : i32
    %dma_start3A_377 = arith.constant 1 : i32
    %dma_start3A_378 = arith.constant 0 : i32
    %dma_start3A_379 = tpu.memref_slice %arg5[%dma_start3A_376, %dma_start3A_377, %dma_start3A_378] : memref<8x2x80xi32, #tpu.memory_space<vmem>> -> memref<1x1x80xi32, #tpu.memory_space<vmem>>
    %dma_start3A_380 = tpu.memref_squeeze %dma_start3A_379 : memref<1x1x80xi32, #tpu.memory_space<vmem>> -> memref<80xi32, #tpu.memory_space<vmem>>
    %dma_start3A_381 = arith.constant 0 : i32
    %dma_start3A_382 = arith.constant 0 : i32
    %dma_start3A_383 = tpu.memref_slice %arg10[%dma_start3A_381, %dma_start3A_382] : memref<10000x128xf32, #tpu.memory_space<vmem_shared>> -> memref<10000x128xf32, #tpu.memory_space<vmem_shared>>
    tpu.enqueue_indirect_dma source(%arg6 : memref<80x128xf32, #tpu.memory_space<vmem>>) target(%dma_start3A_383 : memref<10000x128xf32, #tpu.memory_space<vmem_shared>>) offsets(%dma_start3A_380 : memref<80xi32, #tpu.memory_space<vmem>>) semaphore(%arg23 : memref<!tpu.dma_semaphore, #tpu.memory_space<semaphore_mem>>) {add = true}
    %dma_wait3A_384 = arith.constant 0 : i32
    %dma_wait3A_385 = arith.constant 0 : i32
    %dma_wait3A_386 = tpu.memref_slice %arg2[%dma_wait3A_384, %dma_wait3A_385] : memref<10000x128xf32, #tpu.memory_space<hbm>> -> memref<80x128xf32, #tpu.memory_space<hbm>>
    %dma_wait3A_387 = arith.constant 0 : i32
    %dma_wait3A_388 = arith.constant 0 : i32
    %dma_wait3A_389 = tpu.memref_slice %arg2[%dma_wait3A_387, %dma_wait3A_388] : memref<10000x128xf32, #tpu.memory_space<hbm>> -> memref<80x128xf32, #tpu.memory_space<hbm>>
    tpu.wait_dma2 semaphore(%arg23 : memref<!tpu.dma_semaphore, #tpu.memory_space<semaphore_mem>>) src(%dma_wait3A_389 : memref<80x128xf32, #tpu.memory_space<hbm>>) dst(%arg6 : memref<80x128xf32, #tpu.memory_space<vmem>>)
    %dma_wait3A_390 = arith.constant 0 : i32
    %dma_wait3A_391 = arith.constant 0 : i32
    %dma_wait3A_392 = tpu.memref_slice %arg2[%dma_wait3A_390, %dma_wait3A_391] : memref<10000x128xf32, #tpu.memory_space<hbm>> -> memref<80x128xf32, #tpu.memory_space<hbm>>
    %dma_wait3A_393 = arith.constant 0 : i32
    %dma_wait3A_394 = arith.constant 0 : i32
    %dma_wait3A_395 = tpu.memref_slice %arg2[%dma_wait3A_393, %dma_wait3A_394] : memref<10000x128xf32, #tpu.memory_space<hbm>> -> memref<80x128xf32, #tpu.memory_space<hbm>>
    tpu.wait_dma2 semaphore(%arg24 : memref<!tpu.dma_semaphore, #tpu.memory_space<semaphore_mem>>) src(%dma_wait3A_395 : memref<80x128xf32, #tpu.memory_space<hbm>>) dst(%arg7 : memref<80x128xf32, #tpu.memory_space<vmem>>)
    %dma_wait3A_396 = arith.constant 0 : i32
    %dma_wait3A_397 = arith.constant 0 : i32
    %dma_wait3A_398 = tpu.memref_slice %arg2[%dma_wait3A_396, %dma_wait3A_397] : memref<10000x128xf32, #tpu.memory_space<hbm>> -> memref<80x128xf32, #tpu.memory_space<hbm>>
    %dma_wait3A_399 = arith.constant 0 : i32
    %dma_wait3A_400 = arith.constant 0 : i32
    %dma_wait3A_401 = tpu.memref_slice %arg2[%dma_wait3A_399, %dma_wait3A_400] : memref<10000x128xf32, #tpu.memory_space<hbm>> -> memref<80x128xf32, #tpu.memory_space<hbm>>
    tpu.wait_dma2 semaphore(%arg25 : memref<!tpu.dma_semaphore, #tpu.memory_space<semaphore_mem>>) src(%dma_wait3A_401 : memref<80x128xf32, #tpu.memory_space<hbm>>) dst(%arg8 : memref<80x128xf32, #tpu.memory_space<vmem>>)
    %dma_wait3A_402 = arith.constant 0 : i32
    %dma_wait3A_403 = arith.constant 0 : i32
    %dma_wait3A_404 = tpu.memref_slice %arg2[%dma_wait3A_402, %dma_wait3A_403] : memref<10000x128xf32, #tpu.memory_space<hbm>> -> memref<80x128xf32, #tpu.memory_space<hbm>>
    %dma_wait3A_405 = arith.constant 0 : i32
    %dma_wait3A_406 = arith.constant 0 : i32
    %dma_wait3A_407 = tpu.memref_slice %arg2[%dma_wait3A_405, %dma_wait3A_406] : memref<10000x128xf32, #tpu.memory_space<hbm>> -> memref<80x128xf32, #tpu.memory_space<hbm>>
    tpu.wait_dma2 semaphore(%arg26 : memref<!tpu.dma_semaphore, #tpu.memory_space<semaphore_mem>>) src(%dma_wait3A_407 : memref<80x128xf32, #tpu.memory_space<hbm>>) dst(%arg9 : memref<80x128xf32, #tpu.memory_space<vmem>>)
    %barrier3A_408 = arith.constant 0 : index
    tpu.barrier barrier_id(%barrier3A_408)
    %mul3A_409 = arith.constant 624 : i32
    %mul3A_410 = arith.muli %arg1, %mul3A_409 : i32
    %mul3A_411 = arith.constant 10000 : i32
    %mul3A_412 = arith.muli %arg0, %mul3A_411 : i32
    %mul3A_413 = arith.constant 624 : i32
    %mul3A_414 = arith.muli %arg1, %mul3A_413 : i32
    %add3A_415 = arith.addi %mul3A_412, %mul3A_414 : i32
    "tpu.region"() ({
      %run_scoped3A = tpu.sem_alloc : memref<!tpu.dma_semaphore, #tpu.memory_space<semaphore_mem>>
      %dma_start3A_421 = arith.constant 0 : i32
      %dma_start3A_422 = tpu.memref_slice %arg4[%add3A_415, %dma_start3A_421] : memref<20000x128xf32, #tpu.memory_space<hbm>> -> memref<624x128xf32, #tpu.memory_space<hbm>>
      %dma_start3A_423 = arith.constant 0 : i32
      %dma_start3A_424 = tpu.memref_slice %arg10[%mul3A_410, %dma_start3A_423] : memref<10000x128xf32, #tpu.memory_space<vmem_shared>> -> memref<624x128xf32, #tpu.memory_space<vmem_shared>>
      tpu.enqueue_dma source(%dma_start3A_424 : memref<624x128xf32, #tpu.memory_space<vmem_shared>>) target(%dma_start3A_422 : memref<624x128xf32, #tpu.memory_space<hbm>>) target_semaphore(%run_scoped3A : memref<!tpu.dma_semaphore, #tpu.memory_space<semaphore_mem>>)
      %dma_wait3A_425 = arith.constant 0 : i32
      %dma_wait3A_426 = tpu.memref_slice %arg4[%add3A_415, %dma_wait3A_425] : memref<20000x128xf32, #tpu.memory_space<hbm>> -> memref<624x128xf32, #tpu.memory_space<hbm>>
      %dma_wait3A_427 = arith.constant 0 : i32
      %dma_wait3A_428 = tpu.memref_slice %arg10[%mul3A_410, %dma_wait3A_427] : memref<10000x128xf32, #tpu.memory_space<vmem_shared>> -> memref<624x128xf32, #tpu.memory_space<vmem_shared>>
      tpu.wait_dma2 semaphore(%run_scoped3A : memref<!tpu.dma_semaphore, #tpu.memory_space<semaphore_mem>>) src(%dma_wait3A_428 : memref<624x128xf32, #tpu.memory_space<vmem_shared>>) dst(%dma_wait3A_426 : memref<624x128xf32, #tpu.memory_space<hbm>>)
      tpu.yield
    }) : () -> ()
    %eq3A_416 = arith.constant 0 : i32
    %eq3A_417 = arith.cmpi eq, %arg1, %eq3A_416 : i32
    %convert_element_type3A_418 = arith.extui %eq3A_417 : i1 to i32
    %cond3A_419 = arith.constant 0 : i32
    %cond3A_420 = arith.cmpi ne, %convert_element_type3A_418, %cond3A_419 : i32
    scf.if %cond3A_420 {
      %mul3A_421 = arith.constant 10000 : i32
      %mul3A_422 = arith.muli %arg0, %mul3A_421 : i32
      %add3A_423 = arith.constant 9984 : i32
      %add3A_424 = arith.addi %mul3A_422, %add3A_423 : i32
      "tpu.region"() ({
        %run_scoped3A = tpu.sem_alloc : memref<!tpu.dma_semaphore, #tpu.memory_space<semaphore_mem>>
        %dma_start3A_425 = arith.constant 0 : i32
        %dma_start3A_426 = tpu.memref_slice %arg4[%add3A_424, %dma_start3A_425] : memref<20000x128xf32, #tpu.memory_space<hbm>> -> memref<16x128xf32, #tpu.memory_space<hbm>>
        %dma_start3A_427 = arith.constant 9984 : i32
        %dma_start3A_428 = arith.constant 0 : i32
        %dma_start3A_429 = tpu.memref_slice %arg10[%dma_start3A_427, %dma_start3A_428] : memref<10000x128xf32, #tpu.memory_space<vmem_shared>> -> memref<16x128xf32, #tpu.memory_space<vmem_shared>>
        tpu.enqueue_dma source(%dma_start3A_429 : memref<16x128xf32, #tpu.memory_space<vmem_shared>>) target(%dma_start3A_426 : memref<16x128xf32, #tpu.memory_space<hbm>>) target_semaphore(%run_scoped3A : memref<!tpu.dma_semaphore, #tpu.memory_space<semaphore_mem>>)
        %dma_wait3A_430 = arith.constant 0 : i32
        %dma_wait3A_431 = tpu.memref_slice %arg4[%add3A_424, %dma_wait3A_430] : memref<20000x128xf32, #tpu.memory_space<hbm>> -> memref<16x128xf32, #tpu.memory_space<hbm>>
        %dma_wait3A_432 = arith.constant 9984 : i32
        %dma_wait3A_433 = arith.constant 0 : i32
        %dma_wait3A_434 = tpu.memref_slice %arg10[%dma_wait3A_432, %dma_wait3A_433] : memref<10000x128xf32, #tpu.memory_space<vmem_shared>> -> memref<16x128xf32, #tpu.memory_space<vmem_shared>>
        tpu.wait_dma2 semaphore(%run_scoped3A : memref<!tpu.dma_semaphore, #tpu.memory_space<semaphore_mem>>) src(%dma_wait3A_434 : memref<16x128xf32, #tpu.memory_space<vmem_shared>>) dst(%dma_wait3A_431 : memref<16x128xf32, #tpu.memory_space<hbm>>)
        tpu.yield
      }) : () -> ()
    } else {
    }
    return
  }
}

#map = affine_map<(d0, d1) -> (0, 0)>
#map1 = affine_map<(d0, d1) -> (0, 0, 0, 0)>
module attributes {stable_mosaic.version = 14 : i64} {
  func.func @_sc_agg_body(%arg0: i32, %arg1: i32, %arg2: memref<10000x128xf32, #tpu.memory_space<hbm>>, %arg3: memref<32x125x2x80xi32, #tpu.memory_space<hbm>>, %arg4: memref<20000x128xf32, #tpu.memory_space<hbm>>, %arg5: memref<8x2x80xi32, #tpu.memory_space<vmem>>, %arg6: memref<80x128xf32, #tpu.memory_space<vmem>>, %arg7: memref<80x128xf32, #tpu.memory_space<vmem>>, %arg8: memref<80x128xf32, #tpu.memory_space<vmem>>, %arg9: memref<80x128xf32, #tpu.memory_space<vmem>>, %arg10: memref<10000x128xf32, #tpu.memory_space<vmem_shared>>, %arg11: memref<!tpu.dma_semaphore, #tpu.memory_space<semaphore_mem>>, %arg12: memref<!tpu.dma_semaphore, #tpu.memory_space<semaphore_mem>>, %arg13: memref<!tpu.dma_semaphore, #tpu.memory_space<semaphore_mem>>, %arg14: memref<!tpu.dma_semaphore, #tpu.memory_space<semaphore_mem>>, %arg15: memref<!tpu.dma_semaphore, #tpu.memory_space<semaphore_mem>>, %arg16: memref<!tpu.dma_semaphore, #tpu.memory_space<semaphore_mem>>, %arg17: memref<!tpu.dma_semaphore, #tpu.memory_space<semaphore_mem>>, %arg18: memref<!tpu.dma_semaphore, #tpu.memory_space<semaphore_mem>>, %arg19: memref<!tpu.dma_semaphore, #tpu.memory_space<semaphore_mem>>, %arg20: memref<!tpu.dma_semaphore, #tpu.memory_space<semaphore_mem>>, %arg21: memref<!tpu.dma_semaphore, #tpu.memory_space<semaphore_mem>>, %arg22: memref<!tpu.dma_semaphore, #tpu.memory_space<semaphore_mem>>, %arg23: memref<!tpu.dma_semaphore, #tpu.memory_space<semaphore_mem>>, %arg24: memref<!tpu.dma_semaphore, #tpu.memory_space<semaphore_mem>>, %arg25: memref<!tpu.dma_semaphore, #tpu.memory_space<semaphore_mem>>, %arg26: memref<!tpu.dma_semaphore, #tpu.memory_space<semaphore_mem>>, %arg27: memref<!tpu.dma_semaphore, #tpu.memory_space<semaphore_mem>>, %arg28: memref<!tpu.dma_semaphore, #tpu.memory_space<semaphore_mem>>) attributes {dimension_semantics = [#tpu.dimension_semantics<core_parallel>, #tpu.dimension_semantics<subcore_parallel>], iteration_bounds = array<i64: 2, 16>, scalar_prefetch = 0 : i64, scratch_operands = 24 : i64, tpu.core_type = #tpu.core_type<sc_vector_subcore>, window_params = [{transform_indices = #map}, {transform_indices = #map1}, {transform_indices = #map}]} {
    %mul3A = arith.constant 16 : i32
    %mul3A_0 = arith.muli %arg0, %mul3A : i32
    %add3A = arith.addi %mul3A_0, %arg1 : i32
    %eq3A = arith.constant 0 : i32
    %eq3A_1 = arith.cmpi eq, %arg0, %eq3A : i32
    %convert_element_type3A = arith.extui %eq3A_1 : i1 to i32
    %cond3A = arith.constant 0 : i32
    %cond3A_2 = arith.cmpi ne, %convert_element_type3A, %cond3A : i32
    scf.if %cond3A_2 {
      %mul3A_421 = arith.constant 624 : i32
      %mul3A_422 = arith.muli %arg1, %mul3A_421 : i32
      %mul3A_423 = arith.constant 624 : i32
      %mul3A_424 = arith.muli %arg1, %mul3A_423 : i32
      %dma_start3A_425 = arith.constant 0 : i32
      %dma_start3A_426 = tpu.memref_slice %arg10[%mul3A_424, %dma_start3A_425] : memref<10000x128xf32, #tpu.memory_space<vmem_shared>> -> memref<624x128xf32, #tpu.memory_space<vmem_shared>>
      %dma_start3A_427 = arith.constant 0 : i32
      %dma_start3A_428 = tpu.memref_slice %arg2[%mul3A_422, %dma_start3A_427] : memref<10000x128xf32, #tpu.memory_space<hbm>> -> memref<624x128xf32, #tpu.memory_space<hbm>>
      tpu.enqueue_dma source(%dma_start3A_428 : memref<624x128xf32, #tpu.memory_space<hbm>>) target(%dma_start3A_426 : memref<624x128xf32, #tpu.memory_space<vmem_shared>>) target_semaphore(%arg27 : memref<!tpu.dma_semaphore, #tpu.memory_space<semaphore_mem>>)
      %eq3A_429 = arith.constant 0 : i32
      %eq3A_430 = arith.cmpi eq, %arg1, %eq3A_429 : i32
      %convert_element_type3A_431 = arith.extui %eq3A_430 : i1 to i32
      %cond3A_432 = arith.constant 0 : i32
      %cond3A_433 = arith.cmpi ne, %convert_element_type3A_431, %cond3A_432 : i32
      scf.if %cond3A_433 {
        %dma_start3A_434 = arith.constant 9984 : i32
        %dma_start3A_435 = arith.constant 0 : i32
        %dma_start3A_436 = tpu.memref_slice %arg10[%dma_start3A_434, %dma_start3A_435] : memref<10000x128xf32, #tpu.memory_space<vmem_shared>> -> memref<16x128xf32, #tpu.memory_space<vmem_shared>>
        %dma_start3A_437 = arith.constant 9984 : i32
        %dma_start3A_438 = arith.constant 0 : i32
        %dma_start3A_439 = tpu.memref_slice %arg2[%dma_start3A_437, %dma_start3A_438] : memref<10000x128xf32, #tpu.memory_space<hbm>> -> memref<16x128xf32, #tpu.memory_space<hbm>>
        tpu.enqueue_dma source(%dma_start3A_439 : memref<16x128xf32, #tpu.memory_space<hbm>>) target(%dma_start3A_436 : memref<16x128xf32, #tpu.memory_space<vmem_shared>>) target_semaphore(%arg28 : memref<!tpu.dma_semaphore, #tpu.memory_space<semaphore_mem>>)
      } else {
      }
    } else {
    }
    %eq3A_3 = arith.constant 1 : i32
    %eq3A_4 = arith.cmpi eq, %arg0, %eq3A_3 : i32
    %convert_element_type3A_5 = arith.extui %eq3A_4 : i1 to i32
    %cond3A_6 = arith.constant 0 : i32
    %cond3A_7 = arith.cmpi ne, %convert_element_type3A_5, %cond3A_6 : i32
    scf.if %cond3A_7 {
      %scan3A_421 = arith.constant 0 : i32
      %scan3A_422 = arith.constant 0 : i32
      %scan3A_423 = arith.constant 80 : i32
      %scan3A_424 = arith.addi %scan3A_422, %scan3A_423 : i32
      %scan3A_425 = arith.constant 1 : i32
      scf.for %scan3A_502 = %scan3A_422 to %scan3A_424 step %scan3A_425  : i32 {
        %broadcast_in_dim3A = arith.constant 0.000000e+00 : f32
        %broadcast_in_dim3A_503 = vector.broadcast %broadcast_in_dim3A : f32 to vector<16xf32>
        %swap3A = arith.index_cast %scan3A_502 : i32 to index
        %swap3A_504 = arith.constant 0 : index
        %swap3A_505 = tpu.vector_load %arg9[%swap3A, %swap3A_504] {strides = array<i32>} : memref<80x128xf32, #tpu.memory_space<vmem>>, vector<1x16xf32>,
        %swap3A_506 = vector.shape_cast %swap3A_505 : vector<1x16xf32> to vector<16xf32>
        %swap3A_507 = vector.shape_cast %broadcast_in_dim3A_503 : vector<16xf32> to vector<1x16xf32>
        tpu.vector_store %arg9[%swap3A, %swap3A_504], %swap3A_507 {strides = array<i32>} : memref<80x128xf32, #tpu.memory_space<vmem>>, vector<1x16xf32>,
        %broadcast_in_dim3A_508 = arith.constant 0.000000e+00 : f32
        %broadcast_in_dim3A_509 = vector.broadcast %broadcast_in_dim3A_508 : f32 to vector<16xf32>
        %swap3A_510 = arith.index_cast %scan3A_502 : i32 to index
        %swap3A_511 = arith.constant 16 : index
        %swap3A_512 = tpu.vector_load %arg9[%swap3A_510, %swap3A_511] {strides = array<i32>} : memref<80x128xf32, #tpu.memory_space<vmem>>, vector<1x16xf32>,
        %swap3A_513 = vector.shape_cast %swap3A_512 : vector<1x16xf32> to vector<16xf32>
        %swap3A_514 = vector.shape_cast %broadcast_in_dim3A_509 : vector<16xf32> to vector<1x16xf32>
        tpu.vector_store %arg9[%swap3A_510, %swap3A_511], %swap3A_514 {strides = array<i32>} : memref<80x128xf32, #tpu.memory_space<vmem>>, vector<1x16xf32>,
        %broadcast_in_dim3A_515 = arith.constant 0.000000e+00 : f32
        %broadcast_in_dim3A_516 = vector.broadcast %broadcast_in_dim3A_515 : f32 to vector<16xf32>
        %swap3A_517 = arith.index_cast %scan3A_502 : i32 to index
        %swap3A_518 = arith.constant 32 : index
        %swap3A_519 = tpu.vector_load %arg9[%swap3A_517, %swap3A_518] {strides = array<i32>} : memref<80x128xf32, #tpu.memory_space<vmem>>, vector<1x16xf32>,
        %swap3A_520 = vector.shape_cast %swap3A_519 : vector<1x16xf32> to vector<16xf32>
        %swap3A_521 = vector.shape_cast %broadcast_in_dim3A_516 : vector<16xf32> to vector<1x16xf32>
        tpu.vector_store %arg9[%swap3A_517, %swap3A_518], %swap3A_521 {strides = array<i32>} : memref<80x128xf32, #tpu.memory_space<vmem>>, vector<1x16xf32>,
        %broadcast_in_dim3A_522 = arith.constant 0.000000e+00 : f32
        %broadcast_in_dim3A_523 = vector.broadcast %broadcast_in_dim3A_522 : f32 to vector<16xf32>
        %swap3A_524 = arith.index_cast %scan3A_502 : i32 to index
        %swap3A_525 = arith.constant 48 : index
        %swap3A_526 = tpu.vector_load %arg9[%swap3A_524, %swap3A_525] {strides = array<i32>} : memref<80x128xf32, #tpu.memory_space<vmem>>, vector<1x16xf32>,
        %swap3A_527 = vector.shape_cast %swap3A_526 : vector<1x16xf32> to vector<16xf32>
        %swap3A_528 = vector.shape_cast %broadcast_in_dim3A_523 : vector<16xf32> to vector<1x16xf32>
        tpu.vector_store %arg9[%swap3A_524, %swap3A_525], %swap3A_528 {strides = array<i32>} : memref<80x128xf32, #tpu.memory_space<vmem>>, vector<1x16xf32>,
        %broadcast_in_dim3A_529 = arith.constant 0.000000e+00 : f32
        %broadcast_in_dim3A_530 = vector.broadcast %broadcast_in_dim3A_529 : f32 to vector<16xf32>
        %swap3A_531 = arith.index_cast %scan3A_502 : i32 to index
        %swap3A_532 = arith.constant 64 : index
        %swap3A_533 = tpu.vector_load %arg9[%swap3A_531, %swap3A_532] {strides = array<i32>} : memref<80x128xf32, #tpu.memory_space<vmem>>, vector<1x16xf32>,
        %swap3A_534 = vector.shape_cast %swap3A_533 : vector<1x16xf32> to vector<16xf32>
        %swap3A_535 = vector.shape_cast %broadcast_in_dim3A_530 : vector<16xf32> to vector<1x16xf32>
        tpu.vector_store %arg9[%swap3A_531, %swap3A_532], %swap3A_535 {strides = array<i32>} : memref<80x128xf32, #tpu.memory_space<vmem>>, vector<1x16xf32>,
        %broadcast_in_dim3A_536 = arith.constant 0.000000e+00 : f32
        %broadcast_in_dim3A_537 = vector.broadcast %broadcast_in_dim3A_536 : f32 to vector<16xf32>
        %swap3A_538 = arith.index_cast %scan3A_502 : i32 to index
        %swap3A_539 = arith.constant 80 : index
        %swap3A_540 = tpu.vector_load %arg9[%swap3A_538, %swap3A_539] {strides = array<i32>} : memref<80x128xf32, #tpu.memory_space<vmem>>, vector<1x16xf32>,
        %swap3A_541 = vector.shape_cast %swap3A_540 : vector<1x16xf32> to vector<16xf32>
        %swap3A_542 = vector.shape_cast %broadcast_in_dim3A_537 : vector<16xf32> to vector<1x16xf32>
        tpu.vector_store %arg9[%swap3A_538, %swap3A_539], %swap3A_542 {strides = array<i32>} : memref<80x128xf32, #tpu.memory_space<vmem>>, vector<1x16xf32>,
        %broadcast_in_dim3A_543 = arith.constant 0.000000e+00 : f32
        %broadcast_in_dim3A_544 = vector.broadcast %broadcast_in_dim3A_543 : f32 to vector<16xf32>
        %swap3A_545 = arith.index_cast %scan3A_502 : i32 to index
        %swap3A_546 = arith.constant 96 : index
        %swap3A_547 = tpu.vector_load %arg9[%swap3A_545, %swap3A_546] {strides = array<i32>} : memref<80x128xf32, #tpu.memory_space<vmem>>, vector<1x16xf32>,
        %swap3A_548 = vector.shape_cast %swap3A_547 : vector<1x16xf32> to vector<16xf32>
        %swap3A_549 = vector.shape_cast %broadcast_in_dim3A_544 : vector<16xf32> to vector<1x16xf32>
        tpu.vector_store %arg9[%swap3A_545, %swap3A_546], %swap3A_549 {strides = array<i32>} : memref<80x128xf32, #tpu.memory_space<vmem>>, vector<1x16xf32>,
        %broadcast_in_dim3A_550 = arith.constant 0.000000e+00 : f32
        %broadcast_in_dim3A_551 = vector.broadcast %broadcast_in_dim3A_550 : f32 to vector<16xf32>
        %swap3A_552 = arith.index_cast %scan3A_502 : i32 to index
        %swap3A_553 = arith.constant 112 : index
        %swap3A_554 = tpu.vector_load %arg9[%swap3A_552, %swap3A_553] {strides = array<i32>} : memref<80x128xf32, #tpu.memory_space<vmem>>, vector<1x16xf32>,
        %swap3A_555 = vector.shape_cast %swap3A_554 : vector<1x16xf32> to vector<16xf32>
        %swap3A_556 = vector.shape_cast %broadcast_in_dim3A_551 : vector<16xf32> to vector<1x16xf32>
        tpu.vector_store %arg9[%swap3A_552, %swap3A_553], %swap3A_556 {strides = array<i32>} : memref<80x128xf32, #tpu.memory_space<vmem>>, vector<1x16xf32>,
      }
      %scan3A_426 = arith.constant 80 : i32
      %mul3A_427 = arith.constant 624 : i32
      %mul3A_428 = arith.muli %arg1, %mul3A_427 : i32
      %add3A_429 = arith.constant 0 : i32
      %add3A_430 = arith.addi %mul3A_428, %add3A_429 : i32
      %dma_start3A_431 = arith.constant 0 : i32
      %dma_start3A_432 = tpu.memref_slice %arg10[%add3A_430, %dma_start3A_431] : memref<10000x128xf32, #tpu.memory_space<vmem_shared>> -> memref<80x128xf32, #tpu.memory_space<vmem_shared>>
      %dma_start3A_433 = arith.constant 0 : i32
      %dma_start3A_434 = tpu.memref_slice %arg10[%add3A_430, %dma_start3A_433] : memref<10000x128xf32, #tpu.memory_space<vmem_shared>> -> memref<80x128xf32, #tpu.memory_space<vmem_shared>>
      tpu.enqueue_dma source(%arg9 : memref<80x128xf32, #tpu.memory_space<vmem>>) target(%dma_start3A_434 : memref<80x128xf32, #tpu.memory_space<vmem_shared>>) target_semaphore(%arg27 : memref<!tpu.dma_semaphore, #tpu.memory_space<semaphore_mem>>)
      %mul3A_435 = arith.constant 624 : i32
      %mul3A_436 = arith.muli %arg1, %mul3A_435 : i32
      %add3A_437 = arith.constant 80 : i32
      %add3A_438 = arith.addi %mul3A_436, %add3A_437 : i32
      %dma_start3A_439 = arith.constant 0 : i32
      %dma_start3A_440 = tpu.memref_slice %arg10[%add3A_438, %dma_start3A_439] : memref<10000x128xf32, #tpu.memory_space<vmem_shared>> -> memref<80x128xf32, #tpu.memory_space<vmem_shared>>
      %dma_start3A_441 = arith.constant 0 : i32
      %dma_start3A_442 = tpu.memref_slice %arg10[%add3A_438, %dma_start3A_441] : memref<10000x128xf32, #tpu.memory_space<vmem_shared>> -> memref<80x128xf32, #tpu.memory_space<vmem_shared>>
      tpu.enqueue_dma source(%arg9 : memref<80x128xf32, #tpu.memory_space<vmem>>) target(%dma_start3A_442 : memref<80x128xf32, #tpu.memory_space<vmem_shared>>) target_semaphore(%arg27 : memref<!tpu.dma_semaphore, #tpu.memory_space<semaphore_mem>>)
      %mul3A_443 = arith.constant 624 : i32
      %mul3A_444 = arith.muli %arg1, %mul3A_443 : i32
      %add3A_445 = arith.constant 160 : i32
      %add3A_446 = arith.addi %mul3A_444, %add3A_445 : i32
      %dma_start3A_447 = arith.constant 0 : i32
      %dma_start3A_448 = tpu.memref_slice %arg10[%add3A_446, %dma_start3A_447] : memref<10000x128xf32, #tpu.memory_space<vmem_shared>> -> memref<80x128xf32, #tpu.memory_space<vmem_shared>>
      %dma_start3A_449 = arith.constant 0 : i32
      %dma_start3A_450 = tpu.memref_slice %arg10[%add3A_446, %dma_start3A_449] : memref<10000x128xf32, #tpu.memory_space<vmem_shared>> -> memref<80x128xf32, #tpu.memory_space<vmem_shared>>
      tpu.enqueue_dma source(%arg9 : memref<80x128xf32, #tpu.memory_space<vmem>>) target(%dma_start3A_450 : memref<80x128xf32, #tpu.memory_space<vmem_shared>>) target_semaphore(%arg27 : memref<!tpu.dma_semaphore, #tpu.memory_space<semaphore_mem>>)
      %mul3A_451 = arith.constant 624 : i32
      %mul3A_452 = arith.muli %arg1, %mul3A_451 : i32
      %add3A_453 = arith.constant 240 : i32
      %add3A_454 = arith.addi %mul3A_452, %add3A_453 : i32
      %dma_start3A_455 = arith.constant 0 : i32
      %dma_start3A_456 = tpu.memref_slice %arg10[%add3A_454, %dma_start3A_455] : memref<10000x128xf32, #tpu.memory_space<vmem_shared>> -> memref<80x128xf32, #tpu.memory_space<vmem_shared>>
      %dma_start3A_457 = arith.constant 0 : i32
      %dma_start3A_458 = tpu.memref_slice %arg10[%add3A_454, %dma_start3A_457] : memref<10000x128xf32, #tpu.memory_space<vmem_shared>> -> memref<80x128xf32, #tpu.memory_space<vmem_shared>>
      tpu.enqueue_dma source(%arg9 : memref<80x128xf32, #tpu.memory_space<vmem>>) target(%dma_start3A_458 : memref<80x128xf32, #tpu.memory_space<vmem_shared>>) target_semaphore(%arg27 : memref<!tpu.dma_semaphore, #tpu.memory_space<semaphore_mem>>)
      %mul3A_459 = arith.constant 624 : i32
      %mul3A_460 = arith.muli %arg1, %mul3A_459 : i32
      %add3A_461 = arith.constant 320 : i32
      %add3A_462 = arith.addi %mul3A_460, %add3A_461 : i32
      %dma_start3A_463 = arith.constant 0 : i32
      %dma_start3A_464 = tpu.memref_slice %arg10[%add3A_462, %dma_start3A_463] : memref<10000x128xf32, #tpu.memory_space<vmem_shared>> -> memref<80x128xf32, #tpu.memory_space<vmem_shared>>
      %dma_start3A_465 = arith.constant 0 : i32
      %dma_start3A_466 = tpu.memref_slice %arg10[%add3A_462, %dma_start3A_465] : memref<10000x128xf32, #tpu.memory_space<vmem_shared>> -> memref<80x128xf32, #tpu.memory_space<vmem_shared>>
      tpu.enqueue_dma source(%arg9 : memref<80x128xf32, #tpu.memory_space<vmem>>) target(%dma_start3A_466 : memref<80x128xf32, #tpu.memory_space<vmem_shared>>) target_semaphore(%arg27 : memref<!tpu.dma_semaphore, #tpu.memory_space<semaphore_mem>>)
      %mul3A_467 = arith.constant 624 : i32
      %mul3A_468 = arith.muli %arg1, %mul3A_467 : i32
      %add3A_469 = arith.constant 400 : i32
      %add3A_470 = arith.addi %mul3A_468, %add3A_469 : i32
      %dma_start3A_471 = arith.constant 0 : i32
      %dma_start3A_472 = tpu.memref_slice %arg10[%add3A_470, %dma_start3A_471] : memref<10000x128xf32, #tpu.memory_space<vmem_shared>> -> memref<80x128xf32, #tpu.memory_space<vmem_shared>>
      %dma_start3A_473 = arith.constant 0 : i32
      %dma_start3A_474 = tpu.memref_slice %arg10[%add3A_470, %dma_start3A_473] : memref<10000x128xf32, #tpu.memory_space<vmem_shared>> -> memref<80x128xf32, #tpu.memory_space<vmem_shared>>
      tpu.enqueue_dma source(%arg9 : memref<80x128xf32, #tpu.memory_space<vmem>>) target(%dma_start3A_474 : memref<80x128xf32, #tpu.memory_space<vmem_shared>>) target_semaphore(%arg27 : memref<!tpu.dma_semaphore, #tpu.memory_space<semaphore_mem>>)
      %mul3A_475 = arith.constant 624 : i32
      %mul3A_476 = arith.muli %arg1, %mul3A_475 : i32
      %add3A_477 = arith.constant 480 : i32
      %add3A_478 = arith.addi %mul3A_476, %add3A_477 : i32
      %dma_start3A_479 = arith.constant 0 : i32
      %dma_start3A_480 = tpu.memref_slice %arg10[%add3A_478, %dma_start3A_479] : memref<10000x128xf32, #tpu.memory_space<vmem_shared>> -> memref<80x128xf32, #tpu.memory_space<vmem_shared>>
      %dma_start3A_481 = arith.constant 0 : i32
      %dma_start3A_482 = tpu.memref_slice %arg10[%add3A_478, %dma_start3A_481] : memref<10000x128xf32, #tpu.memory_space<vmem_shared>> -> memref<80x128xf32, #tpu.memory_space<vmem_shared>>
      tpu.enqueue_dma source(%arg9 : memref<80x128xf32, #tpu.memory_space<vmem>>) target(%dma_start3A_482 : memref<80x128xf32, #tpu.memory_space<vmem_shared>>) target_semaphore(%arg27 : memref<!tpu.dma_semaphore, #tpu.memory_space<semaphore_mem>>)
      %mul3A_483 = arith.constant 624 : i32
      %mul3A_484 = arith.muli %arg1, %mul3A_483 : i32
      %add3A_485 = arith.constant 560 : i32
      %add3A_486 = arith.addi %mul3A_484, %add3A_485 : i32
      %dma_start3A_487 = arith.constant 0 : i32
      %dma_start3A_488 = arith.constant 0 : i32
      %dma_start3A_489 = tpu.memref_slice %arg9[%dma_start3A_487, %dma_start3A_488] : memref<80x128xf32, #tpu.memory_space<vmem>> -> memref<64x128xf32, #tpu.memory_space<vmem>>
      %dma_start3A_490 = arith.constant 0 : i32
      %dma_start3A_491 = tpu.memref_slice %arg10[%add3A_486, %dma_start3A_490] : memref<10000x128xf32, #tpu.memory_space<vmem_shared>> -> memref<64x128xf32, #tpu.memory_space<vmem_shared>>
      %dma_start3A_492 = arith.constant 0 : i32
      %dma_start3A_493 = tpu.memref_slice %arg10[%add3A_486, %dma_start3A_492] : memref<10000x128xf32, #tpu.memory_space<vmem_shared>> -> memref<64x128xf32, #tpu.memory_space<vmem_shared>>
      %dma_start3A_494 = arith.constant 0 : i32
      %dma_start3A_495 = arith.constant 0 : i32
      %dma_start3A_496 = tpu.memref_slice %arg9[%dma_start3A_494, %dma_start3A_495] : memref<80x128xf32, #tpu.memory_space<vmem>> -> memref<64x128xf32, #tpu.memory_space<vmem>>
      tpu.enqueue_dma source(%dma_start3A_496 : memref<64x128xf32, #tpu.memory_space<vmem>>) target(%dma_start3A_493 : memref<64x128xf32, #tpu.memory_space<vmem_shared>>) target_semaphore(%arg27 : memref<!tpu.dma_semaphore, #tpu.memory_space<semaphore_mem>>)
      %eq3A_497 = arith.constant 0 : i32
      %eq3A_498 = arith.cmpi eq, %arg1, %eq3A_497 : i32
      %convert_element_type3A_499 = arith.extui %eq3A_498 : i1 to i32
      %cond3A_500 = arith.constant 0 : i32
      %cond3A_501 = arith.cmpi ne, %convert_element_type3A_499, %cond3A_500 : i32
      scf.if %cond3A_501 {
        %dma_start3A_502 = arith.constant 0 : i32
        %dma_start3A_503 = arith.constant 0 : i32
        %dma_start3A_504 = tpu.memref_slice %arg9[%dma_start3A_502, %dma_start3A_503] : memref<80x128xf32, #tpu.memory_space<vmem>> -> memref<16x128xf32, #tpu.memory_space<vmem>>
        %dma_start3A_505 = arith.constant 9984 : i32
        %dma_start3A_506 = arith.constant 0 : i32
        %dma_start3A_507 = tpu.memref_slice %arg10[%dma_start3A_505, %dma_start3A_506] : memref<10000x128xf32, #tpu.memory_space<vmem_shared>> -> memref<16x128xf32, #tpu.memory_space<vmem_shared>>
        %dma_start3A_508 = arith.constant 9984 : i32
        %dma_start3A_509 = arith.constant 0 : i32
        %dma_start3A_510 = tpu.memref_slice %arg10[%dma_start3A_508, %dma_start3A_509] : memref<10000x128xf32, #tpu.memory_space<vmem_shared>> -> memref<16x128xf32, #tpu.memory_space<vmem_shared>>
        %dma_start3A_511 = arith.constant 0 : i32
        %dma_start3A_512 = arith.constant 0 : i32
        %dma_start3A_513 = tpu.memref_slice %arg9[%dma_start3A_511, %dma_start3A_512] : memref<80x128xf32, #tpu.memory_space<vmem>> -> memref<16x128xf32, #tpu.memory_space<vmem>>
        tpu.enqueue_dma source(%dma_start3A_513 : memref<16x128xf32, #tpu.memory_space<vmem>>) target(%dma_start3A_510 : memref<16x128xf32, #tpu.memory_space<vmem_shared>>) target_semaphore(%arg28 : memref<!tpu.dma_semaphore, #tpu.memory_space<semaphore_mem>>)
      } else {
      }
    } else {
    }
    %dma_start3A = arith.constant 0 : i32
    %dma_start3A_8 = arith.constant 0 : i32
    %dma_start3A_9 = arith.constant 0 : i32
    %dma_start3A_10 = arith.constant 0 : i32
    %dma_start3A_11 = tpu.memref_slice %arg5[%dma_start3A_8, %dma_start3A_9, %dma_start3A_10] : memref<8x2x80xi32, #tpu.memory_space<vmem>> -> memref<1x2x80xi32, #tpu.memory_space<vmem>>
    %dma_start3A_12 = tpu.memref_squeeze %dma_start3A_11 : memref<1x2x80xi32, #tpu.memory_space<vmem>> -> memref<2x80xi32, #tpu.memory_space<vmem>>
    %dma_start3A_13 = arith.constant 0 : i32
    %dma_start3A_14 = arith.constant 0 : i32
    %dma_start3A_15 = tpu.memref_slice %arg3[%add3A, %dma_start3A, %dma_start3A_13, %dma_start3A_14] : memref<32x125x2x80xi32, #tpu.memory_space<hbm>> -> memref<1x1x2x80xi32, #tpu.memory_space<hbm>>
    %dma_start3A_16 = tpu.memref_squeeze %dma_start3A_15 : memref<1x1x2x80xi32, #tpu.memory_space<hbm>> -> memref<2x80xi32, #tpu.memory_space<hbm>>
    %dma_start3A_17 = arith.constant 0 : i32
    %dma_start3A_18 = arith.constant 0 : i32
    %dma_start3A_19 = tpu.memref_slice %arg5[%dma_start3A_8, %dma_start3A_17, %dma_start3A_18] : memref<8x2x80xi32, #tpu.memory_space<vmem>> -> memref<1x2x80xi32, #tpu.memory_space<vmem>>
    %dma_start3A_20 = tpu.memref_squeeze %dma_start3A_19 : memref<1x2x80xi32, #tpu.memory_space<vmem>> -> memref<2x80xi32, #tpu.memory_space<vmem>>
    %dma_start3A_21 = arith.constant 0 : i32
    %dma_start3A_22 = arith.constant 0 : i32
    %dma_start3A_23 = tpu.memref_slice %arg3[%add3A, %dma_start3A, %dma_start3A_21, %dma_start3A_22] : memref<32x125x2x80xi32, #tpu.memory_space<hbm>> -> memref<1x1x2x80xi32, #tpu.memory_space<hbm>>
    %dma_start3A_24 = tpu.memref_squeeze %dma_start3A_23 : memref<1x1x2x80xi32, #tpu.memory_space<hbm>> -> memref<2x80xi32, #tpu.memory_space<hbm>>
    tpu.enqueue_dma source(%dma_start3A_24 : memref<2x80xi32, #tpu.memory_space<hbm>>) target(%dma_start3A_20 : memref<2x80xi32, #tpu.memory_space<vmem>>) target_semaphore(%arg11 : memref<!tpu.dma_semaphore, #tpu.memory_space<semaphore_mem>>)
    %dma_start3A_25 = arith.constant 1 : i32
    %dma_start3A_26 = arith.constant 1 : i32
    %dma_start3A_27 = arith.constant 0 : i32
    %dma_start3A_28 = arith.constant 0 : i32
    %dma_start3A_29 = tpu.memref_slice %arg5[%dma_start3A_26, %dma_start3A_27, %dma_start3A_28] : memref<8x2x80xi32, #tpu.memory_space<vmem>> -> memref<1x2x80xi32, #tpu.memory_space<vmem>>
    %dma_start3A_30 = tpu.memref_squeeze %dma_start3A_29 : memref<1x2x80xi32, #tpu.memory_space<vmem>> -> memref<2x80xi32, #tpu.memory_space<vmem>>
    %dma_start3A_31 = arith.constant 0 : i32
    %dma_start3A_32 = arith.constant 0 : i32
    %dma_start3A_33 = tpu.memref_slice %arg3[%add3A, %dma_start3A_25, %dma_start3A_31, %dma_start3A_32] : memref<32x125x2x80xi32, #tpu.memory_space<hbm>> -> memref<1x1x2x80xi32, #tpu.memory_space<hbm>>
    %dma_start3A_34 = tpu.memref_squeeze %dma_start3A_33 : memref<1x1x2x80xi32, #tpu.memory_space<hbm>> -> memref<2x80xi32, #tpu.memory_space<hbm>>
    %dma_start3A_35 = arith.constant 0 : i32
    %dma_start3A_36 = arith.constant 0 : i32
    %dma_start3A_37 = tpu.memref_slice %arg5[%dma_start3A_26, %dma_start3A_35, %dma_start3A_36] : memref<8x2x80xi32, #tpu.memory_space<vmem>> -> memref<1x2x80xi32, #tpu.memory_space<vmem>>
    %dma_start3A_38 = tpu.memref_squeeze %dma_start3A_37 : memref<1x2x80xi32, #tpu.memory_space<vmem>> -> memref<2x80xi32, #tpu.memory_space<vmem>>
    %dma_start3A_39 = arith.constant 0 : i32
    %dma_start3A_40 = arith.constant 0 : i32
    %dma_start3A_41 = tpu.memref_slice %arg3[%add3A, %dma_start3A_25, %dma_start3A_39, %dma_start3A_40] : memref<32x125x2x80xi32, #tpu.memory_space<hbm>> -> memref<1x1x2x80xi32, #tpu.memory_space<hbm>>
    %dma_start3A_42 = tpu.memref_squeeze %dma_start3A_41 : memref<1x1x2x80xi32, #tpu.memory_space<hbm>> -> memref<2x80xi32, #tpu.memory_space<hbm>>
    tpu.enqueue_dma source(%dma_start3A_42 : memref<2x80xi32, #tpu.memory_space<hbm>>) target(%dma_start3A_38 : memref<2x80xi32, #tpu.memory_space<vmem>>) target_semaphore(%arg12 : memref<!tpu.dma_semaphore, #tpu.memory_space<semaphore_mem>>)
    %dma_start3A_43 = arith.constant 2 : i32
    %dma_start3A_44 = arith.constant 2 : i32
    %dma_start3A_45 = arith.constant 0 : i32
    %dma_start3A_46 = arith.constant 0 : i32
    %dma_start3A_47 = tpu.memref_slice %arg5[%dma_start3A_44, %dma_start3A_45, %dma_start3A_46] : memref<8x2x80xi32, #tpu.memory_space<vmem>> -> memref<1x2x80xi32, #tpu.memory_space<vmem>>
    %dma_start3A_48 = tpu.memref_squeeze %dma_start3A_47 : memref<1x2x80xi32, #tpu.memory_space<vmem>> -> memref<2x80xi32, #tpu.memory_space<vmem>>
    %dma_start3A_49 = arith.constant 0 : i32
    %dma_start3A_50 = arith.constant 0 : i32
    %dma_start3A_51 = tpu.memref_slice %arg3[%add3A, %dma_start3A_43, %dma_start3A_49, %dma_start3A_50] : memref<32x125x2x80xi32, #tpu.memory_space<hbm>> -> memref<1x1x2x80xi32, #tpu.memory_space<hbm>>
    %dma_start3A_52 = tpu.memref_squeeze %dma_start3A_51 : memref<1x1x2x80xi32, #tpu.memory_space<hbm>> -> memref<2x80xi32, #tpu.memory_space<hbm>>
    %dma_start3A_53 = arith.constant 0 : i32
    %dma_start3A_54 = arith.constant 0 : i32
    %dma_start3A_55 = tpu.memref_slice %arg5[%dma_start3A_44, %dma_start3A_53, %dma_start3A_54] : memref<8x2x80xi32, #tpu.memory_space<vmem>> -> memref<1x2x80xi32, #tpu.memory_space<vmem>>
    %dma_start3A_56 = tpu.memref_squeeze %dma_start3A_55 : memref<1x2x80xi32, #tpu.memory_space<vmem>> -> memref<2x80xi32, #tpu.memory_space<vmem>>
    %dma_start3A_57 = arith.constant 0 : i32
    %dma_start3A_58 = arith.constant 0 : i32
    %dma_start3A_59 = tpu.memref_slice %arg3[%add3A, %dma_start3A_43, %dma_start3A_57, %dma_start3A_58] : memref<32x125x2x80xi32, #tpu.memory_space<hbm>> -> memref<1x1x2x80xi32, #tpu.memory_space<hbm>>
    %dma_start3A_60 = tpu.memref_squeeze %dma_start3A_59 : memref<1x1x2x80xi32, #tpu.memory_space<hbm>> -> memref<2x80xi32, #tpu.memory_space<hbm>>
    tpu.enqueue_dma source(%dma_start3A_60 : memref<2x80xi32, #tpu.memory_space<hbm>>) target(%dma_start3A_56 : memref<2x80xi32, #tpu.memory_space<vmem>>) target_semaphore(%arg13 : memref<!tpu.dma_semaphore, #tpu.memory_space<semaphore_mem>>)
    %dma_start3A_61 = arith.constant 3 : i32
    %dma_start3A_62 = arith.constant 3 : i32
    %dma_start3A_63 = arith.constant 0 : i32
    %dma_start3A_64 = arith.constant 0 : i32
    %dma_start3A_65 = tpu.memref_slice %arg5[%dma_start3A_62, %dma_start3A_63, %dma_start3A_64] : memref<8x2x80xi32, #tpu.memory_space<vmem>> -> memref<1x2x80xi32, #tpu.memory_space<vmem>>
    %dma_start3A_66 = tpu.memref_squeeze %dma_start3A_65 : memref<1x2x80xi32, #tpu.memory_space<vmem>> -> memref<2x80xi32, #tpu.memory_space<vmem>>
    %dma_start3A_67 = arith.constant 0 : i32
    %dma_start3A_68 = arith.constant 0 : i32
    %dma_start3A_69 = tpu.memref_slice %arg3[%add3A, %dma_start3A_61, %dma_start3A_67, %dma_start3A_68] : memref<32x125x2x80xi32, #tpu.memory_space<hbm>> -> memref<1x1x2x80xi32, #tpu.memory_space<hbm>>
    %dma_start3A_70 = tpu.memref_squeeze %dma_start3A_69 : memref<1x1x2x80xi32, #tpu.memory_space<hbm>> -> memref<2x80xi32, #tpu.memory_space<hbm>>
    %dma_start3A_71 = arith.constant 0 : i32
    %dma_start3A_72 = arith.constant 0 : i32
    %dma_start3A_73 = tpu.memref_slice %arg5[%dma_start3A_62, %dma_start3A_71, %dma_start3A_72] : memref<8x2x80xi32, #tpu.memory_space<vmem>> -> memref<1x2x80xi32, #tpu.memory_space<vmem>>
    %dma_start3A_74 = tpu.memref_squeeze %dma_start3A_73 : memref<1x2x80xi32, #tpu.memory_space<vmem>> -> memref<2x80xi32, #tpu.memory_space<vmem>>
    %dma_start3A_75 = arith.constant 0 : i32
    %dma_start3A_76 = arith.constant 0 : i32
    %dma_start3A_77 = tpu.memref_slice %arg3[%add3A, %dma_start3A_61, %dma_start3A_75, %dma_start3A_76] : memref<32x125x2x80xi32, #tpu.memory_space<hbm>> -> memref<1x1x2x80xi32, #tpu.memory_space<hbm>>
    %dma_start3A_78 = tpu.memref_squeeze %dma_start3A_77 : memref<1x1x2x80xi32, #tpu.memory_space<hbm>> -> memref<2x80xi32, #tpu.memory_space<hbm>>
    tpu.enqueue_dma source(%dma_start3A_78 : memref<2x80xi32, #tpu.memory_space<hbm>>) target(%dma_start3A_74 : memref<2x80xi32, #tpu.memory_space<vmem>>) target_semaphore(%arg14 : memref<!tpu.dma_semaphore, #tpu.memory_space<semaphore_mem>>)
    %dma_start3A_79 = arith.constant 4 : i32
    %dma_start3A_80 = arith.constant 4 : i32
    %dma_start3A_81 = arith.constant 0 : i32
    %dma_start3A_82 = arith.constant 0 : i32
    %dma_start3A_83 = tpu.memref_slice %arg5[%dma_start3A_80, %dma_start3A_81, %dma_start3A_82] : memref<8x2x80xi32, #tpu.memory_space<vmem>> -> memref<1x2x80xi32, #tpu.memory_space<vmem>>
    %dma_start3A_84 = tpu.memref_squeeze %dma_start3A_83 : memref<1x2x80xi32, #tpu.memory_space<vmem>> -> memref<2x80xi32, #tpu.memory_space<vmem>>
    %dma_start3A_85 = arith.constant 0 : i32
    %dma_start3A_86 = arith.constant 0 : i32
    %dma_start3A_87 = tpu.memref_slice %arg3[%add3A, %dma_start3A_79, %dma_start3A_85, %dma_start3A_86] : memref<32x125x2x80xi32, #tpu.memory_space<hbm>> -> memref<1x1x2x80xi32, #tpu.memory_space<hbm>>
    %dma_start3A_88 = tpu.memref_squeeze %dma_start3A_87 : memref<1x1x2x80xi32, #tpu.memory_space<hbm>> -> memref<2x80xi32, #tpu.memory_space<hbm>>
    %dma_start3A_89 = arith.constant 0 : i32
    %dma_start3A_90 = arith.constant 0 : i32
    %dma_start3A_91 = tpu.memref_slice %arg5[%dma_start3A_80, %dma_start3A_89, %dma_start3A_90] : memref<8x2x80xi32, #tpu.memory_space<vmem>> -> memref<1x2x80xi32, #tpu.memory_space<vmem>>
    %dma_start3A_92 = tpu.memref_squeeze %dma_start3A_91 : memref<1x2x80xi32, #tpu.memory_space<vmem>> -> memref<2x80xi32, #tpu.memory_space<vmem>>
    %dma_start3A_93 = arith.constant 0 : i32
    %dma_start3A_94 = arith.constant 0 : i32
    %dma_start3A_95 = tpu.memref_slice %arg3[%add3A, %dma_start3A_79, %dma_start3A_93, %dma_start3A_94] : memref<32x125x2x80xi32, #tpu.memory_space<hbm>> -> memref<1x1x2x80xi32, #tpu.memory_space<hbm>>
    %dma_start3A_96 = tpu.memref_squeeze %dma_start3A_95 : memref<1x1x2x80xi32, #tpu.memory_space<hbm>> -> memref<2x80xi32, #tpu.memory_space<hbm>>
    tpu.enqueue_dma source(%dma_start3A_96 : memref<2x80xi32, #tpu.memory_space<hbm>>) target(%dma_start3A_92 : memref<2x80xi32, #tpu.memory_space<vmem>>) target_semaphore(%arg15 : memref<!tpu.dma_semaphore, #tpu.memory_space<semaphore_mem>>)
    %dma_start3A_97 = arith.constant 5 : i32
    %dma_start3A_98 = arith.constant 5 : i32
    %dma_start3A_99 = arith.constant 0 : i32
    %dma_start3A_100 = arith.constant 0 : i32
    %dma_start3A_101 = tpu.memref_slice %arg5[%dma_start3A_98, %dma_start3A_99, %dma_start3A_100] : memref<8x2x80xi32, #tpu.memory_space<vmem>> -> memref<1x2x80xi32, #tpu.memory_space<vmem>>
    %dma_start3A_102 = tpu.memref_squeeze %dma_start3A_101 : memref<1x2x80xi32, #tpu.memory_space<vmem>> -> memref<2x80xi32, #tpu.memory_space<vmem>>
    %dma_start3A_103 = arith.constant 0 : i32
    %dma_start3A_104 = arith.constant 0 : i32
    %dma_start3A_105 = tpu.memref_slice %arg3[%add3A, %dma_start3A_97, %dma_start3A_103, %dma_start3A_104] : memref<32x125x2x80xi32, #tpu.memory_space<hbm>> -> memref<1x1x2x80xi32, #tpu.memory_space<hbm>>
    %dma_start3A_106 = tpu.memref_squeeze %dma_start3A_105 : memref<1x1x2x80xi32, #tpu.memory_space<hbm>> -> memref<2x80xi32, #tpu.memory_space<hbm>>
    %dma_start3A_107 = arith.constant 0 : i32
    %dma_start3A_108 = arith.constant 0 : i32
    %dma_start3A_109 = tpu.memref_slice %arg5[%dma_start3A_98, %dma_start3A_107, %dma_start3A_108] : memref<8x2x80xi32, #tpu.memory_space<vmem>> -> memref<1x2x80xi32, #tpu.memory_space<vmem>>
    %dma_start3A_110 = tpu.memref_squeeze %dma_start3A_109 : memref<1x2x80xi32, #tpu.memory_space<vmem>> -> memref<2x80xi32, #tpu.memory_space<vmem>>
    %dma_start3A_111 = arith.constant 0 : i32
    %dma_start3A_112 = arith.constant 0 : i32
    %dma_start3A_113 = tpu.memref_slice %arg3[%add3A, %dma_start3A_97, %dma_start3A_111, %dma_start3A_112] : memref<32x125x2x80xi32, #tpu.memory_space<hbm>> -> memref<1x1x2x80xi32, #tpu.memory_space<hbm>>
    %dma_start3A_114 = tpu.memref_squeeze %dma_start3A_113 : memref<1x1x2x80xi32, #tpu.memory_space<hbm>> -> memref<2x80xi32, #tpu.memory_space<hbm>>
    tpu.enqueue_dma source(%dma_start3A_114 : memref<2x80xi32, #tpu.memory_space<hbm>>) target(%dma_start3A_110 : memref<2x80xi32, #tpu.memory_space<vmem>>) target_semaphore(%arg16 : memref<!tpu.dma_semaphore, #tpu.memory_space<semaphore_mem>>)
    %dma_wait3A = arith.constant 0 : i32
    %dma_wait3A_115 = arith.constant 0 : i32
    %dma_wait3A_116 = arith.constant 0 : i32
    %dma_wait3A_117 = arith.constant 0 : i32
    %dma_wait3A_118 = arith.constant 0 : i32
    %dma_wait3A_119 = tpu.memref_slice %arg5[%dma_wait3A_116, %dma_wait3A_117, %dma_wait3A_118] : memref<8x2x80xi32, #tpu.memory_space<vmem>> -> memref<1x2x80xi32, #tpu.memory_space<vmem>>
    %dma_wait3A_120 = tpu.memref_squeeze %dma_wait3A_119 : memref<1x2x80xi32, #tpu.memory_space<vmem>> -> memref<2x80xi32, #tpu.memory_space<vmem>>
    %dma_wait3A_121 = arith.constant 0 : i32
    %dma_wait3A_122 = arith.constant 0 : i32
    %dma_wait3A_123 = tpu.memref_slice %arg3[%dma_wait3A, %dma_wait3A_115, %dma_wait3A_121, %dma_wait3A_122] : memref<32x125x2x80xi32, #tpu.memory_space<hbm>> -> memref<1x1x2x80xi32, #tpu.memory_space<hbm>>
    %dma_wait3A_124 = tpu.memref_squeeze %dma_wait3A_123 : memref<1x1x2x80xi32, #tpu.memory_space<hbm>> -> memref<2x80xi32, #tpu.memory_space<hbm>>
    %dma_wait3A_125 = arith.constant 0 : i32
    %dma_wait3A_126 = arith.constant 0 : i32
    %dma_wait3A_127 = tpu.memref_slice %arg5[%dma_wait3A_116, %dma_wait3A_125, %dma_wait3A_126] : memref<8x2x80xi32, #tpu.memory_space<vmem>> -> memref<1x2x80xi32, #tpu.memory_space<vmem>>
    %dma_wait3A_128 = tpu.memref_squeeze %dma_wait3A_127 : memref<1x2x80xi32, #tpu.memory_space<vmem>> -> memref<2x80xi32, #tpu.memory_space<vmem>>
    %dma_wait3A_129 = arith.constant 0 : i32
    %dma_wait3A_130 = arith.constant 0 : i32
    %dma_wait3A_131 = tpu.memref_slice %arg3[%dma_wait3A, %dma_wait3A_115, %dma_wait3A_129, %dma_wait3A_130] : memref<32x125x2x80xi32, #tpu.memory_space<hbm>> -> memref<1x1x2x80xi32, #tpu.memory_space<hbm>>
    %dma_wait3A_132 = tpu.memref_squeeze %dma_wait3A_131 : memref<1x1x2x80xi32, #tpu.memory_space<hbm>> -> memref<2x80xi32, #tpu.memory_space<hbm>>
    tpu.wait_dma2 semaphore(%arg11 : memref<!tpu.dma_semaphore, #tpu.memory_space<semaphore_mem>>) src(%dma_wait3A_132 : memref<2x80xi32, #tpu.memory_space<hbm>>) dst(%dma_wait3A_128 : memref<2x80xi32, #tpu.memory_space<vmem>>)
    %dma_start3A_133 = arith.constant 0 : i32
    %dma_start3A_134 = arith.constant 0 : i32
    %dma_start3A_135 = arith.constant 0 : i32
    %dma_start3A_136 = tpu.memref_slice %arg5[%dma_start3A_133, %dma_start3A_134, %dma_start3A_135] : memref<8x2x80xi32, #tpu.memory_space<vmem>> -> memref<1x1x80xi32, #tpu.memory_space<vmem>>
    %dma_start3A_137 = tpu.memref_squeeze %dma_start3A_136 : memref<1x1x80xi32, #tpu.memory_space<vmem>> -> memref<80xi32, #tpu.memory_space<vmem>>
    %dma_start3A_138 = arith.constant 0 : i32
    %dma_start3A_139 = arith.constant 0 : i32
    %dma_start3A_140 = tpu.memref_slice %arg2[%dma_start3A_138, %dma_start3A_139] : memref<10000x128xf32, #tpu.memory_space<hbm>> -> memref<10000x128xf32, #tpu.memory_space<hbm>>
    tpu.enqueue_indirect_dma source(%dma_start3A_140 : memref<10000x128xf32, #tpu.memory_space<hbm>>) target(%arg6 : memref<80x128xf32, #tpu.memory_space<vmem>>) offsets(%dma_start3A_137 : memref<80xi32, #tpu.memory_space<vmem>>) semaphore(%arg19 : memref<!tpu.dma_semaphore, #tpu.memory_space<semaphore_mem>>)
    %dma_wait3A_141 = arith.constant 0 : i32
    %dma_wait3A_142 = arith.constant 0 : i32
    %dma_wait3A_143 = arith.constant 1 : i32
    %dma_wait3A_144 = arith.constant 0 : i32
    %dma_wait3A_145 = arith.constant 0 : i32
    %dma_wait3A_146 = tpu.memref_slice %arg5[%dma_wait3A_143, %dma_wait3A_144, %dma_wait3A_145] : memref<8x2x80xi32, #tpu.memory_space<vmem>> -> memref<1x2x80xi32, #tpu.memory_space<vmem>>
    %dma_wait3A_147 = tpu.memref_squeeze %dma_wait3A_146 : memref<1x2x80xi32, #tpu.memory_space<vmem>> -> memref<2x80xi32, #tpu.memory_space<vmem>>
    %dma_wait3A_148 = arith.constant 0 : i32
    %dma_wait3A_149 = arith.constant 0 : i32
    %dma_wait3A_150 = tpu.memref_slice %arg3[%dma_wait3A_141, %dma_wait3A_142, %dma_wait3A_148, %dma_wait3A_149] : memref<32x125x2x80xi32, #tpu.memory_space<hbm>> -> memref<1x1x2x80xi32, #tpu.memory_space<hbm>>
    %dma_wait3A_151 = tpu.memref_squeeze %dma_wait3A_150 : memref<1x1x2x80xi32, #tpu.memory_space<hbm>> -> memref<2x80xi32, #tpu.memory_space<hbm>>
    %dma_wait3A_152 = arith.constant 0 : i32
    %dma_wait3A_153 = arith.constant 0 : i32
    %dma_wait3A_154 = tpu.memref_slice %arg5[%dma_wait3A_143, %dma_wait3A_152, %dma_wait3A_153] : memref<8x2x80xi32, #tpu.memory_space<vmem>> -> memref<1x2x80xi32, #tpu.memory_space<vmem>>
    %dma_wait3A_155 = tpu.memref_squeeze %dma_wait3A_154 : memref<1x2x80xi32, #tpu.memory_space<vmem>> -> memref<2x80xi32, #tpu.memory_space<vmem>>
    %dma_wait3A_156 = arith.constant 0 : i32
    %dma_wait3A_157 = arith.constant 0 : i32
    %dma_wait3A_158 = tpu.memref_slice %arg3[%dma_wait3A_141, %dma_wait3A_142, %dma_wait3A_156, %dma_wait3A_157] : memref<32x125x2x80xi32, #tpu.memory_space<hbm>> -> memref<1x1x2x80xi32, #tpu.memory_space<hbm>>
    %dma_wait3A_159 = tpu.memref_squeeze %dma_wait3A_158 : memref<1x1x2x80xi32, #tpu.memory_space<hbm>> -> memref<2x80xi32, #tpu.memory_space<hbm>>
    tpu.wait_dma2 semaphore(%arg12 : memref<!tpu.dma_semaphore, #tpu.memory_space<semaphore_mem>>) src(%dma_wait3A_159 : memref<2x80xi32, #tpu.memory_space<hbm>>) dst(%dma_wait3A_155 : memref<2x80xi32, #tpu.memory_space<vmem>>)
    %dma_start3A_160 = arith.constant 1 : i32
    %dma_start3A_161 = arith.constant 0 : i32
    %dma_start3A_162 = arith.constant 0 : i32
    %dma_start3A_163 = tpu.memref_slice %arg5[%dma_start3A_160, %dma_start3A_161, %dma_start3A_162] : memref<8x2x80xi32, #tpu.memory_space<vmem>> -> memref<1x1x80xi32, #tpu.memory_space<vmem>>
    %dma_start3A_164 = tpu.memref_squeeze %dma_start3A_163 : memref<1x1x80xi32, #tpu.memory_space<vmem>> -> memref<80xi32, #tpu.memory_space<vmem>>
    %dma_start3A_165 = arith.constant 0 : i32
    %dma_start3A_166 = arith.constant 0 : i32
    %dma_start3A_167 = tpu.memref_slice %arg2[%dma_start3A_165, %dma_start3A_166] : memref<10000x128xf32, #tpu.memory_space<hbm>> -> memref<10000x128xf32, #tpu.memory_space<hbm>>
    tpu.enqueue_indirect_dma source(%dma_start3A_167 : memref<10000x128xf32, #tpu.memory_space<hbm>>) target(%arg7 : memref<80x128xf32, #tpu.memory_space<vmem>>) offsets(%dma_start3A_164 : memref<80xi32, #tpu.memory_space<vmem>>) semaphore(%arg20 : memref<!tpu.dma_semaphore, #tpu.memory_space<semaphore_mem>>)
    %dma_wait3A_168 = arith.constant 0 : i32
    %dma_wait3A_169 = arith.constant 0 : i32
    %dma_wait3A_170 = arith.constant 2 : i32
    %dma_wait3A_171 = arith.constant 0 : i32
    %dma_wait3A_172 = arith.constant 0 : i32
    %dma_wait3A_173 = tpu.memref_slice %arg5[%dma_wait3A_170, %dma_wait3A_171, %dma_wait3A_172] : memref<8x2x80xi32, #tpu.memory_space<vmem>> -> memref<1x2x80xi32, #tpu.memory_space<vmem>>
    %dma_wait3A_174 = tpu.memref_squeeze %dma_wait3A_173 : memref<1x2x80xi32, #tpu.memory_space<vmem>> -> memref<2x80xi32, #tpu.memory_space<vmem>>
    %dma_wait3A_175 = arith.constant 0 : i32
    %dma_wait3A_176 = arith.constant 0 : i32
    %dma_wait3A_177 = tpu.memref_slice %arg3[%dma_wait3A_168, %dma_wait3A_169, %dma_wait3A_175, %dma_wait3A_176] : memref<32x125x2x80xi32, #tpu.memory_space<hbm>> -> memref<1x1x2x80xi32, #tpu.memory_space<hbm>>
    %dma_wait3A_178 = tpu.memref_squeeze %dma_wait3A_177 : memref<1x1x2x80xi32, #tpu.memory_space<hbm>> -> memref<2x80xi32, #tpu.memory_space<hbm>>
    %dma_wait3A_179 = arith.constant 0 : i32
    %dma_wait3A_180 = arith.constant 0 : i32
    %dma_wait3A_181 = tpu.memref_slice %arg5[%dma_wait3A_170, %dma_wait3A_179, %dma_wait3A_180] : memref<8x2x80xi32, #tpu.memory_space<vmem>> -> memref<1x2x80xi32, #tpu.memory_space<vmem>>
    %dma_wait3A_182 = tpu.memref_squeeze %dma_wait3A_181 : memref<1x2x80xi32, #tpu.memory_space<vmem>> -> memref<2x80xi32, #tpu.memory_space<vmem>>
    %dma_wait3A_183 = arith.constant 0 : i32
    %dma_wait3A_184 = arith.constant 0 : i32
    %dma_wait3A_185 = tpu.memref_slice %arg3[%dma_wait3A_168, %dma_wait3A_169, %dma_wait3A_183, %dma_wait3A_184] : memref<32x125x2x80xi32, #tpu.memory_space<hbm>> -> memref<1x1x2x80xi32, #tpu.memory_space<hbm>>
    %dma_wait3A_186 = tpu.memref_squeeze %dma_wait3A_185 : memref<1x1x2x80xi32, #tpu.memory_space<hbm>> -> memref<2x80xi32, #tpu.memory_space<hbm>>
    tpu.wait_dma2 semaphore(%arg13 : memref<!tpu.dma_semaphore, #tpu.memory_space<semaphore_mem>>) src(%dma_wait3A_186 : memref<2x80xi32, #tpu.memory_space<hbm>>) dst(%dma_wait3A_182 : memref<2x80xi32, #tpu.memory_space<vmem>>)
    %dma_start3A_187 = arith.constant 2 : i32
    %dma_start3A_188 = arith.constant 0 : i32
    %dma_start3A_189 = arith.constant 0 : i32
    %dma_start3A_190 = tpu.memref_slice %arg5[%dma_start3A_187, %dma_start3A_188, %dma_start3A_189] : memref<8x2x80xi32, #tpu.memory_space<vmem>> -> memref<1x1x80xi32, #tpu.memory_space<vmem>>
    %dma_start3A_191 = tpu.memref_squeeze %dma_start3A_190 : memref<1x1x80xi32, #tpu.memory_space<vmem>> -> memref<80xi32, #tpu.memory_space<vmem>>
    %dma_start3A_192 = arith.constant 0 : i32
    %dma_start3A_193 = arith.constant 0 : i32
    %dma_start3A_194 = tpu.memref_slice %arg2[%dma_start3A_192, %dma_start3A_193] : memref<10000x128xf32, #tpu.memory_space<hbm>> -> memref<10000x128xf32, #tpu.memory_space<hbm>>
    tpu.enqueue_indirect_dma source(%dma_start3A_194 : memref<10000x128xf32, #tpu.memory_space<hbm>>) target(%arg8 : memref<80x128xf32, #tpu.memory_space<vmem>>) offsets(%dma_start3A_191 : memref<80xi32, #tpu.memory_space<vmem>>) semaphore(%arg21 : memref<!tpu.dma_semaphore, #tpu.memory_space<semaphore_mem>>)
    %eq3A_195 = arith.constant 0 : i32
    %eq3A_196 = arith.cmpi eq, %arg0, %eq3A_195 : i32
    %convert_element_type3A_197 = arith.extui %eq3A_196 : i1 to i32
    %cond3A_198 = arith.constant 0 : i32
    %cond3A_199 = arith.cmpi ne, %convert_element_type3A_197, %cond3A_198 : i32
    scf.if %cond3A_199 {
      %mul3A_421 = arith.constant 624 : i32
      %mul3A_422 = arith.muli %arg1, %mul3A_421 : i32
      %dma_wait3A_423 = arith.constant 0 : i32
      %dma_wait3A_424 = tpu.memref_slice %arg10[%mul3A_422, %dma_wait3A_423] : memref<10000x128xf32, #tpu.memory_space<vmem_shared>> -> memref<624x128xf32, #tpu.memory_space<vmem_shared>>
      %dma_wait3A_425 = arith.constant 0 : i32
      %dma_wait3A_426 = arith.constant 0 : i32
      %dma_wait3A_427 = tpu.memref_slice %arg2[%dma_wait3A_425, %dma_wait3A_426] : memref<10000x128xf32, #tpu.memory_space<hbm>> -> memref<624x128xf32, #tpu.memory_space<hbm>>
      tpu.wait_dma2 semaphore(%arg27 : memref<!tpu.dma_semaphore, #tpu.memory_space<semaphore_mem>>) src(%dma_wait3A_427 : memref<624x128xf32, #tpu.memory_space<hbm>>) dst(%dma_wait3A_424 : memref<624x128xf32, #tpu.memory_space<vmem_shared>>)
    } else {
    }
    %eq3A_200 = arith.constant 1 : i32
    %eq3A_201 = arith.cmpi eq, %arg0, %eq3A_200 : i32
    %convert_element_type3A_202 = arith.extui %eq3A_201 : i1 to i32
    %cond3A_203 = arith.constant 0 : i32
    %cond3A_204 = arith.cmpi ne, %convert_element_type3A_202, %cond3A_203 : i32
    scf.if %cond3A_204 {
      %dma_wait3A_421 = arith.constant 0 : i32
      %dma_wait3A_422 = arith.constant 0 : i32
      %dma_wait3A_423 = tpu.memref_slice %arg2[%dma_wait3A_421, %dma_wait3A_422] : memref<10000x128xf32, #tpu.memory_space<hbm>> -> memref<80x128xf32, #tpu.memory_space<hbm>>
      %dma_wait3A_424 = arith.constant 0 : i32
      %dma_wait3A_425 = arith.constant 0 : i32
      %dma_wait3A_426 = tpu.memref_slice %arg2[%dma_wait3A_424, %dma_wait3A_425] : memref<10000x128xf32, #tpu.memory_space<hbm>> -> memref<80x128xf32, #tpu.memory_space<hbm>>
      tpu.wait_dma2 semaphore(%arg27 : memref<!tpu.dma_semaphore, #tpu.memory_space<semaphore_mem>>) src(%dma_wait3A_426 : memref<80x128xf32, #tpu.memory_space<hbm>>) dst(%arg9 : memref<80x128xf32, #tpu.memory_space<vmem>>)
      %dma_wait3A_427 = arith.constant 0 : i32
      %dma_wait3A_428 = arith.constant 0 : i32
      %dma_wait3A_429 = tpu.memref_slice %arg2[%dma_wait3A_427, %dma_wait3A_428] : memref<10000x128xf32, #tpu.memory_space<hbm>> -> memref<80x128xf32, #tpu.memory_space<hbm>>
      %dma_wait3A_430 = arith.constant 0 : i32
      %dma_wait3A_431 = arith.constant 0 : i32
      %dma_wait3A_432 = tpu.memref_slice %arg2[%dma_wait3A_430, %dma_wait3A_431] : memref<10000x128xf32, #tpu.memory_space<hbm>> -> memref<80x128xf32, #tpu.memory_space<hbm>>
      tpu.wait_dma2 semaphore(%arg27 : memref<!tpu.dma_semaphore, #tpu.memory_space<semaphore_mem>>) src(%dma_wait3A_432 : memref<80x128xf32, #tpu.memory_space<hbm>>) dst(%arg9 : memref<80x128xf32, #tpu.memory_space<vmem>>)
      %dma_wait3A_433 = arith.constant 0 : i32
      %dma_wait3A_434 = arith.constant 0 : i32
      %dma_wait3A_435 = tpu.memref_slice %arg2[%dma_wait3A_433, %dma_wait3A_434] : memref<10000x128xf32, #tpu.memory_space<hbm>> -> memref<80x128xf32, #tpu.memory_space<hbm>>
      %dma_wait3A_436 = arith.constant 0 : i32
      %dma_wait3A_437 = arith.constant 0 : i32
      %dma_wait3A_438 = tpu.memref_slice %arg2[%dma_wait3A_436, %dma_wait3A_437] : memref<10000x128xf32, #tpu.memory_space<hbm>> -> memref<80x128xf32, #tpu.memory_space<hbm>>
      tpu.wait_dma2 semaphore(%arg27 : memref<!tpu.dma_semaphore, #tpu.memory_space<semaphore_mem>>) src(%dma_wait3A_438 : memref<80x128xf32, #tpu.memory_space<hbm>>) dst(%arg9 : memref<80x128xf32, #tpu.memory_space<vmem>>)
      %dma_wait3A_439 = arith.constant 0 : i32
      %dma_wait3A_440 = arith.constant 0 : i32
      %dma_wait3A_441 = tpu.memref_slice %arg2[%dma_wait3A_439, %dma_wait3A_440] : memref<10000x128xf32, #tpu.memory_space<hbm>> -> memref<80x128xf32, #tpu.memory_space<hbm>>
      %dma_wait3A_442 = arith.constant 0 : i32
      %dma_wait3A_443 = arith.constant 0 : i32
      %dma_wait3A_444 = tpu.memref_slice %arg2[%dma_wait3A_442, %dma_wait3A_443] : memref<10000x128xf32, #tpu.memory_space<hbm>> -> memref<80x128xf32, #tpu.memory_space<hbm>>
      tpu.wait_dma2 semaphore(%arg27 : memref<!tpu.dma_semaphore, #tpu.memory_space<semaphore_mem>>) src(%dma_wait3A_444 : memref<80x128xf32, #tpu.memory_space<hbm>>) dst(%arg9 : memref<80x128xf32, #tpu.memory_space<vmem>>)
      %dma_wait3A_445 = arith.constant 0 : i32
      %dma_wait3A_446 = arith.constant 0 : i32
      %dma_wait3A_447 = tpu.memref_slice %arg2[%dma_wait3A_445, %dma_wait3A_446] : memref<10000x128xf32, #tpu.memory_space<hbm>> -> memref<80x128xf32, #tpu.memory_space<hbm>>
      %dma_wait3A_448 = arith.constant 0 : i32
      %dma_wait3A_449 = arith.constant 0 : i32
      %dma_wait3A_450 = tpu.memref_slice %arg2[%dma_wait3A_448, %dma_wait3A_449] : memref<10000x128xf32, #tpu.memory_space<hbm>> -> memref<80x128xf32, #tpu.memory_space<hbm>>
      tpu.wait_dma2 semaphore(%arg27 : memref<!tpu.dma_semaphore, #tpu.memory_space<semaphore_mem>>) src(%dma_wait3A_450 : memref<80x128xf32, #tpu.memory_space<hbm>>) dst(%arg9 : memref<80x128xf32, #tpu.memory_space<vmem>>)
      %dma_wait3A_451 = arith.constant 0 : i32
      %dma_wait3A_452 = arith.constant 0 : i32
      %dma_wait3A_453 = tpu.memref_slice %arg2[%dma_wait3A_451, %dma_wait3A_452] : memref<10000x128xf32, #tpu.memory_space<hbm>> -> memref<80x128xf32, #tpu.memory_space<hbm>>
      %dma_wait3A_454 = arith.constant 0 : i32
      %dma_wait3A_455 = arith.constant 0 : i32
      %dma_wait3A_456 = tpu.memref_slice %arg2[%dma_wait3A_454, %dma_wait3A_455] : memref<10000x128xf32, #tpu.memory_space<hbm>> -> memref<80x128xf32, #tpu.memory_space<hbm>>
      tpu.wait_dma2 semaphore(%arg27 : memref<!tpu.dma_semaphore, #tpu.memory_space<semaphore_mem>>) src(%dma_wait3A_456 : memref<80x128xf32, #tpu.memory_space<hbm>>) dst(%arg9 : memref<80x128xf32, #tpu.memory_space<vmem>>)
      %dma_wait3A_457 = arith.constant 0 : i32
      %dma_wait3A_458 = arith.constant 0 : i32
      %dma_wait3A_459 = tpu.memref_slice %arg2[%dma_wait3A_457, %dma_wait3A_458] : memref<10000x128xf32, #tpu.memory_space<hbm>> -> memref<80x128xf32, #tpu.memory_space<hbm>>
      %dma_wait3A_460 = arith.constant 0 : i32
      %dma_wait3A_461 = arith.constant 0 : i32
      %dma_wait3A_462 = tpu.memref_slice %arg2[%dma_wait3A_460, %dma_wait3A_461] : memref<10000x128xf32, #tpu.memory_space<hbm>> -> memref<80x128xf32, #tpu.memory_space<hbm>>
      tpu.wait_dma2 semaphore(%arg27 : memref<!tpu.dma_semaphore, #tpu.memory_space<semaphore_mem>>) src(%dma_wait3A_462 : memref<80x128xf32, #tpu.memory_space<hbm>>) dst(%arg9 : memref<80x128xf32, #tpu.memory_space<vmem>>)
      %dma_wait3A_463 = arith.constant 0 : i32
      %dma_wait3A_464 = arith.constant 0 : i32
      %dma_wait3A_465 = tpu.memref_slice %arg9[%dma_wait3A_463, %dma_wait3A_464] : memref<80x128xf32, #tpu.memory_space<vmem>> -> memref<64x128xf32, #tpu.memory_space<vmem>>
      %dma_wait3A_466 = arith.constant 0 : i32
      %dma_wait3A_467 = arith.constant 0 : i32
      %dma_wait3A_468 = tpu.memref_slice %arg2[%dma_wait3A_466, %dma_wait3A_467] : memref<10000x128xf32, #tpu.memory_space<hbm>> -> memref<64x128xf32, #tpu.memory_space<hbm>>
      %dma_wait3A_469 = arith.constant 0 : i32
      %dma_wait3A_470 = arith.constant 0 : i32
      %dma_wait3A_471 = tpu.memref_slice %arg9[%dma_wait3A_469, %dma_wait3A_470] : memref<80x128xf32, #tpu.memory_space<vmem>> -> memref<64x128xf32, #tpu.memory_space<vmem>>
      %dma_wait3A_472 = arith.constant 0 : i32
      %dma_wait3A_473 = arith.constant 0 : i32
      %dma_wait3A_474 = tpu.memref_slice %arg2[%dma_wait3A_472, %dma_wait3A_473] : memref<10000x128xf32, #tpu.memory_space<hbm>> -> memref<64x128xf32, #tpu.memory_space<hbm>>
      tpu.wait_dma2 semaphore(%arg27 : memref<!tpu.dma_semaphore, #tpu.memory_space<semaphore_mem>>) src(%dma_wait3A_474 : memref<64x128xf32, #tpu.memory_space<hbm>>) dst(%dma_wait3A_471 : memref<64x128xf32, #tpu.memory_space<vmem>>)
    } else {
    }
    %eq3A_205 = arith.constant 0 : i32
    %eq3A_206 = arith.cmpi eq, %arg1, %eq3A_205 : i32
    %convert_element_type3A_207 = arith.extui %eq3A_206 : i1 to i32
    %cond3A_208 = arith.constant 0 : i32
    %cond3A_209 = arith.cmpi ne, %convert_element_type3A_207, %cond3A_208 : i32
    scf.if %cond3A_209 {
      %dma_wait3A_421 = arith.constant 9984 : i32
      %dma_wait3A_422 = arith.constant 0 : i32
      %dma_wait3A_423 = tpu.memref_slice %arg10[%dma_wait3A_421, %dma_wait3A_422] : memref<10000x128xf32, #tpu.memory_space<vmem_shared>> -> memref<16x128xf32, #tpu.memory_space<vmem_shared>>
      %dma_wait3A_424 = arith.constant 0 : i32
      %dma_wait3A_425 = arith.constant 0 : i32
      %dma_wait3A_426 = tpu.memref_slice %arg2[%dma_wait3A_424, %dma_wait3A_425] : memref<10000x128xf32, #tpu.memory_space<hbm>> -> memref<16x128xf32, #tpu.memory_space<hbm>>
      tpu.wait_dma2 semaphore(%arg28 : memref<!tpu.dma_semaphore, #tpu.memory_space<semaphore_mem>>) src(%dma_wait3A_426 : memref<16x128xf32, #tpu.memory_space<hbm>>) dst(%dma_wait3A_423 : memref<16x128xf32, #tpu.memory_space<vmem_shared>>)
    } else {
    }
    %barrier3A = arith.constant 0 : index
    tpu.barrier barrier_id(%barrier3A)
    %scan3A = arith.constant 0 : i32
    %scan3A_210 = arith.constant 0 : i32
    %scan3A_211 = arith.constant 15 : i32
    %scan3A_212 = arith.addi %scan3A_210, %scan3A_211 : i32
    %scan3A_213 = arith.constant 1 : i32
    scf.for %scan3A_421 = %scan3A_210 to %scan3A_212 step %scan3A_213  : i32 {
      %mul3A_422 = arith.constant 8 : i32
      %mul3A_423 = arith.muli %mul3A_422, %scan3A_421 : i32
      %add3A_424 = arith.constant 0 : i32
      %add3A_425 = arith.addi %mul3A_423, %add3A_424 : i32
      %dma_wait3A_426 = arith.constant 0 : i32
      %dma_wait3A_427 = arith.constant 0 : i32
      %dma_wait3A_428 = tpu.memref_slice %arg2[%dma_wait3A_426, %dma_wait3A_427] : memref<10000x128xf32, #tpu.memory_space<hbm>> -> memref<80x128xf32, #tpu.memory_space<hbm>>
      %dma_wait3A_429 = arith.constant 0 : i32
      %dma_wait3A_430 = arith.constant 0 : i32
      %dma_wait3A_431 = tpu.memref_slice %arg2[%dma_wait3A_429, %dma_wait3A_430] : memref<10000x128xf32, #tpu.memory_space<hbm>> -> memref<80x128xf32, #tpu.memory_space<hbm>>
      tpu.wait_dma2 semaphore(%arg19 : memref<!tpu.dma_semaphore, #tpu.memory_space<semaphore_mem>>) src(%dma_wait3A_431 : memref<80x128xf32, #tpu.memory_space<hbm>>) dst(%arg6 : memref<80x128xf32, #tpu.memory_space<vmem>>)
      %dma_start3A_432 = arith.constant 0 : i32
      %dma_start3A_433 = arith.constant 1 : i32
      %dma_start3A_434 = arith.constant 0 : i32
      %dma_start3A_435 = tpu.memref_slice %arg5[%dma_start3A_432, %dma_start3A_433, %dma_start3A_434] : memref<8x2x80xi32, #tpu.memory_space<vmem>> -> memref<1x1x80xi32, #tpu.memory_space<vmem>>
      %dma_start3A_436 = tpu.memref_squeeze %dma_start3A_435 : memref<1x1x80xi32, #tpu.memory_space<vmem>> -> memref<80xi32, #tpu.memory_space<vmem>>
      %dma_start3A_437 = arith.constant 0 : i32
      %dma_start3A_438 = arith.constant 0 : i32
      %dma_start3A_439 = tpu.memref_slice %arg10[%dma_start3A_437, %dma_start3A_438] : memref<10000x128xf32, #tpu.memory_space<vmem_shared>> -> memref<10000x128xf32, #tpu.memory_space<vmem_shared>>
      tpu.enqueue_indirect_dma source(%arg6 : memref<80x128xf32, #tpu.memory_space<vmem>>) target(%dma_start3A_439 : memref<10000x128xf32, #tpu.memory_space<vmem_shared>>) offsets(%dma_start3A_436 : memref<80xi32, #tpu.memory_space<vmem>>) semaphore(%arg23 : memref<!tpu.dma_semaphore, #tpu.memory_space<semaphore_mem>>) {add = true}
      %add3A_440 = arith.constant 2 : i32
      %add3A_441 = arith.addi %add3A_425, %add3A_440 : i32
      %lt3A = arith.constant 125 : i32
      %lt3A_442 = arith.cmpi slt, %add3A_441, %lt3A : i32
      %convert_element_type3A_443 = arith.extui %lt3A_442 : i1 to i32
      %cond3A_444 = arith.constant 0 : i32
      %cond3A_445 = arith.cmpi ne, %convert_element_type3A_443, %cond3A_444 : i32
      scf.if %cond3A_445 {
        %ge3A = arith.constant 2 : i32
        %ge3A_663 = arith.cmpi sge, %add3A_425, %ge3A : i32
        %convert_element_type3A_664 = arith.extui %ge3A_663 : i1 to i32
        %cond3A_665 = arith.constant 0 : i32
        %cond3A_666 = arith.cmpi ne, %convert_element_type3A_664, %cond3A_665 : i32
        scf.if %cond3A_666 {
          %dma_wait3A_672 = arith.constant 0 : i32
          %dma_wait3A_673 = arith.constant 0 : i32
          %dma_wait3A_674 = tpu.memref_slice %arg2[%dma_wait3A_672, %dma_wait3A_673] : memref<10000x128xf32, #tpu.memory_space<hbm>> -> memref<80x128xf32, #tpu.memory_space<hbm>>
          %dma_wait3A_675 = arith.constant 0 : i32
          %dma_wait3A_676 = arith.constant 0 : i32
          %dma_wait3A_677 = tpu.memref_slice %arg2[%dma_wait3A_675, %dma_wait3A_676] : memref<10000x128xf32, #tpu.memory_space<hbm>> -> memref<80x128xf32, #tpu.memory_space<hbm>>
          tpu.wait_dma2 semaphore(%arg25 : memref<!tpu.dma_semaphore, #tpu.memory_space<semaphore_mem>>) src(%dma_wait3A_677 : memref<80x128xf32, #tpu.memory_space<hbm>>) dst(%arg8 : memref<80x128xf32, #tpu.memory_space<vmem>>)
        } else {
        }
        %ge3A_667 = arith.constant 1 : i32
        %ge3A_668 = arith.cmpi sge, %add3A_425, %ge3A_667 : i32
        %convert_element_type3A_669 = arith.extui %ge3A_668 : i1 to i32
        %cond3A_670 = arith.constant 0 : i32
        %cond3A_671 = arith.cmpi ne, %convert_element_type3A_669, %cond3A_670 : i32
        scf.if %cond3A_671 {
          %dma_wait3A_672 = arith.constant 0 : i32
          %dma_wait3A_673 = arith.constant 0 : i32
          %dma_wait3A_674 = arith.constant 2 : i32
          %dma_wait3A_675 = arith.constant 0 : i32
          %dma_wait3A_676 = arith.constant 0 : i32
          %dma_wait3A_677 = tpu.memref_slice %arg5[%dma_wait3A_674, %dma_wait3A_675, %dma_wait3A_676] : memref<8x2x80xi32, #tpu.memory_space<vmem>> -> memref<1x2x80xi32, #tpu.memory_space<vmem>>
          %dma_wait3A_678 = tpu.memref_squeeze %dma_wait3A_677 : memref<1x2x80xi32, #tpu.memory_space<vmem>> -> memref<2x80xi32, #tpu.memory_space<vmem>>
          %dma_wait3A_679 = arith.constant 0 : i32
          %dma_wait3A_680 = arith.constant 0 : i32
          %dma_wait3A_681 = tpu.memref_slice %arg3[%dma_wait3A_672, %dma_wait3A_673, %dma_wait3A_679, %dma_wait3A_680] : memref<32x125x2x80xi32, #tpu.memory_space<hbm>> -> memref<1x1x2x80xi32, #tpu.memory_space<hbm>>
          %dma_wait3A_682 = tpu.memref_squeeze %dma_wait3A_681 : memref<1x1x2x80xi32, #tpu.memory_space<hbm>> -> memref<2x80xi32, #tpu.memory_space<hbm>>
          %dma_wait3A_683 = arith.constant 0 : i32
          %dma_wait3A_684 = arith.constant 0 : i32
          %dma_wait3A_685 = tpu.memref_slice %arg5[%dma_wait3A_674, %dma_wait3A_683, %dma_wait3A_684] : memref<8x2x80xi32, #tpu.memory_space<vmem>> -> memref<1x2x80xi32, #tpu.memory_space<vmem>>
          %dma_wait3A_686 = tpu.memref_squeeze %dma_wait3A_685 : memref<1x2x80xi32, #tpu.memory_space<vmem>> -> memref<2x80xi32, #tpu.memory_space<vmem>>
          %dma_wait3A_687 = arith.constant 0 : i32
          %dma_wait3A_688 = arith.constant 0 : i32
          %dma_wait3A_689 = tpu.memref_slice %arg3[%dma_wait3A_672, %dma_wait3A_673, %dma_wait3A_687, %dma_wait3A_688] : memref<32x125x2x80xi32, #tpu.memory_space<hbm>> -> memref<1x1x2x80xi32, #tpu.memory_space<hbm>>
          %dma_wait3A_690 = tpu.memref_squeeze %dma_wait3A_689 : memref<1x1x2x80xi32, #tpu.memory_space<hbm>> -> memref<2x80xi32, #tpu.memory_space<hbm>>
          tpu.wait_dma2 semaphore(%arg13 : memref<!tpu.dma_semaphore, #tpu.memory_space<semaphore_mem>>) src(%dma_wait3A_690 : memref<2x80xi32, #tpu.memory_space<hbm>>) dst(%dma_wait3A_686 : memref<2x80xi32, #tpu.memory_space<vmem>>)
          %dma_start3A_691 = arith.constant 2 : i32
          %dma_start3A_692 = arith.constant 0 : i32
          %dma_start3A_693 = arith.constant 0 : i32
          %dma_start3A_694 = tpu.memref_slice %arg5[%dma_start3A_691, %dma_start3A_692, %dma_start3A_693] : memref<8x2x80xi32, #tpu.memory_space<vmem>> -> memref<1x1x80xi32, #tpu.memory_space<vmem>>
          %dma_start3A_695 = tpu.memref_squeeze %dma_start3A_694 : memref<1x1x80xi32, #tpu.memory_space<vmem>> -> memref<80xi32, #tpu.memory_space<vmem>>
          %dma_start3A_696 = arith.constant 0 : i32
          %dma_start3A_697 = arith.constant 0 : i32
          %dma_start3A_698 = tpu.memref_slice %arg2[%dma_start3A_696, %dma_start3A_697] : memref<10000x128xf32, #tpu.memory_space<hbm>> -> memref<10000x128xf32, #tpu.memory_space<hbm>>
          tpu.enqueue_indirect_dma source(%dma_start3A_698 : memref<10000x128xf32, #tpu.memory_space<hbm>>) target(%arg8 : memref<80x128xf32, #tpu.memory_space<vmem>>) offsets(%dma_start3A_695 : memref<80xi32, #tpu.memory_space<vmem>>) semaphore(%arg21 : memref<!tpu.dma_semaphore, #tpu.memory_space<semaphore_mem>>)
        } else {
        }
      } else {
      }
      %add3A_446 = arith.constant 6 : i32
      %add3A_447 = arith.addi %add3A_425, %add3A_446 : i32
      %lt3A_448 = arith.constant 125 : i32
      %lt3A_449 = arith.cmpi slt, %add3A_447, %lt3A_448 : i32
      %convert_element_type3A_450 = arith.extui %lt3A_449 : i1 to i32
      %cond3A_451 = arith.constant 0 : i32
      %cond3A_452 = arith.cmpi ne, %convert_element_type3A_450, %cond3A_451 : i32
      scf.if %cond3A_452 {
        %add3A_663 = arith.constant 6 : i32
        %add3A_664 = arith.addi %add3A_425, %add3A_663 : i32
        %dma_start3A_665 = arith.constant 6 : i32
        %dma_start3A_666 = arith.constant 0 : i32
        %dma_start3A_667 = arith.constant 0 : i32
        %dma_start3A_668 = tpu.memref_slice %arg5[%dma_start3A_665, %dma_start3A_666, %dma_start3A_667] : memref<8x2x80xi32, #tpu.memory_space<vmem>> -> memref<1x2x80xi32, #tpu.memory_space<vmem>>
        %dma_start3A_669 = tpu.memref_squeeze %dma_start3A_668 : memref<1x2x80xi32, #tpu.memory_space<vmem>> -> memref<2x80xi32, #tpu.memory_space<vmem>>
        %dma_start3A_670 = arith.constant 0 : i32
        %dma_start3A_671 = arith.constant 0 : i32
        %dma_start3A_672 = tpu.memref_slice %arg3[%add3A, %add3A_664, %dma_start3A_670, %dma_start3A_671] : memref<32x125x2x80xi32, #tpu.memory_space<hbm>> -> memref<1x1x2x80xi32, #tpu.memory_space<hbm>>
        %dma_start3A_673 = tpu.memref_squeeze %dma_start3A_672 : memref<1x1x2x80xi32, #tpu.memory_space<hbm>> -> memref<2x80xi32, #tpu.memory_space<hbm>>
        %dma_start3A_674 = arith.constant 0 : i32
        %dma_start3A_675 = arith.constant 0 : i32
        %dma_start3A_676 = tpu.memref_slice %arg5[%dma_start3A_665, %dma_start3A_674, %dma_start3A_675] : memref<8x2x80xi32, #tpu.memory_space<vmem>> -> memref<1x2x80xi32, #tpu.memory_space<vmem>>
        %dma_start3A_677 = tpu.memref_squeeze %dma_start3A_676 : memref<1x2x80xi32, #tpu.memory_space<vmem>> -> memref<2x80xi32, #tpu.memory_space<vmem>>
        %dma_start3A_678 = arith.constant 0 : i32
        %dma_start3A_679 = arith.constant 0 : i32
        %dma_start3A_680 = tpu.memref_slice %arg3[%add3A, %add3A_664, %dma_start3A_678, %dma_start3A_679] : memref<32x125x2x80xi32, #tpu.memory_space<hbm>> -> memref<1x1x2x80xi32, #tpu.memory_space<hbm>>
        %dma_start3A_681 = tpu.memref_squeeze %dma_start3A_680 : memref<1x1x2x80xi32, #tpu.memory_space<hbm>> -> memref<2x80xi32, #tpu.memory_space<hbm>>
        tpu.enqueue_dma source(%dma_start3A_681 : memref<2x80xi32, #tpu.memory_space<hbm>>) target(%dma_start3A_677 : memref<2x80xi32, #tpu.memory_space<vmem>>) target_semaphore(%arg17 : memref<!tpu.dma_semaphore, #tpu.memory_space<semaphore_mem>>)
      } else {
      }
      %add3A_453 = arith.constant 1 : i32
      %add3A_454 = arith.addi %mul3A_423, %add3A_453 : i32
      %dma_wait3A_455 = arith.constant 0 : i32
      %dma_wait3A_456 = arith.constant 0 : i32
      %dma_wait3A_457 = tpu.memref_slice %arg2[%dma_wait3A_455, %dma_wait3A_456] : memref<10000x128xf32, #tpu.memory_space<hbm>> -> memref<80x128xf32, #tpu.memory_space<hbm>>
      %dma_wait3A_458 = arith.constant 0 : i32
      %dma_wait3A_459 = arith.constant 0 : i32
      %dma_wait3A_460 = tpu.memref_slice %arg2[%dma_wait3A_458, %dma_wait3A_459] : memref<10000x128xf32, #tpu.memory_space<hbm>> -> memref<80x128xf32, #tpu.memory_space<hbm>>
      tpu.wait_dma2 semaphore(%arg20 : memref<!tpu.dma_semaphore, #tpu.memory_space<semaphore_mem>>) src(%dma_wait3A_460 : memref<80x128xf32, #tpu.memory_space<hbm>>) dst(%arg7 : memref<80x128xf32, #tpu.memory_space<vmem>>)
      %dma_start3A_461 = arith.constant 1 : i32
      %dma_start3A_462 = arith.constant 1 : i32
      %dma_start3A_463 = arith.constant 0 : i32
      %dma_start3A_464 = tpu.memref_slice %arg5[%dma_start3A_461, %dma_start3A_462, %dma_start3A_463] : memref<8x2x80xi32, #tpu.memory_space<vmem>> -> memref<1x1x80xi32, #tpu.memory_space<vmem>>
      %dma_start3A_465 = tpu.memref_squeeze %dma_start3A_464 : memref<1x1x80xi32, #tpu.memory_space<vmem>> -> memref<80xi32, #tpu.memory_space<vmem>>
      %dma_start3A_466 = arith.constant 0 : i32
      %dma_start3A_467 = arith.constant 0 : i32
      %dma_start3A_468 = tpu.memref_slice %arg10[%dma_start3A_466, %dma_start3A_467] : memref<10000x128xf32, #tpu.memory_space<vmem_shared>> -> memref<10000x128xf32, #tpu.memory_space<vmem_shared>>
      tpu.enqueue_indirect_dma source(%arg7 : memref<80x128xf32, #tpu.memory_space<vmem>>) target(%dma_start3A_468 : memref<10000x128xf32, #tpu.memory_space<vmem_shared>>) offsets(%dma_start3A_465 : memref<80xi32, #tpu.memory_space<vmem>>) semaphore(%arg24 : memref<!tpu.dma_semaphore, #tpu.memory_space<semaphore_mem>>) {add = true}
      %add3A_469 = arith.constant 2 : i32
      %add3A_470 = arith.addi %add3A_454, %add3A_469 : i32
      %lt3A_471 = arith.constant 125 : i32
      %lt3A_472 = arith.cmpi slt, %add3A_470, %lt3A_471 : i32
      %convert_element_type3A_473 = arith.extui %lt3A_472 : i1 to i32
      %cond3A_474 = arith.constant 0 : i32
      %cond3A_475 = arith.cmpi ne, %convert_element_type3A_473, %cond3A_474 : i32
      scf.if %cond3A_475 {
        %ge3A = arith.constant 2 : i32
        %ge3A_663 = arith.cmpi sge, %add3A_454, %ge3A : i32
        %convert_element_type3A_664 = arith.extui %ge3A_663 : i1 to i32
        %cond3A_665 = arith.constant 0 : i32
        %cond3A_666 = arith.cmpi ne, %convert_element_type3A_664, %cond3A_665 : i32
        scf.if %cond3A_666 {
          %dma_wait3A_672 = arith.constant 0 : i32
          %dma_wait3A_673 = arith.constant 0 : i32
          %dma_wait3A_674 = tpu.memref_slice %arg2[%dma_wait3A_672, %dma_wait3A_673] : memref<10000x128xf32, #tpu.memory_space<hbm>> -> memref<80x128xf32, #tpu.memory_space<hbm>>
          %dma_wait3A_675 = arith.constant 0 : i32
          %dma_wait3A_676 = arith.constant 0 : i32
          %dma_wait3A_677 = tpu.memref_slice %arg2[%dma_wait3A_675, %dma_wait3A_676] : memref<10000x128xf32, #tpu.memory_space<hbm>> -> memref<80x128xf32, #tpu.memory_space<hbm>>
          tpu.wait_dma2 semaphore(%arg26 : memref<!tpu.dma_semaphore, #tpu.memory_space<semaphore_mem>>) src(%dma_wait3A_677 : memref<80x128xf32, #tpu.memory_space<hbm>>) dst(%arg9 : memref<80x128xf32, #tpu.memory_space<vmem>>)
        } else {
        }
        %ge3A_667 = arith.constant 1 : i32
        %ge3A_668 = arith.cmpi sge, %add3A_454, %ge3A_667 : i32
        %convert_element_type3A_669 = arith.extui %ge3A_668 : i1 to i32
        %cond3A_670 = arith.constant 0 : i32
        %cond3A_671 = arith.cmpi ne, %convert_element_type3A_669, %cond3A_670 : i32
        scf.if %cond3A_671 {
          %dma_wait3A_672 = arith.constant 0 : i32
          %dma_wait3A_673 = arith.constant 0 : i32
          %dma_wait3A_674 = arith.constant 3 : i32
          %dma_wait3A_675 = arith.constant 0 : i32
          %dma_wait3A_676 = arith.constant 0 : i32
          %dma_wait3A_677 = tpu.memref_slice %arg5[%dma_wait3A_674, %dma_wait3A_675, %dma_wait3A_676] : memref<8x2x80xi32, #tpu.memory_space<vmem>> -> memref<1x2x80xi32, #tpu.memory_space<vmem>>
          %dma_wait3A_678 = tpu.memref_squeeze %dma_wait3A_677 : memref<1x2x80xi32, #tpu.memory_space<vmem>> -> memref<2x80xi32, #tpu.memory_space<vmem>>
          %dma_wait3A_679 = arith.constant 0 : i32
          %dma_wait3A_680 = arith.constant 0 : i32
          %dma_wait3A_681 = tpu.memref_slice %arg3[%dma_wait3A_672, %dma_wait3A_673, %dma_wait3A_679, %dma_wait3A_680] : memref<32x125x2x80xi32, #tpu.memory_space<hbm>> -> memref<1x1x2x80xi32, #tpu.memory_space<hbm>>
          %dma_wait3A_682 = tpu.memref_squeeze %dma_wait3A_681 : memref<1x1x2x80xi32, #tpu.memory_space<hbm>> -> memref<2x80xi32, #tpu.memory_space<hbm>>
          %dma_wait3A_683 = arith.constant 0 : i32
          %dma_wait3A_684 = arith.constant 0 : i32
          %dma_wait3A_685 = tpu.memref_slice %arg5[%dma_wait3A_674, %dma_wait3A_683, %dma_wait3A_684] : memref<8x2x80xi32, #tpu.memory_space<vmem>> -> memref<1x2x80xi32, #tpu.memory_space<vmem>>
          %dma_wait3A_686 = tpu.memref_squeeze %dma_wait3A_685 : memref<1x2x80xi32, #tpu.memory_space<vmem>> -> memref<2x80xi32, #tpu.memory_space<vmem>>
          %dma_wait3A_687 = arith.constant 0 : i32
          %dma_wait3A_688 = arith.constant 0 : i32
          %dma_wait3A_689 = tpu.memref_slice %arg3[%dma_wait3A_672, %dma_wait3A_673, %dma_wait3A_687, %dma_wait3A_688] : memref<32x125x2x80xi32, #tpu.memory_space<hbm>> -> memref<1x1x2x80xi32, #tpu.memory_space<hbm>>
          %dma_wait3A_690 = tpu.memref_squeeze %dma_wait3A_689 : memref<1x1x2x80xi32, #tpu.memory_space<hbm>> -> memref<2x80xi32, #tpu.memory_space<hbm>>
          tpu.wait_dma2 semaphore(%arg14 : memref<!tpu.dma_semaphore, #tpu.memory_space<semaphore_mem>>) src(%dma_wait3A_690 : memref<2x80xi32, #tpu.memory_space<hbm>>) dst(%dma_wait3A_686 : memref<2x80xi32, #tpu.memory_space<vmem>>)
          %dma_start3A_691 = arith.constant 3 : i32
          %dma_start3A_692 = arith.constant 0 : i32
          %dma_start3A_693 = arith.constant 0 : i32
          %dma_start3A_694 = tpu.memref_slice %arg5[%dma_start3A_691, %dma_start3A_692, %dma_start3A_693] : memref<8x2x80xi32, #tpu.memory_space<vmem>> -> memref<1x1x80xi32, #tpu.memory_space<vmem>>
          %dma_start3A_695 = tpu.memref_squeeze %dma_start3A_694 : memref<1x1x80xi32, #tpu.memory_space<vmem>> -> memref<80xi32, #tpu.memory_space<vmem>>
          %dma_start3A_696 = arith.constant 0 : i32
          %dma_start3A_697 = arith.constant 0 : i32
          %dma_start3A_698 = tpu.memref_slice %arg2[%dma_start3A_696, %dma_start3A_697] : memref<10000x128xf32, #tpu.memory_space<hbm>> -> memref<10000x128xf32, #tpu.memory_space<hbm>>
          tpu.enqueue_indirect_dma source(%dma_start3A_698 : memref<10000x128xf32, #tpu.memory_space<hbm>>) target(%arg9 : memref<80x128xf32, #tpu.memory_space<vmem>>) offsets(%dma_start3A_695 : memref<80xi32, #tpu.memory_space<vmem>>) semaphore(%arg22 : memref<!tpu.dma_semaphore, #tpu.memory_space<semaphore_mem>>)
        } else {
        }
      } else {
      }
      %add3A_476 = arith.constant 6 : i32
      %add3A_477 = arith.addi %add3A_454, %add3A_476 : i32
      %lt3A_478 = arith.constant 125 : i32
      %lt3A_479 = arith.cmpi slt, %add3A_477, %lt3A_478 : i32
      %convert_element_type3A_480 = arith.extui %lt3A_479 : i1 to i32
      %cond3A_481 = arith.constant 0 : i32
      %cond3A_482 = arith.cmpi ne, %convert_element_type3A_480, %cond3A_481 : i32
      scf.if %cond3A_482 {
        %add3A_663 = arith.constant 6 : i32
        %add3A_664 = arith.addi %add3A_454, %add3A_663 : i32
        %dma_start3A_665 = arith.constant 7 : i32
        %dma_start3A_666 = arith.constant 0 : i32
        %dma_start3A_667 = arith.constant 0 : i32
        %dma_start3A_668 = tpu.memref_slice %arg5[%dma_start3A_665, %dma_start3A_666, %dma_start3A_667] : memref<8x2x80xi32, #tpu.memory_space<vmem>> -> memref<1x2x80xi32, #tpu.memory_space<vmem>>
        %dma_start3A_669 = tpu.memref_squeeze %dma_start3A_668 : memref<1x2x80xi32, #tpu.memory_space<vmem>> -> memref<2x80xi32, #tpu.memory_space<vmem>>
        %dma_start3A_670 = arith.constant 0 : i32
        %dma_start3A_671 = arith.constant 0 : i32
        %dma_start3A_672 = tpu.memref_slice %arg3[%add3A, %add3A_664, %dma_start3A_670, %dma_start3A_671] : memref<32x125x2x80xi32, #tpu.memory_space<hbm>> -> memref<1x1x2x80xi32, #tpu.memory_space<hbm>>
        %dma_start3A_673 = tpu.memref_squeeze %dma_start3A_672 : memref<1x1x2x80xi32, #tpu.memory_space<hbm>> -> memref<2x80xi32, #tpu.memory_space<hbm>>
        %dma_start3A_674 = arith.constant 0 : i32
        %dma_start3A_675 = arith.constant 0 : i32
        %dma_start3A_676 = tpu.memref_slice %arg5[%dma_start3A_665, %dma_start3A_674, %dma_start3A_675] : memref<8x2x80xi32, #tpu.memory_space<vmem>> -> memref<1x2x80xi32, #tpu.memory_space<vmem>>
        %dma_start3A_677 = tpu.memref_squeeze %dma_start3A_676 : memref<1x2x80xi32, #tpu.memory_space<vmem>> -> memref<2x80xi32, #tpu.memory_space<vmem>>
        %dma_start3A_678 = arith.constant 0 : i32
        %dma_start3A_679 = arith.constant 0 : i32
        %dma_start3A_680 = tpu.memref_slice %arg3[%add3A, %add3A_664, %dma_start3A_678, %dma_start3A_679] : memref<32x125x2x80xi32, #tpu.memory_space<hbm>> -> memref<1x1x2x80xi32, #tpu.memory_space<hbm>>
        %dma_start3A_681 = tpu.memref_squeeze %dma_start3A_680 : memref<1x1x2x80xi32, #tpu.memory_space<hbm>> -> memref<2x80xi32, #tpu.memory_space<hbm>>
        tpu.enqueue_dma source(%dma_start3A_681 : memref<2x80xi32, #tpu.memory_space<hbm>>) target(%dma_start3A_677 : memref<2x80xi32, #tpu.memory_space<vmem>>) target_semaphore(%arg18 : memref<!tpu.dma_semaphore, #tpu.memory_space<semaphore_mem>>)
      } else {
      }
      %add3A_483 = arith.constant 2 : i32
      %add3A_484 = arith.addi %mul3A_423, %add3A_483 : i32
      %dma_wait3A_485 = arith.constant 0 : i32
      %dma_wait3A_486 = arith.constant 0 : i32
      %dma_wait3A_487 = tpu.memref_slice %arg2[%dma_wait3A_485, %dma_wait3A_486] : memref<10000x128xf32, #tpu.memory_space<hbm>> -> memref<80x128xf32, #tpu.memory_space<hbm>>
      %dma_wait3A_488 = arith.constant 0 : i32
      %dma_wait3A_489 = arith.constant 0 : i32
      %dma_wait3A_490 = tpu.memref_slice %arg2[%dma_wait3A_488, %dma_wait3A_489] : memref<10000x128xf32, #tpu.memory_space<hbm>> -> memref<80x128xf32, #tpu.memory_space<hbm>>
      tpu.wait_dma2 semaphore(%arg21 : memref<!tpu.dma_semaphore, #tpu.memory_space<semaphore_mem>>) src(%dma_wait3A_490 : memref<80x128xf32, #tpu.memory_space<hbm>>) dst(%arg8 : memref<80x128xf32, #tpu.memory_space<vmem>>)
      %dma_start3A_491 = arith.constant 2 : i32
      %dma_start3A_492 = arith.constant 1 : i32
      %dma_start3A_493 = arith.constant 0 : i32
      %dma_start3A_494 = tpu.memref_slice %arg5[%dma_start3A_491, %dma_start3A_492, %dma_start3A_493] : memref<8x2x80xi32, #tpu.memory_space<vmem>> -> memref<1x1x80xi32, #tpu.memory_space<vmem>>
      %dma_start3A_495 = tpu.memref_squeeze %dma_start3A_494 : memref<1x1x80xi32, #tpu.memory_space<vmem>> -> memref<80xi32, #tpu.memory_space<vmem>>
      %dma_start3A_496 = arith.constant 0 : i32
      %dma_start3A_497 = arith.constant 0 : i32
      %dma_start3A_498 = tpu.memref_slice %arg10[%dma_start3A_496, %dma_start3A_497] : memref<10000x128xf32, #tpu.memory_space<vmem_shared>> -> memref<10000x128xf32, #tpu.memory_space<vmem_shared>>
      tpu.enqueue_indirect_dma source(%arg8 : memref<80x128xf32, #tpu.memory_space<vmem>>) target(%dma_start3A_498 : memref<10000x128xf32, #tpu.memory_space<vmem_shared>>) offsets(%dma_start3A_495 : memref<80xi32, #tpu.memory_space<vmem>>) semaphore(%arg25 : memref<!tpu.dma_semaphore, #tpu.memory_space<semaphore_mem>>) {add = true}
      %add3A_499 = arith.constant 2 : i32
      %add3A_500 = arith.addi %add3A_484, %add3A_499 : i32
      %lt3A_501 = arith.constant 125 : i32
      %lt3A_502 = arith.cmpi slt, %add3A_500, %lt3A_501 : i32
      %convert_element_type3A_503 = arith.extui %lt3A_502 : i1 to i32
      %cond3A_504 = arith.constant 0 : i32
      %cond3A_505 = arith.cmpi ne, %convert_element_type3A_503, %cond3A_504 : i32
      scf.if %cond3A_505 {
        %ge3A = arith.constant 2 : i32
        %ge3A_663 = arith.cmpi sge, %add3A_484, %ge3A : i32
        %convert_element_type3A_664 = arith.extui %ge3A_663 : i1 to i32
        %cond3A_665 = arith.constant 0 : i32
        %cond3A_666 = arith.cmpi ne, %convert_element_type3A_664, %cond3A_665 : i32
        scf.if %cond3A_666 {
          %dma_wait3A_672 = arith.constant 0 : i32
          %dma_wait3A_673 = arith.constant 0 : i32
          %dma_wait3A_674 = tpu.memref_slice %arg2[%dma_wait3A_672, %dma_wait3A_673] : memref<10000x128xf32, #tpu.memory_space<hbm>> -> memref<80x128xf32, #tpu.memory_space<hbm>>
          %dma_wait3A_675 = arith.constant 0 : i32
          %dma_wait3A_676 = arith.constant 0 : i32
          %dma_wait3A_677 = tpu.memref_slice %arg2[%dma_wait3A_675, %dma_wait3A_676] : memref<10000x128xf32, #tpu.memory_space<hbm>> -> memref<80x128xf32, #tpu.memory_space<hbm>>
          tpu.wait_dma2 semaphore(%arg23 : memref<!tpu.dma_semaphore, #tpu.memory_space<semaphore_mem>>) src(%dma_wait3A_677 : memref<80x128xf32, #tpu.memory_space<hbm>>) dst(%arg6 : memref<80x128xf32, #tpu.memory_space<vmem>>)
        } else {
        }
        %ge3A_667 = arith.constant 1 : i32
        %ge3A_668 = arith.cmpi sge, %add3A_484, %ge3A_667 : i32
        %convert_element_type3A_669 = arith.extui %ge3A_668 : i1 to i32
        %cond3A_670 = arith.constant 0 : i32
        %cond3A_671 = arith.cmpi ne, %convert_element_type3A_669, %cond3A_670 : i32
        scf.if %cond3A_671 {
          %dma_wait3A_672 = arith.constant 0 : i32
          %dma_wait3A_673 = arith.constant 0 : i32
          %dma_wait3A_674 = arith.constant 4 : i32
          %dma_wait3A_675 = arith.constant 0 : i32
          %dma_wait3A_676 = arith.constant 0 : i32
          %dma_wait3A_677 = tpu.memref_slice %arg5[%dma_wait3A_674, %dma_wait3A_675, %dma_wait3A_676] : memref<8x2x80xi32, #tpu.memory_space<vmem>> -> memref<1x2x80xi32, #tpu.memory_space<vmem>>
          %dma_wait3A_678 = tpu.memref_squeeze %dma_wait3A_677 : memref<1x2x80xi32, #tpu.memory_space<vmem>> -> memref<2x80xi32, #tpu.memory_space<vmem>>
          %dma_wait3A_679 = arith.constant 0 : i32
          %dma_wait3A_680 = arith.constant 0 : i32
          %dma_wait3A_681 = tpu.memref_slice %arg3[%dma_wait3A_672, %dma_wait3A_673, %dma_wait3A_679, %dma_wait3A_680] : memref<32x125x2x80xi32, #tpu.memory_space<hbm>> -> memref<1x1x2x80xi32, #tpu.memory_space<hbm>>
          %dma_wait3A_682 = tpu.memref_squeeze %dma_wait3A_681 : memref<1x1x2x80xi32, #tpu.memory_space<hbm>> -> memref<2x80xi32, #tpu.memory_space<hbm>>
          %dma_wait3A_683 = arith.constant 0 : i32
          %dma_wait3A_684 = arith.constant 0 : i32
          %dma_wait3A_685 = tpu.memref_slice %arg5[%dma_wait3A_674, %dma_wait3A_683, %dma_wait3A_684] : memref<8x2x80xi32, #tpu.memory_space<vmem>> -> memref<1x2x80xi32, #tpu.memory_space<vmem>>
          %dma_wait3A_686 = tpu.memref_squeeze %dma_wait3A_685 : memref<1x2x80xi32, #tpu.memory_space<vmem>> -> memref<2x80xi32, #tpu.memory_space<vmem>>
          %dma_wait3A_687 = arith.constant 0 : i32
          %dma_wait3A_688 = arith.constant 0 : i32
          %dma_wait3A_689 = tpu.memref_slice %arg3[%dma_wait3A_672, %dma_wait3A_673, %dma_wait3A_687, %dma_wait3A_688] : memref<32x125x2x80xi32, #tpu.memory_space<hbm>> -> memref<1x1x2x80xi32, #tpu.memory_space<hbm>>
          %dma_wait3A_690 = tpu.memref_squeeze %dma_wait3A_689 : memref<1x1x2x80xi32, #tpu.memory_space<hbm>> -> memref<2x80xi32, #tpu.memory_space<hbm>>
          tpu.wait_dma2 semaphore(%arg15 : memref<!tpu.dma_semaphore, #tpu.memory_space<semaphore_mem>>) src(%dma_wait3A_690 : memref<2x80xi32, #tpu.memory_space<hbm>>) dst(%dma_wait3A_686 : memref<2x80xi32, #tpu.memory_space<vmem>>)
          %dma_start3A_691 = arith.constant 4 : i32
          %dma_start3A_692 = arith.constant 0 : i32
          %dma_start3A_693 = arith.constant 0 : i32
          %dma_start3A_694 = tpu.memref_slice %arg5[%dma_start3A_691, %dma_start3A_692, %dma_start3A_693] : memref<8x2x80xi32, #tpu.memory_space<vmem>> -> memref<1x1x80xi32, #tpu.memory_space<vmem>>
          %dma_start3A_695 = tpu.memref_squeeze %dma_start3A_694 : memref<1x1x80xi32, #tpu.memory_space<vmem>> -> memref<80xi32, #tpu.memory_space<vmem>>
          %dma_start3A_696 = arith.constant 0 : i32
          %dma_start3A_697 = arith.constant 0 : i32
          %dma_start3A_698 = tpu.memref_slice %arg2[%dma_start3A_696, %dma_start3A_697] : memref<10000x128xf32, #tpu.memory_space<hbm>> -> memref<10000x128xf32, #tpu.memory_space<hbm>>
          tpu.enqueue_indirect_dma source(%dma_start3A_698 : memref<10000x128xf32, #tpu.memory_space<hbm>>) target(%arg6 : memref<80x128xf32, #tpu.memory_space<vmem>>) offsets(%dma_start3A_695 : memref<80xi32, #tpu.memory_space<vmem>>) semaphore(%arg19 : memref<!tpu.dma_semaphore, #tpu.memory_space<semaphore_mem>>)
        } else {
        }
      } else {
      }
      %add3A_506 = arith.constant 6 : i32
      %add3A_507 = arith.addi %add3A_484, %add3A_506 : i32
      %lt3A_508 = arith.constant 125 : i32
      %lt3A_509 = arith.cmpi slt, %add3A_507, %lt3A_508 : i32
      %convert_element_type3A_510 = arith.extui %lt3A_509 : i1 to i32
      %cond3A_511 = arith.constant 0 : i32
      %cond3A_512 = arith.cmpi ne, %convert_element_type3A_510, %cond3A_511 : i32
      scf.if %cond3A_512 {
        %add3A_663 = arith.constant 6 : i32
        %add3A_664 = arith.addi %add3A_484, %add3A_663 : i32
        %dma_start3A_665 = arith.constant 0 : i32
        %dma_start3A_666 = arith.constant 0 : i32
        %dma_start3A_667 = arith.constant 0 : i32
        %dma_start3A_668 = tpu.memref_slice %arg5[%dma_start3A_665, %dma_start3A_666, %dma_start3A_667] : memref<8x2x80xi32, #tpu.memory_space<vmem>> -> memref<1x2x80xi32, #tpu.memory_space<vmem>>
        %dma_start3A_669 = tpu.memref_squeeze %dma_start3A_668 : memref<1x2x80xi32, #tpu.memory_space<vmem>> -> memref<2x80xi32, #tpu.memory_space<vmem>>
        %dma_start3A_670 = arith.constant 0 : i32
        %dma_start3A_671 = arith.constant 0 : i32
        %dma_start3A_672 = tpu.memref_slice %arg3[%add3A, %add3A_664, %dma_start3A_670, %dma_start3A_671] : memref<32x125x2x80xi32, #tpu.memory_space<hbm>> -> memref<1x1x2x80xi32, #tpu.memory_space<hbm>>
        %dma_start3A_673 = tpu.memref_squeeze %dma_start3A_672 : memref<1x1x2x80xi32, #tpu.memory_space<hbm>> -> memref<2x80xi32, #tpu.memory_space<hbm>>
        %dma_start3A_674 = arith.constant 0 : i32
        %dma_start3A_675 = arith.constant 0 : i32
        %dma_start3A_676 = tpu.memref_slice %arg5[%dma_start3A_665, %dma_start3A_674, %dma_start3A_675] : memref<8x2x80xi32, #tpu.memory_space<vmem>> -> memref<1x2x80xi32, #tpu.memory_space<vmem>>
        %dma_start3A_677 = tpu.memref_squeeze %dma_start3A_676 : memref<1x2x80xi32, #tpu.memory_space<vmem>> -> memref<2x80xi32, #tpu.memory_space<vmem>>
        %dma_start3A_678 = arith.constant 0 : i32
        %dma_start3A_679 = arith.constant 0 : i32
        %dma_start3A_680 = tpu.memref_slice %arg3[%add3A, %add3A_664, %dma_start3A_678, %dma_start3A_679] : memref<32x125x2x80xi32, #tpu.memory_space<hbm>> -> memref<1x1x2x80xi32, #tpu.memory_space<hbm>>
        %dma_start3A_681 = tpu.memref_squeeze %dma_start3A_680 : memref<1x1x2x80xi32, #tpu.memory_space<hbm>> -> memref<2x80xi32, #tpu.memory_space<hbm>>
        tpu.enqueue_dma source(%dma_start3A_681 : memref<2x80xi32, #tpu.memory_space<hbm>>) target(%dma_start3A_677 : memref<2x80xi32, #tpu.memory_space<vmem>>) target_semaphore(%arg11 : memref<!tpu.dma_semaphore, #tpu.memory_space<semaphore_mem>>)
      } else {
      }
      %add3A_513 = arith.constant 3 : i32
      %add3A_514 = arith.addi %mul3A_423, %add3A_513 : i32
      %dma_wait3A_515 = arith.constant 0 : i32
      %dma_wait3A_516 = arith.constant 0 : i32
      %dma_wait3A_517 = tpu.memref_slice %arg2[%dma_wait3A_515, %dma_wait3A_516] : memref<10000x128xf32, #tpu.memory_space<hbm>> -> memref<80x128xf32, #tpu.memory_space<hbm>>
      %dma_wait3A_518 = arith.constant 0 : i32
      %dma_wait3A_519 = arith.constant 0 : i32
      %dma_wait3A_520 = tpu.memref_slice %arg2[%dma_wait3A_518, %dma_wait3A_519] : memref<10000x128xf32, #tpu.memory_space<hbm>> -> memref<80x128xf32, #tpu.memory_space<hbm>>
      tpu.wait_dma2 semaphore(%arg22 : memref<!tpu.dma_semaphore, #tpu.memory_space<semaphore_mem>>) src(%dma_wait3A_520 : memref<80x128xf32, #tpu.memory_space<hbm>>) dst(%arg9 : memref<80x128xf32, #tpu.memory_space<vmem>>)
      %dma_start3A_521 = arith.constant 3 : i32
      %dma_start3A_522 = arith.constant 1 : i32
      %dma_start3A_523 = arith.constant 0 : i32
      %dma_start3A_524 = tpu.memref_slice %arg5[%dma_start3A_521, %dma_start3A_522, %dma_start3A_523] : memref<8x2x80xi32, #tpu.memory_space<vmem>> -> memref<1x1x80xi32, #tpu.memory_space<vmem>>
      %dma_start3A_525 = tpu.memref_squeeze %dma_start3A_524 : memref<1x1x80xi32, #tpu.memory_space<vmem>> -> memref<80xi32, #tpu.memory_space<vmem>>
      %dma_start3A_526 = arith.constant 0 : i32
      %dma_start3A_527 = arith.constant 0 : i32
      %dma_start3A_528 = tpu.memref_slice %arg10[%dma_start3A_526, %dma_start3A_527] : memref<10000x128xf32, #tpu.memory_space<vmem_shared>> -> memref<10000x128xf32, #tpu.memory_space<vmem_shared>>
      tpu.enqueue_indirect_dma source(%arg9 : memref<80x128xf32, #tpu.memory_space<vmem>>) target(%dma_start3A_528 : memref<10000x128xf32, #tpu.memory_space<vmem_shared>>) offsets(%dma_start3A_525 : memref<80xi32, #tpu.memory_space<vmem>>) semaphore(%arg26 : memref<!tpu.dma_semaphore, #tpu.memory_space<semaphore_mem>>) {add = true}
      %add3A_529 = arith.constant 2 : i32
      %add3A_530 = arith.addi %add3A_514, %add3A_529 : i32
      %lt3A_531 = arith.constant 125 : i32
      %lt3A_532 = arith.cmpi slt, %add3A_530, %lt3A_531 : i32
      %convert_element_type3A_533 = arith.extui %lt3A_532 : i1 to i32
      %cond3A_534 = arith.constant 0 : i32
      %cond3A_535 = arith.cmpi ne, %convert_element_type3A_533, %cond3A_534 : i32
      scf.if %cond3A_535 {
        %ge3A = arith.constant 2 : i32
        %ge3A_663 = arith.cmpi sge, %add3A_514, %ge3A : i32
        %convert_element_type3A_664 = arith.extui %ge3A_663 : i1 to i32
        %cond3A_665 = arith.constant 0 : i32
        %cond3A_666 = arith.cmpi ne, %convert_element_type3A_664, %cond3A_665 : i32
        scf.if %cond3A_666 {
          %dma_wait3A_672 = arith.constant 0 : i32
          %dma_wait3A_673 = arith.constant 0 : i32
          %dma_wait3A_674 = tpu.memref_slice %arg2[%dma_wait3A_672, %dma_wait3A_673] : memref<10000x128xf32, #tpu.memory_space<hbm>> -> memref<80x128xf32, #tpu.memory_space<hbm>>
          %dma_wait3A_675 = arith.constant 0 : i32
          %dma_wait3A_676 = arith.constant 0 : i32
          %dma_wait3A_677 = tpu.memref_slice %arg2[%dma_wait3A_675, %dma_wait3A_676] : memref<10000x128xf32, #tpu.memory_space<hbm>> -> memref<80x128xf32, #tpu.memory_space<hbm>>
          tpu.wait_dma2 semaphore(%arg24 : memref<!tpu.dma_semaphore, #tpu.memory_space<semaphore_mem>>) src(%dma_wait3A_677 : memref<80x128xf32, #tpu.memory_space<hbm>>) dst(%arg7 : memref<80x128xf32, #tpu.memory_space<vmem>>)
        } else {
        }
        %ge3A_667 = arith.constant 1 : i32
        %ge3A_668 = arith.cmpi sge, %add3A_514, %ge3A_667 : i32
        %convert_element_type3A_669 = arith.extui %ge3A_668 : i1 to i32
        %cond3A_670 = arith.constant 0 : i32
        %cond3A_671 = arith.cmpi ne, %convert_element_type3A_669, %cond3A_670 : i32
        scf.if %cond3A_671 {
          %dma_wait3A_672 = arith.constant 0 : i32
          %dma_wait3A_673 = arith.constant 0 : i32
          %dma_wait3A_674 = arith.constant 5 : i32
          %dma_wait3A_675 = arith.constant 0 : i32
          %dma_wait3A_676 = arith.constant 0 : i32
          %dma_wait3A_677 = tpu.memref_slice %arg5[%dma_wait3A_674, %dma_wait3A_675, %dma_wait3A_676] : memref<8x2x80xi32, #tpu.memory_space<vmem>> -> memref<1x2x80xi32, #tpu.memory_space<vmem>>
          %dma_wait3A_678 = tpu.memref_squeeze %dma_wait3A_677 : memref<1x2x80xi32, #tpu.memory_space<vmem>> -> memref<2x80xi32, #tpu.memory_space<vmem>>
          %dma_wait3A_679 = arith.constant 0 : i32
          %dma_wait3A_680 = arith.constant 0 : i32
          %dma_wait3A_681 = tpu.memref_slice %arg3[%dma_wait3A_672, %dma_wait3A_673, %dma_wait3A_679, %dma_wait3A_680] : memref<32x125x2x80xi32, #tpu.memory_space<hbm>> -> memref<1x1x2x80xi32, #tpu.memory_space<hbm>>
          %dma_wait3A_682 = tpu.memref_squeeze %dma_wait3A_681 : memref<1x1x2x80xi32, #tpu.memory_space<hbm>> -> memref<2x80xi32, #tpu.memory_space<hbm>>
          %dma_wait3A_683 = arith.constant 0 : i32
          %dma_wait3A_684 = arith.constant 0 : i32
          %dma_wait3A_685 = tpu.memref_slice %arg5[%dma_wait3A_674, %dma_wait3A_683, %dma_wait3A_684] : memref<8x2x80xi32, #tpu.memory_space<vmem>> -> memref<1x2x80xi32, #tpu.memory_space<vmem>>
          %dma_wait3A_686 = tpu.memref_squeeze %dma_wait3A_685 : memref<1x2x80xi32, #tpu.memory_space<vmem>> -> memref<2x80xi32, #tpu.memory_space<vmem>>
          %dma_wait3A_687 = arith.constant 0 : i32
          %dma_wait3A_688 = arith.constant 0 : i32
          %dma_wait3A_689 = tpu.memref_slice %arg3[%dma_wait3A_672, %dma_wait3A_673, %dma_wait3A_687, %dma_wait3A_688] : memref<32x125x2x80xi32, #tpu.memory_space<hbm>> -> memref<1x1x2x80xi32, #tpu.memory_space<hbm>>
          %dma_wait3A_690 = tpu.memref_squeeze %dma_wait3A_689 : memref<1x1x2x80xi32, #tpu.memory_space<hbm>> -> memref<2x80xi32, #tpu.memory_space<hbm>>
          tpu.wait_dma2 semaphore(%arg16 : memref<!tpu.dma_semaphore, #tpu.memory_space<semaphore_mem>>) src(%dma_wait3A_690 : memref<2x80xi32, #tpu.memory_space<hbm>>) dst(%dma_wait3A_686 : memref<2x80xi32, #tpu.memory_space<vmem>>)
          %dma_start3A_691 = arith.constant 5 : i32
          %dma_start3A_692 = arith.constant 0 : i32
          %dma_start3A_693 = arith.constant 0 : i32
          %dma_start3A_694 = tpu.memref_slice %arg5[%dma_start3A_691, %dma_start3A_692, %dma_start3A_693] : memref<8x2x80xi32, #tpu.memory_space<vmem>> -> memref<1x1x80xi32, #tpu.memory_space<vmem>>
          %dma_start3A_695 = tpu.memref_squeeze %dma_start3A_694 : memref<1x1x80xi32, #tpu.memory_space<vmem>> -> memref<80xi32, #tpu.memory_space<vmem>>
          %dma_start3A_696 = arith.constant 0 : i32
          %dma_start3A_697 = arith.constant 0 : i32
          %dma_start3A_698 = tpu.memref_slice %arg2[%dma_start3A_696, %dma_start3A_697] : memref<10000x128xf32, #tpu.memory_space<hbm>> -> memref<10000x128xf32, #tpu.memory_space<hbm>>
          tpu.enqueue_indirect_dma source(%dma_start3A_698 : memref<10000x128xf32, #tpu.memory_space<hbm>>) target(%arg7 : memref<80x128xf32, #tpu.memory_space<vmem>>) offsets(%dma_start3A_695 : memref<80xi32, #tpu.memory_space<vmem>>) semaphore(%arg20 : memref<!tpu.dma_semaphore, #tpu.memory_space<semaphore_mem>>)
        } else {
        }
      } else {
      }
      %add3A_536 = arith.constant 6 : i32
      %add3A_537 = arith.addi %add3A_514, %add3A_536 : i32
      %lt3A_538 = arith.constant 125 : i32
      %lt3A_539 = arith.cmpi slt, %add3A_537, %lt3A_538 : i32
      %convert_element_type3A_540 = arith.extui %lt3A_539 : i1 to i32
      %cond3A_541 = arith.constant 0 : i32
      %cond3A_542 = arith.cmpi ne, %convert_element_type3A_540, %cond3A_541 : i32
      scf.if %cond3A_542 {
        %add3A_663 = arith.constant 6 : i32
        %add3A_664 = arith.addi %add3A_514, %add3A_663 : i32
        %dma_start3A_665 = arith.constant 1 : i32
        %dma_start3A_666 = arith.constant 0 : i32
        %dma_start3A_667 = arith.constant 0 : i32
        %dma_start3A_668 = tpu.memref_slice %arg5[%dma_start3A_665, %dma_start3A_666, %dma_start3A_667] : memref<8x2x80xi32, #tpu.memory_space<vmem>> -> memref<1x2x80xi32, #tpu.memory_space<vmem>>
        %dma_start3A_669 = tpu.memref_squeeze %dma_start3A_668 : memref<1x2x80xi32, #tpu.memory_space<vmem>> -> memref<2x80xi32, #tpu.memory_space<vmem>>
        %dma_start3A_670 = arith.constant 0 : i32
        %dma_start3A_671 = arith.constant 0 : i32
        %dma_start3A_672 = tpu.memref_slice %arg3[%add3A, %add3A_664, %dma_start3A_670, %dma_start3A_671] : memref<32x125x2x80xi32, #tpu.memory_space<hbm>> -> memref<1x1x2x80xi32, #tpu.memory_space<hbm>>
        %dma_start3A_673 = tpu.memref_squeeze %dma_start3A_672 : memref<1x1x2x80xi32, #tpu.memory_space<hbm>> -> memref<2x80xi32, #tpu.memory_space<hbm>>
        %dma_start3A_674 = arith.constant 0 : i32
        %dma_start3A_675 = arith.constant 0 : i32
        %dma_start3A_676 = tpu.memref_slice %arg5[%dma_start3A_665, %dma_start3A_674, %dma_start3A_675] : memref<8x2x80xi32, #tpu.memory_space<vmem>> -> memref<1x2x80xi32, #tpu.memory_space<vmem>>
        %dma_start3A_677 = tpu.memref_squeeze %dma_start3A_676 : memref<1x2x80xi32, #tpu.memory_space<vmem>> -> memref<2x80xi32, #tpu.memory_space<vmem>>
        %dma_start3A_678 = arith.constant 0 : i32
        %dma_start3A_679 = arith.constant 0 : i32
        %dma_start3A_680 = tpu.memref_slice %arg3[%add3A, %add3A_664, %dma_start3A_678, %dma_start3A_679] : memref<32x125x2x80xi32, #tpu.memory_space<hbm>> -> memref<1x1x2x80xi32, #tpu.memory_space<hbm>>
        %dma_start3A_681 = tpu.memref_squeeze %dma_start3A_680 : memref<1x1x2x80xi32, #tpu.memory_space<hbm>> -> memref<2x80xi32, #tpu.memory_space<hbm>>
        tpu.enqueue_dma source(%dma_start3A_681 : memref<2x80xi32, #tpu.memory_space<hbm>>) target(%dma_start3A_677 : memref<2x80xi32, #tpu.memory_space<vmem>>) target_semaphore(%arg12 : memref<!tpu.dma_semaphore, #tpu.memory_space<semaphore_mem>>)
      } else {
      }
      %add3A_543 = arith.constant 4 : i32
      %add3A_544 = arith.addi %mul3A_423, %add3A_543 : i32
      %dma_wait3A_545 = arith.constant 0 : i32
      %dma_wait3A_546 = arith.constant 0 : i32
      %dma_wait3A_547 = tpu.memref_slice %arg2[%dma_wait3A_545, %dma_wait3A_546] : memref<10000x128xf32, #tpu.memory_space<hbm>> -> memref<80x128xf32, #tpu.memory_space<hbm>>
      %dma_wait3A_548 = arith.constant 0 : i32
      %dma_wait3A_549 = arith.constant 0 : i32
      %dma_wait3A_550 = tpu.memref_slice %arg2[%dma_wait3A_548, %dma_wait3A_549] : memref<10000x128xf32, #tpu.memory_space<hbm>> -> memref<80x128xf32, #tpu.memory_space<hbm>>
      tpu.wait_dma2 semaphore(%arg19 : memref<!tpu.dma_semaphore, #tpu.memory_space<semaphore_mem>>) src(%dma_wait3A_550 : memref<80x128xf32, #tpu.memory_space<hbm>>) dst(%arg6 : memref<80x128xf32, #tpu.memory_space<vmem>>)
      %dma_start3A_551 = arith.constant 4 : i32
      %dma_start3A_552 = arith.constant 1 : i32
      %dma_start3A_553 = arith.constant 0 : i32
      %dma_start3A_554 = tpu.memref_slice %arg5[%dma_start3A_551, %dma_start3A_552, %dma_start3A_553] : memref<8x2x80xi32, #tpu.memory_space<vmem>> -> memref<1x1x80xi32, #tpu.memory_space<vmem>>
      %dma_start3A_555 = tpu.memref_squeeze %dma_start3A_554 : memref<1x1x80xi32, #tpu.memory_space<vmem>> -> memref<80xi32, #tpu.memory_space<vmem>>
      %dma_start3A_556 = arith.constant 0 : i32
      %dma_start3A_557 = arith.constant 0 : i32
      %dma_start3A_558 = tpu.memref_slice %arg10[%dma_start3A_556, %dma_start3A_557] : memref<10000x128xf32, #tpu.memory_space<vmem_shared>> -> memref<10000x128xf32, #tpu.memory_space<vmem_shared>>
      tpu.enqueue_indirect_dma source(%arg6 : memref<80x128xf32, #tpu.memory_space<vmem>>) target(%dma_start3A_558 : memref<10000x128xf32, #tpu.memory_space<vmem_shared>>) offsets(%dma_start3A_555 : memref<80xi32, #tpu.memory_space<vmem>>) semaphore(%arg23 : memref<!tpu.dma_semaphore, #tpu.memory_space<semaphore_mem>>) {add = true}
      %add3A_559 = arith.constant 2 : i32
      %add3A_560 = arith.addi %add3A_544, %add3A_559 : i32
      %lt3A_561 = arith.constant 125 : i32
      %lt3A_562 = arith.cmpi slt, %add3A_560, %lt3A_561 : i32
      %convert_element_type3A_563 = arith.extui %lt3A_562 : i1 to i32
      %cond3A_564 = arith.constant 0 : i32
      %cond3A_565 = arith.cmpi ne, %convert_element_type3A_563, %cond3A_564 : i32
      scf.if %cond3A_565 {
        %ge3A = arith.constant 2 : i32
        %ge3A_663 = arith.cmpi sge, %add3A_544, %ge3A : i32
        %convert_element_type3A_664 = arith.extui %ge3A_663 : i1 to i32
        %cond3A_665 = arith.constant 0 : i32
        %cond3A_666 = arith.cmpi ne, %convert_element_type3A_664, %cond3A_665 : i32
        scf.if %cond3A_666 {
          %dma_wait3A_672 = arith.constant 0 : i32
          %dma_wait3A_673 = arith.constant 0 : i32
          %dma_wait3A_674 = tpu.memref_slice %arg2[%dma_wait3A_672, %dma_wait3A_673] : memref<10000x128xf32, #tpu.memory_space<hbm>> -> memref<80x128xf32, #tpu.memory_space<hbm>>
          %dma_wait3A_675 = arith.constant 0 : i32
          %dma_wait3A_676 = arith.constant 0 : i32
          %dma_wait3A_677 = tpu.memref_slice %arg2[%dma_wait3A_675, %dma_wait3A_676] : memref<10000x128xf32, #tpu.memory_space<hbm>> -> memref<80x128xf32, #tpu.memory_space<hbm>>
          tpu.wait_dma2 semaphore(%arg25 : memref<!tpu.dma_semaphore, #tpu.memory_space<semaphore_mem>>) src(%dma_wait3A_677 : memref<80x128xf32, #tpu.memory_space<hbm>>) dst(%arg8 : memref<80x128xf32, #tpu.memory_space<vmem>>)
        } else {
        }
        %ge3A_667 = arith.constant 1 : i32
        %ge3A_668 = arith.cmpi sge, %add3A_544, %ge3A_667 : i32
        %convert_element_type3A_669 = arith.extui %ge3A_668 : i1 to i32
        %cond3A_670 = arith.constant 0 : i32
        %cond3A_671 = arith.cmpi ne, %convert_element_type3A_669, %cond3A_670 : i32
        scf.if %cond3A_671 {
          %dma_wait3A_672 = arith.constant 0 : i32
          %dma_wait3A_673 = arith.constant 0 : i32
          %dma_wait3A_674 = arith.constant 6 : i32
          %dma_wait3A_675 = arith.constant 0 : i32
          %dma_wait3A_676 = arith.constant 0 : i32
          %dma_wait3A_677 = tpu.memref_slice %arg5[%dma_wait3A_674, %dma_wait3A_675, %dma_wait3A_676] : memref<8x2x80xi32, #tpu.memory_space<vmem>> -> memref<1x2x80xi32, #tpu.memory_space<vmem>>
          %dma_wait3A_678 = tpu.memref_squeeze %dma_wait3A_677 : memref<1x2x80xi32, #tpu.memory_space<vmem>> -> memref<2x80xi32, #tpu.memory_space<vmem>>
          %dma_wait3A_679 = arith.constant 0 : i32
          %dma_wait3A_680 = arith.constant 0 : i32
          %dma_wait3A_681 = tpu.memref_slice %arg3[%dma_wait3A_672, %dma_wait3A_673, %dma_wait3A_679, %dma_wait3A_680] : memref<32x125x2x80xi32, #tpu.memory_space<hbm>> -> memref<1x1x2x80xi32, #tpu.memory_space<hbm>>
          %dma_wait3A_682 = tpu.memref_squeeze %dma_wait3A_681 : memref<1x1x2x80xi32, #tpu.memory_space<hbm>> -> memref<2x80xi32, #tpu.memory_space<hbm>>
          %dma_wait3A_683 = arith.constant 0 : i32
          %dma_wait3A_684 = arith.constant 0 : i32
          %dma_wait3A_685 = tpu.memref_slice %arg5[%dma_wait3A_674, %dma_wait3A_683, %dma_wait3A_684] : memref<8x2x80xi32, #tpu.memory_space<vmem>> -> memref<1x2x80xi32, #tpu.memory_space<vmem>>
          %dma_wait3A_686 = tpu.memref_squeeze %dma_wait3A_685 : memref<1x2x80xi32, #tpu.memory_space<vmem>> -> memref<2x80xi32, #tpu.memory_space<vmem>>
          %dma_wait3A_687 = arith.constant 0 : i32
          %dma_wait3A_688 = arith.constant 0 : i32
          %dma_wait3A_689 = tpu.memref_slice %arg3[%dma_wait3A_672, %dma_wait3A_673, %dma_wait3A_687, %dma_wait3A_688] : memref<32x125x2x80xi32, #tpu.memory_space<hbm>> -> memref<1x1x2x80xi32, #tpu.memory_space<hbm>>
          %dma_wait3A_690 = tpu.memref_squeeze %dma_wait3A_689 : memref<1x1x2x80xi32, #tpu.memory_space<hbm>> -> memref<2x80xi32, #tpu.memory_space<hbm>>
          tpu.wait_dma2 semaphore(%arg17 : memref<!tpu.dma_semaphore, #tpu.memory_space<semaphore_mem>>) src(%dma_wait3A_690 : memref<2x80xi32, #tpu.memory_space<hbm>>) dst(%dma_wait3A_686 : memref<2x80xi32, #tpu.memory_space<vmem>>)
          %dma_start3A_691 = arith.constant 6 : i32
          %dma_start3A_692 = arith.constant 0 : i32
          %dma_start3A_693 = arith.constant 0 : i32
          %dma_start3A_694 = tpu.memref_slice %arg5[%dma_start3A_691, %dma_start3A_692, %dma_start3A_693] : memref<8x2x80xi32, #tpu.memory_space<vmem>> -> memref<1x1x80xi32, #tpu.memory_space<vmem>>
          %dma_start3A_695 = tpu.memref_squeeze %dma_start3A_694 : memref<1x1x80xi32, #tpu.memory_space<vmem>> -> memref<80xi32, #tpu.memory_space<vmem>>
          %dma_start3A_696 = arith.constant 0 : i32
          %dma_start3A_697 = arith.constant 0 : i32
          %dma_start3A_698 = tpu.memref_slice %arg2[%dma_start3A_696, %dma_start3A_697] : memref<10000x128xf32, #tpu.memory_space<hbm>> -> memref<10000x128xf32, #tpu.memory_space<hbm>>
          tpu.enqueue_indirect_dma source(%dma_start3A_698 : memref<10000x128xf32, #tpu.memory_space<hbm>>) target(%arg8 : memref<80x128xf32, #tpu.memory_space<vmem>>) offsets(%dma_start3A_695 : memref<80xi32, #tpu.memory_space<vmem>>) semaphore(%arg21 : memref<!tpu.dma_semaphore, #tpu.memory_space<semaphore_mem>>)
        } else {
        }
      } else {
      }
      %add3A_566 = arith.constant 6 : i32
      %add3A_567 = arith.addi %add3A_544, %add3A_566 : i32
      %lt3A_568 = arith.constant 125 : i32
      %lt3A_569 = arith.cmpi slt, %add3A_567, %lt3A_568 : i32
      %convert_element_type3A_570 = arith.extui %lt3A_569 : i1 to i32
      %cond3A_571 = arith.constant 0 : i32
      %cond3A_572 = arith.cmpi ne, %convert_element_type3A_570, %cond3A_571 : i32
      scf.if %cond3A_572 {
        %add3A_663 = arith.constant 6 : i32
        %add3A_664 = arith.addi %add3A_544, %add3A_663 : i32
        %dma_start3A_665 = arith.constant 2 : i32
        %dma_start3A_666 = arith.constant 0 : i32
        %dma_start3A_667 = arith.constant 0 : i32
        %dma_start3A_668 = tpu.memref_slice %arg5[%dma_start3A_665, %dma_start3A_666, %dma_start3A_667] : memref<8x2x80xi32, #tpu.memory_space<vmem>> -> memref<1x2x80xi32, #tpu.memory_space<vmem>>
        %dma_start3A_669 = tpu.memref_squeeze %dma_start3A_668 : memref<1x2x80xi32, #tpu.memory_space<vmem>> -> memref<2x80xi32, #tpu.memory_space<vmem>>
        %dma_start3A_670 = arith.constant 0 : i32
        %dma_start3A_671 = arith.constant 0 : i32
        %dma_start3A_672 = tpu.memref_slice %arg3[%add3A, %add3A_664, %dma_start3A_670, %dma_start3A_671] : memref<32x125x2x80xi32, #tpu.memory_space<hbm>> -> memref<1x1x2x80xi32, #tpu.memory_space<hbm>>
        %dma_start3A_673 = tpu.memref_squeeze %dma_start3A_672 : memref<1x1x2x80xi32, #tpu.memory_space<hbm>> -> memref<2x80xi32, #tpu.memory_space<hbm>>
        %dma_start3A_674 = arith.constant 0 : i32
        %dma_start3A_675 = arith.constant 0 : i32
        %dma_start3A_676 = tpu.memref_slice %arg5[%dma_start3A_665, %dma_start3A_674, %dma_start3A_675] : memref<8x2x80xi32, #tpu.memory_space<vmem>> -> memref<1x2x80xi32, #tpu.memory_space<vmem>>
        %dma_start3A_677 = tpu.memref_squeeze %dma_start3A_676 : memref<1x2x80xi32, #tpu.memory_space<vmem>> -> memref<2x80xi32, #tpu.memory_space<vmem>>
        %dma_start3A_678 = arith.constant 0 : i32
        %dma_start3A_679 = arith.constant 0 : i32
        %dma_start3A_680 = tpu.memref_slice %arg3[%add3A, %add3A_664, %dma_start3A_678, %dma_start3A_679] : memref<32x125x2x80xi32, #tpu.memory_space<hbm>> -> memref<1x1x2x80xi32, #tpu.memory_space<hbm>>
        %dma_start3A_681 = tpu.memref_squeeze %dma_start3A_680 : memref<1x1x2x80xi32, #tpu.memory_space<hbm>> -> memref<2x80xi32, #tpu.memory_space<hbm>>
        tpu.enqueue_dma source(%dma_start3A_681 : memref<2x80xi32, #tpu.memory_space<hbm>>) target(%dma_start3A_677 : memref<2x80xi32, #tpu.memory_space<vmem>>) target_semaphore(%arg13 : memref<!tpu.dma_semaphore, #tpu.memory_space<semaphore_mem>>)
      } else {
      }
      %add3A_573 = arith.constant 5 : i32
      %add3A_574 = arith.addi %mul3A_423, %add3A_573 : i32
      %dma_wait3A_575 = arith.constant 0 : i32
      %dma_wait3A_576 = arith.constant 0 : i32
      %dma_wait3A_577 = tpu.memref_slice %arg2[%dma_wait3A_575, %dma_wait3A_576] : memref<10000x128xf32, #tpu.memory_space<hbm>> -> memref<80x128xf32, #tpu.memory_space<hbm>>
      %dma_wait3A_578 = arith.constant 0 : i32
      %dma_wait3A_579 = arith.constant 0 : i32
      %dma_wait3A_580 = tpu.memref_slice %arg2[%dma_wait3A_578, %dma_wait3A_579] : memref<10000x128xf32, #tpu.memory_space<hbm>> -> memref<80x128xf32, #tpu.memory_space<hbm>>
      tpu.wait_dma2 semaphore(%arg20 : memref<!tpu.dma_semaphore, #tpu.memory_space<semaphore_mem>>) src(%dma_wait3A_580 : memref<80x128xf32, #tpu.memory_space<hbm>>) dst(%arg7 : memref<80x128xf32, #tpu.memory_space<vmem>>)
      %dma_start3A_581 = arith.constant 5 : i32
      %dma_start3A_582 = arith.constant 1 : i32
      %dma_start3A_583 = arith.constant 0 : i32
      %dma_start3A_584 = tpu.memref_slice %arg5[%dma_start3A_581, %dma_start3A_582, %dma_start3A_583] : memref<8x2x80xi32, #tpu.memory_space<vmem>> -> memref<1x1x80xi32, #tpu.memory_space<vmem>>
      %dma_start3A_585 = tpu.memref_squeeze %dma_start3A_584 : memref<1x1x80xi32, #tpu.memory_space<vmem>> -> memref<80xi32, #tpu.memory_space<vmem>>
      %dma_start3A_586 = arith.constant 0 : i32
      %dma_start3A_587 = arith.constant 0 : i32
      %dma_start3A_588 = tpu.memref_slice %arg10[%dma_start3A_586, %dma_start3A_587] : memref<10000x128xf32, #tpu.memory_space<vmem_shared>> -> memref<10000x128xf32, #tpu.memory_space<vmem_shared>>
      tpu.enqueue_indirect_dma source(%arg7 : memref<80x128xf32, #tpu.memory_space<vmem>>) target(%dma_start3A_588 : memref<10000x128xf32, #tpu.memory_space<vmem_shared>>) offsets(%dma_start3A_585 : memref<80xi32, #tpu.memory_space<vmem>>) semaphore(%arg24 : memref<!tpu.dma_semaphore, #tpu.memory_space<semaphore_mem>>) {add = true}
      %add3A_589 = arith.constant 2 : i32
      %add3A_590 = arith.addi %add3A_574, %add3A_589 : i32
      %lt3A_591 = arith.constant 125 : i32
      %lt3A_592 = arith.cmpi slt, %add3A_590, %lt3A_591 : i32
      %convert_element_type3A_593 = arith.extui %lt3A_592 : i1 to i32
      %cond3A_594 = arith.constant 0 : i32
      %cond3A_595 = arith.cmpi ne, %convert_element_type3A_593, %cond3A_594 : i32
      scf.if %cond3A_595 {
        %ge3A = arith.constant 2 : i32
        %ge3A_663 = arith.cmpi sge, %add3A_574, %ge3A : i32
        %convert_element_type3A_664 = arith.extui %ge3A_663 : i1 to i32
        %cond3A_665 = arith.constant 0 : i32
        %cond3A_666 = arith.cmpi ne, %convert_element_type3A_664, %cond3A_665 : i32
        scf.if %cond3A_666 {
          %dma_wait3A_672 = arith.constant 0 : i32
          %dma_wait3A_673 = arith.constant 0 : i32
          %dma_wait3A_674 = tpu.memref_slice %arg2[%dma_wait3A_672, %dma_wait3A_673] : memref<10000x128xf32, #tpu.memory_space<hbm>> -> memref<80x128xf32, #tpu.memory_space<hbm>>
          %dma_wait3A_675 = arith.constant 0 : i32
          %dma_wait3A_676 = arith.constant 0 : i32
          %dma_wait3A_677 = tpu.memref_slice %arg2[%dma_wait3A_675, %dma_wait3A_676] : memref<10000x128xf32, #tpu.memory_space<hbm>> -> memref<80x128xf32, #tpu.memory_space<hbm>>
          tpu.wait_dma2 semaphore(%arg26 : memref<!tpu.dma_semaphore, #tpu.memory_space<semaphore_mem>>) src(%dma_wait3A_677 : memref<80x128xf32, #tpu.memory_space<hbm>>) dst(%arg9 : memref<80x128xf32, #tpu.memory_space<vmem>>)
        } else {
        }
        %ge3A_667 = arith.constant 1 : i32
        %ge3A_668 = arith.cmpi sge, %add3A_574, %ge3A_667 : i32
        %convert_element_type3A_669 = arith.extui %ge3A_668 : i1 to i32
        %cond3A_670 = arith.constant 0 : i32
        %cond3A_671 = arith.cmpi ne, %convert_element_type3A_669, %cond3A_670 : i32
        scf.if %cond3A_671 {
          %dma_wait3A_672 = arith.constant 0 : i32
          %dma_wait3A_673 = arith.constant 0 : i32
          %dma_wait3A_674 = arith.constant 7 : i32
          %dma_wait3A_675 = arith.constant 0 : i32
          %dma_wait3A_676 = arith.constant 0 : i32
          %dma_wait3A_677 = tpu.memref_slice %arg5[%dma_wait3A_674, %dma_wait3A_675, %dma_wait3A_676] : memref<8x2x80xi32, #tpu.memory_space<vmem>> -> memref<1x2x80xi32, #tpu.memory_space<vmem>>
          %dma_wait3A_678 = tpu.memref_squeeze %dma_wait3A_677 : memref<1x2x80xi32, #tpu.memory_space<vmem>> -> memref<2x80xi32, #tpu.memory_space<vmem>>
          %dma_wait3A_679 = arith.constant 0 : i32
          %dma_wait3A_680 = arith.constant 0 : i32
          %dma_wait3A_681 = tpu.memref_slice %arg3[%dma_wait3A_672, %dma_wait3A_673, %dma_wait3A_679, %dma_wait3A_680] : memref<32x125x2x80xi32, #tpu.memory_space<hbm>> -> memref<1x1x2x80xi32, #tpu.memory_space<hbm>>
          %dma_wait3A_682 = tpu.memref_squeeze %dma_wait3A_681 : memref<1x1x2x80xi32, #tpu.memory_space<hbm>> -> memref<2x80xi32, #tpu.memory_space<hbm>>
          %dma_wait3A_683 = arith.constant 0 : i32
          %dma_wait3A_684 = arith.constant 0 : i32
          %dma_wait3A_685 = tpu.memref_slice %arg5[%dma_wait3A_674, %dma_wait3A_683, %dma_wait3A_684] : memref<8x2x80xi32, #tpu.memory_space<vmem>> -> memref<1x2x80xi32, #tpu.memory_space<vmem>>
          %dma_wait3A_686 = tpu.memref_squeeze %dma_wait3A_685 : memref<1x2x80xi32, #tpu.memory_space<vmem>> -> memref<2x80xi32, #tpu.memory_space<vmem>>
          %dma_wait3A_687 = arith.constant 0 : i32
          %dma_wait3A_688 = arith.constant 0 : i32
          %dma_wait3A_689 = tpu.memref_slice %arg3[%dma_wait3A_672, %dma_wait3A_673, %dma_wait3A_687, %dma_wait3A_688] : memref<32x125x2x80xi32, #tpu.memory_space<hbm>> -> memref<1x1x2x80xi32, #tpu.memory_space<hbm>>
          %dma_wait3A_690 = tpu.memref_squeeze %dma_wait3A_689 : memref<1x1x2x80xi32, #tpu.memory_space<hbm>> -> memref<2x80xi32, #tpu.memory_space<hbm>>
          tpu.wait_dma2 semaphore(%arg18 : memref<!tpu.dma_semaphore, #tpu.memory_space<semaphore_mem>>) src(%dma_wait3A_690 : memref<2x80xi32, #tpu.memory_space<hbm>>) dst(%dma_wait3A_686 : memref<2x80xi32, #tpu.memory_space<vmem>>)
          %dma_start3A_691 = arith.constant 7 : i32
          %dma_start3A_692 = arith.constant 0 : i32
          %dma_start3A_693 = arith.constant 0 : i32
          %dma_start3A_694 = tpu.memref_slice %arg5[%dma_start3A_691, %dma_start3A_692, %dma_start3A_693] : memref<8x2x80xi32, #tpu.memory_space<vmem>> -> memref<1x1x80xi32, #tpu.memory_space<vmem>>
          %dma_start3A_695 = tpu.memref_squeeze %dma_start3A_694 : memref<1x1x80xi32, #tpu.memory_space<vmem>> -> memref<80xi32, #tpu.memory_space<vmem>>
          %dma_start3A_696 = arith.constant 0 : i32
          %dma_start3A_697 = arith.constant 0 : i32
          %dma_start3A_698 = tpu.memref_slice %arg2[%dma_start3A_696, %dma_start3A_697] : memref<10000x128xf32, #tpu.memory_space<hbm>> -> memref<10000x128xf32, #tpu.memory_space<hbm>>
          tpu.enqueue_indirect_dma source(%dma_start3A_698 : memref<10000x128xf32, #tpu.memory_space<hbm>>) target(%arg9 : memref<80x128xf32, #tpu.memory_space<vmem>>) offsets(%dma_start3A_695 : memref<80xi32, #tpu.memory_space<vmem>>) semaphore(%arg22 : memref<!tpu.dma_semaphore, #tpu.memory_space<semaphore_mem>>)
        } else {
        }
      } else {
      }
      %add3A_596 = arith.constant 6 : i32
      %add3A_597 = arith.addi %add3A_574, %add3A_596 : i32
      %lt3A_598 = arith.constant 125 : i32
      %lt3A_599 = arith.cmpi slt, %add3A_597, %lt3A_598 : i32
      %convert_element_type3A_600 = arith.extui %lt3A_599 : i1 to i32
      %cond3A_601 = arith.constant 0 : i32
      %cond3A_602 = arith.cmpi ne, %convert_element_type3A_600, %cond3A_601 : i32
      scf.if %cond3A_602 {
        %add3A_663 = arith.constant 6 : i32
        %add3A_664 = arith.addi %add3A_574, %add3A_663 : i32
        %dma_start3A_665 = arith.constant 3 : i32
        %dma_start3A_666 = arith.constant 0 : i32
        %dma_start3A_667 = arith.constant 0 : i32
        %dma_start3A_668 = tpu.memref_slice %arg5[%dma_start3A_665, %dma_start3A_666, %dma_start3A_667] : memref<8x2x80xi32, #tpu.memory_space<vmem>> -> memref<1x2x80xi32, #tpu.memory_space<vmem>>
        %dma_start3A_669 = tpu.memref_squeeze %dma_start3A_668 : memref<1x2x80xi32, #tpu.memory_space<vmem>> -> memref<2x80xi32, #tpu.memory_space<vmem>>
        %dma_start3A_670 = arith.constant 0 : i32
        %dma_start3A_671 = arith.constant 0 : i32
        %dma_start3A_672 = tpu.memref_slice %arg3[%add3A, %add3A_664, %dma_start3A_670, %dma_start3A_671] : memref<32x125x2x80xi32, #tpu.memory_space<hbm>> -> memref<1x1x2x80xi32, #tpu.memory_space<hbm>>
        %dma_start3A_673 = tpu.memref_squeeze %dma_start3A_672 : memref<1x1x2x80xi32, #tpu.memory_space<hbm>> -> memref<2x80xi32, #tpu.memory_space<hbm>>
        %dma_start3A_674 = arith.constant 0 : i32
        %dma_start3A_675 = arith.constant 0 : i32
        %dma_start3A_676 = tpu.memref_slice %arg5[%dma_start3A_665, %dma_start3A_674, %dma_start3A_675] : memref<8x2x80xi32, #tpu.memory_space<vmem>> -> memref<1x2x80xi32, #tpu.memory_space<vmem>>
        %dma_start3A_677 = tpu.memref_squeeze %dma_start3A_676 : memref<1x2x80xi32, #tpu.memory_space<vmem>> -> memref<2x80xi32, #tpu.memory_space<vmem>>
        %dma_start3A_678 = arith.constant 0 : i32
        %dma_start3A_679 = arith.constant 0 : i32
        %dma_start3A_680 = tpu.memref_slice %arg3[%add3A, %add3A_664, %dma_start3A_678, %dma_start3A_679] : memref<32x125x2x80xi32, #tpu.memory_space<hbm>> -> memref<1x1x2x80xi32, #tpu.memory_space<hbm>>
        %dma_start3A_681 = tpu.memref_squeeze %dma_start3A_680 : memref<1x1x2x80xi32, #tpu.memory_space<hbm>> -> memref<2x80xi32, #tpu.memory_space<hbm>>
        tpu.enqueue_dma source(%dma_start3A_681 : memref<2x80xi32, #tpu.memory_space<hbm>>) target(%dma_start3A_677 : memref<2x80xi32, #tpu.memory_space<vmem>>) target_semaphore(%arg14 : memref<!tpu.dma_semaphore, #tpu.memory_space<semaphore_mem>>)
      } else {
      }
      %add3A_603 = arith.constant 6 : i32
      %add3A_604 = arith.addi %mul3A_423, %add3A_603 : i32
      %dma_wait3A_605 = arith.constant 0 : i32
      %dma_wait3A_606 = arith.constant 0 : i32
      %dma_wait3A_607 = tpu.memref_slice %arg2[%dma_wait3A_605, %dma_wait3A_606] : memref<10000x128xf32, #tpu.memory_space<hbm>> -> memref<80x128xf32, #tpu.memory_space<hbm>>
      %dma_wait3A_608 = arith.constant 0 : i32
      %dma_wait3A_609 = arith.constant 0 : i32
      %dma_wait3A_610 = tpu.memref_slice %arg2[%dma_wait3A_608, %dma_wait3A_609] : memref<10000x128xf32, #tpu.memory_space<hbm>> -> memref<80x128xf32, #tpu.memory_space<hbm>>
      tpu.wait_dma2 semaphore(%arg21 : memref<!tpu.dma_semaphore, #tpu.memory_space<semaphore_mem>>) src(%dma_wait3A_610 : memref<80x128xf32, #tpu.memory_space<hbm>>) dst(%arg8 : memref<80x128xf32, #tpu.memory_space<vmem>>)
      %dma_start3A_611 = arith.constant 6 : i32
      %dma_start3A_612 = arith.constant 1 : i32
      %dma_start3A_613 = arith.constant 0 : i32
      %dma_start3A_614 = tpu.memref_slice %arg5[%dma_start3A_611, %dma_start3A_612, %dma_start3A_613] : memref<8x2x80xi32, #tpu.memory_space<vmem>> -> memref<1x1x80xi32, #tpu.memory_space<vmem>>
      %dma_start3A_615 = tpu.memref_squeeze %dma_start3A_614 : memref<1x1x80xi32, #tpu.memory_space<vmem>> -> memref<80xi32, #tpu.memory_space<vmem>>
      %dma_start3A_616 = arith.constant 0 : i32
      %dma_start3A_617 = arith.constant 0 : i32
      %dma_start3A_618 = tpu.memref_slice %arg10[%dma_start3A_616, %dma_start3A_617] : memref<10000x128xf32, #tpu.memory_space<vmem_shared>> -> memref<10000x128xf32, #tpu.memory_space<vmem_shared>>
      tpu.enqueue_indirect_dma source(%arg8 : memref<80x128xf32, #tpu.memory_space<vmem>>) target(%dma_start3A_618 : memref<10000x128xf32, #tpu.memory_space<vmem_shared>>) offsets(%dma_start3A_615 : memref<80xi32, #tpu.memory_space<vmem>>) semaphore(%arg25 : memref<!tpu.dma_semaphore, #tpu.memory_space<semaphore_mem>>) {add = true}
      %add3A_619 = arith.constant 2 : i32
      %add3A_620 = arith.addi %add3A_604, %add3A_619 : i32
      %lt3A_621 = arith.constant 125 : i32
      %lt3A_622 = arith.cmpi slt, %add3A_620, %lt3A_621 : i32
      %convert_element_type3A_623 = arith.extui %lt3A_622 : i1 to i32
      %cond3A_624 = arith.constant 0 : i32
      %cond3A_625 = arith.cmpi ne, %convert_element_type3A_623, %cond3A_624 : i32
      scf.if %cond3A_625 {
        %ge3A = arith.constant 2 : i32
        %ge3A_663 = arith.cmpi sge, %add3A_604, %ge3A : i32
        %convert_element_type3A_664 = arith.extui %ge3A_663 : i1 to i32
        %cond3A_665 = arith.constant 0 : i32
        %cond3A_666 = arith.cmpi ne, %convert_element_type3A_664, %cond3A_665 : i32
        scf.if %cond3A_666 {
          %dma_wait3A_672 = arith.constant 0 : i32
          %dma_wait3A_673 = arith.constant 0 : i32
          %dma_wait3A_674 = tpu.memref_slice %arg2[%dma_wait3A_672, %dma_wait3A_673] : memref<10000x128xf32, #tpu.memory_space<hbm>> -> memref<80x128xf32, #tpu.memory_space<hbm>>
          %dma_wait3A_675 = arith.constant 0 : i32
          %dma_wait3A_676 = arith.constant 0 : i32
          %dma_wait3A_677 = tpu.memref_slice %arg2[%dma_wait3A_675, %dma_wait3A_676] : memref<10000x128xf32, #tpu.memory_space<hbm>> -> memref<80x128xf32, #tpu.memory_space<hbm>>
          tpu.wait_dma2 semaphore(%arg23 : memref<!tpu.dma_semaphore, #tpu.memory_space<semaphore_mem>>) src(%dma_wait3A_677 : memref<80x128xf32, #tpu.memory_space<hbm>>) dst(%arg6 : memref<80x128xf32, #tpu.memory_space<vmem>>)
        } else {
        }
        %ge3A_667 = arith.constant 1 : i32
        %ge3A_668 = arith.cmpi sge, %add3A_604, %ge3A_667 : i32
        %convert_element_type3A_669 = arith.extui %ge3A_668 : i1 to i32
        %cond3A_670 = arith.constant 0 : i32
        %cond3A_671 = arith.cmpi ne, %convert_element_type3A_669, %cond3A_670 : i32
        scf.if %cond3A_671 {
          %dma_wait3A_672 = arith.constant 0 : i32
          %dma_wait3A_673 = arith.constant 0 : i32
          %dma_wait3A_674 = arith.constant 0 : i32
          %dma_wait3A_675 = arith.constant 0 : i32
          %dma_wait3A_676 = arith.constant 0 : i32
          %dma_wait3A_677 = tpu.memref_slice %arg5[%dma_wait3A_674, %dma_wait3A_675, %dma_wait3A_676] : memref<8x2x80xi32, #tpu.memory_space<vmem>> -> memref<1x2x80xi32, #tpu.memory_space<vmem>>
          %dma_wait3A_678 = tpu.memref_squeeze %dma_wait3A_677 : memref<1x2x80xi32, #tpu.memory_space<vmem>> -> memref<2x80xi32, #tpu.memory_space<vmem>>
          %dma_wait3A_679 = arith.constant 0 : i32
          %dma_wait3A_680 = arith.constant 0 : i32
          %dma_wait3A_681 = tpu.memref_slice %arg3[%dma_wait3A_672, %dma_wait3A_673, %dma_wait3A_679, %dma_wait3A_680] : memref<32x125x2x80xi32, #tpu.memory_space<hbm>> -> memref<1x1x2x80xi32, #tpu.memory_space<hbm>>
          %dma_wait3A_682 = tpu.memref_squeeze %dma_wait3A_681 : memref<1x1x2x80xi32, #tpu.memory_space<hbm>> -> memref<2x80xi32, #tpu.memory_space<hbm>>
          %dma_wait3A_683 = arith.constant 0 : i32
          %dma_wait3A_684 = arith.constant 0 : i32
          %dma_wait3A_685 = tpu.memref_slice %arg5[%dma_wait3A_674, %dma_wait3A_683, %dma_wait3A_684] : memref<8x2x80xi32, #tpu.memory_space<vmem>> -> memref<1x2x80xi32, #tpu.memory_space<vmem>>
          %dma_wait3A_686 = tpu.memref_squeeze %dma_wait3A_685 : memref<1x2x80xi32, #tpu.memory_space<vmem>> -> memref<2x80xi32, #tpu.memory_space<vmem>>
          %dma_wait3A_687 = arith.constant 0 : i32
          %dma_wait3A_688 = arith.constant 0 : i32
          %dma_wait3A_689 = tpu.memref_slice %arg3[%dma_wait3A_672, %dma_wait3A_673, %dma_wait3A_687, %dma_wait3A_688] : memref<32x125x2x80xi32, #tpu.memory_space<hbm>> -> memref<1x1x2x80xi32, #tpu.memory_space<hbm>>
          %dma_wait3A_690 = tpu.memref_squeeze %dma_wait3A_689 : memref<1x1x2x80xi32, #tpu.memory_space<hbm>> -> memref<2x80xi32, #tpu.memory_space<hbm>>
          tpu.wait_dma2 semaphore(%arg11 : memref<!tpu.dma_semaphore, #tpu.memory_space<semaphore_mem>>) src(%dma_wait3A_690 : memref<2x80xi32, #tpu.memory_space<hbm>>) dst(%dma_wait3A_686 : memref<2x80xi32, #tpu.memory_space<vmem>>)
          %dma_start3A_691 = arith.constant 0 : i32
          %dma_start3A_692 = arith.constant 0 : i32
          %dma_start3A_693 = arith.constant 0 : i32
          %dma_start3A_694 = tpu.memref_slice %arg5[%dma_start3A_691, %dma_start3A_692, %dma_start3A_693] : memref<8x2x80xi32, #tpu.memory_space<vmem>> -> memref<1x1x80xi32, #tpu.memory_space<vmem>>
          %dma_start3A_695 = tpu.memref_squeeze %dma_start3A_694 : memref<1x1x80xi32, #tpu.memory_space<vmem>> -> memref<80xi32, #tpu.memory_space<vmem>>
          %dma_start3A_696 = arith.constant 0 : i32
          %dma_start3A_697 = arith.constant 0 : i32
          %dma_start3A_698 = tpu.memref_slice %arg2[%dma_start3A_696, %dma_start3A_697] : memref<10000x128xf32, #tpu.memory_space<hbm>> -> memref<10000x128xf32, #tpu.memory_space<hbm>>
          tpu.enqueue_indirect_dma source(%dma_start3A_698 : memref<10000x128xf32, #tpu.memory_space<hbm>>) target(%arg6 : memref<80x128xf32, #tpu.memory_space<vmem>>) offsets(%dma_start3A_695 : memref<80xi32, #tpu.memory_space<vmem>>) semaphore(%arg19 : memref<!tpu.dma_semaphore, #tpu.memory_space<semaphore_mem>>)
        } else {
        }
      } else {
      }
      %add3A_626 = arith.constant 6 : i32
      %add3A_627 = arith.addi %add3A_604, %add3A_626 : i32
      %lt3A_628 = arith.constant 125 : i32
      %lt3A_629 = arith.cmpi slt, %add3A_627, %lt3A_628 : i32
      %convert_element_type3A_630 = arith.extui %lt3A_629 : i1 to i32
      %cond3A_631 = arith.constant 0 : i32
      %cond3A_632 = arith.cmpi ne, %convert_element_type3A_630, %cond3A_631 : i32
      scf.if %cond3A_632 {
        %add3A_663 = arith.constant 6 : i32
        %add3A_664 = arith.addi %add3A_604, %add3A_663 : i32
        %dma_start3A_665 = arith.constant 4 : i32
        %dma_start3A_666 = arith.constant 0 : i32
        %dma_start3A_667 = arith.constant 0 : i32
        %dma_start3A_668 = tpu.memref_slice %arg5[%dma_start3A_665, %dma_start3A_666, %dma_start3A_667] : memref<8x2x80xi32, #tpu.memory_space<vmem>> -> memref<1x2x80xi32, #tpu.memory_space<vmem>>
        %dma_start3A_669 = tpu.memref_squeeze %dma_start3A_668 : memref<1x2x80xi32, #tpu.memory_space<vmem>> -> memref<2x80xi32, #tpu.memory_space<vmem>>
        %dma_start3A_670 = arith.constant 0 : i32
        %dma_start3A_671 = arith.constant 0 : i32
        %dma_start3A_672 = tpu.memref_slice %arg3[%add3A, %add3A_664, %dma_start3A_670, %dma_start3A_671] : memref<32x125x2x80xi32, #tpu.memory_space<hbm>> -> memref<1x1x2x80xi32, #tpu.memory_space<hbm>>
        %dma_start3A_673 = tpu.memref_squeeze %dma_start3A_672 : memref<1x1x2x80xi32, #tpu.memory_space<hbm>> -> memref<2x80xi32, #tpu.memory_space<hbm>>
        %dma_start3A_674 = arith.constant 0 : i32
        %dma_start3A_675 = arith.constant 0 : i32
        %dma_start3A_676 = tpu.memref_slice %arg5[%dma_start3A_665, %dma_start3A_674, %dma_start3A_675] : memref<8x2x80xi32, #tpu.memory_space<vmem>> -> memref<1x2x80xi32, #tpu.memory_space<vmem>>
        %dma_start3A_677 = tpu.memref_squeeze %dma_start3A_676 : memref<1x2x80xi32, #tpu.memory_space<vmem>> -> memref<2x80xi32, #tpu.memory_space<vmem>>
        %dma_start3A_678 = arith.constant 0 : i32
        %dma_start3A_679 = arith.constant 0 : i32
        %dma_start3A_680 = tpu.memref_slice %arg3[%add3A, %add3A_664, %dma_start3A_678, %dma_start3A_679] : memref<32x125x2x80xi32, #tpu.memory_space<hbm>> -> memref<1x1x2x80xi32, #tpu.memory_space<hbm>>
        %dma_start3A_681 = tpu.memref_squeeze %dma_start3A_680 : memref<1x1x2x80xi32, #tpu.memory_space<hbm>> -> memref<2x80xi32, #tpu.memory_space<hbm>>
        tpu.enqueue_dma source(%dma_start3A_681 : memref<2x80xi32, #tpu.memory_space<hbm>>) target(%dma_start3A_677 : memref<2x80xi32, #tpu.memory_space<vmem>>) target_semaphore(%arg15 : memref<!tpu.dma_semaphore, #tpu.memory_space<semaphore_mem>>)
      } else {
      }
      %add3A_633 = arith.constant 7 : i32
      %add3A_634 = arith.addi %mul3A_423, %add3A_633 : i32
      %dma_wait3A_635 = arith.constant 0 : i32
      %dma_wait3A_636 = arith.constant 0 : i32
      %dma_wait3A_637 = tpu.memref_slice %arg2[%dma_wait3A_635, %dma_wait3A_636] : memref<10000x128xf32, #tpu.memory_space<hbm>> -> memref<80x128xf32, #tpu.memory_space<hbm>>
      %dma_wait3A_638 = arith.constant 0 : i32
      %dma_wait3A_639 = arith.constant 0 : i32
      %dma_wait3A_640 = tpu.memref_slice %arg2[%dma_wait3A_638, %dma_wait3A_639] : memref<10000x128xf32, #tpu.memory_space<hbm>> -> memref<80x128xf32, #tpu.memory_space<hbm>>
      tpu.wait_dma2 semaphore(%arg22 : memref<!tpu.dma_semaphore, #tpu.memory_space<semaphore_mem>>) src(%dma_wait3A_640 : memref<80x128xf32, #tpu.memory_space<hbm>>) dst(%arg9 : memref<80x128xf32, #tpu.memory_space<vmem>>)
      %dma_start3A_641 = arith.constant 7 : i32
      %dma_start3A_642 = arith.constant 1 : i32
      %dma_start3A_643 = arith.constant 0 : i32
      %dma_start3A_644 = tpu.memref_slice %arg5[%dma_start3A_641, %dma_start3A_642, %dma_start3A_643] : memref<8x2x80xi32, #tpu.memory_space<vmem>> -> memref<1x1x80xi32, #tpu.memory_space<vmem>>
      %dma_start3A_645 = tpu.memref_squeeze %dma_start3A_644 : memref<1x1x80xi32, #tpu.memory_space<vmem>> -> memref<80xi32, #tpu.memory_space<vmem>>
      %dma_start3A_646 = arith.constant 0 : i32
      %dma_start3A_647 = arith.constant 0 : i32
      %dma_start3A_648 = tpu.memref_slice %arg10[%dma_start3A_646, %dma_start3A_647] : memref<10000x128xf32, #tpu.memory_space<vmem_shared>> -> memref<10000x128xf32, #tpu.memory_space<vmem_shared>>
      tpu.enqueue_indirect_dma source(%arg9 : memref<80x128xf32, #tpu.memory_space<vmem>>) target(%dma_start3A_648 : memref<10000x128xf32, #tpu.memory_space<vmem_shared>>) offsets(%dma_start3A_645 : memref<80xi32, #tpu.memory_space<vmem>>) semaphore(%arg26 : memref<!tpu.dma_semaphore, #tpu.memory_space<semaphore_mem>>) {add = true}
      %add3A_649 = arith.constant 2 : i32
      %add3A_650 = arith.addi %add3A_634, %add3A_649 : i32
      %lt3A_651 = arith.constant 125 : i32
      %lt3A_652 = arith.cmpi slt, %add3A_650, %lt3A_651 : i32
      %convert_element_type3A_653 = arith.extui %lt3A_652 : i1 to i32
      %cond3A_654 = arith.constant 0 : i32
      %cond3A_655 = arith.cmpi ne, %convert_element_type3A_653, %cond3A_654 : i32
      scf.if %cond3A_655 {
        %ge3A = arith.constant 2 : i32
        %ge3A_663 = arith.cmpi sge, %add3A_634, %ge3A : i32
        %convert_element_type3A_664 = arith.extui %ge3A_663 : i1 to i32
        %cond3A_665 = arith.constant 0 : i32
        %cond3A_666 = arith.cmpi ne, %convert_element_type3A_664, %cond3A_665 : i32
        scf.if %cond3A_666 {
          %dma_wait3A_672 = arith.constant 0 : i32
          %dma_wait3A_673 = arith.constant 0 : i32
          %dma_wait3A_674 = tpu.memref_slice %arg2[%dma_wait3A_672, %dma_wait3A_673] : memref<10000x128xf32, #tpu.memory_space<hbm>> -> memref<80x128xf32, #tpu.memory_space<hbm>>
          %dma_wait3A_675 = arith.constant 0 : i32
          %dma_wait3A_676 = arith.constant 0 : i32
          %dma_wait3A_677 = tpu.memref_slice %arg2[%dma_wait3A_675, %dma_wait3A_676] : memref<10000x128xf32, #tpu.memory_space<hbm>> -> memref<80x128xf32, #tpu.memory_space<hbm>>
          tpu.wait_dma2 semaphore(%arg24 : memref<!tpu.dma_semaphore, #tpu.memory_space<semaphore_mem>>) src(%dma_wait3A_677 : memref<80x128xf32, #tpu.memory_space<hbm>>) dst(%arg7 : memref<80x128xf32, #tpu.memory_space<vmem>>)
        } else {
        }
        %ge3A_667 = arith.constant 1 : i32
        %ge3A_668 = arith.cmpi sge, %add3A_634, %ge3A_667 : i32
        %convert_element_type3A_669 = arith.extui %ge3A_668 : i1 to i32
        %cond3A_670 = arith.constant 0 : i32
        %cond3A_671 = arith.cmpi ne, %convert_element_type3A_669, %cond3A_670 : i32
        scf.if %cond3A_671 {
          %dma_wait3A_672 = arith.constant 0 : i32
          %dma_wait3A_673 = arith.constant 0 : i32
          %dma_wait3A_674 = arith.constant 1 : i32
          %dma_wait3A_675 = arith.constant 0 : i32
          %dma_wait3A_676 = arith.constant 0 : i32
          %dma_wait3A_677 = tpu.memref_slice %arg5[%dma_wait3A_674, %dma_wait3A_675, %dma_wait3A_676] : memref<8x2x80xi32, #tpu.memory_space<vmem>> -> memref<1x2x80xi32, #tpu.memory_space<vmem>>
          %dma_wait3A_678 = tpu.memref_squeeze %dma_wait3A_677 : memref<1x2x80xi32, #tpu.memory_space<vmem>> -> memref<2x80xi32, #tpu.memory_space<vmem>>
          %dma_wait3A_679 = arith.constant 0 : i32
          %dma_wait3A_680 = arith.constant 0 : i32
          %dma_wait3A_681 = tpu.memref_slice %arg3[%dma_wait3A_672, %dma_wait3A_673, %dma_wait3A_679, %dma_wait3A_680] : memref<32x125x2x80xi32, #tpu.memory_space<hbm>> -> memref<1x1x2x80xi32, #tpu.memory_space<hbm>>
          %dma_wait3A_682 = tpu.memref_squeeze %dma_wait3A_681 : memref<1x1x2x80xi32, #tpu.memory_space<hbm>> -> memref<2x80xi32, #tpu.memory_space<hbm>>
          %dma_wait3A_683 = arith.constant 0 : i32
          %dma_wait3A_684 = arith.constant 0 : i32
          %dma_wait3A_685 = tpu.memref_slice %arg5[%dma_wait3A_674, %dma_wait3A_683, %dma_wait3A_684] : memref<8x2x80xi32, #tpu.memory_space<vmem>> -> memref<1x2x80xi32, #tpu.memory_space<vmem>>
          %dma_wait3A_686 = tpu.memref_squeeze %dma_wait3A_685 : memref<1x2x80xi32, #tpu.memory_space<vmem>> -> memref<2x80xi32, #tpu.memory_space<vmem>>
          %dma_wait3A_687 = arith.constant 0 : i32
          %dma_wait3A_688 = arith.constant 0 : i32
          %dma_wait3A_689 = tpu.memref_slice %arg3[%dma_wait3A_672, %dma_wait3A_673, %dma_wait3A_687, %dma_wait3A_688] : memref<32x125x2x80xi32, #tpu.memory_space<hbm>> -> memref<1x1x2x80xi32, #tpu.memory_space<hbm>>
          %dma_wait3A_690 = tpu.memref_squeeze %dma_wait3A_689 : memref<1x1x2x80xi32, #tpu.memory_space<hbm>> -> memref<2x80xi32, #tpu.memory_space<hbm>>
          tpu.wait_dma2 semaphore(%arg12 : memref<!tpu.dma_semaphore, #tpu.memory_space<semaphore_mem>>) src(%dma_wait3A_690 : memref<2x80xi32, #tpu.memory_space<hbm>>) dst(%dma_wait3A_686 : memref<2x80xi32, #tpu.memory_space<vmem>>)
          %dma_start3A_691 = arith.constant 1 : i32
          %dma_start3A_692 = arith.constant 0 : i32
          %dma_start3A_693 = arith.constant 0 : i32
          %dma_start3A_694 = tpu.memref_slice %arg5[%dma_start3A_691, %dma_start3A_692, %dma_start3A_693] : memref<8x2x80xi32, #tpu.memory_space<vmem>> -> memref<1x1x80xi32, #tpu.memory_space<vmem>>
          %dma_start3A_695 = tpu.memref_squeeze %dma_start3A_694 : memref<1x1x80xi32, #tpu.memory_space<vmem>> -> memref<80xi32, #tpu.memory_space<vmem>>
          %dma_start3A_696 = arith.constant 0 : i32
          %dma_start3A_697 = arith.constant 0 : i32
          %dma_start3A_698 = tpu.memref_slice %arg2[%dma_start3A_696, %dma_start3A_697] : memref<10000x128xf32, #tpu.memory_space<hbm>> -> memref<10000x128xf32, #tpu.memory_space<hbm>>
          tpu.enqueue_indirect_dma source(%dma_start3A_698 : memref<10000x128xf32, #tpu.memory_space<hbm>>) target(%arg7 : memref<80x128xf32, #tpu.memory_space<vmem>>) offsets(%dma_start3A_695 : memref<80xi32, #tpu.memory_space<vmem>>) semaphore(%arg20 : memref<!tpu.dma_semaphore, #tpu.memory_space<semaphore_mem>>)
        } else {
        }
      } else {
      }
      %add3A_656 = arith.constant 6 : i32
      %add3A_657 = arith.addi %add3A_634, %add3A_656 : i32
      %lt3A_658 = arith.constant 125 : i32
      %lt3A_659 = arith.cmpi slt, %add3A_657, %lt3A_658 : i32
      %convert_element_type3A_660 = arith.extui %lt3A_659 : i1 to i32
      %cond3A_661 = arith.constant 0 : i32
      %cond3A_662 = arith.cmpi ne, %convert_element_type3A_660, %cond3A_661 : i32
      scf.if %cond3A_662 {
        %add3A_663 = arith.constant 6 : i32
        %add3A_664 = arith.addi %add3A_634, %add3A_663 : i32
        %dma_start3A_665 = arith.constant 5 : i32
        %dma_start3A_666 = arith.constant 0 : i32
        %dma_start3A_667 = arith.constant 0 : i32
        %dma_start3A_668 = tpu.memref_slice %arg5[%dma_start3A_665, %dma_start3A_666, %dma_start3A_667] : memref<8x2x80xi32, #tpu.memory_space<vmem>> -> memref<1x2x80xi32, #tpu.memory_space<vmem>>
        %dma_start3A_669 = tpu.memref_squeeze %dma_start3A_668 : memref<1x2x80xi32, #tpu.memory_space<vmem>> -> memref<2x80xi32, #tpu.memory_space<vmem>>
        %dma_start3A_670 = arith.constant 0 : i32
        %dma_start3A_671 = arith.constant 0 : i32
        %dma_start3A_672 = tpu.memref_slice %arg3[%add3A, %add3A_664, %dma_start3A_670, %dma_start3A_671] : memref<32x125x2x80xi32, #tpu.memory_space<hbm>> -> memref<1x1x2x80xi32, #tpu.memory_space<hbm>>
        %dma_start3A_673 = tpu.memref_squeeze %dma_start3A_672 : memref<1x1x2x80xi32, #tpu.memory_space<hbm>> -> memref<2x80xi32, #tpu.memory_space<hbm>>
        %dma_start3A_674 = arith.constant 0 : i32
        %dma_start3A_675 = arith.constant 0 : i32
        %dma_start3A_676 = tpu.memref_slice %arg5[%dma_start3A_665, %dma_start3A_674, %dma_start3A_675] : memref<8x2x80xi32, #tpu.memory_space<vmem>> -> memref<1x2x80xi32, #tpu.memory_space<vmem>>
        %dma_start3A_677 = tpu.memref_squeeze %dma_start3A_676 : memref<1x2x80xi32, #tpu.memory_space<vmem>> -> memref<2x80xi32, #tpu.memory_space<vmem>>
        %dma_start3A_678 = arith.constant 0 : i32
        %dma_start3A_679 = arith.constant 0 : i32
        %dma_start3A_680 = tpu.memref_slice %arg3[%add3A, %add3A_664, %dma_start3A_678, %dma_start3A_679] : memref<32x125x2x80xi32, #tpu.memory_space<hbm>> -> memref<1x1x2x80xi32, #tpu.memory_space<hbm>>
        %dma_start3A_681 = tpu.memref_squeeze %dma_start3A_680 : memref<1x1x2x80xi32, #tpu.memory_space<hbm>> -> memref<2x80xi32, #tpu.memory_space<hbm>>
        tpu.enqueue_dma source(%dma_start3A_681 : memref<2x80xi32, #tpu.memory_space<hbm>>) target(%dma_start3A_677 : memref<2x80xi32, #tpu.memory_space<vmem>>) target_semaphore(%arg16 : memref<!tpu.dma_semaphore, #tpu.memory_space<semaphore_mem>>)
      } else {
      }
    }
    %scan3A_214 = arith.constant 15 : i32
    %dma_wait3A_215 = arith.constant 0 : i32
    %dma_wait3A_216 = arith.constant 0 : i32
    %dma_wait3A_217 = tpu.memref_slice %arg2[%dma_wait3A_215, %dma_wait3A_216] : memref<10000x128xf32, #tpu.memory_space<hbm>> -> memref<80x128xf32, #tpu.memory_space<hbm>>
    %dma_wait3A_218 = arith.constant 0 : i32
    %dma_wait3A_219 = arith.constant 0 : i32
    %dma_wait3A_220 = tpu.memref_slice %arg2[%dma_wait3A_218, %dma_wait3A_219] : memref<10000x128xf32, #tpu.memory_space<hbm>> -> memref<80x128xf32, #tpu.memory_space<hbm>>
    tpu.wait_dma2 semaphore(%arg19 : memref<!tpu.dma_semaphore, #tpu.memory_space<semaphore_mem>>) src(%dma_wait3A_220 : memref<80x128xf32, #tpu.memory_space<hbm>>) dst(%arg6 : memref<80x128xf32, #tpu.memory_space<vmem>>)
    %dma_start3A_221 = arith.constant 0 : i32
    %dma_start3A_222 = arith.constant 1 : i32
    %dma_start3A_223 = arith.constant 0 : i32
    %dma_start3A_224 = tpu.memref_slice %arg5[%dma_start3A_221, %dma_start3A_222, %dma_start3A_223] : memref<8x2x80xi32, #tpu.memory_space<vmem>> -> memref<1x1x80xi32, #tpu.memory_space<vmem>>
    %dma_start3A_225 = tpu.memref_squeeze %dma_start3A_224 : memref<1x1x80xi32, #tpu.memory_space<vmem>> -> memref<80xi32, #tpu.memory_space<vmem>>
    %dma_start3A_226 = arith.constant 0 : i32
    %dma_start3A_227 = arith.constant 0 : i32
    %dma_start3A_228 = tpu.memref_slice %arg10[%dma_start3A_226, %dma_start3A_227] : memref<10000x128xf32, #tpu.memory_space<vmem_shared>> -> memref<10000x128xf32, #tpu.memory_space<vmem_shared>>
    tpu.enqueue_indirect_dma source(%arg6 : memref<80x128xf32, #tpu.memory_space<vmem>>) target(%dma_start3A_228 : memref<10000x128xf32, #tpu.memory_space<vmem_shared>>) offsets(%dma_start3A_225 : memref<80xi32, #tpu.memory_space<vmem>>) semaphore(%arg23 : memref<!tpu.dma_semaphore, #tpu.memory_space<semaphore_mem>>) {add = true}
    %dma_wait3A_229 = arith.constant 0 : i32
    %dma_wait3A_230 = arith.constant 0 : i32
    %dma_wait3A_231 = tpu.memref_slice %arg2[%dma_wait3A_229, %dma_wait3A_230] : memref<10000x128xf32, #tpu.memory_space<hbm>> -> memref<80x128xf32, #tpu.memory_space<hbm>>
    %dma_wait3A_232 = arith.constant 0 : i32
    %dma_wait3A_233 = arith.constant 0 : i32
    %dma_wait3A_234 = tpu.memref_slice %arg2[%dma_wait3A_232, %dma_wait3A_233] : memref<10000x128xf32, #tpu.memory_space<hbm>> -> memref<80x128xf32, #tpu.memory_space<hbm>>
    tpu.wait_dma2 semaphore(%arg25 : memref<!tpu.dma_semaphore, #tpu.memory_space<semaphore_mem>>) src(%dma_wait3A_234 : memref<80x128xf32, #tpu.memory_space<hbm>>) dst(%arg8 : memref<80x128xf32, #tpu.memory_space<vmem>>)
    %dma_wait3A_235 = arith.constant 0 : i32
    %dma_wait3A_236 = arith.constant 0 : i32
    %dma_wait3A_237 = arith.constant 2 : i32
    %dma_wait3A_238 = arith.constant 0 : i32
    %dma_wait3A_239 = arith.constant 0 : i32
    %dma_wait3A_240 = tpu.memref_slice %arg5[%dma_wait3A_237, %dma_wait3A_238, %dma_wait3A_239] : memref<8x2x80xi32, #tpu.memory_space<vmem>> -> memref<1x2x80xi32, #tpu.memory_space<vmem>>
    %dma_wait3A_241 = tpu.memref_squeeze %dma_wait3A_240 : memref<1x2x80xi32, #tpu.memory_space<vmem>> -> memref<2x80xi32, #tpu.memory_space<vmem>>
    %dma_wait3A_242 = arith.constant 0 : i32
    %dma_wait3A_243 = arith.constant 0 : i32
    %dma_wait3A_244 = tpu.memref_slice %arg3[%dma_wait3A_235, %dma_wait3A_236, %dma_wait3A_242, %dma_wait3A_243] : memref<32x125x2x80xi32, #tpu.memory_space<hbm>> -> memref<1x1x2x80xi32, #tpu.memory_space<hbm>>
    %dma_wait3A_245 = tpu.memref_squeeze %dma_wait3A_244 : memref<1x1x2x80xi32, #tpu.memory_space<hbm>> -> memref<2x80xi32, #tpu.memory_space<hbm>>
    %dma_wait3A_246 = arith.constant 0 : i32
    %dma_wait3A_247 = arith.constant 0 : i32
    %dma_wait3A_248 = tpu.memref_slice %arg5[%dma_wait3A_237, %dma_wait3A_246, %dma_wait3A_247] : memref<8x2x80xi32, #tpu.memory_space<vmem>> -> memref<1x2x80xi32, #tpu.memory_space<vmem>>
    %dma_wait3A_249 = tpu.memref_squeeze %dma_wait3A_248 : memref<1x2x80xi32, #tpu.memory_space<vmem>> -> memref<2x80xi32, #tpu.memory_space<vmem>>
    %dma_wait3A_250 = arith.constant 0 : i32
    %dma_wait3A_251 = arith.constant 0 : i32
    %dma_wait3A_252 = tpu.memref_slice %arg3[%dma_wait3A_235, %dma_wait3A_236, %dma_wait3A_250, %dma_wait3A_251] : memref<32x125x2x80xi32, #tpu.memory_space<hbm>> -> memref<1x1x2x80xi32, #tpu.memory_space<hbm>>
    %dma_wait3A_253 = tpu.memref_squeeze %dma_wait3A_252 : memref<1x1x2x80xi32, #tpu.memory_space<hbm>> -> memref<2x80xi32, #tpu.memory_space<hbm>>
    tpu.wait_dma2 semaphore(%arg13 : memref<!tpu.dma_semaphore, #tpu.memory_space<semaphore_mem>>) src(%dma_wait3A_253 : memref<2x80xi32, #tpu.memory_space<hbm>>) dst(%dma_wait3A_249 : memref<2x80xi32, #tpu.memory_space<vmem>>)
    %dma_start3A_254 = arith.constant 2 : i32
    %dma_start3A_255 = arith.constant 0 : i32
    %dma_start3A_256 = arith.constant 0 : i32
    %dma_start3A_257 = tpu.memref_slice %arg5[%dma_start3A_254, %dma_start3A_255, %dma_start3A_256] : memref<8x2x80xi32, #tpu.memory_space<vmem>> -> memref<1x1x80xi32, #tpu.memory_space<vmem>>
    %dma_start3A_258 = tpu.memref_squeeze %dma_start3A_257 : memref<1x1x80xi32, #tpu.memory_space<vmem>> -> memref<80xi32, #tpu.memory_space<vmem>>
    %dma_start3A_259 = arith.constant 0 : i32
    %dma_start3A_260 = arith.constant 0 : i32
    %dma_start3A_261 = tpu.memref_slice %arg2[%dma_start3A_259, %dma_start3A_260] : memref<10000x128xf32, #tpu.memory_space<hbm>> -> memref<10000x128xf32, #tpu.memory_space<hbm>>
    tpu.enqueue_indirect_dma source(%dma_start3A_261 : memref<10000x128xf32, #tpu.memory_space<hbm>>) target(%arg8 : memref<80x128xf32, #tpu.memory_space<vmem>>) offsets(%dma_start3A_258 : memref<80xi32, #tpu.memory_space<vmem>>) semaphore(%arg21 : memref<!tpu.dma_semaphore, #tpu.memory_space<semaphore_mem>>)
    %dma_wait3A_262 = arith.constant 0 : i32
    %dma_wait3A_263 = arith.constant 0 : i32
    %dma_wait3A_264 = tpu.memref_slice %arg2[%dma_wait3A_262, %dma_wait3A_263] : memref<10000x128xf32, #tpu.memory_space<hbm>> -> memref<80x128xf32, #tpu.memory_space<hbm>>
    %dma_wait3A_265 = arith.constant 0 : i32
    %dma_wait3A_266 = arith.constant 0 : i32
    %dma_wait3A_267 = tpu.memref_slice %arg2[%dma_wait3A_265, %dma_wait3A_266] : memref<10000x128xf32, #tpu.memory_space<hbm>> -> memref<80x128xf32, #tpu.memory_space<hbm>>
    tpu.wait_dma2 semaphore(%arg20 : memref<!tpu.dma_semaphore, #tpu.memory_space<semaphore_mem>>) src(%dma_wait3A_267 : memref<80x128xf32, #tpu.memory_space<hbm>>) dst(%arg7 : memref<80x128xf32, #tpu.memory_space<vmem>>)
    %dma_start3A_268 = arith.constant 1 : i32
    %dma_start3A_269 = arith.constant 1 : i32
    %dma_start3A_270 = arith.constant 0 : i32
    %dma_start3A_271 = tpu.memref_slice %arg5[%dma_start3A_268, %dma_start3A_269, %dma_start3A_270] : memref<8x2x80xi32, #tpu.memory_space<vmem>> -> memref<1x1x80xi32, #tpu.memory_space<vmem>>
    %dma_start3A_272 = tpu.memref_squeeze %dma_start3A_271 : memref<1x1x80xi32, #tpu.memory_space<vmem>> -> memref<80xi32, #tpu.memory_space<vmem>>
    %dma_start3A_273 = arith.constant 0 : i32
    %dma_start3A_274 = arith.constant 0 : i32
    %dma_start3A_275 = tpu.memref_slice %arg10[%dma_start3A_273, %dma_start3A_274] : memref<10000x128xf32, #tpu.memory_space<vmem_shared>> -> memref<10000x128xf32, #tpu.memory_space<vmem_shared>>
    tpu.enqueue_indirect_dma source(%arg7 : memref<80x128xf32, #tpu.memory_space<vmem>>) target(%dma_start3A_275 : memref<10000x128xf32, #tpu.memory_space<vmem_shared>>) offsets(%dma_start3A_272 : memref<80xi32, #tpu.memory_space<vmem>>) semaphore(%arg24 : memref<!tpu.dma_semaphore, #tpu.memory_space<semaphore_mem>>) {add = true}
    %dma_wait3A_276 = arith.constant 0 : i32
    %dma_wait3A_277 = arith.constant 0 : i32
    %dma_wait3A_278 = tpu.memref_slice %arg2[%dma_wait3A_276, %dma_wait3A_277] : memref<10000x128xf32, #tpu.memory_space<hbm>> -> memref<80x128xf32, #tpu.memory_space<hbm>>
    %dma_wait3A_279 = arith.constant 0 : i32
    %dma_wait3A_280 = arith.constant 0 : i32
    %dma_wait3A_281 = tpu.memref_slice %arg2[%dma_wait3A_279, %dma_wait3A_280] : memref<10000x128xf32, #tpu.memory_space<hbm>> -> memref<80x128xf32, #tpu.memory_space<hbm>>
    tpu.wait_dma2 semaphore(%arg26 : memref<!tpu.dma_semaphore, #tpu.memory_space<semaphore_mem>>) src(%dma_wait3A_281 : memref<80x128xf32, #tpu.memory_space<hbm>>) dst(%arg9 : memref<80x128xf32, #tpu.memory_space<vmem>>)
    %dma_wait3A_282 = arith.constant 0 : i32
    %dma_wait3A_283 = arith.constant 0 : i32
    %dma_wait3A_284 = arith.constant 3 : i32
    %dma_wait3A_285 = arith.constant 0 : i32
    %dma_wait3A_286 = arith.constant 0 : i32
    %dma_wait3A_287 = tpu.memref_slice %arg5[%dma_wait3A_284, %dma_wait3A_285, %dma_wait3A_286] : memref<8x2x80xi32, #tpu.memory_space<vmem>> -> memref<1x2x80xi32, #tpu.memory_space<vmem>>
    %dma_wait3A_288 = tpu.memref_squeeze %dma_wait3A_287 : memref<1x2x80xi32, #tpu.memory_space<vmem>> -> memref<2x80xi32, #tpu.memory_space<vmem>>
    %dma_wait3A_289 = arith.constant 0 : i32
    %dma_wait3A_290 = arith.constant 0 : i32
    %dma_wait3A_291 = tpu.memref_slice %arg3[%dma_wait3A_282, %dma_wait3A_283, %dma_wait3A_289, %dma_wait3A_290] : memref<32x125x2x80xi32, #tpu.memory_space<hbm>> -> memref<1x1x2x80xi32, #tpu.memory_space<hbm>>
    %dma_wait3A_292 = tpu.memref_squeeze %dma_wait3A_291 : memref<1x1x2x80xi32, #tpu.memory_space<hbm>> -> memref<2x80xi32, #tpu.memory_space<hbm>>
    %dma_wait3A_293 = arith.constant 0 : i32
    %dma_wait3A_294 = arith.constant 0 : i32
    %dma_wait3A_295 = tpu.memref_slice %arg5[%dma_wait3A_284, %dma_wait3A_293, %dma_wait3A_294] : memref<8x2x80xi32, #tpu.memory_space<vmem>> -> memref<1x2x80xi32, #tpu.memory_space<vmem>>
    %dma_wait3A_296 = tpu.memref_squeeze %dma_wait3A_295 : memref<1x2x80xi32, #tpu.memory_space<vmem>> -> memref<2x80xi32, #tpu.memory_space<vmem>>
    %dma_wait3A_297 = arith.constant 0 : i32
    %dma_wait3A_298 = arith.constant 0 : i32
    %dma_wait3A_299 = tpu.memref_slice %arg3[%dma_wait3A_282, %dma_wait3A_283, %dma_wait3A_297, %dma_wait3A_298] : memref<32x125x2x80xi32, #tpu.memory_space<hbm>> -> memref<1x1x2x80xi32, #tpu.memory_space<hbm>>
    %dma_wait3A_300 = tpu.memref_squeeze %dma_wait3A_299 : memref<1x1x2x80xi32, #tpu.memory_space<hbm>> -> memref<2x80xi32, #tpu.memory_space<hbm>>
    tpu.wait_dma2 semaphore(%arg14 : memref<!tpu.dma_semaphore, #tpu.memory_space<semaphore_mem>>) src(%dma_wait3A_300 : memref<2x80xi32, #tpu.memory_space<hbm>>) dst(%dma_wait3A_296 : memref<2x80xi32, #tpu.memory_space<vmem>>)
    %dma_start3A_301 = arith.constant 3 : i32
    %dma_start3A_302 = arith.constant 0 : i32
    %dma_start3A_303 = arith.constant 0 : i32
    %dma_start3A_304 = tpu.memref_slice %arg5[%dma_start3A_301, %dma_start3A_302, %dma_start3A_303] : memref<8x2x80xi32, #tpu.memory_space<vmem>> -> memref<1x1x80xi32, #tpu.memory_space<vmem>>
    %dma_start3A_305 = tpu.memref_squeeze %dma_start3A_304 : memref<1x1x80xi32, #tpu.memory_space<vmem>> -> memref<80xi32, #tpu.memory_space<vmem>>
    %dma_start3A_306 = arith.constant 0 : i32
    %dma_start3A_307 = arith.constant 0 : i32
    %dma_start3A_308 = tpu.memref_slice %arg2[%dma_start3A_306, %dma_start3A_307] : memref<10000x128xf32, #tpu.memory_space<hbm>> -> memref<10000x128xf32, #tpu.memory_space<hbm>>
    tpu.enqueue_indirect_dma source(%dma_start3A_308 : memref<10000x128xf32, #tpu.memory_space<hbm>>) target(%arg9 : memref<80x128xf32, #tpu.memory_space<vmem>>) offsets(%dma_start3A_305 : memref<80xi32, #tpu.memory_space<vmem>>) semaphore(%arg22 : memref<!tpu.dma_semaphore, #tpu.memory_space<semaphore_mem>>)
    %dma_wait3A_309 = arith.constant 0 : i32
    %dma_wait3A_310 = arith.constant 0 : i32
    %dma_wait3A_311 = tpu.memref_slice %arg2[%dma_wait3A_309, %dma_wait3A_310] : memref<10000x128xf32, #tpu.memory_space<hbm>> -> memref<80x128xf32, #tpu.memory_space<hbm>>
    %dma_wait3A_312 = arith.constant 0 : i32
    %dma_wait3A_313 = arith.constant 0 : i32
    %dma_wait3A_314 = tpu.memref_slice %arg2[%dma_wait3A_312, %dma_wait3A_313] : memref<10000x128xf32, #tpu.memory_space<hbm>> -> memref<80x128xf32, #tpu.memory_space<hbm>>
    tpu.wait_dma2 semaphore(%arg21 : memref<!tpu.dma_semaphore, #tpu.memory_space<semaphore_mem>>) src(%dma_wait3A_314 : memref<80x128xf32, #tpu.memory_space<hbm>>) dst(%arg8 : memref<80x128xf32, #tpu.memory_space<vmem>>)
    %dma_start3A_315 = arith.constant 2 : i32
    %dma_start3A_316 = arith.constant 1 : i32
    %dma_start3A_317 = arith.constant 0 : i32
    %dma_start3A_318 = tpu.memref_slice %arg5[%dma_start3A_315, %dma_start3A_316, %dma_start3A_317] : memref<8x2x80xi32, #tpu.memory_space<vmem>> -> memref<1x1x80xi32, #tpu.memory_space<vmem>>
    %dma_start3A_319 = tpu.memref_squeeze %dma_start3A_318 : memref<1x1x80xi32, #tpu.memory_space<vmem>> -> memref<80xi32, #tpu.memory_space<vmem>>
    %dma_start3A_320 = arith.constant 0 : i32
    %dma_start3A_321 = arith.constant 0 : i32
    %dma_start3A_322 = tpu.memref_slice %arg10[%dma_start3A_320, %dma_start3A_321] : memref<10000x128xf32, #tpu.memory_space<vmem_shared>> -> memref<10000x128xf32, #tpu.memory_space<vmem_shared>>
    tpu.enqueue_indirect_dma source(%arg8 : memref<80x128xf32, #tpu.memory_space<vmem>>) target(%dma_start3A_322 : memref<10000x128xf32, #tpu.memory_space<vmem_shared>>) offsets(%dma_start3A_319 : memref<80xi32, #tpu.memory_space<vmem>>) semaphore(%arg25 : memref<!tpu.dma_semaphore, #tpu.memory_space<semaphore_mem>>) {add = true}
    %dma_wait3A_323 = arith.constant 0 : i32
    %dma_wait3A_324 = arith.constant 0 : i32
    %dma_wait3A_325 = tpu.memref_slice %arg2[%dma_wait3A_323, %dma_wait3A_324] : memref<10000x128xf32, #tpu.memory_space<hbm>> -> memref<80x128xf32, #tpu.memory_space<hbm>>
    %dma_wait3A_326 = arith.constant 0 : i32
    %dma_wait3A_327 = arith.constant 0 : i32
    %dma_wait3A_328 = tpu.memref_slice %arg2[%dma_wait3A_326, %dma_wait3A_327] : memref<10000x128xf32, #tpu.memory_space<hbm>> -> memref<80x128xf32, #tpu.memory_space<hbm>>
    tpu.wait_dma2 semaphore(%arg23 : memref<!tpu.dma_semaphore, #tpu.memory_space<semaphore_mem>>) src(%dma_wait3A_328 : memref<80x128xf32, #tpu.memory_space<hbm>>) dst(%arg6 : memref<80x128xf32, #tpu.memory_space<vmem>>)
    %dma_wait3A_329 = arith.constant 0 : i32
    %dma_wait3A_330 = arith.constant 0 : i32
    %dma_wait3A_331 = arith.constant 4 : i32
    %dma_wait3A_332 = arith.constant 0 : i32
    %dma_wait3A_333 = arith.constant 0 : i32
    %dma_wait3A_334 = tpu.memref_slice %arg5[%dma_wait3A_331, %dma_wait3A_332, %dma_wait3A_333] : memref<8x2x80xi32, #tpu.memory_space<vmem>> -> memref<1x2x80xi32, #tpu.memory_space<vmem>>
    %dma_wait3A_335 = tpu.memref_squeeze %dma_wait3A_334 : memref<1x2x80xi32, #tpu.memory_space<vmem>> -> memref<2x80xi32, #tpu.memory_space<vmem>>
    %dma_wait3A_336 = arith.constant 0 : i32
    %dma_wait3A_337 = arith.constant 0 : i32
    %dma_wait3A_338 = tpu.memref_slice %arg3[%dma_wait3A_329, %dma_wait3A_330, %dma_wait3A_336, %dma_wait3A_337] : memref<32x125x2x80xi32, #tpu.memory_space<hbm>> -> memref<1x1x2x80xi32, #tpu.memory_space<hbm>>
    %dma_wait3A_339 = tpu.memref_squeeze %dma_wait3A_338 : memref<1x1x2x80xi32, #tpu.memory_space<hbm>> -> memref<2x80xi32, #tpu.memory_space<hbm>>
    %dma_wait3A_340 = arith.constant 0 : i32
    %dma_wait3A_341 = arith.constant 0 : i32
    %dma_wait3A_342 = tpu.memref_slice %arg5[%dma_wait3A_331, %dma_wait3A_340, %dma_wait3A_341] : memref<8x2x80xi32, #tpu.memory_space<vmem>> -> memref<1x2x80xi32, #tpu.memory_space<vmem>>
    %dma_wait3A_343 = tpu.memref_squeeze %dma_wait3A_342 : memref<1x2x80xi32, #tpu.memory_space<vmem>> -> memref<2x80xi32, #tpu.memory_space<vmem>>
    %dma_wait3A_344 = arith.constant 0 : i32
    %dma_wait3A_345 = arith.constant 0 : i32
    %dma_wait3A_346 = tpu.memref_slice %arg3[%dma_wait3A_329, %dma_wait3A_330, %dma_wait3A_344, %dma_wait3A_345] : memref<32x125x2x80xi32, #tpu.memory_space<hbm>> -> memref<1x1x2x80xi32, #tpu.memory_space<hbm>>
    %dma_wait3A_347 = tpu.memref_squeeze %dma_wait3A_346 : memref<1x1x2x80xi32, #tpu.memory_space<hbm>> -> memref<2x80xi32, #tpu.memory_space<hbm>>
    tpu.wait_dma2 semaphore(%arg15 : memref<!tpu.dma_semaphore, #tpu.memory_space<semaphore_mem>>) src(%dma_wait3A_347 : memref<2x80xi32, #tpu.memory_space<hbm>>) dst(%dma_wait3A_343 : memref<2x80xi32, #tpu.memory_space<vmem>>)
    %dma_start3A_348 = arith.constant 4 : i32
    %dma_start3A_349 = arith.constant 0 : i32
    %dma_start3A_350 = arith.constant 0 : i32
    %dma_start3A_351 = tpu.memref_slice %arg5[%dma_start3A_348, %dma_start3A_349, %dma_start3A_350] : memref<8x2x80xi32, #tpu.memory_space<vmem>> -> memref<1x1x80xi32, #tpu.memory_space<vmem>>
    %dma_start3A_352 = tpu.memref_squeeze %dma_start3A_351 : memref<1x1x80xi32, #tpu.memory_space<vmem>> -> memref<80xi32, #tpu.memory_space<vmem>>
    %dma_start3A_353 = arith.constant 0 : i32
    %dma_start3A_354 = arith.constant 0 : i32
    %dma_start3A_355 = tpu.memref_slice %arg2[%dma_start3A_353, %dma_start3A_354] : memref<10000x128xf32, #tpu.memory_space<hbm>> -> memref<10000x128xf32, #tpu.memory_space<hbm>>
    tpu.enqueue_indirect_dma source(%dma_start3A_355 : memref<10000x128xf32, #tpu.memory_space<hbm>>) target(%arg6 : memref<80x128xf32, #tpu.memory_space<vmem>>) offsets(%dma_start3A_352 : memref<80xi32, #tpu.memory_space<vmem>>) semaphore(%arg19 : memref<!tpu.dma_semaphore, #tpu.memory_space<semaphore_mem>>)
    %dma_wait3A_356 = arith.constant 0 : i32
    %dma_wait3A_357 = arith.constant 0 : i32
    %dma_wait3A_358 = tpu.memref_slice %arg2[%dma_wait3A_356, %dma_wait3A_357] : memref<10000x128xf32, #tpu.memory_space<hbm>> -> memref<80x128xf32, #tpu.memory_space<hbm>>
    %dma_wait3A_359 = arith.constant 0 : i32
    %dma_wait3A_360 = arith.constant 0 : i32
    %dma_wait3A_361 = tpu.memref_slice %arg2[%dma_wait3A_359, %dma_wait3A_360] : memref<10000x128xf32, #tpu.memory_space<hbm>> -> memref<80x128xf32, #tpu.memory_space<hbm>>
    tpu.wait_dma2 semaphore(%arg22 : memref<!tpu.dma_semaphore, #tpu.memory_space<semaphore_mem>>) src(%dma_wait3A_361 : memref<80x128xf32, #tpu.memory_space<hbm>>) dst(%arg9 : memref<80x128xf32, #tpu.memory_space<vmem>>)
    %dma_start3A_362 = arith.constant 3 : i32
    %dma_start3A_363 = arith.constant 1 : i32
    %dma_start3A_364 = arith.constant 0 : i32
    %dma_start3A_365 = tpu.memref_slice %arg5[%dma_start3A_362, %dma_start3A_363, %dma_start3A_364] : memref<8x2x80xi32, #tpu.memory_space<vmem>> -> memref<1x1x80xi32, #tpu.memory_space<vmem>>
    %dma_start3A_366 = tpu.memref_squeeze %dma_start3A_365 : memref<1x1x80xi32, #tpu.memory_space<vmem>> -> memref<80xi32, #tpu.memory_space<vmem>>
    %dma_start3A_367 = arith.constant 0 : i32
    %dma_start3A_368 = arith.constant 0 : i32
    %dma_start3A_369 = tpu.memref_slice %arg10[%dma_start3A_367, %dma_start3A_368] : memref<10000x128xf32, #tpu.memory_space<vmem_shared>> -> memref<10000x128xf32, #tpu.memory_space<vmem_shared>>
    tpu.enqueue_indirect_dma source(%arg9 : memref<80x128xf32, #tpu.memory_space<vmem>>) target(%dma_start3A_369 : memref<10000x128xf32, #tpu.memory_space<vmem_shared>>) offsets(%dma_start3A_366 : memref<80xi32, #tpu.memory_space<vmem>>) semaphore(%arg26 : memref<!tpu.dma_semaphore, #tpu.memory_space<semaphore_mem>>) {add = true}
    %dma_wait3A_370 = arith.constant 0 : i32
    %dma_wait3A_371 = arith.constant 0 : i32
    %dma_wait3A_372 = tpu.memref_slice %arg2[%dma_wait3A_370, %dma_wait3A_371] : memref<10000x128xf32, #tpu.memory_space<hbm>> -> memref<80x128xf32, #tpu.memory_space<hbm>>
    %dma_wait3A_373 = arith.constant 0 : i32
    %dma_wait3A_374 = arith.constant 0 : i32
    %dma_wait3A_375 = tpu.memref_slice %arg2[%dma_wait3A_373, %dma_wait3A_374] : memref<10000x128xf32, #tpu.memory_space<hbm>> -> memref<80x128xf32, #tpu.memory_space<hbm>>
    tpu.wait_dma2 semaphore(%arg19 : memref<!tpu.dma_semaphore, #tpu.memory_space<semaphore_mem>>) src(%dma_wait3A_375 : memref<80x128xf32, #tpu.memory_space<hbm>>) dst(%arg6 : memref<80x128xf32, #tpu.memory_space<vmem>>)
    %dma_start3A_376 = arith.constant 4 : i32
    %dma_start3A_377 = arith.constant 1 : i32
    %dma_start3A_378 = arith.constant 0 : i32
    %dma_start3A_379 = tpu.memref_slice %arg5[%dma_start3A_376, %dma_start3A_377, %dma_start3A_378] : memref<8x2x80xi32, #tpu.memory_space<vmem>> -> memref<1x1x80xi32, #tpu.memory_space<vmem>>
    %dma_start3A_380 = tpu.memref_squeeze %dma_start3A_379 : memref<1x1x80xi32, #tpu.memory_space<vmem>> -> memref<80xi32, #tpu.memory_space<vmem>>
    %dma_start3A_381 = arith.constant 0 : i32
    %dma_start3A_382 = arith.constant 0 : i32
    %dma_start3A_383 = tpu.memref_slice %arg10[%dma_start3A_381, %dma_start3A_382] : memref<10000x128xf32, #tpu.memory_space<vmem_shared>> -> memref<10000x128xf32, #tpu.memory_space<vmem_shared>>
    tpu.enqueue_indirect_dma source(%arg6 : memref<80x128xf32, #tpu.memory_space<vmem>>) target(%dma_start3A_383 : memref<10000x128xf32, #tpu.memory_space<vmem_shared>>) offsets(%dma_start3A_380 : memref<80xi32, #tpu.memory_space<vmem>>) semaphore(%arg23 : memref<!tpu.dma_semaphore, #tpu.memory_space<semaphore_mem>>) {add = true}
    %dma_wait3A_384 = arith.constant 0 : i32
    %dma_wait3A_385 = arith.constant 0 : i32
    %dma_wait3A_386 = tpu.memref_slice %arg2[%dma_wait3A_384, %dma_wait3A_385] : memref<10000x128xf32, #tpu.memory_space<hbm>> -> memref<80x128xf32, #tpu.memory_space<hbm>>
    %dma_wait3A_387 = arith.constant 0 : i32
    %dma_wait3A_388 = arith.constant 0 : i32
    %dma_wait3A_389 = tpu.memref_slice %arg2[%dma_wait3A_387, %dma_wait3A_388] : memref<10000x128xf32, #tpu.memory_space<hbm>> -> memref<80x128xf32, #tpu.memory_space<hbm>>
    tpu.wait_dma2 semaphore(%arg23 : memref<!tpu.dma_semaphore, #tpu.memory_space<semaphore_mem>>) src(%dma_wait3A_389 : memref<80x128xf32, #tpu.memory_space<hbm>>) dst(%arg6 : memref<80x128xf32, #tpu.memory_space<vmem>>)
    %dma_wait3A_390 = arith.constant 0 : i32
    %dma_wait3A_391 = arith.constant 0 : i32
    %dma_wait3A_392 = tpu.memref_slice %arg2[%dma_wait3A_390, %dma_wait3A_391] : memref<10000x128xf32, #tpu.memory_space<hbm>> -> memref<80x128xf32, #tpu.memory_space<hbm>>
    %dma_wait3A_393 = arith.constant 0 : i32
    %dma_wait3A_394 = arith.constant 0 : i32
    %dma_wait3A_395 = tpu.memref_slice %arg2[%dma_wait3A_393, %dma_wait3A_394] : memref<10000x128xf32, #tpu.memory_space<hbm>> -> memref<80x128xf32, #tpu.memory_space<hbm>>
    tpu.wait_dma2 semaphore(%arg24 : memref<!tpu.dma_semaphore, #tpu.memory_space<semaphore_mem>>) src(%dma_wait3A_395 : memref<80x128xf32, #tpu.memory_space<hbm>>) dst(%arg7 : memref<80x128xf32, #tpu.memory_space<vmem>>)
    %dma_wait3A_396 = arith.constant 0 : i32
    %dma_wait3A_397 = arith.constant 0 : i32
    %dma_wait3A_398 = tpu.memref_slice %arg2[%dma_wait3A_396, %dma_wait3A_397] : memref<10000x128xf32, #tpu.memory_space<hbm>> -> memref<80x128xf32, #tpu.memory_space<hbm>>
    %dma_wait3A_399 = arith.constant 0 : i32
    %dma_wait3A_400 = arith.constant 0 : i32
    %dma_wait3A_401 = tpu.memref_slice %arg2[%dma_wait3A_399, %dma_wait3A_400] : memref<10000x128xf32, #tpu.memory_space<hbm>> -> memref<80x128xf32, #tpu.memory_space<hbm>>
    tpu.wait_dma2 semaphore(%arg25 : memref<!tpu.dma_semaphore, #tpu.memory_space<semaphore_mem>>) src(%dma_wait3A_401 : memref<80x128xf32, #tpu.memory_space<hbm>>) dst(%arg8 : memref<80x128xf32, #tpu.memory_space<vmem>>)
    %dma_wait3A_402 = arith.constant 0 : i32
    %dma_wait3A_403 = arith.constant 0 : i32
    %dma_wait3A_404 = tpu.memref_slice %arg2[%dma_wait3A_402, %dma_wait3A_403] : memref<10000x128xf32, #tpu.memory_space<hbm>> -> memref<80x128xf32, #tpu.memory_space<hbm>>
    %dma_wait3A_405 = arith.constant 0 : i32
    %dma_wait3A_406 = arith.constant 0 : i32
    %dma_wait3A_407 = tpu.memref_slice %arg2[%dma_wait3A_405, %dma_wait3A_406] : memref<10000x128xf32, #tpu.memory_space<hbm>> -> memref<80x128xf32, #tpu.memory_space<hbm>>
    tpu.wait_dma2 semaphore(%arg26 : memref<!tpu.dma_semaphore, #tpu.memory_space<semaphore_mem>>) src(%dma_wait3A_407 : memref<80x128xf32, #tpu.memory_space<hbm>>) dst(%arg9 : memref<80x128xf32, #tpu.memory_space<vmem>>)
    %barrier3A_408 = arith.constant 0 : index
    tpu.barrier barrier_id(%barrier3A_408)
    %mul3A_409 = arith.constant 624 : i32
    %mul3A_410 = arith.muli %arg1, %mul3A_409 : i32
    %mul3A_411 = arith.constant 10000 : i32
    %mul3A_412 = arith.muli %arg0, %mul3A_411 : i32
    %mul3A_413 = arith.constant 624 : i32
    %mul3A_414 = arith.muli %arg1, %mul3A_413 : i32
    %add3A_415 = arith.addi %mul3A_412, %mul3A_414 : i32
    "tpu.region"() ({
      %run_scoped3A = tpu.sem_alloc : memref<!tpu.dma_semaphore, #tpu.memory_space<semaphore_mem>>
      %dma_start3A_421 = arith.constant 0 : i32
      %dma_start3A_422 = tpu.memref_slice %arg4[%add3A_415, %dma_start3A_421] : memref<20000x128xf32, #tpu.memory_space<hbm>> -> memref<624x128xf32, #tpu.memory_space<hbm>>
      %dma_start3A_423 = arith.constant 0 : i32
      %dma_start3A_424 = tpu.memref_slice %arg10[%mul3A_410, %dma_start3A_423] : memref<10000x128xf32, #tpu.memory_space<vmem_shared>> -> memref<624x128xf32, #tpu.memory_space<vmem_shared>>
      tpu.enqueue_dma source(%dma_start3A_424 : memref<624x128xf32, #tpu.memory_space<vmem_shared>>) target(%dma_start3A_422 : memref<624x128xf32, #tpu.memory_space<hbm>>) target_semaphore(%run_scoped3A : memref<!tpu.dma_semaphore, #tpu.memory_space<semaphore_mem>>)
      %dma_wait3A_425 = arith.constant 0 : i32
      %dma_wait3A_426 = tpu.memref_slice %arg4[%add3A_415, %dma_wait3A_425] : memref<20000x128xf32, #tpu.memory_space<hbm>> -> memref<624x128xf32, #tpu.memory_space<hbm>>
      %dma_wait3A_427 = arith.constant 0 : i32
      %dma_wait3A_428 = tpu.memref_slice %arg10[%mul3A_410, %dma_wait3A_427] : memref<10000x128xf32, #tpu.memory_space<vmem_shared>> -> memref<624x128xf32, #tpu.memory_space<vmem_shared>>
      tpu.wait_dma2 semaphore(%run_scoped3A : memref<!tpu.dma_semaphore, #tpu.memory_space<semaphore_mem>>) src(%dma_wait3A_428 : memref<624x128xf32, #tpu.memory_space<vmem_shared>>) dst(%dma_wait3A_426 : memref<624x128xf32, #tpu.memory_space<hbm>>)
      tpu.yield
    }) : () -> ()
    %eq3A_416 = arith.constant 0 : i32
    %eq3A_417 = arith.cmpi eq, %arg1, %eq3A_416 : i32
    %convert_element_type3A_418 = arith.extui %eq3A_417 : i1 to i32
    %cond3A_419 = arith.constant 0 : i32
    %cond3A_420 = arith.cmpi ne, %convert_element_type3A_418, %cond3A_419 : i32
    scf.if %cond3A_420 {
      %mul3A_421 = arith.constant 10000 : i32
      %mul3A_422 = arith.muli %arg0, %mul3A_421 : i32
      %add3A_423 = arith.constant 9984 : i32
      %add3A_424 = arith.addi %mul3A_422, %add3A_423 : i32
      "tpu.region"() ({
        %run_scoped3A = tpu.sem_alloc : memref<!tpu.dma_semaphore, #tpu.memory_space<semaphore_mem>>
        %dma_start3A_425 = arith.constant 0 : i32
        %dma_start3A_426 = tpu.memref_slice %arg4[%add3A_424, %dma_start3A_425] : memref<20000x128xf32, #tpu.memory_space<hbm>> -> memref<16x128xf32, #tpu.memory_space<hbm>>
        %dma_start3A_427 = arith.constant 9984 : i32
        %dma_start3A_428 = arith.constant 0 : i32
        %dma_start3A_429 = tpu.memref_slice %arg10[%dma_start3A_427, %dma_start3A_428] : memref<10000x128xf32, #tpu.memory_space<vmem_shared>> -> memref<16x128xf32, #tpu.memory_space<vmem_shared>>
        tpu.enqueue_dma source(%dma_start3A_429 : memref<16x128xf32, #tpu.memory_space<vmem_shared>>) target(%dma_start3A_426 : memref<16x128xf32, #tpu.memory_space<hbm>>) target_semaphore(%run_scoped3A : memref<!tpu.dma_semaphore, #tpu.memory_space<semaphore_mem>>)
        %dma_wait3A_430 = arith.constant 0 : i32
        %dma_wait3A_431 = tpu.memref_slice %arg4[%add3A_424, %dma_wait3A_430] : memref<20000x128xf32, #tpu.memory_space<hbm>> -> memref<16x128xf32, #tpu.memory_space<hbm>>
        %dma_wait3A_432 = arith.constant 9984 : i32
        %dma_wait3A_433 = arith.constant 0 : i32
        %dma_wait3A_434 = tpu.memref_slice %arg10[%dma_wait3A_432, %dma_wait3A_433] : memref<10000x128xf32, #tpu.memory_space<vmem_shared>> -> memref<16x128xf32, #tpu.memory_space<vmem_shared>>
        tpu.wait_dma2 semaphore(%run_scoped3A : memref<!tpu.dma_semaphore, #tpu.memory_space<semaphore_mem>>) src(%dma_wait3A_434 : memref<16x128xf32, #tpu.memory_space<vmem_shared>>) dst(%dma_wait3A_431 : memref<16x128xf32, #tpu.memory_space<hbm>>)
        tpu.yield
      }) : () -> ()
    } else {
    }
    return
  }
}

module attributes {stable_mosaic.version = 14 : i64} {
  func.func @_mlp_body(%arg0: i32, %arg1: memref<2000x128xf32, #tpu.memory_space<vmem>>, %arg2: memref<2000x128xf32, #tpu.memory_space<vmem>>, %arg3: memref<128x128xf32, #tpu.memory_space<vmem>>, %arg4: memref<1x128xf32, #tpu.memory_space<vmem>>, %arg5: memref<128x128xf32, #tpu.memory_space<vmem>>, %arg6: memref<1x128xf32, #tpu.memory_space<vmem>>, %arg7: memref<2000x128xf32, #tpu.memory_space<vmem>>) attributes {dimension_semantics = [#tpu.dimension_semantics<arbitrary>], iteration_bounds = array<i64: 5>, scalar_prefetch = 0 : i64, scratch_operands = 0 : i64, tpu.core_type = #tpu.core_type<tc>, window_params = [{transform_indices = @transform_0, window_bounds = array<i64: 2000, 128>}, {transform_indices = @transform_1, window_bounds = array<i64: 2000, 128>}, {pipeline_mode = #tpu.pipeline_mode<synchronous>, transform_indices = @transform_2, window_bounds = array<i64: 128, 128>}, {pipeline_mode = #tpu.pipeline_mode<synchronous>, transform_indices = @transform_3, window_bounds = array<i64: 1, 128>}, {pipeline_mode = #tpu.pipeline_mode<synchronous>, transform_indices = @transform_4, window_bounds = array<i64: 128, 128>}, {pipeline_mode = #tpu.pipeline_mode<synchronous>, transform_indices = @transform_5, window_bounds = array<i64: 1, 128>}, {transform_indices = @transform_6, window_bounds = array<i64: 2000, 128>}]} {
    %get3A = arith.constant 0 : index
    %get3A_0 = arith.constant 0 : index
    %get3A_1 = vector.load %arg1[%get3A, %get3A_0] : memref<2000x128xf32, #tpu.memory_space<vmem>>, vector<2000x128xf32>
    %get3A_2 = arith.constant 0 : index
    %get3A_3 = arith.constant 0 : index
    %get3A_4 = vector.load %arg2[%get3A_2, %get3A_3] : memref<2000x128xf32, #tpu.memory_space<vmem>>, vector<2000x128xf32>
    %add3A = arith.addf %get3A_1, %get3A_4 : vector<2000x128xf32>
    %get3A_5 = arith.constant 0 : index
    %get3A_6 = arith.constant 0 : index
    %get3A_7 = vector.load %arg3[%get3A_5, %get3A_6] : memref<128x128xf32, #tpu.memory_space<vmem>>, vector<128x128xf32>
    %dot_general3A = arith.constant dense<0.000000e+00> : vector<2000x128xf32>
    %dot_general3A_8 = tpu.matmul %add3A, %get3A_7, %dot_general3A {dimension_numbers = #tpu.dot_dimension_numbers<[1], [0], [0], [1], [0, 0, 1, 1], [], []>, transpose_lhs_hint = false} : vector<2000x128xf32>, vector<128x128xf32>, vector<2000x128xf32> -> vector<2000x128xf32>
    %get3A_9 = arith.constant 0 : index
    %get3A_10 = arith.constant 0 : index
    %get3A_11 = vector.load %arg4[%get3A_9, %get3A_10] : memref<1x128xf32, #tpu.memory_space<vmem>>, vector<1x128xf32>
    %add3A_12 = vector.broadcast %get3A_11 : vector<1x128xf32> to vector<2000x128xf32>
    %add3A_13 = arith.addf %dot_general3A_8, %add3A_12 : vector<2000x128xf32>
    %max3A = arith.constant 0.000000e+00 : f32
    %max3A_14 = vector.broadcast %max3A : f32 to vector<2000x128xf32>
    %max3A_15 = arith.maximumf %add3A_13, %max3A_14 : vector<2000x128xf32>
    %get3A_16 = arith.constant 0 : index
    %get3A_17 = arith.constant 0 : index
    %get3A_18 = vector.load %arg5[%get3A_16, %get3A_17] : memref<128x128xf32, #tpu.memory_space<vmem>>, vector<128x128xf32>
    %dot_general3A_19 = arith.constant dense<0.000000e+00> : vector<2000x128xf32>
    %dot_general3A_20 = tpu.matmul %max3A_15, %get3A_18, %dot_general3A_19 {dimension_numbers = #tpu.dot_dimension_numbers<[1], [0], [0], [1], [0, 0, 1, 1], [], []>, transpose_lhs_hint = false} : vector<2000x128xf32>, vector<128x128xf32>, vector<2000x128xf32> -> vector<2000x128xf32>
    %get3A_21 = arith.constant 0 : index
    %get3A_22 = arith.constant 0 : index
    %get3A_23 = vector.load %arg6[%get3A_21, %get3A_22] : memref<1x128xf32, #tpu.memory_space<vmem>>, vector<1x128xf32>
    %add3A_24 = vector.broadcast %get3A_23 : vector<1x128xf32> to vector<2000x128xf32>
    %add3A_25 = arith.addf %dot_general3A_20, %add3A_24 : vector<2000x128xf32>
    %max3A_26 = arith.constant 0.000000e+00 : f32
    %max3A_27 = vector.broadcast %max3A_26 : f32 to vector<2000x128xf32>
    %max3A_28 = arith.maximumf %add3A_25, %max3A_27 : vector<2000x128xf32>
    %swap3A = arith.constant 0 : index
    %swap3A_29 = arith.constant 0 : index
    %swap3A_30 = vector.load %arg7[%swap3A, %swap3A_29] : memref<2000x128xf32, #tpu.memory_space<vmem>>, vector<2000x128xf32>
    tpu.vector_store %arg7[%swap3A, %swap3A_29], %max3A_28 {strides = array<i32>} : memref<2000x128xf32, #tpu.memory_space<vmem>>, vector<2000x128xf32>,
    return
  }
  func.func @transform_0(%arg0: i32) -> (i32, i32) {
    %c0_i32 = arith.constant 0 : i32
    %c0_i32_0 = arith.constant 0 : i32
    return %arg0, %c0_i32 : i32, i32
  }
  func.func @transform_1(%arg0: i32) -> (i32, i32) {
    %add3A = arith.constant 5 : i32
    %add3A_0 = arith.addi %arg0, %add3A : i32
    %c0_i32 = arith.constant 0 : i32
    %c0_i32_1 = arith.constant 0 : i32
    return %add3A_0, %c0_i32 : i32, i32
  }
  func.func @transform_2(%arg0: i32) -> (i32, i32) {
    %c0_i32 = arith.constant 0 : i32
    %c0_i32_0 = arith.constant 0 : i32
    %c0_i32_1 = arith.constant 0 : i32
    return %c0_i32, %c0_i32_0 : i32, i32
  }
  func.func @transform_3(%arg0: i32) -> (i32, i32) {
    %c0_i32 = arith.constant 0 : i32
    %c0_i32_0 = arith.constant 0 : i32
    %c0_i32_1 = arith.constant 0 : i32
    return %c0_i32, %c0_i32_0 : i32, i32
  }
  func.func @transform_4(%arg0: i32) -> (i32, i32) {
    %c0_i32 = arith.constant 0 : i32
    %c0_i32_0 = arith.constant 0 : i32
    %c0_i32_1 = arith.constant 0 : i32
    return %c0_i32, %c0_i32_0 : i32, i32
  }
  func.func @transform_5(%arg0: i32) -> (i32, i32) {
    %c0_i32 = arith.constant 0 : i32
    %c0_i32_0 = arith.constant 0 : i32
    %c0_i32_1 = arith.constant 0 : i32
    return %c0_i32, %c0_i32_0 : i32, i32
  }
  func.func @transform_6(%arg0: i32) -> (i32, i32) {
    %c0_i32 = arith.constant 0 : i32
    %c0_i32_0 = arith.constant 0 : i32
    return %arg0, %c0_i32 : i32, i32
  }
}

module attributes {stable_mosaic.version = 14 : i64} {
  func.func @_mlp_pool_body(%arg0: i32, %arg1: memref<2000x128xf32, #tpu.memory_space<vmem>>, %arg2: memref<2000x128xf32, #tpu.memory_space<vmem>>, %arg3: memref<128x128xf32, #tpu.memory_space<vmem>>, %arg4: memref<1x128xf32, #tpu.memory_space<vmem>>, %arg5: memref<128x128xf32, #tpu.memory_space<vmem>>, %arg6: memref<1x128xf32, #tpu.memory_space<vmem>>, %arg7: memref<128x10xf32, #tpu.memory_space<vmem>>, %arg8: memref<1x10xf32, #tpu.memory_space<vmem>>, %arg9: memref<1x10xf32, #tpu.memory_space<vmem>>, %arg10: memref<1x128xf32, #tpu.memory_space<vmem>>) attributes {dimension_semantics = [#tpu.dimension_semantics<arbitrary>], iteration_bounds = array<i64: 5>, scalar_prefetch = 0 : i64, scratch_operands = 1 : i64, tpu.core_type = #tpu.core_type<tc>, window_params = [{transform_indices = @transform_0, window_bounds = array<i64: 2000, 128>}, {transform_indices = @transform_1, window_bounds = array<i64: 2000, 128>}, {pipeline_mode = #tpu.pipeline_mode<synchronous>, transform_indices = @transform_2, window_bounds = array<i64: 128, 128>}, {pipeline_mode = #tpu.pipeline_mode<synchronous>, transform_indices = @transform_3, window_bounds = array<i64: 1, 128>}, {pipeline_mode = #tpu.pipeline_mode<synchronous>, transform_indices = @transform_4, window_bounds = array<i64: 128, 128>}, {pipeline_mode = #tpu.pipeline_mode<synchronous>, transform_indices = @transform_5, window_bounds = array<i64: 1, 128>}, {pipeline_mode = #tpu.pipeline_mode<synchronous>, transform_indices = @transform_6, window_bounds = array<i64: 128, 10>}, {pipeline_mode = #tpu.pipeline_mode<synchronous>, transform_indices = @transform_7, window_bounds = array<i64: 1, 10>}, {pipeline_mode = #tpu.pipeline_mode<synchronous>, transform_indices = @transform_8, window_bounds = array<i64: 1, 10>}]} {
    %get3A = arith.constant 0 : index
    %get3A_0 = arith.constant 0 : index
    %get3A_1 = vector.load %arg1[%get3A, %get3A_0] : memref<2000x128xf32, #tpu.memory_space<vmem>>, vector<2000x128xf32>
    %get3A_2 = arith.constant 0 : index
    %get3A_3 = arith.constant 0 : index
    %get3A_4 = vector.load %arg2[%get3A_2, %get3A_3] : memref<2000x128xf32, #tpu.memory_space<vmem>>, vector<2000x128xf32>
    %add3A = arith.addf %get3A_1, %get3A_4 : vector<2000x128xf32>
    %get3A_5 = arith.constant 0 : index
    %get3A_6 = arith.constant 0 : index
    %get3A_7 = vector.load %arg3[%get3A_5, %get3A_6] : memref<128x128xf32, #tpu.memory_space<vmem>>, vector<128x128xf32>
    %dot_general3A = arith.constant dense<0.000000e+00> : vector<2000x128xf32>
    %dot_general3A_8 = tpu.matmul %add3A, %get3A_7, %dot_general3A {dimension_numbers = #tpu.dot_dimension_numbers<[1], [0], [0], [1], [0, 0, 1, 1], [], []>, transpose_lhs_hint = false} : vector<2000x128xf32>, vector<128x128xf32>, vector<2000x128xf32> -> vector<2000x128xf32>
    %get3A_9 = arith.constant 0 : index
    %get3A_10 = arith.constant 0 : index
    %get3A_11 = vector.load %arg4[%get3A_9, %get3A_10] : memref<1x128xf32, #tpu.memory_space<vmem>>, vector<1x128xf32>
    %add3A_12 = vector.broadcast %get3A_11 : vector<1x128xf32> to vector<2000x128xf32>
    %add3A_13 = arith.addf %dot_general3A_8, %add3A_12 : vector<2000x128xf32>
    %max3A = arith.constant 0.000000e+00 : f32
    %max3A_14 = vector.broadcast %max3A : f32 to vector<2000x128xf32>
    %max3A_15 = arith.maximumf %add3A_13, %max3A_14 : vector<2000x128xf32>
    %get3A_16 = arith.constant 0 : index
    %get3A_17 = arith.constant 0 : index
    %get3A_18 = vector.load %arg5[%get3A_16, %get3A_17] : memref<128x128xf32, #tpu.memory_space<vmem>>, vector<128x128xf32>
    %dot_general3A_19 = arith.constant dense<0.000000e+00> : vector<2000x128xf32>
    %dot_general3A_20 = tpu.matmul %max3A_15, %get3A_18, %dot_general3A_19 {dimension_numbers = #tpu.dot_dimension_numbers<[1], [0], [0], [1], [0, 0, 1, 1], [], []>, transpose_lhs_hint = false} : vector<2000x128xf32>, vector<128x128xf32>, vector<2000x128xf32> -> vector<2000x128xf32>
    %get3A_21 = arith.constant 0 : index
    %get3A_22 = arith.constant 0 : index
    %get3A_23 = vector.load %arg6[%get3A_21, %get3A_22] : memref<1x128xf32, #tpu.memory_space<vmem>>, vector<1x128xf32>
    %add3A_24 = vector.broadcast %get3A_23 : vector<1x128xf32> to vector<2000x128xf32>
    %add3A_25 = arith.addf %dot_general3A_20, %add3A_24 : vector<2000x128xf32>
    %max3A_26 = arith.constant 0.000000e+00 : f32
    %max3A_27 = vector.broadcast %max3A_26 : f32 to vector<2000x128xf32>
    %max3A_28 = arith.maximumf %add3A_25, %max3A_27 : vector<2000x128xf32>
    %reduce_sum3A = arith.constant dense<0.000000e+00> : vector<128xf32>
    %reduce_sum3A_29 = vector.multi_reduction <add>, %max3A_28, %reduce_sum3A [0] : vector<2000x128xf32> to vector<128xf32>
    %broadcast_in_dim3A = vector.shape_cast %reduce_sum3A_29 : vector<128xf32> to vector<1x128xf32>
    %eq3A = arith.constant 0 : i32
    %eq3A_30 = arith.cmpi eq, %arg0, %eq3A : i32
    %convert_element_type3A = arith.extui %eq3A_30 : i1 to i32
    %cond3A = arith.constant 0 : i32
    %cond3A_31 = arith.cmpi ne, %convert_element_type3A, %cond3A : i32
    scf.if %cond3A_31 {
      %swap3A = arith.constant 0 : index
      %swap3A_41 = arith.constant 0 : index
      %swap3A_42 = vector.load %arg10[%swap3A, %swap3A_41] : memref<1x128xf32, #tpu.memory_space<vmem>>, vector<1x128xf32>
      tpu.vector_store %arg10[%swap3A, %swap3A_41], %broadcast_in_dim3A {strides = array<i32>} : memref<1x128xf32, #tpu.memory_space<vmem>>, vector<1x128xf32>,
    } else {
    }
    %ne3A = arith.constant 0 : i32
    %ne3A_32 = arith.cmpi ne, %arg0, %ne3A : i32
    %convert_element_type3A_33 = arith.extui %ne3A_32 : i1 to i32
    %cond3A_34 = arith.constant 0 : i32
    %cond3A_35 = arith.cmpi ne, %convert_element_type3A_33, %cond3A_34 : i32
    scf.if %cond3A_35 {
      %get3A_41 = arith.constant 0 : index
      %get3A_42 = arith.constant 0 : index
      %get3A_43 = vector.load %arg10[%get3A_41, %get3A_42] : memref<1x128xf32, #tpu.memory_space<vmem>>, vector<1x128xf32>
      %add3A_44 = arith.addf %get3A_43, %broadcast_in_dim3A : vector<1x128xf32>
      %swap3A = arith.constant 0 : index
      %swap3A_45 = arith.constant 0 : index
      %swap3A_46 = vector.load %arg10[%swap3A, %swap3A_45] : memref<1x128xf32, #tpu.memory_space<vmem>>, vector<1x128xf32>
      tpu.vector_store %arg10[%swap3A, %swap3A_45], %add3A_44 {strides = array<i32>} : memref<1x128xf32, #tpu.memory_space<vmem>>, vector<1x128xf32>,
    } else {
    }
    %eq3A_36 = arith.constant 4 : i32
    %eq3A_37 = arith.cmpi eq, %arg0, %eq3A_36 : i32
    %convert_element_type3A_38 = arith.extui %eq3A_37 : i1 to i32
    %cond3A_39 = arith.constant 0 : i32
    %cond3A_40 = arith.cmpi ne, %convert_element_type3A_38, %cond3A_39 : i32
    scf.if %cond3A_40 {
      %get3A_41 = arith.constant 0 : index
      %get3A_42 = arith.constant 0 : index
      %get3A_43 = vector.load %arg10[%get3A_41, %get3A_42] : memref<1x128xf32, #tpu.memory_space<vmem>>, vector<1x128xf32>
      %mul3A = arith.constant 2.000000e+00 : f32
      %mul3A_44 = vector.broadcast %mul3A : f32 to vector<1x128xf32>
      %mul3A_45 = arith.mulf %get3A_43, %mul3A_44 : vector<1x128xf32>
      %get3A_46 = arith.constant 0 : index
      %get3A_47 = arith.constant 0 : index
      %get3A_48 = vector.load %arg7[%get3A_46, %get3A_47] : memref<128x10xf32, #tpu.memory_space<vmem>>, vector<128x10xf32>
      %dot_general3A_49 = arith.constant dense<0.000000e+00> : vector<1x10xf32>
      %dot_general3A_50 = tpu.matmul %mul3A_45, %get3A_48, %dot_general3A_49 {dimension_numbers = #tpu.dot_dimension_numbers<[1], [0], [0], [1], [0, 0, 1, 1], [], []>, transpose_lhs_hint = false} : vector<1x128xf32>, vector<128x10xf32>, vector<1x10xf32> -> vector<1x10xf32>
      %get3A_51 = arith.constant 0 : index
      %get3A_52 = arith.constant 0 : index
      %get3A_53 = vector.load %arg8[%get3A_51, %get3A_52] : memref<1x10xf32, #tpu.memory_space<vmem>>, vector<1x10xf32>
      %add3A_54 = arith.addf %dot_general3A_50, %get3A_53 : vector<1x10xf32>
      %swap3A = arith.constant 0 : index
      %swap3A_55 = arith.constant 0 : index
      %swap3A_56 = vector.load %arg9[%swap3A, %swap3A_55] : memref<1x10xf32, #tpu.memory_space<vmem>>, vector<1x10xf32>
      tpu.vector_store %arg9[%swap3A, %swap3A_55], %add3A_54 {strides = array<i32>} : memref<1x10xf32, #tpu.memory_space<vmem>>, vector<1x10xf32>,
    } else {
    }
    return
  }
  func.func @transform_0(%arg0: i32) -> (i32, i32) {
    %c0_i32 = arith.constant 0 : i32
    %c0_i32_0 = arith.constant 0 : i32
    return %arg0, %c0_i32 : i32, i32
  }
  func.func @transform_1(%arg0: i32) -> (i32, i32) {
    %add3A = arith.constant 5 : i32
    %add3A_0 = arith.addi %arg0, %add3A : i32
    %c0_i32 = arith.constant 0 : i32
    %c0_i32_1 = arith.constant 0 : i32
    return %add3A_0, %c0_i32 : i32, i32
  }
  func.func @transform_2(%arg0: i32) -> (i32, i32) {
    %c0_i32 = arith.constant 0 : i32
    %c0_i32_0 = arith.constant 0 : i32
    %c0_i32_1 = arith.constant 0 : i32
    return %c0_i32, %c0_i32_0 : i32, i32
  }
  func.func @transform_3(%arg0: i32) -> (i32, i32) {
    %c0_i32 = arith.constant 0 : i32
    %c0_i32_0 = arith.constant 0 : i32
    %c0_i32_1 = arith.constant 0 : i32
    return %c0_i32, %c0_i32_0 : i32, i32
  }
  func.func @transform_4(%arg0: i32) -> (i32, i32) {
    %c0_i32 = arith.constant 0 : i32
    %c0_i32_0 = arith.constant 0 : i32
    %c0_i32_1 = arith.constant 0 : i32
    return %c0_i32, %c0_i32_0 : i32, i32
  }
  func.func @transform_5(%arg0: i32) -> (i32, i32) {
    %c0_i32 = arith.constant 0 : i32
    %c0_i32_0 = arith.constant 0 : i32
    %c0_i32_1 = arith.constant 0 : i32
    return %c0_i32, %c0_i32_0 : i32, i32
  }
  func.func @transform_6(%arg0: i32) -> (i32, i32) {
    %c0_i32 = arith.constant 0 : i32
    %c0_i32_0 = arith.constant 0 : i32
    %c0_i32_1 = arith.constant 0 : i32
    return %c0_i32, %c0_i32_0 : i32, i32
  }
  func.func @transform_7(%arg0: i32) -> (i32, i32) {
    %c0_i32 = arith.constant 0 : i32
    %c0_i32_0 = arith.constant 0 : i32
    %c0_i32_1 = arith.constant 0 : i32
    return %c0_i32, %c0_i32_0 : i32, i32
  }
  func.func @transform_8(%arg0: i32) -> (i32, i32) {
    %c0_i32 = arith.constant 0 : i32
    %c0_i32_0 = arith.constant 0 : i32
    %c0_i32_1 = arith.constant 0 : i32
    return %c0_i32, %c0_i32_0 : i32, i32
  }
}

</mosaic_0001>

<sc_bundles>
// kernel: kernel.6.cloned.1.call-start
scs
__scs_entry_jumppad:
0x0: {  	(pc) =	sbr.rel $0x88, $3  }
0x1: {  	(tag) =	ssettag $0x0;
	lr =	simm.s32 $0x1  }
0x2: {  	[smem:$0x3F95] =	sst lr;
	_ =	strace $0xD0000000  }
0x3: {  	_ = 	snop  }
0x4: {  	_ = 	snop  }
0x5: {  	_ = 	snop  }
0x6: {  	_ = 	snop  }
0x7: {  	_ = 	snop  }
__scs_overlays_trampoline_lowered:
0x8: {  	[smem:$0x3FA4] =	sst s0  }
0x9: {  	[smem:$0x3FA5] =	sst s1  }
0xa: {  	[smem:$0x3FA6] =	sst s2  }
0xb: {  	[smem:$0x3FA7] =	sst s3  }
0xc: {  	[smem:$0x3FA8] =	sst s4  }
0xd: {  	[smem:$0x3FA9] =	sst s5  }
0xe: {  	[smem:$0x3FAA] =	sst s6  }
0xf: {  	[smem:$0x3FAB] =	sst s7  }
0x10: {  	[smem:$0x3FAC] =	sst s8  }
0x11: {  	[smem:$0x3FAD] =	sst s9;
	s0 =	simm.s32 @!p0 $0x0  }
0x12: {  	s1 =	sld [smem:$0x3F93];
	s0 =	simm.s32 @p0 $0x1  }
0x13: {  	[smem:$0x3FAE] =	sst s0;
	s0 =	simm.s32 @!p1 $0x0  }
0x14: {  	s2 =	sld [smem:$0x3F92];
	s0 =	simm.s32 @p1 $0x1  }
0x15: {  	[smem:$0x3FAF] =	sst s0;
	s0 =	simm.s32 @!p2 $0x0  }
0x16: {  	s3 =	sld [smem:$0x3FDB];
	s0 =	simm.s32 @p2 $0x1  }
0x17: {  	s4 =	simm.s32 $0x1BF5;
	[smem:$0x3FB1] =	sst s0  }
0x18: {  	s0 =	sld [smem:$0x3F94];
	_ =	swait.ge [sflag:s4], $0x0  }
0x19: {  	s7 =	sld [smem:$0x3F95]  }
0x1a: {  	s8 =	sadd.s32 $0xFFFFE003, lr  }
0x1b: {  	s9 =	sadd.s32 $0xFFFFFEF7, lr;
	s5 =	simm.s32 $0xFFFFFFFF;
	p2 =	slt.u32 s8, $0xFFFFF086  }
0x1c: {  	p1 =	slt.u32 s9, $0xF7A;
	s5 =	simm.s32 @!p2 $0x0  }
0x1d: {  	s5 =	simm.s32 @p1 $0x1;
	p0 =	seq.s32 s7, s2  }
0x1e: {  	s7 =	smul.u32 @!p0 $0xF7A, s2;
	p2 =	seq.s32 @!p0 s5, $0x0  }
0x1f: {  	s9 =	smul.u32 $0xF7A, s1;
	s8 =	simm.s32 @!p0 $0x1BF5;
	p2 =	por !p2, p0  }
0x20: {  	[sflag:s8] =	ssyncset.s32 @!p0 $0xFFFFF086;
	s6 =	sadd.s32 @!p0 s3, s7;
	s7 =	simm.s32 @!p0 $0x108  }
0x21: {  	s3 =	sadd.s32 s3, s9;
	s6 =	sadd.s32 @!p0 $0x88, s6;
	s7 =	simm.s32 @p2 $0x1082  }
0x22: {  	[simem:s7], [sflag:s8] =	dma.local @!p0 [hbm:s6], $0xF7A  }
0x23: {  	s9 =	sor.u32 $0xD0000000, s2;
	s6 =	simm.s32 $0x108;
	_ =	swait.ge @!p0 [sflag:s8], $0x0  }
0x24: {  	s3 =	sadd.s32 $0x88, s3;
	s6 =	simm.s32 @!p1 $0x1082;
	[sflag:s4] =	ssyncset.s32 $0xFFFFF086  }
0x25: {  	[simem:s6], [sflag:s4] =	dma.local [hbm:s3], $0xF7A  }
0x26: {  	[smem:$0x3F95] =	sst s1;
	(tag) =	ssettag s2;
	_ =	strace s9  }
0x27: {  	s1 =	sld [smem:$0x3FA5]  }
0x28: {  	s2 =	sld [smem:$0x3FA6]  }
0x29: {  	s4 =	sld [smem:$0x3FA8]  }
0x2a: {  	p0 =	seq.s32 s5, $0x0;
	s5 =	sld [smem:$0x3FA9]  }
0x2b: {  	s6 =	sld [smem:$0x3FAA]  }
0x2c: {  	s7 =	sld [smem:$0x3FAB]  }
0x2d: {  	s3 =	simm.s32 $0x108;
	s8 =	sld [smem:$0x3FAC]  }
0x2e: {  	s3 =	simm.s32 @!p0 $0x1082;
	s9 =	sld [smem:$0x3FAD]  }
0x2f: {  	lr =	sadd.s32 s0, s3;
	s0 =	sld [smem:$0x3FA4]  }
0x30: {  	s3 =	sld [smem:$0x3FA7]  }
0x31: {  	[smem:$0x3FB0] =	sst s10  }
0x32: {  	s10 =	sld [smem:$0x3FAE];
	_ =	sdelay $0x3  }
0x33: {  	p0 =	seq.s32 s10, $0x1;
	s10 =	sld [smem:$0x3FB0];
	_ =	sdelay $0x3  }
0x34: {  	[smem:$0x3FB0] =	sst s10  }
0x35: {  	s10 =	sld [smem:$0x3FAF];
	_ =	sdelay $0x3  }
0x36: {  	p1 =	seq.s32 s10, $0x1;
	s10 =	sld [smem:$0x3FB0];
	_ =	sdelay $0x3  }
0x37: {  	[smem:$0x3FB0] =	sst s10  }
0x38: {  	s10 =	sld [smem:$0x3FB1]  }
0x39: {  	_ = 	snop;
	(pc) =	sbr.ind lr, $3  }
0x3a: {  	_ = 	snop  }
0x3b: {  	_ = 	snop  }
0x3c: {  	p2 =	seq.s32 s10, $0x1;
	s10 =	sld [smem:$0x3FB0]  }
0x3d: {  	_ =	shalt  }
0x3e: {  	_ =	shalt  }
0x3f: {  	_ =	shalt  }
0x40: {  	_ =	shalt  }
0x41: {  	_ =	shalt  }
0x42: {  	_ =	shalt  }
0x43: {  	_ =	shalt  }
0x44: {  	_ =	shalt  }
0x45: {  	_ =	shalt  }
0x46: {  	_ =	shalt  }
0x47: {  	_ =	shalt  }
0x48: {  	_ =	shalt  }
0x49: {  	_ =	shalt  }
0x4a: {  	_ =	shalt  }
0x4b: {  	_ =	shalt  }
0x4c: {  	_ =	shalt  }
0x4d: {  	_ =	shalt  }
0x4e: {  	_ =	shalt  }
0x4f: {  	_ =	shalt  }
0x50: {  	_ =	shalt  }
0x51: {  	_ =	shalt  }
0x52: {  	_ =	shalt  }
0x53: {  	_ =	shalt  }
0x54: {  	_ =	shalt  }
0x55: {  	_ =	shalt  }
0x56: {  	_ =	shalt  }
0x57: {  	_ =	shalt  }
0x58: {  	_ =	shalt  }
0x59: {  	_ =	shalt  }
0x5a: {  	_ =	shalt  }
0x5b: {  	_ =	shalt  }
0x5c: {  	_ =	shalt  }
0x5d: {  	_ =	shalt  }
0x5e: {  	_ =	shalt  }
0x5f: {  	_ =	shalt  }
0x60: {  	_ =	shalt  }
0x61: {  	_ =	shalt  }
0x62: {  	_ =	shalt  }
0x63: {  	_ =	shalt  }
0x64: {  	_ =	shalt  }
0x65: {  	_ =	shalt  }
0x66: {  	_ =	shalt  }
0x67: {  	_ =	shalt  }
0x68: {  	_ =	shalt  }
0x69: {  	_ =	shalt  }
0x6a: {  	_ =	shalt  }
0x6b: {  	_ =	shalt  }
0x6c: {  	_ =	shalt  }
0x6d: {  	_ =	shalt  }
0x6e: {  	_ =	shalt  }
0x6f: {  	_ =	shalt  }
0x70: {  	_ =	shalt  }
0x71: {  	_ =	shalt  }
0x72: {  	_ =	shalt  }
0x73: {  	_ =	shalt  }
0x74: {  	_ =	shalt  }
0x75: {  	_ =	shalt  }
0x76: {  	_ =	shalt  }
0x77: {  	_ =	shalt  }
0x78: {  	_ =	shalt  }
0x79: {  	_ =	shalt  }
0x7a: {  	_ =	shalt  }
0x7b: {  	_ =	shalt  }
0x7c: {  	_ =	shalt  }
0x7d: {  	_ =	shalt  }
0x7e: {  	_ =	shalt  }
0x7f: {  	_ =	shalt  }
0x80: {  	_ =	shalt  }
0x81: {  	_ =	shalt  }
0x82: {  	_ =	shalt  }
0x83: {  	_ =	shalt  }
0x84: {  	_ =	shalt  }
0x85: {  	_ =	shalt  }
0x86: {  	_ =	shalt  }
0x87: {  	_ =	shalt  }
.Lfunc_end0:
.L_simem_size_0:
called_computation_lowered:
.L_overlay_start_0:
0x88: {  	s2 =	sld [smem:$0x3FD9]  }
0x89: {  	s3 =	sld [smem:$0x3FFE];
	_ =	sdelay $0x1  }
0x8a: {  	s1 =	srdreg.scid  }
0x8b: {  	s0 =	sand.u32 $0x1, s1  }
0x8c: {  	s17 =	sshll.u32 s0, $0xA;
	s2 =	sadd.s32 s3, s2  }
0x8d: {  	s2 =	sadd.s32 s2, s17  }
0x8e: {  	[smem:$0x3FBC] =	sst s2  }
0x8f: {  	_ = 	snop  }
0x90: {  	s2 =	sld [smem:$0x3FC9];
	(tm) =	ssettm $0x1  }
0x91: {  	s18 =	sld [smem:$0x3FFB];
	_ =	sdelay $0x3  }
0x92: {  	_ =	strace s18  }
0x93: {  	s3 =	sld [smem:$0x3FFC];
	_ =	sdelay $0x3  }
0x94: {  	_ =	strace s3  }
0x95: {  	s3 =	sld [smem:$0x3FFD];
	_ =	sdelay $0x3  }
0x96: {  	_ =	strace s3  }
0x97: {  	_ =	strace $0x8FFFFFFF  }
0x98: {  	s19 =	sld [smem:$0x3FDB];
	_ =	sdelay $0x1  }
0x99: {  	s4 =	simm.s32 $_scs_section_size  }
0x9a: {  	s5 =	simm.s32 $_size__tile_overlayer_lowered;
	s6 =	simm.s32 $_tile_overlayer_lowered  }
0x9b: {  	s22 =	simm.s32 $0x1BFF;
	s21 =	sshll.u32 s6, $0x1;
	s3 =	sadd.s32 s4, s19  }
0x9c: {  	s7 =	simm.s32 $0x0;
	s20 =	sshll.u32 s5, $0x1;
	s5 =	sadd.s32 s21, s3  }
0x9d: {  	[timem:s7], [sflag:s22] =	dma.local [hbm:s5], s20  }
0x9e: {  	_ =	swait.ge [sflag:s22], s20  }
0x9f: {  	s4 =	ssub.s32 $0x0, s20;
	[sflag:s22] =	ssyncset.done $0x0  }
0xa0: {  	[sflag:s22] =	ssyncadd.s32 s4;
	_ =	sdelay $0x1  }
0xa1: {  	s23 =	simm.s32 $0x1B8B  }
0xa2: {  	_ =	swait.ge [sflag:s23], $0x1  }
0xa3: {  	[sflag:s23] =	ssyncset.done $0x0  }
0xa4: {  	s25 =	simm.s32 $0x1B8E;
	s24 =	sld [smem:$0x3FFE];
	[sflag:s23] =	ssyncadd.s32 $0xFFFFFFFF  }
0xa5: {  	s26 =	simm.s32 $execute0_lowered;
	[smem:$0x3FD2] =	sst s25  }
0xa6: {  	s5 =	sshll.u32 s26, $0x1;
	_ =	strace $0x80000046;
	[dreg:$0x1] =	wrdreg $0xFFFFFFFF  }
0xa7: {  	s28 =	simm.s32 $_size_execute0_lowered;
	s3 =	sadd.s32 s3, s5;
	[dreg:$0x0] =	wrdreg $0x0  }
0xa8: {  	s5 =	sshll.u32 s28, $0x1;
	[dreg:$0x2] =	wrdreg s3  }
0xa9: {  	[dreg:$0x3] =	wrdreg s5  }
0xaa: {  	[dreg:$0x4] =	wrdreg $0xC0  }
0xab: {  	_ =	task [dreg:s7], $0x5FFFF  }
0xac: {  	[dreg:$0x1] =	wrdreg $0xFFFFFFFF  }
0xad: {  	[dreg:$0x0] =	wrdreg $0x60  }
0xae: {  	[dreg:$0x2] =	wrdreg s2  }
0xaf: {  	[dreg:$0x3] =	wrdreg s24  }
0xb0: {  	[dreg:$0x4] =	wrdreg $0xA8000  }
0xb1: {  	[dreg:$0x5] =	wrdreg $0x9  }
0xb2: {  	_ =	task.clear_ibuf [dreg:s7], $0x6FFFF;
	_ =	strace $0x90000046  }
0xb3: {  	s29 =	simm.s32 $0x9;
	_ =	strace $0x80000048  }
0xb4: {  	_ =	swait.ge [sflag:s29], $0x1  }
0xb5: {  	[sflag:s29] =	ssyncadd.s32 $0xFFFFFFFF  }
0xb6: {  	_ =	strace $0x90000048  }
0xb7: {  	_ =	sfence  }
0xb8: {  	s30 =	sld [smem:$0x0];
	_ =	sdelay $0x2  }
0xb9: {  	s31 =	sshll.u32 s1, $0xD;
	s1 =	sshrl.u32 s1, $0x2  }
0xba: {  	s3 =	sand.u32 $0x4000, s31;
	s1 =	sadd.s32 s1, s30  }
0xbb: {  	s0 =	sor.u32 s3, s0;
	s1 =	sshll.u32 s1, $0x11  }
0xbc: {  	s0 =	sor.u32 s1, s0  }
0xbd: {  	s0 =	sadd.s32 $0x8F2B, s0  }
0xbe: {  	[sflag:s0] =	ssyncadd.remote.s32 $0x1  }
0xbf: {  	_ =	sfence.sel $0xFFFF  }
0xc0: {  	[dreg:$0x0] =	wrdreg $0xFFFFFFFF;
	(pc) =	sbr.abs _section_cstart, $3  }
0xc1: {  	[dreg:$0x1] =	wrdreg $0xFFFFFFFF  }
0xc2: {  	_ =	task.clear_ibuf [dreg:s7], $0x2FFFF;
	_ =	strace $0x9FFFFFFF  }
0xc3: {  	(tm) =	ssettm $0x7FFFFFFF  }
tec
execute0_lowered:
.L_overlay_start_1:
0x0: {  	(tag) =	ssettag $0x1  }
0x1: {  	s1 =	rddreg [dreg:$0x0]  }
0x2: {  	s0 =	rddreg [dreg:$0x1]  }
0x3: {  	s2 =	rddreg [dreg:$0x2];
	s3 =	simm.s32 $0x0  }
0x4: {  	s4 =	srdreg.scid;
	s12 =	stileid.u32;
	s29 =	simm.s32 $0x800  }
0x5: {  	s30 =	simm.s32 $0x9;
	s28 =	simm.s32 $0x8000;
	s6 =	smul.u32 $0x4E000, s12  }
0x6: {  	s31 =	simm.s32 $0x5;
	[smem:$0x7FF] =	sst s3;
	s9 =	smul.u32 $0x2700, s12  }
0x7: {  	s4 =	sand.u32 $0x1, s4;
	s13 =	sadd.s32 $0x2200, s0;
	s26 =	smul.u32 $0x7D00, s12  }
0x8: {  	s0 =	sadd.s32 $0x21600, s0;
	p1 =	sne.s32 s12, $0x0;
	s21 =	smul.u32 $0x138800, s4  }
0x9: {  	_ =	strace $0x80000047;
	s5 =	ssub.s32 $0x2, s4;
	s24 =	smul.u32 $0x7D000, s4  }
0xa: {  	s8 =	sshll.u32 s4, $0x4;
	s16 =	smul.u32 $0x27100, s4;
	p0 =	sne.s32 s4, $0x0  }
0xb: {  	[dreg:$0x4] =	wrdreg s13;
	s6 =	sshrl.u32 s6, $0x2;
	s11 =	sadd.s32 s1, s9  }
0xc: {  	s7 =	sshrl.u32 s5, $0x1;
	s14 =	sadd.s32 s6, s2;
	[dreg:$0xc] =	wrdreg s11  }
0xd: {  	s8 =	sor.u32 s12, s8;
	s19 =	sadd.s32 $0x2800, s14;
	[dreg:$0x5] =	wrdreg s14  }
0xe: {  	s12 =	simm.s32 $0x400;
	s20 =	sadd.s32 $0x5000, s14;
	[dreg:$0x6] =	wrdreg s19  }
0xf: {  	s5 =	ssub.s32 s5, s7;
	s22 =	sadd.s32 $0x7800, s14;
	[dreg:$0x7] =	wrdreg s20  }
0x10: {  	s18 =	smul.u32 $0x7D00, s8;
	s23 =	sadd.s32 $0xA000, s14;
	[dreg:$0x8] =	wrdreg s22  }
0x11: {  	s17 =	sshrl.u32 s21, $0x3;
	s10 =	sadd.s32 $0xC800, s14;
	[dreg:$0x9] =	wrdreg s23  }
0x12: {  	s7 =	simm.s32 $0xA;
	s25 =	sadd.s32 $0xF000, s14;
	[dreg:$0xa] =	wrdreg s10  }
0x13: {  	s5 =	smax.u32 s5, $0x1;
	[dreg:$0xb] =	wrdreg s25;
	s6 =	sshrl.u32 s18, $0x3  }
0x14: {  	s18 =	sadd.s32 s26, s24;
	s19 =	sadd.s32 s9, s16;
	[dreg:$0x10] =	wrdreg s5  }
0x15: {  	s15 =	sadd.s32 s13, s6;
	s6 =	sadd.s32 s0, s17;
	s20 =	sadd.s32 $0x900, s18  }
0x16: {  	s0 =	sadd.s32 s0, s19;
	s23 =	sadd.s32 $0x800, s18;
	s24 =	sadd.s32 $0xA00, s18  }
0x17: {  	s25 =	sadd.s32 $0xB00, s18;
	s26 =	sadd.s32 $0xC00, s18;
	s10 =	sadd.s32 $0xD00, s18  }
0x18: {  	s11 =	sadd.s32 $0x600, s18;
	s16 =	sadd.s32 $0x700, s18;
	[dreg:$0xe] =	wrdreg s0  }
0x19: {  	s19 =	sadd.s32 $0x11800, s14;
	s14 =	simm.s32 $0x4;
	[dreg:$0x11] =	wrdreg s23  }
0x1a: {  	s21 =	sadd.s32 $0x27000, s6;
	s22 =	sshrl.u32 s20, $0x3;
	[dreg:$0x19] =	wrdreg s19  }
0x1b: {  	s5 =	sshrl.u32 s25, $0x3;
	s6 =	sshrl.u32 s26, $0x3;
	[dreg:$0xd] =	wrdreg s15  }
0x1c: {  	s4 =	sshrl.u32 s11, $0x3;
	s20 =	sadd.s32 $0x138000, s2;
	[dreg:$0xf] =	wrdreg s21  }
0x1d: {  	s18 =	sshrl.u32 s16, $0x3;
	s23 =	sadd.s32 $0x40, s15;
	[dreg:$0x1a] =	wrdreg s20  }
0x1e: {  	s25 =	sadd.s32 $0x80, s15;
	s26 =	sadd.s32 $0xA0, s15;
	[dreg:$0x1d] =	wrdreg s23  }
0x1f: {  	s16 =	simm.s32 $0x3000;
	s19 =	simm.s32 $0x6;
	[dreg:$0x1f] =	wrdreg s25  }
0x20: {  	s0 =	sadd.s32 s22, s13;
	s8 =	sadd.s32 s5, s13;
	[smem:$0x7FD] =	sst s26  }
0x21: {  	s9 =	sadd.s32 s6, s13;
	s17 =	sadd.s32 s4, s13;
	[dreg:$0x12] =	wrdreg s0  }
0x22: {  	s21 =	sadd.s32 $0x27000, s1;
	s22 =	sadd.s32 $0x20, s15;
	[dreg:$0x14] =	wrdreg s8  }
0x23: {  	s26 =	simm.s32 $0x50;
	s6 =	simm.s32 $0x3;
	[dreg:$0x15] =	wrdreg s9  }
0x24: {  	s5 =	simm.s32 $0xE;
	s23 =	simm.s32 $0xF;
	[dreg:$0x17] =	wrdreg s17  }
0x25: {  	s20 =	simm.s32 $0x7;
	s4 =	simm.s32 $0x0;
	[dreg:$0x1b] =	wrdreg s21  }
0x26: {  	s0 =	sshrl.u32 s24, $0x3;
	[dreg:$0x1c] =	wrdreg s22;
	s24 =	sadd.s32 $0x60, s15  }
0x27: {  	s15 =	simm.s32 $0x2;
	s17 =	simm.s32 $0xB;
	s8 =	simm.s32 $0xD  }
.Ltmp0:
0x28: {  	s21 =	simm.s32 $0x10;
	s0 =	sadd.s32 s0, s13;
	(pc) =	sbr.rel .LBB2_1-.Ltmp0, $4  }
0x29: {  	s22 =	simm.s32 $0x8;
	[dreg:$0x13] =	wrdreg s0;
	s0 =	sshrl.u32 s10, $0x3  }
0x2a: {  	[dreg:$0x1e] =	wrdreg s24;
	s10 =	simm.s32 $0xC;
	s0 =	sadd.s32 s0, s13  }
0x2b: {  	[dreg:$0x16] =	wrdreg s0;
	s0 =	sadd.s32 s18, s13;
	s13 =	simm.s32 $0x300  }
0x2c: {  	v0 =	vimm.f32 $0.0e+00;
	s18 =	simm.s32 $0x5800;
	[dreg:$0x18] =	wrdreg s0;
	s0 =	simm.s32 $0x500  }
.LBB2_9:
0x2d: {  	_ =	swait.ge [sflag:s30], $0x2800  }
0x2e: {  	[sflag:s30] =	ssyncset.done $0x0  }
0x2f: {  	s0 =	simm.s32 $0x80;
	[sflag:s30] =	ssyncadd.s32 $0xFFFFD800  }
0x30: {  	[spmem:s2] =	stream.indirect.scatter.add.f32 [tilespmem:s29], [sflag:$0xD], $0x80, s0, s26, $0xb8;
	[tilespmem:$0x1E080] =	vst v63  }
0x31: {  	_ =	swait.ge [sflag:s23], $0x2800  }
0x32: {  	[sflag:s23] =	ssyncset.done $0x0  }
0x33: {  	s6 =	simm.s32 $0x3;
	[sflag:s23] =	ssyncadd.s32 $0xFFFFD800  }
0x34: {  	_ =	swait.ge [sflag:s6], $0x100  }
0x35: {  	[sflag:s6] =	ssyncset.done $0x0  }
0x36: {  	s9 =	simm.s32 $0x200;
	[sflag:s6] =	ssyncadd.s32 $0xFFFFFF00  }
0x37: {  	[tilespmem:s18], [sflag:$0xB] =	stream.indirect.gather [hbm4b:s1+s26], $0x80, s9, s26, $0xb8;
	[tilespmem:$0x1E080] =	vst v63  }
0x38: {  	_ =	swait.ge [sflag:s7], $0x2800  }
0x39: {  	[sflag:s7] =	ssyncset.done $0x0  }
0x3a: {  	s4 =	simm.s32 $0x180;
	[sflag:s7] =	ssyncadd.s32 $0xFFFFD800  }
0x3b: {  	[spmem:s2] =	stream.indirect.scatter.add.f32 [tilespmem:s16], [sflag:$0xE], $0x80, s4, s26, $0xb8;
	[tilespmem:$0x1E080] =	vst v63  }
0x3c: {  	_ =	swait.ge [sflag:s21], $0x2800  }
0x3d: {  	[sflag:s21] =	ssyncset.done $0x0  }
0x3e: {  	[sflag:s21] =	ssyncadd.s32 $0xFFFFD800  }
0x3f: {  	_ =	swait.ge [sflag:s14], $0x100  }
0x40: {  	[sflag:s14] =	ssyncset.done $0x0  }
0x41: {  	[sflag:s14] =	ssyncadd.s32 $0xFFFFFF00  }
0x42: {  	[tilespmem:s28], [sflag:$0xC] =	stream.indirect.gather [hbm4b:s1+s26], $0x80, s13, s26, $0xb8;
	[tilespmem:$0x1E080] =	vst v63  }
0x43: {  	_ =	swait.ge [sflag:s17], $0x2800  }
0x44: {  	[sflag:s17] =	ssyncset.done $0x0  }
0x45: {  	s9 =	simm.s32 $0x280;
	[sflag:s17] =	ssyncadd.s32 $0xFFFFD800  }
0x46: {  	[spmem:s2] =	stream.indirect.scatter.add.f32 [tilespmem:s18], [sflag:$0xF], $0x80, s9, s26, $0xb8;
	[tilespmem:$0x1E080] =	vst v63  }
0x47: {  	_ =	swait.ge [sflag:s8], $0x2800  }
0x48: {  	[sflag:s8] =	ssyncset.done $0x0  }
0x49: {  	[sflag:s8] =	ssyncadd.s32 $0xFFFFD800  }
0x4a: {  	_ =	swait.ge [sflag:s31], $0x100  }
0x4b: {  	[sflag:s31] =	ssyncset.done $0x0  }
0x4c: {  	[sflag:s31] =	ssyncadd.s32 $0xFFFFFF00  }
0x4d: {  	[tilespmem:s29], [sflag:$0x9] =	stream.indirect.gather [hbm4b:s1+s26], $0x80, s12, s26, $0xb8;
	[tilespmem:$0x1E080] =	vst v63  }
0x4e: {  	_ =	swait.ge [sflag:s10], $0x2800  }
0x4f: {  	[sflag:s10] =	ssyncset.done $0x0  }
0x50: {  	s11 =	simm.s32 $0x380;
	[sflag:s10] =	ssyncadd.s32 $0xFFFFD800  }
0x51: {  	[spmem:s2] =	stream.indirect.scatter.add.f32 [tilespmem:s28], [sflag:$0x10], $0x80, s11, s26, $0xb8;
	[tilespmem:$0x1E080] =	vst v63  }
0x52: {  	_ =	swait.ge [sflag:s30], $0x2800  }
0x53: {  	[sflag:s30] =	ssyncset.done $0x0  }
0x54: {  	s24 =	simm.s32 $0x480;
	[sflag:s30] =	ssyncadd.s32 $0xFFFFD800  }
0x55: {  	[spmem:s2] =	stream.indirect.scatter.add.f32 [tilespmem:s29], [sflag:$0xD], $0x80, s24, s26, $0xb8;
	[tilespmem:$0x1E080] =	vst v63  }
0x56: {  	_ =	swait.ge [sflag:s8], $0x2800  }
0x57: {  	[sflag:s8] =	ssyncset.done $0x0  }
0x58: {  	[sflag:s8] =	ssyncadd.s32 $0xFFFFD800  }
0x59: {  	_ =	swait.ge [sflag:s5], $0x2800  }
0x5a: {  	[sflag:s5] =	ssyncset.done $0x0  }
0x5b: {  	[sflag:s5] =	ssyncadd.s32 $0xFFFFD800  }
0x5c: {  	_ =	swait.ge [sflag:s23], $0x2800  }
0x5d: {  	[sflag:s23] =	ssyncset.done $0x0  }
0x5e: {  	[sflag:s23] =	ssyncadd.s32 $0xFFFFD800  }
0x5f: {  	_ =	swait.ge [sflag:s21], $0x2800  }
0x60: {  	[sflag:s21] =	ssyncset.done $0x0  }
0x61: {  	[sflag:s21] =	ssyncadd.s32 $0xFFFFD800  }
0x62: {  	[bflag:$0x0] =	sbarrier.arrive $0xFFFF  }
0x63: {  	s25 =	sld [smem:$0x7FB]  }
0x64: {  	s4 =	sld [smem:$0x7FC];
	_ =	sdelay $0x1  }
0x65: {  	s24 =	simm.s32 $0x13;
	s11 =	rddreg [dreg:$0xe];
	s9 =	sor.u32 $0x1C13, s25  }
0x66: {  	[hbm:s11], [sflag:s9] =	dma.local [spmem:s4], $0x2700  }
0x67: {  	_ =	swait.ge [sflag:s24], $0x2700  }
0x68: {  	s0 =	sld [smem:$0x7FA]  }
0x69: {  	[sflag:s24] =	ssyncset.done $0x0  }
0x6a: {  	s11 =	rddreg [dreg:$0xf];
	[sflag:s24] =	ssyncadd.s32 $0xFFFFD900  }
0x6b: {  	[hbm:s11], [sflag:s9] =	dma.local @!p1 [spmem:s0], $0x100  }
0x6c: {  	s9 =	simm.s32 @!p1 $0x13  }
0x6d: {  	_ =	swait.ge @!p1 [sflag:s9], $0x100  }
0x6e: {  	s4 =	sld [smem:$0x7F9];
	_ =	sdelay $0x2  }
0x6f: {  	s25 =	rddreg [dreg:$0x10];
	s4 =	sadd.s32 $0x1, s4  }
0x70: {  	p2 =	sne.s32 s4, s25  }
.Ltmp1:
0x71: {  	_ = 	snop;
	(pc) =	sbr.rel @!p2 .LBB2_10-.Ltmp1, $3  }
0x72: {  	_ =	sdelay $0x1  }
0x73: {  	[sflag:s9] =	ssyncset.done @!p1 $0x0  }
0x74: {  	s0 =	simm.s32 $0x500;
	[sflag:s9] =	ssyncadd.s32 @!p1 $0xFFFFFF00  }
.LBB2_1:
0x75: {  	s9 =	stileid.u32;
	s25 =	rddreg [dreg:$0x5]  }
.Ltmp2:
0x76: {  	[smem:$0x7F9] =	sst s4;
	(pc) =	sbr.rel @p0 .LBB2_3-.Ltmp2, $4  }
0x77: {  	s24 =	sshll.u32 s9, $0x6;
	s9 =	rddreg [dreg:$0x1a]  }
0x78: {  	s25 =	sshrl.u32 s25, $0x3;
	[smem:$0x7FB] =	sst s24  }
0x79: {  	s11 =	sshrl.u32 @!p1 s9, $0x3;
	[smem:$0x7FC] =	sst s25  }
0x7a: {  	[smem:$0x7FA] =	sst s11  }
.Ltmp3:
0x7b: {  	(pc) =	sbr.rel .LBB2_6-.Ltmp3, $4  }
0x7c: {  	s24 =	sor.u32 $0x1C11, s24;
	s9 =	rddreg [dreg:$0xc]  }
0x7d: {  	[spmem:s25], [sflag:s24] =	dma.local [hbm:s9], $0x2700  }
0x7e: {  	s24 =	simm.s32 @!p1 $0x1C12;
	s9 =	rddreg [dreg:$0x1b]  }
0x7f: {  	[spmem:s11], [sflag:s24] =	dma.local @!p1 [hbm:s9], $0x100  }
.LBB2_3:
0x80: {  	s24 =	sshra.s32 s3, $0x2;
	s25 =	sadd.s32 $0x200, s3  }
.LBB2_4:
0x81: {  	p2 =	sne.s32 s25, $0x9E00;
	[tilespmem:s24+$0x8070] =	vst v0  }
0x82: {  	[tilespmem:s24+$0x8000] =	vst v0  }
0x83: {  	[tilespmem:s24+$0x8010] =	vst v0  }
.Ltmp4:
0x84: {  	[tilespmem:s24+$0x8020] =	vst v0;
	(pc) =	sbr.rel @p2 .LBB2_4-.Ltmp4, $4  }
0x85: {  	[tilespmem:s24+$0x8030] =	vst v0  }
0x86: {  	[tilespmem:s24+$0x8040] =	vst v0  }
0x87: {  	[tilespmem:s24+$0x8050] =	vst v0  }
0x88: {  	[tilespmem:s24+$0x8060] =	vst v0;
	s24 =	sshra.s32 s25, $0x2;
	s25 =	sadd.s32 $0x200, s25  }
0x89: {  	[tilespmem:s24+$0x8070] =	vst v0  }
0x8a: {  	[tilespmem:s24+$0x8000] =	vst v0  }
0x8b: {  	[tilespmem:s24+$0x8010] =	vst v0  }
0x8c: {  	[tilespmem:s24+$0x8020] =	vst v0  }
0x8d: {  	[tilespmem:s24+$0x8030] =	vst v0  }
0x8e: {  	[tilespmem:s24+$0x8040] =	vst v0  }
0x8f: {  	[tilespmem:s24+$0x8050] =	vst v0  }
0x90: {  	[tilespmem:s24+$0x8060] =	vst v0;
	s9 =	rddreg [dreg:$0x5]  }
0x91: {  	[spmem:s9] =	stream.linear.scatter [tilespmem:s28], [sflag:$0x11], $0x2800, $0x38;
	[tilespmem:$0x1E080] =	vst v63  }
0x92: {  	s11 =	rddreg [dreg:$0x6]  }
0x93: {  	[spmem:s11] =	stream.linear.scatter [tilespmem:s28], [sflag:$0x11], $0x2800, $0x38;
	[tilespmem:$0x1E080] =	vst v63  }
0x94: {  	s24 =	rddreg [dreg:$0x7]  }
0x95: {  	[spmem:s24] =	stream.linear.scatter [tilespmem:s28], [sflag:$0x11], $0x2800, $0x38;
	[tilespmem:$0x1E080] =	vst v63  }
0x96: {  	s25 =	rddreg [dreg:$0x8]  }
0x97: {  	[spmem:s25] =	stream.linear.scatter [tilespmem:s28], [sflag:$0x11], $0x2800, $0x38;
	[tilespmem:$0x1E080] =	vst v63  }
0x98: {  	s4 =	rddreg [dreg:$0x9]  }
0x99: {  	[spmem:s4] =	stream.linear.scatter [tilespmem:s28], [sflag:$0x11], $0x2800, $0x38;
	[tilespmem:$0x1E080] =	vst v63  }
0x9a: {  	s11 =	rddreg [dreg:$0xa]  }
0x9b: {  	[spmem:s11] =	stream.linear.scatter [tilespmem:s28], [sflag:$0x11], $0x2800, $0x38;
	[tilespmem:$0x1E080] =	vst v63  }
0x9c: {  	s24 =	rddreg [dreg:$0xb]  }
0x9d: {  	[spmem:s24] =	stream.linear.scatter [tilespmem:s28], [sflag:$0x11], $0x2800, $0x38;
	[tilespmem:$0x1E080] =	vst v63  }
0x9e: {  	s25 =	rddreg [dreg:$0x19]  }
0x9f: {  	[spmem:s25] =	stream.linear.scatter [tilespmem:s28], [sflag:$0x11], $0x2000, $0x38;
	[tilespmem:$0x1E080] =	vst v63  }
0xa0: {  	s9 =	rddreg [dreg:$0x1a];
	s24 =	simm.s32 @!p1 $0x8000  }
0xa1: {  	[spmem:s9] =	stream.linear.scatter @!p1 [tilespmem:s24], [sflag:$0x12], $0x800, $0x38;
	[tilespmem:$0x1E080] =	vst v63  }
.LBB2_6:
0xa2: {  	s9 =	rddreg [dreg:$0xd]  }
0xa3: {  	s25 =	rddreg [dreg:$0x1c]  }
0xa4: {  	[tilespmem:s3], [sflag:$0x1] =	stream.linear.gather [hbm4b:s9+s3], $0x100, $0x38;
	[tilespmem:$0x1E080] =	vst v63  }
0xa5: {  	s11 =	simm.s32 $0x100;
	s4 =	rddreg [dreg:$0x1d]  }
0xa6: {  	[tilespmem:s11], [sflag:$0x2] =	stream.linear.gather [hbm4b:s25+s3], $0x100, $0x38;
	[tilespmem:$0x1E080] =	vst v63  }
0xa7: {  	s24 =	simm.s32 $0x200;
	s25 =	rddreg [dreg:$0x1e]  }
0xa8: {  	[tilespmem:s24], [sflag:$0x3] =	stream.linear.gather [hbm4b:s4+s3], $0x100, $0x38;
	[tilespmem:$0x1E080] =	vst v63  }
0xa9: {  	s4 =	rddreg [dreg:$0x1f]  }
0xaa: {  	[tilespmem:s13], [sflag:$0x4] =	stream.linear.gather [hbm4b:s25+s3], $0x100, $0x38;
	[tilespmem:$0x1E080] =	vst v63  }
0xab: {  	s13 =	sld [smem:$0x7FD]  }
0xac: {  	[tilespmem:s12], [sflag:$0x5] =	stream.linear.gather [hbm4b:s4+s3], $0x100, $0x38;
	[tilespmem:$0x1E080] =	vst v63  }
0xad: {  	s25 =	simm.s32 $0x1  }
0xae: {  	[tilespmem:s0], [sflag:$0x6] =	stream.linear.gather [hbm4b:s13+s3], $0x100, $0x38;
	[tilespmem:$0x1E080] =	vst v63  }
0xaf: {  	_ =	swait.ge [sflag:s25], $0x100  }
0xb0: {  	[sflag:s25] =	ssyncset.done $0x0  }
0xb1: {  	[sflag:s25] =	ssyncadd.s32 $0xFFFFFF00  }
0xb2: {  	[tilespmem:s29], [sflag:$0x9] =	stream.indirect.gather [hbm4b:s1+s26], $0x80, s3, s26, $0xb8;
	[tilespmem:$0x1E080] =	vst v63  }
0xb3: {  	_ =	swait.ge [sflag:s15], $0x100  }
0xb4: {  	[sflag:s15] =	ssyncset.done $0x0  }
0xb5: {  	[sflag:s15] =	ssyncadd.s32 $0xFFFFFF00  }
0xb6: {  	[tilespmem:s16], [sflag:$0xA] =	stream.indirect.gather [hbm4b:s1+s26], $0x80, s11, s26, $0xb8;
	[tilespmem:$0x1E080] =	vst v63  }
0xb7: {  	_ =	swait.ge [sflag:s6], $0x100  }
0xb8: {  	[sflag:s6] =	ssyncset.done $0x0  }
0xb9: {  	[sflag:s6] =	ssyncadd.s32 $0xFFFFFF00  }
0xba: {  	[tilespmem:s18], [sflag:$0xB] =	stream.indirect.gather [hbm4b:s1+s26], $0x80, s24, s26, $0xb8;
	[tilespmem:$0x1E080] =	vst v63  }
0xbb: {  	s24 =	simm.s32 @p0 $0x11  }
0xbc: {  	_ =	swait.ge @p0 [sflag:s24], $0x2800  }
0xbd: {  	[sflag:s24] =	ssyncset.done @p0 $0x0  }
0xbe: {  	[sflag:s24] =	ssyncadd.s32 @p0 $0xFFFFD800  }
0xbf: {  	_ =	swait.ge @p0 [sflag:s24], $0x2800  }
0xc0: {  	[sflag:s24] =	ssyncset.done @p0 $0x0  }
0xc1: {  	[sflag:s24] =	ssyncadd.s32 @p0 $0xFFFFD800  }
0xc2: {  	_ =	swait.ge @p0 [sflag:s24], $0x2800  }
0xc3: {  	[sflag:s24] =	ssyncset.done @p0 $0x0  }
0xc4: {  	[sflag:s24] =	ssyncadd.s32 @p0 $0xFFFFD800  }
0xc5: {  	_ =	swait.ge @p0 [sflag:s24], $0x2800  }
0xc6: {  	[sflag:s24] =	ssyncset.done @p0 $0x0  }
0xc7: {  	[sflag:s24] =	ssyncadd.s32 @p0 $0xFFFFD800  }
0xc8: {  	_ =	swait.ge @p0 [sflag:s24], $0x2800  }
0xc9: {  	[sflag:s24] =	ssyncset.done @p0 $0x0  }
0xca: {  	[sflag:s24] =	ssyncadd.s32 @p0 $0xFFFFD800  }
0xcb: {  	_ =	swait.ge @p0 [sflag:s24], $0x2800  }
0xcc: {  	[sflag:s24] =	ssyncset.done @p0 $0x0  }
0xcd: {  	[sflag:s24] =	ssyncadd.s32 @p0 $0xFFFFD800  }
0xce: {  	_ =	swait.ge @p0 [sflag:s24], $0x2800  }
0xcf: {  	[sflag:s24] =	ssyncset.done @p0 $0x0  }
0xd0: {  	[sflag:s24] =	ssyncadd.s32 @p0 $0xFFFFD800  }
0xd1: {  	_ =	swait.ge @p0 [sflag:s24], $0x2000  }
0xd2: {  	[sflag:s24] =	ssyncset.done @p0 $0x0  }
0xd3: {  	[sflag:s24] =	ssyncadd.s32 @p0 $0xFFFFE000;
	s24 =	simm.s32 @!p0 $0x11  }
0xd4: {  	_ =	swait.ge @!p0 [sflag:s24], $0x2700  }
0xd5: {  	[sflag:s24] =	ssyncset.done @!p0 $0x0  }
0xd6: {  	[sflag:s24] =	ssyncadd.s32 @!p0 $0xFFFFD900;
	s24 =	simm.s32 @!p1 $0x12  }
0xd7: {  	_ =	swait.ge @!p1 [sflag:s24], $0x100  }
0xd8: {  	[sflag:s24] =	ssyncset.done @!p1 $0x0  }
0xd9: {  	[sflag:s24] =	ssyncadd.s32 @!p1 $0xFFFFFF00  }
0xda: {  	[bflag:$0x0] =	sbarrier.arrive $0xFFFF  }
0xdb: {  	s6 =	simm.s32 $0x500;
	s24 =	simm.s32 $0x0;
	s25 =	rddreg [dreg:$0x11]  }
.LBB2_7:
0xdc: {  	_ =	swait.ge [sflag:s30], $0x2800  }
0xdd: {  	p2 =	seq.s32 s24, $0x0;
	[sflag:s30] =	ssyncset.done $0x0  }
0xde: {  	s0 =	simm.s32 $0x80;
	s13 =	simm.s32 @!p2 $0xF;
	[sflag:s30] =	ssyncadd.s32 $0xFFFFD800  }
0xdf: {  	[spmem:s2] =	stream.indirect.scatter.add.f32 [tilespmem:s29], [sflag:$0xD], $0x80, s0, s26, $0xb8;
	[tilespmem:$0x1E080] =	vst v63  }
0xe0: {  	_ =	swait.ge @!p2 [sflag:s13], $0x2800  }
0xe1: {  	[sflag:s13] =	ssyncset.done @!p2 $0x0  }
0xe2: {  	[sflag:s13] =	ssyncadd.s32 @!p2 $0xFFFFD800;
	s13 =	simm.s32 @!p2 $0x3  }
0xe3: {  	_ =	swait.ge @!p2 [sflag:s13], $0x100  }
0xe4: {  	s9 =	simm.s32 @!p2 $0x200;
	[sflag:s13] =	ssyncset.done @!p2 $0x0  }
0xe5: {  	s11 =	simm.s32 @!p2 $0x5800;
	[sflag:s13] =	ssyncadd.s32 @!p2 $0xFFFFFF00;
	s13 =	simm.s32 @!p2 $0x50  }
0xe6: {  	[tilespmem:s11], [sflag:$0xB] =	stream.indirect.gather @!p2 [hbm4b:s1+s13], $0x80, s9, s13, $0xb8;
	[tilespmem:$0x1E080] =	vst v63  }
0xe7: {  	s11 =	rddreg [dreg:$0x17]  }
0xe8: {  	s13 =	simm.s32 $0x600;
	s9 =	sadd.s32 s24, s11  }
0xe9: {  	[tilespmem:s13], [sflag:$0x7] =	stream.linear.gather [hbm4b:s9+s3], $0x100, $0x38;
	[tilespmem:$0x1E080] =	vst v63  }
0xea: {  	_ =	swait.ge [sflag:s7], $0x2800  }
0xeb: {  	[sflag:s7] =	ssyncset.done $0x0  }
0xec: {  	s12 =	simm.s32 $0x180;
	s9 =	simm.s32 @!p2 $0x10;
	[sflag:s7] =	ssyncadd.s32 $0xFFFFD800  }
0xed: {  	[spmem:s2] =	stream.indirect.scatter.add.f32 [tilespmem:s16], [sflag:$0xE], $0x80, s12, s26, $0xb8;
	[tilespmem:$0x1E080] =	vst v63  }
0xee: {  	_ =	swait.ge @!p2 [sflag:s9], $0x2800  }
0xef: {  	[sflag:s9] =	ssyncset.done @!p2 $0x0  }
0xf0: {  	[sflag:s9] =	ssyncadd.s32 @!p2 $0xFFFFD800  }
0xf1: {  	_ =	swait.ge [sflag:s14], $0x100  }
0xf2: {  	[sflag:s14] =	ssyncset.done $0x0  }
0xf3: {  	s12 =	simm.s32 $0x300;
	s4 =	rddreg [dreg:$0x18];
	[sflag:s14] =	ssyncadd.s32 $0xFFFFFF00  }
0xf4: {  	[tilespmem:s28], [sflag:$0xC] =	stream.indirect.gather [hbm4b:s1+s26], $0x80, s12, s26, $0xb8;
	[tilespmem:$0x1E080] =	vst v63  }
0xf5: {  	s9 =	sadd.s32 s24, s4;
	s4 =	simm.s32 $0x700  }
0xf6: {  	[tilespmem:s4], [sflag:$0x8] =	stream.linear.gather [hbm4b:s9+s3], $0x100, $0x38;
	[tilespmem:$0x1E080] =	vst v63  }
0xf7: {  	_ =	swait.ge [sflag:s17], $0x2800  }
0xf8: {  	[sflag:s17] =	ssyncset.done $0x0  }
0xf9: {  	s9 =	simm.s32 $0x280;
	[sflag:s17] =	ssyncadd.s32 $0xFFFFD800  }
0xfa: {  	[spmem:s2] =	stream.indirect.scatter.add.f32 [tilespmem:s18], [sflag:$0xF], $0x80, s9, s26, $0xb8;
	[tilespmem:$0x1E080] =	vst v63  }
0xfb: {  	_ =	swait.ge [sflag:s8], $0x2800  }
0xfc: {  	[sflag:s8] =	ssyncset.done $0x0  }
0xfd: {  	[sflag:s8] =	ssyncadd.s32 $0xFFFFD800  }
0xfe: {  	_ =	swait.ge [sflag:s31], $0x100  }
0xff: {  	s0 =	simm.s32 $0x400;
	[sflag:s31] =	ssyncset.done $0x0  }
0x100: {  	s9 =	sshrl.u32 s25, $0x3;
	s11 =	rddreg [dreg:$0x4];
	[sflag:s31] =	ssyncadd.s32 $0xFFFFFF00  }
0x101: {  	[tilespmem:s29], [sflag:$0x9] =	stream.indirect.gather [hbm4b:s1+s26], $0x80, s0, s26, $0xb8;
	[tilespmem:$0x1E080] =	vst v63  }
0x102: {  	s9 =	sadd.s32 s11, s9  }
0x103: {  	[tilespmem:s3], [sflag:$0x1] =	stream.linear.gather [hbm4b:s9+s3], $0x100, $0x38;
	[tilespmem:$0x1E080] =	vst v63  }
0x104: {  	_ =	swait.ge [sflag:s10], $0x2800  }
0x105: {  	[sflag:s10] =	ssyncset.done $0x0  }
0x106: {  	s11 =	simm.s32 $0x380;
	[sflag:s10] =	ssyncadd.s32 $0xFFFFD800  }
0x107: {  	[spmem:s2] =	stream.indirect.scatter.add.f32 [tilespmem:s28], [sflag:$0x10], $0x80, s11, s26, $0xb8;
	[tilespmem:$0x1E080] =	vst v63  }
0x108: {  	_ =	swait.ge [sflag:s5], $0x2800  }
0x109: {  	[sflag:s5] =	ssyncset.done $0x0  }
0x10a: {  	[sflag:s5] =	ssyncadd.s32 $0xFFFFD800  }
0x10b: {  	_ =	swait.ge [sflag:s19], $0x100  }
0x10c: {  	[sflag:s19] =	ssyncset.done $0x0  }
0x10d: {  	s11 =	rddreg [dreg:$0x12];
	[sflag:s19] =	ssyncadd.s32 $0xFFFFFF00  }
0x10e: {  	[tilespmem:s16], [sflag:$0xA] =	stream.indirect.gather [hbm4b:s1+s26], $0x80, s6, s26, $0xb8;
	[tilespmem:$0x1E080] =	vst v63  }
0x10f: {  	s9 =	sadd.s32 s24, s11;
	s11 =	simm.s32 $0x100  }
0x110: {  	[tilespmem:s11], [sflag:$0x2] =	stream.linear.gather [hbm4b:s9+s3], $0x100, $0x38;
	[tilespmem:$0x1E080] =	vst v63  }
0x111: {  	_ =	swait.ge [sflag:s30], $0x2800  }
0x112: {  	[sflag:s30] =	ssyncset.done $0x0  }
0x113: {  	s9 =	simm.s32 $0x480;
	[sflag:s30] =	ssyncadd.s32 $0xFFFFD800  }
0x114: {  	[spmem:s2] =	stream.indirect.scatter.add.f32 [tilespmem:s29], [sflag:$0xD], $0x80, s9, s26, $0xb8;
	[tilespmem:$0x1E080] =	vst v63  }
0x115: {  	_ =	swait.ge [sflag:s23], $0x2800  }
0x116: {  	[sflag:s23] =	ssyncset.done $0x0  }
0x117: {  	[sflag:s23] =	ssyncadd.s32 $0xFFFFD800  }
0x118: {  	_ =	swait.ge [sflag:s20], $0x100  }
0x119: {  	[sflag:s20] =	ssyncset.done $0x0  }
0x11a: {  	[sflag:s20] =	ssyncadd.s32 $0xFFFFFF00  }
0x11b: {  	[tilespmem:s18], [sflag:$0xB] =	stream.indirect.gather [hbm4b:s1+s26], $0x80, s13, s26, $0xb8;
	[tilespmem:$0x1E080] =	vst v63  }
0x11c: {  	s13 =	rddreg [dreg:$0x13]  }
0x11d: {  	s9 =	sadd.s32 s24, s13;
	s13 =	simm.s32 $0x200  }
0x11e: {  	[tilespmem:s13], [sflag:$0x3] =	stream.linear.gather [hbm4b:s9+s3], $0x100, $0x38;
	[tilespmem:$0x1E080] =	vst v63  }
0x11f: {  	_ =	swait.ge [sflag:s7], $0x2800  }
0x120: {  	[sflag:s7] =	ssyncset.done $0x0  }
0x121: {  	s13 =	simm.s32 $0x580;
	[sflag:s7] =	ssyncadd.s32 $0xFFFFD800  }
0x122: {  	[spmem:s2] =	stream.indirect.scatter.add.f32 [tilespmem:s16], [sflag:$0xE], $0x80, s13, s26, $0xb8;
	[tilespmem:$0x1E080] =	vst v63  }
0x123: {  	_ =	swait.ge [sflag:s21], $0x2800  }
0x124: {  	[sflag:s21] =	ssyncset.done $0x0  }
0x125: {  	[sflag:s21] =	ssyncadd.s32 $0xFFFFD800  }
0x126: {  	_ =	swait.ge [sflag:s22], $0x100  }
0x127: {  	[sflag:s22] =	ssyncset.done $0x0  }
0x128: {  	[sflag:s22] =	ssyncadd.s32 $0xFFFFFF00  }
0x129: {  	[tilespmem:s28], [sflag:$0xC] =	stream.indirect.gather [hbm4b:s1+s26], $0x80, s4, s26, $0xb8;
	[tilespmem:$0x1E080] =	vst v63  }
0x12a: {  	s4 =	rddreg [dreg:$0x14]  }
0x12b: {  	s9 =	sadd.s32 s24, s4  }
0x12c: {  	[tilespmem:s12], [sflag:$0x4] =	stream.linear.gather [hbm4b:s9+s3], $0x100, $0x38;
	[tilespmem:$0x1E080] =	vst v63  }
0x12d: {  	_ =	swait.ge [sflag:s17], $0x2800  }
0x12e: {  	[sflag:s17] =	ssyncset.done $0x0  }
0x12f: {  	s9 =	simm.s32 $0x680;
	[sflag:s17] =	ssyncadd.s32 $0xFFFFD800  }
0x130: {  	[spmem:s2] =	stream.indirect.scatter.add.f32 [tilespmem:s18], [sflag:$0xF], $0x80, s9, s26, $0xb8;
	[tilespmem:$0x1E080] =	vst v63  }
0x131: {  	_ =	swait.ge [sflag:s8], $0x2800  }
0x132: {  	[sflag:s8] =	ssyncset.done $0x0  }
0x133: {  	s12 =	simm.s32 $0x1;
	[sflag:s8] =	ssyncadd.s32 $0xFFFFD800  }
0x134: {  	_ =	swait.ge [sflag:s12], $0x100  }
0x135: {  	[sflag:s12] =	ssyncset.done $0x0  }
0x136: {  	s4 =	rddreg [dreg:$0x15];
	[sflag:s12] =	ssyncadd.s32 $0xFFFFFF00  }
0x137: {  	[tilespmem:s29], [sflag:$0x9] =	stream.indirect.gather [hbm4b:s1+s26], $0x80, s3, s26, $0xb8;
	[tilespmem:$0x1E080] =	vst v63  }
0x138: {  	s9 =	sadd.s32 s24, s4  }
0x139: {  	[tilespmem:s0], [sflag:$0x5] =	stream.linear.gather [hbm4b:s9+s3], $0x100, $0x38;
	[tilespmem:$0x1E080] =	vst v63  }
0x13a: {  	_ =	swait.ge [sflag:s10], $0x2800  }
0x13b: {  	[sflag:s10] =	ssyncset.done $0x0  }
0x13c: {  	s9 =	simm.s32 $0x780;
	[sflag:s10] =	ssyncadd.s32 $0xFFFFD800  }
0x13d: {  	[spmem:s2] =	stream.indirect.scatter.add.f32 [tilespmem:s28], [sflag:$0x10], $0x80, s9, s26, $0xb8;
	[tilespmem:$0x1E080] =	vst v63  }
0x13e: {  	_ =	swait.ge [sflag:s5], $0x2800  }
0x13f: {  	p2 =	seq.s32 s24, $0xE00;
	[sflag:s5] =	ssyncset.done $0x0  }
.Ltmp5:
0x140: {  	[sflag:s5] =	ssyncadd.s32 $0xFFFFD800;
	(pc) =	sbr.rel @p2 .LBB2_9-.Ltmp5, $4  }
0x141: {  	_ =	swait.ge [sflag:s15], $0x100  }
0x142: {  	[sflag:s15] =	ssyncset.done $0x0  }
0x143: {  	s13 =	simm.s32 $0x300;
	s12 =	simm.s32 $0x400;
	[sflag:s15] =	ssyncadd.s32 $0xFFFFFF00  }
0x144: {  	[tilespmem:s16], [sflag:$0xA] =	stream.indirect.gather [hbm4b:s1+s26], $0x80, s11, s26, $0xb8;
	[tilespmem:$0x1E080] =	vst v63  }
.Ltmp6:
0x145: {  	(pc) =	sbr.rel .LBB2_7-.Ltmp6, $4  }
0x146: {  	_ = 	snop  }
0x147: {  	s9 =	rddreg [dreg:$0x16]  }
0x148: {  	s25 =	sadd.s32 $0x800, s25;
	s9 =	sadd.s32 s24, s9;
	s24 =	sadd.s32 $0x100, s24  }
0x149: {  	[tilespmem:s6], [sflag:$0x6] =	stream.linear.gather [hbm4b:s9+s3], $0x100, $0x38;
	[tilespmem:$0x1E080] =	vst v63  }
.LBB2_10:
0x14a: {  	_ =	sfence.sel $0x180000  }
0x14b: {  	[bflag:$0x0] =	sbarrier.arrive $0xFFFF  }
0x14c: {  	_ =	strace $0x90000047  }
0x14d: {  	[bflag:$0x2] =	sbarrier.arrive $0xFFFF  }
0x14e: {  	s0 =	rddreg [dreg:$0x3]  }
0x14f: {  	s0 =	sadd.s32 @!p1 $0x100000, s0  }
0x150: {  	[sflag:s0] =	ssyncadd.tile.s32 @!p1 $0x1;
	_ =	shalt  }
.Lfunc_end2:
_tile_overlayer_lowered:
.L_overlay_start_2:
0x151: {  	(tag) =	ssettag $0x2  }
0x152: {  	s0 =	rddreg [dreg:$0x0];
	s2 =	stileid.u32  }
0x153: {  	s1 =	rddreg [dreg:$0x1];
	p0 =	sne.s32 s2, $0x0  }
0x154: {  	s3 =	rddreg [dreg:$0x2];
	[bflag:$0x3] =	sbarrier.arrive $0xFFFF;
	s2 =	simm.s32 @!p0 $0x1C13  }
0x155: {  	[timem:s3], [sflag:s2] =	dma.local @!p0 [hbm:s0], s1  }
0x156: {  	s0 =	simm.s32 @!p0 $0x13  }
0x157: {  	_ =	swait.ge @!p0 [sflag:s0], s1  }
0x158: {  	s1 =	ssub.s32 @!p0 $0x0, s1;
	[sflag:s0] =	ssyncset.done @!p0 $0x0  }
0x159: {  	[sflag:s0] =	ssyncadd.s32 @!p0 s1  }
0x15a: {  	[bflag:$0x3] =	sbarrier.arrive $0xFFFF  }
0x15b: {  	_ =	shalt  }

// kernel: kernel.9.cloned.1.call-start
scs
__scs_entry_jumppad:
0x0: {  	(pc) =	sbr.rel $0x88, $3  }
0x1: {  	(tag) =	ssettag $0x0;
	lr =	simm.s32 $0x1  }
0x2: {  	[smem:$0x3F95] =	sst lr;
	_ =	strace $0xD0000000  }
0x3: {  	_ = 	snop  }
0x4: {  	_ = 	snop  }
0x5: {  	_ = 	snop  }
0x6: {  	_ = 	snop  }
0x7: {  	_ = 	snop  }
__scs_overlays_trampoline_lowered:
0x8: {  	[smem:$0x3FA4] =	sst s0  }
0x9: {  	[smem:$0x3FA5] =	sst s1  }
0xa: {  	[smem:$0x3FA6] =	sst s2  }
0xb: {  	[smem:$0x3FA7] =	sst s3  }
0xc: {  	[smem:$0x3FA8] =	sst s4  }
0xd: {  	[smem:$0x3FA9] =	sst s5  }
0xe: {  	[smem:$0x3FAA] =	sst s6  }
0xf: {  	[smem:$0x3FAB] =	sst s7  }
0x10: {  	[smem:$0x3FAC] =	sst s8  }
0x11: {  	[smem:$0x3FAD] =	sst s9;
	s0 =	simm.s32 @!p0 $0x0  }
0x12: {  	s1 =	sld [smem:$0x3F93];
	s0 =	simm.s32 @p0 $0x1  }
0x13: {  	[smem:$0x3FAE] =	sst s0;
	s0 =	simm.s32 @!p1 $0x0  }
0x14: {  	s2 =	sld [smem:$0x3F92];
	s0 =	simm.s32 @p1 $0x1  }
0x15: {  	[smem:$0x3FAF] =	sst s0;
	s0 =	simm.s32 @!p2 $0x0  }
0x16: {  	s3 =	sld [smem:$0x3FDB];
	s0 =	simm.s32 @p2 $0x1  }
0x17: {  	s4 =	simm.s32 $0x1BF5;
	[smem:$0x3FB1] =	sst s0  }
0x18: {  	s0 =	sld [smem:$0x3F94];
	_ =	swait.ge [sflag:s4], $0x0  }
0x19: {  	s7 =	sld [smem:$0x3F95]  }
0x1a: {  	s8 =	sadd.s32 $0xFFFFE003, lr  }
0x1b: {  	s9 =	sadd.s32 $0xFFFFFEF7, lr;
	s5 =	simm.s32 $0xFFFFFFFF;
	p2 =	slt.u32 s8, $0xFFFFF086  }
0x1c: {  	p1 =	slt.u32 s9, $0xF7A;
	s5 =	simm.s32 @!p2 $0x0  }
0x1d: {  	s5 =	simm.s32 @p1 $0x1;
	p0 =	seq.s32 s7, s2  }
0x1e: {  	s7 =	smul.u32 @!p0 $0xF7A, s2;
	p2 =	seq.s32 @!p0 s5, $0x0  }
0x1f: {  	s9 =	smul.u32 $0xF7A, s1;
	s8 =	simm.s32 @!p0 $0x1BF5;
	p2 =	por !p2, p0  }
0x20: {  	[sflag:s8] =	ssyncset.s32 @!p0 $0xFFFFF086;
	s6 =	sadd.s32 @!p0 s3, s7;
	s7 =	simm.s32 @!p0 $0x108  }
0x21: {  	s3 =	sadd.s32 s3, s9;
	s6 =	sadd.s32 @!p0 $0x88, s6;
	s7 =	simm.s32 @p2 $0x1082  }
0x22: {  	[simem:s7], [sflag:s8] =	dma.local @!p0 [hbm:s6], $0xF7A  }
0x23: {  	s9 =	sor.u32 $0xD0000000, s2;
	s6 =	simm.s32 $0x108;
	_ =	swait.ge @!p0 [sflag:s8], $0x0  }
0x24: {  	s3 =	sadd.s32 $0x88, s3;
	s6 =	simm.s32 @!p1 $0x1082;
	[sflag:s4] =	ssyncset.s32 $0xFFFFF086  }
0x25: {  	[simem:s6], [sflag:s4] =	dma.local [hbm:s3], $0xF7A  }
0x26: {  	[smem:$0x3F95] =	sst s1;
	(tag) =	ssettag s2;
	_ =	strace s9  }
0x27: {  	s1 =	sld [smem:$0x3FA5]  }
0x28: {  	s2 =	sld [smem:$0x3FA6]  }
0x29: {  	s4 =	sld [smem:$0x3FA8]  }
0x2a: {  	p0 =	seq.s32 s5, $0x0;
	s5 =	sld [smem:$0x3FA9]  }
0x2b: {  	s6 =	sld [smem:$0x3FAA]  }
0x2c: {  	s7 =	sld [smem:$0x3FAB]  }
0x2d: {  	s3 =	simm.s32 $0x108;
	s8 =	sld [smem:$0x3FAC]  }
0x2e: {  	s3 =	simm.s32 @!p0 $0x1082;
	s9 =	sld [smem:$0x3FAD]  }
0x2f: {  	lr =	sadd.s32 s0, s3;
	s0 =	sld [smem:$0x3FA4]  }
0x30: {  	s3 =	sld [smem:$0x3FA7]  }
0x31: {  	[smem:$0x3FB0] =	sst s10  }
0x32: {  	s10 =	sld [smem:$0x3FAE];
	_ =	sdelay $0x3  }
0x33: {  	p0 =	seq.s32 s10, $0x1;
	s10 =	sld [smem:$0x3FB0];
	_ =	sdelay $0x3  }
0x34: {  	[smem:$0x3FB0] =	sst s10  }
0x35: {  	s10 =	sld [smem:$0x3FAF];
	_ =	sdelay $0x3  }
0x36: {  	p1 =	seq.s32 s10, $0x1;
	s10 =	sld [smem:$0x3FB0];
	_ =	sdelay $0x3  }
0x37: {  	[smem:$0x3FB0] =	sst s10  }
0x38: {  	s10 =	sld [smem:$0x3FB1]  }
0x39: {  	_ = 	snop;
	(pc) =	sbr.ind lr, $3  }
0x3a: {  	_ = 	snop  }
0x3b: {  	_ = 	snop  }
0x3c: {  	p2 =	seq.s32 s10, $0x1;
	s10 =	sld [smem:$0x3FB0]  }
0x3d: {  	_ =	shalt  }
0x3e: {  	_ =	shalt  }
0x3f: {  	_ =	shalt  }
0x40: {  	_ =	shalt  }
0x41: {  	_ =	shalt  }
0x42: {  	_ =	shalt  }
0x43: {  	_ =	shalt  }
0x44: {  	_ =	shalt  }
0x45: {  	_ =	shalt  }
0x46: {  	_ =	shalt  }
0x47: {  	_ =	shalt  }
0x48: {  	_ =	shalt  }
0x49: {  	_ =	shalt  }
0x4a: {  	_ =	shalt  }
0x4b: {  	_ =	shalt  }
0x4c: {  	_ =	shalt  }
0x4d: {  	_ =	shalt  }
0x4e: {  	_ =	shalt  }
0x4f: {  	_ =	shalt  }
0x50: {  	_ =	shalt  }
0x51: {  	_ =	shalt  }
0x52: {  	_ =	shalt  }
0x53: {  	_ =	shalt  }
0x54: {  	_ =	shalt  }
0x55: {  	_ =	shalt  }
0x56: {  	_ =	shalt  }
0x57: {  	_ =	shalt  }
0x58: {  	_ =	shalt  }
0x59: {  	_ =	shalt  }
0x5a: {  	_ =	shalt  }
0x5b: {  	_ =	shalt  }
0x5c: {  	_ =	shalt  }
0x5d: {  	_ =	shalt  }
0x5e: {  	_ =	shalt  }
0x5f: {  	_ =	shalt  }
0x60: {  	_ =	shalt  }
0x61: {  	_ =	shalt  }
0x62: {  	_ =	shalt  }
0x63: {  	_ =	shalt  }
0x64: {  	_ =	shalt  }
0x65: {  	_ =	shalt  }
0x66: {  	_ =	shalt  }
0x67: {  	_ =	shalt  }
0x68: {  	_ =	shalt  }
0x69: {  	_ =	shalt  }
0x6a: {  	_ =	shalt  }
0x6b: {  	_ =	shalt  }
0x6c: {  	_ =	shalt  }
0x6d: {  	_ =	shalt  }
0x6e: {  	_ =	shalt  }
0x6f: {  	_ =	shalt  }
0x70: {  	_ =	shalt  }
0x71: {  	_ =	shalt  }
0x72: {  	_ =	shalt  }
0x73: {  	_ =	shalt  }
0x74: {  	_ =	shalt  }
0x75: {  	_ =	shalt  }
0x76: {  	_ =	shalt  }
0x77: {  	_ =	shalt  }
0x78: {  	_ =	shalt  }
0x79: {  	_ =	shalt  }
0x7a: {  	_ =	shalt  }
0x7b: {  	_ =	shalt  }
0x7c: {  	_ =	shalt  }
0x7d: {  	_ =	shalt  }
0x7e: {  	_ =	shalt  }
0x7f: {  	_ =	shalt  }
0x80: {  	_ =	shalt  }
0x81: {  	_ =	shalt  }
0x82: {  	_ =	shalt  }
0x83: {  	_ =	shalt  }
0x84: {  	_ =	shalt  }
0x85: {  	_ =	shalt  }
0x86: {  	_ =	shalt  }
0x87: {  	_ =	shalt  }
.Lfunc_end0:
.L_simem_size_0:
called_computation.1_lowered:
.L_overlay_start_0:
0x88: {  	s2 =	sld [smem:$0x3FD9]  }
0x89: {  	s3 =	sld [smem:$0x3FFE];
	_ =	sdelay $0x1  }
0x8a: {  	s1 =	srdreg.scid  }
0x8b: {  	s0 =	sand.u32 $0x1, s1  }
0x8c: {  	s16 =	sshll.u32 s0, $0xA;
	s2 =	sadd.s32 s3, s2  }
0x8d: {  	s2 =	sadd.s32 s2, s16  }
0x8e: {  	[smem:$0x3FBC] =	sst s2  }
0x8f: {  	_ = 	snop  }
0x90: {  	(tm) =	ssettm $0x1  }
0x91: {  	s17 =	sld [smem:$0x3FFB];
	_ =	sdelay $0x3  }
0x92: {  	_ =	strace s17  }
0x93: {  	s2 =	sld [smem:$0x3FFC];
	_ =	sdelay $0x3  }
0x94: {  	_ =	strace s2  }
0x95: {  	s2 =	sld [smem:$0x3FFD];
	_ =	sdelay $0x3  }
0x96: {  	_ =	strace s2  }
0x97: {  	_ =	strace $0x8FFFFFFF  }
0x98: {  	s18 =	sld [smem:$0x3FDB];
	_ =	sdelay $0x1  }
0x99: {  	s19 =	simm.s32 $_scs_section_size  }
0x9a: {  	s4 =	simm.s32 $_size__tile_overlayer_lowered;
	s5 =	simm.s32 $_tile_overlayer_lowered  }
0x9b: {  	s22 =	simm.s32 $0x1BFF;
	s21 =	sshll.u32 s5, $0x1;
	s2 =	sadd.s32 s19, s18  }
0x9c: {  	s6 =	simm.s32 $0x0;
	s20 =	sshll.u32 s4, $0x1;
	s4 =	sadd.s32 s21, s2  }
0x9d: {  	[timem:s6], [sflag:s22] =	dma.local [hbm:s4], s20  }
0x9e: {  	_ =	swait.ge [sflag:s22], s20  }
0x9f: {  	s3 =	ssub.s32 $0x0, s20;
	[sflag:s22] =	ssyncset.done $0x0  }
0xa0: {  	[sflag:s22] =	ssyncadd.s32 s3;
	_ =	sdelay $0x1  }
0xa1: {  	s23 =	simm.s32 $0x1B8B  }
0xa2: {  	_ =	swait.ge [sflag:s23], $0x1  }
0xa3: {  	[sflag:s23] =	ssyncset.done $0x0  }
0xa4: {  	s25 =	simm.s32 $0x1B8E;
	s24 =	sld [smem:$0x3FFE];
	[sflag:s23] =	ssyncadd.s32 $0xFFFFFFFF  }
0xa5: {  	s26 =	simm.s32 $execute0_lowered;
	[smem:$0x3FD2] =	sst s25  }
0xa6: {  	s4 =	sshll.u32 s26, $0x1;
	_ =	strace $0x80000049;
	[dreg:$0x1] =	wrdreg $0xFFFFFFFF  }
0xa7: {  	s28 =	simm.s32 $_size_execute0_lowered;
	s2 =	sadd.s32 s2, s4;
	[dreg:$0x0] =	wrdreg $0x0  }
0xa8: {  	s4 =	sshll.u32 s28, $0x1;
	[dreg:$0x2] =	wrdreg s2  }
0xa9: {  	[dreg:$0x3] =	wrdreg s4  }
0xaa: {  	[dreg:$0x4] =	wrdreg $0xC0  }
0xab: {  	_ =	task [dreg:s6], $0x5FFFF  }
0xac: {  	[dreg:$0x1] =	wrdreg $0xFFFFFFFF  }
0xad: {  	[dreg:$0x0] =	wrdreg $0x60  }
0xae: {  	[dreg:$0x2] =	wrdreg s24  }
0xaf: {  	[dreg:$0x3] =	wrdreg $0xA8000  }
0xb0: {  	[dreg:$0x4] =	wrdreg $0x9  }
0xb1: {  	_ =	task.clear_ibuf [dreg:s6], $0x5FFFF;
	_ =	strace $0x90000049  }
0xb2: {  	s29 =	simm.s32 $0x9;
	_ =	strace $0x8000004B  }
0xb3: {  	_ =	swait.ge [sflag:s29], $0x1  }
0xb4: {  	[sflag:s29] =	ssyncadd.s32 $0xFFFFFFFF  }
0xb5: {  	_ =	strace $0x9000004B  }
0xb6: {  	_ =	sfence  }
0xb7: {  	s30 =	sld [smem:$0x0];
	_ =	sdelay $0x2  }
0xb8: {  	s31 =	sshll.u32 s1, $0xD;
	s1 =	sshrl.u32 s1, $0x2  }
0xb9: {  	s3 =	sand.u32 $0x4000, s31;
	s1 =	sadd.s32 s1, s30  }
0xba: {  	s0 =	sor.u32 s3, s0;
	s1 =	sshll.u32 s1, $0x11  }
0xbb: {  	s0 =	sor.u32 s1, s0  }
0xbc: {  	s0 =	sadd.s32 $0x8F2B, s0  }
0xbd: {  	[sflag:s0] =	ssyncadd.remote.s32 $0x1  }
0xbe: {  	_ =	sfence.sel $0xFFFF  }
0xbf: {  	[dreg:$0x0] =	wrdreg $0xFFFFFFFF;
	(pc) =	sbr.abs _section_cstart, $3  }
0xc0: {  	[dreg:$0x1] =	wrdreg $0xFFFFFFFF  }
0xc1: {  	_ =	task.clear_ibuf [dreg:s6], $0x2FFFF;
	_ =	strace $0x9FFFFFFF  }
0xc2: {  	(tm) =	ssettm $0x7FFFFFFF  }
0xc3: {  	_ =	shalt  }
tec
execute0_lowered:
.L_overlay_start_1:
0x0: {  	(tag) =	ssettag $0x1  }
0x1: {  	s0 =	rddreg [dreg:$0x0]  }
0x2: {  	s1 =	rddreg [dreg:$0x1];
	s2 =	simm.s32 $0x0;
	s4 =	srdreg.scid  }
0x3: {  	s12 =	stileid.u32;
	s28 =	simm.s32 $0x800;
	s30 =	simm.s32 $0x9  }
0x4: {  	s29 =	simm.s32 $0x8000;
	s31 =	simm.s32 $0x5;
	[smem:$0x7FF] =	sst s2  }
0x5: {  	s3 =	sadd.s32 $0x21600, s0;
	s4 =	sand.u32 $0x1, s4;
	s6 =	smul.u32 $0x4E000, s12  }
0x6: {  	s13 =	sadd.s32 $0x2200, s0;
	s7 =	sadd.s32 $0x48800, s0;
	s10 =	smul.u32 $0x2700, s12  }
0x7: {  	s17 =	smul.u32 $0x7D00, s12;
	s0 =	sadd.s32 $0x48600, s0;
	p1 =	sne.s32 s12, $0x0  }
0x8: {  	_ =	strace $0x8000004A;
	s5 =	ssub.s32 $0x2, s4;
	s23 =	smul.u32 $0x138800, s4  }
0x9: {  	s9 =	sshll.u32 s4, $0x4;
	s26 =	smul.u32 $0x7D000, s4;
	[dreg:$0xb] =	wrdreg s0  }
0xa: {  	s19 =	smul.u32 $0x27100, s4;
	p0 =	sne.s32 s4, $0x0;
	[dreg:$0x3] =	wrdreg s13  }
0xb: {  	s8 =	sshrl.u32 s5, $0x1;
	s6 =	sshrl.u32 s6, $0x2;
	s16 =	sadd.s32 s3, s10  }
0xc: {  	s9 =	sor.u32 s12, s9;
	s14 =	sadd.s32 s6, s1;
	[dreg:$0xa] =	wrdreg s16  }
0xd: {  	s12 =	simm.s32 $0x400;
	s21 =	sadd.s32 $0x2800, s14;
	[dreg:$0x4] =	wrdreg s14  }
0xe: {  	s5 =	ssub.s32 s5, s8;
	s22 =	sadd.s32 $0x5000, s14;
	[dreg:$0x5] =	wrdreg s21  }
0xf: {  	s20 =	smul.u32 $0x7D00, s9;
	s24 =	sadd.s32 $0x7800, s14;
	[dreg:$0x6] =	wrdreg s22  }
0x10: {  	s6 =	sadd.s32 s10, s19;
	s25 =	sadd.s32 $0xA000, s14;
	[dreg:$0x7] =	wrdreg s24  }
0x11: {  	s8 =	simm.s32 $0xD;
	s11 =	sadd.s32 $0xC800, s14;
	[dreg:$0x8] =	wrdreg s25  }
0x12: {  	s6 =	sadd.s32 s7, s6;
	s5 =	smax.u32 s5, $0x1;
	[dreg:$0x9] =	wrdreg s11  }
0x13: {  	s19 =	sadd.s32 $0xF000, s14;
	s18 =	sshrl.u32 s20, $0x3;
	[dreg:$0xd] =	wrdreg s6  }
0x14: {  	s20 =	sshrl.u32 s23, $0x3;
	s21 =	sadd.s32 s17, s26;
	[dreg:$0xf] =	wrdreg s5  }
0x15: {  	[dreg:$0x18] =	wrdreg s19;
	s19 =	simm.s32 $0x6;
	s15 =	sadd.s32 s13, s18  }
0x16: {  	s0 =	sadd.s32 s7, s20;
	s9 =	sadd.s32 $0x900, s21;
	s23 =	sadd.s32 $0x800, s21  }
0x17: {  	s24 =	sadd.s32 $0xA00, s21;
	s25 =	sadd.s32 $0xB00, s21;
	s26 =	sadd.s32 $0xC00, s21  }
0x18: {  	s10 =	sadd.s32 $0xD00, s21;
	s11 =	sadd.s32 $0x600, s21;
	s16 =	sadd.s32 $0x700, s21  }
0x19: {  	s20 =	sadd.s32 $0x11800, s14;
	s21 =	sadd.s32 $0x138000, s1;
	[dreg:$0x10] =	wrdreg s23  }
0x1a: {  	s14 =	simm.s32 $0x4;
	s0 =	sadd.s32 $0x27000, s0;
	[dreg:$0x19] =	wrdreg s20  }
0x1b: {  	s22 =	sshrl.u32 s9, $0x3;
	s5 =	sshrl.u32 s25, $0x3;
	[dreg:$0x1a] =	wrdreg s21  }
0x1c: {  	s6 =	sshrl.u32 s26, $0x3;
	s4 =	sshrl.u32 s11, $0x3;
	[dreg:$0xc] =	wrdreg s15  }
0x1d: {  	s18 =	sshrl.u32 s16, $0x3;
	s23 =	sadd.s32 $0x40, s15;
	[dreg:$0xe] =	wrdreg s0  }
0x1e: {  	s25 =	sadd.s32 $0x80, s15;
	s26 =	sadd.s32 $0xA0, s15;
	[dreg:$0x1c] =	wrdreg s23  }
0x1f: {  	s16 =	simm.s32 $0x3000;
	s20 =	simm.s32 $0x7;
	[dreg:$0x1e] =	wrdreg s25  }
0x20: {  	s21 =	simm.s32 $0x10;
	s0 =	sadd.s32 s22, s13;
	[dreg:$0x1f] =	wrdreg s26  }
0x21: {  	s7 =	sadd.s32 s5, s13;
	s9 =	sadd.s32 s6, s13;
	[dreg:$0x11] =	wrdreg s0  }
0x22: {  	s17 =	sadd.s32 s4, s13;
	s22 =	sadd.s32 $0x20, s15;
	[dreg:$0x13] =	wrdreg s7  }
0x23: {  	s26 =	simm.s32 $0x50;
	s6 =	simm.s32 $0x3;
	[dreg:$0x14] =	wrdreg s9  }
0x24: {  	s5 =	simm.s32 $0xE;
	s23 =	simm.s32 $0xF;
	[dreg:$0x16] =	wrdreg s17  }
0x25: {  	s4 =	simm.s32 $0x0;
	s0 =	sshrl.u32 s24, $0x3;
	[dreg:$0x1b] =	wrdreg s22  }
0x26: {  	s24 =	sadd.s32 $0x60, s15;
	s15 =	simm.s32 $0x2;
	s7 =	simm.s32 $0xA  }
.Ltmp0:
0x27: {  	s17 =	simm.s32 $0xB;
	s0 =	sadd.s32 s0, s13;
	(pc) =	sbr.rel .LBB2_1-.Ltmp0, $4  }
0x28: {  	s22 =	simm.s32 $0x8;
	[dreg:$0x12] =	wrdreg s0;
	s0 =	sshrl.u32 s10, $0x3  }
0x29: {  	[dreg:$0x1d] =	wrdreg s24;
	s10 =	simm.s32 $0xC;
	s0 =	sadd.s32 s0, s13  }
0x2a: {  	[dreg:$0x15] =	wrdreg s0;
	s0 =	sadd.s32 s18, s13;
	s13 =	simm.s32 $0x300  }
0x2b: {  	v0 =	vimm.f32 $0.0e+00;
	s18 =	simm.s32 $0x5800;
	[dreg:$0x17] =	wrdreg s0;
	s0 =	simm.s32 $0x500  }
.LBB2_9:
0x2c: {  	_ =	swait.ge [sflag:s30], $0x2800  }
0x2d: {  	[sflag:s30] =	ssyncset.done $0x0  }
0x2e: {  	s0 =	simm.s32 $0x80;
	[sflag:s30] =	ssyncadd.s32 $0xFFFFD800  }
0x2f: {  	[spmem:s1] =	stream.indirect.scatter.add.f32 [tilespmem:s28], [sflag:$0xD], $0x80, s0, s26, $0xb8;
	[tilespmem:$0x1E080] =	vst v63  }
0x30: {  	_ =	swait.ge [sflag:s23], $0x2800  }
0x31: {  	[sflag:s23] =	ssyncset.done $0x0  }
0x32: {  	s6 =	simm.s32 $0x3;
	[sflag:s23] =	ssyncadd.s32 $0xFFFFD800  }
0x33: {  	_ =	swait.ge [sflag:s6], $0x100  }
0x34: {  	[sflag:s6] =	ssyncset.done $0x0  }
0x35: {  	s9 =	simm.s32 $0x200;
	[sflag:s6] =	ssyncadd.s32 $0xFFFFFF00  }
0x36: {  	[tilespmem:s18], [sflag:$0xB] =	stream.indirect.gather [hbm4b:s3+s26], $0x80, s9, s26, $0xb8;
	[tilespmem:$0x1E080] =	vst v63  }
0x37: {  	_ =	swait.ge [sflag:s7], $0x2800  }
0x38: {  	[sflag:s7] =	ssyncset.done $0x0  }
0x39: {  	s4 =	simm.s32 $0x180;
	[sflag:s7] =	ssyncadd.s32 $0xFFFFD800  }
0x3a: {  	[spmem:s1] =	stream.indirect.scatter.add.f32 [tilespmem:s16], [sflag:$0xE], $0x80, s4, s26, $0xb8;
	[tilespmem:$0x1E080] =	vst v63  }
0x3b: {  	_ =	swait.ge [sflag:s21], $0x2800  }
0x3c: {  	[sflag:s21] =	ssyncset.done $0x0  }
0x3d: {  	[sflag:s21] =	ssyncadd.s32 $0xFFFFD800  }
0x3e: {  	_ =	swait.ge [sflag:s14], $0x100  }
0x3f: {  	[sflag:s14] =	ssyncset.done $0x0  }
0x40: {  	[sflag:s14] =	ssyncadd.s32 $0xFFFFFF00  }
0x41: {  	[tilespmem:s29], [sflag:$0xC] =	stream.indirect.gather [hbm4b:s3+s26], $0x80, s13, s26, $0xb8;
	[tilespmem:$0x1E080] =	vst v63  }
0x42: {  	_ =	swait.ge [sflag:s17], $0x2800  }
0x43: {  	[sflag:s17] =	ssyncset.done $0x0  }
0x44: {  	s9 =	simm.s32 $0x280;
	[sflag:s17] =	ssyncadd.s32 $0xFFFFD800  }
0x45: {  	[spmem:s1] =	stream.indirect.scatter.add.f32 [tilespmem:s18], [sflag:$0xF], $0x80, s9, s26, $0xb8;
	[tilespmem:$0x1E080] =	vst v63  }
0x46: {  	_ =	swait.ge [sflag:s8], $0x2800  }
0x47: {  	[sflag:s8] =	ssyncset.done $0x0  }
0x48: {  	[sflag:s8] =	ssyncadd.s32 $0xFFFFD800  }
0x49: {  	_ =	swait.ge [sflag:s31], $0x100  }
0x4a: {  	[sflag:s31] =	ssyncset.done $0x0  }
0x4b: {  	[sflag:s31] =	ssyncadd.s32 $0xFFFFFF00  }
0x4c: {  	[tilespmem:s28], [sflag:$0x9] =	stream.indirect.gather [hbm4b:s3+s26], $0x80, s12, s26, $0xb8;
	[tilespmem:$0x1E080] =	vst v63  }
0x4d: {  	_ =	swait.ge [sflag:s10], $0x2800  }
0x4e: {  	[sflag:s10] =	ssyncset.done $0x0  }
0x4f: {  	s11 =	simm.s32 $0x380;
	[sflag:s10] =	ssyncadd.s32 $0xFFFFD800  }
0x50: {  	[spmem:s1] =	stream.indirect.scatter.add.f32 [tilespmem:s29], [sflag:$0x10], $0x80, s11, s26, $0xb8;
	[tilespmem:$0x1E080] =	vst v63  }
0x51: {  	_ =	swait.ge [sflag:s30], $0x2800  }
0x52: {  	[sflag:s30] =	ssyncset.done $0x0  }
0x53: {  	s24 =	simm.s32 $0x480;
	[sflag:s30] =	ssyncadd.s32 $0xFFFFD800  }
0x54: {  	[spmem:s1] =	stream.indirect.scatter.add.f32 [tilespmem:s28], [sflag:$0xD], $0x80, s24, s26, $0xb8;
	[tilespmem:$0x1E080] =	vst v63  }
0x55: {  	_ =	swait.ge [sflag:s8], $0x2800  }
0x56: {  	[sflag:s8] =	ssyncset.done $0x0  }
0x57: {  	[sflag:s8] =	ssyncadd.s32 $0xFFFFD800  }
0x58: {  	_ =	swait.ge [sflag:s5], $0x2800  }
0x59: {  	[sflag:s5] =	ssyncset.done $0x0  }
0x5a: {  	[sflag:s5] =	ssyncadd.s32 $0xFFFFD800  }
0x5b: {  	_ =	swait.ge [sflag:s23], $0x2800  }
0x5c: {  	[sflag:s23] =	ssyncset.done $0x0  }
0x5d: {  	[sflag:s23] =	ssyncadd.s32 $0xFFFFD800  }
0x5e: {  	_ =	swait.ge [sflag:s21], $0x2800  }
0x5f: {  	[sflag:s21] =	ssyncset.done $0x0  }
0x60: {  	[sflag:s21] =	ssyncadd.s32 $0xFFFFD800  }
0x61: {  	[bflag:$0x0] =	sbarrier.arrive $0xFFFF  }
0x62: {  	s25 =	sld [smem:$0x7FC]  }
0x63: {  	s4 =	sld [smem:$0x7FD];
	_ =	sdelay $0x1  }
0x64: {  	s24 =	simm.s32 $0x13;
	s11 =	rddreg [dreg:$0xd];
	s9 =	sor.u32 $0x1C13, s25  }
0x65: {  	[hbm:s11], [sflag:s9] =	dma.local [spmem:s4], $0x2700  }
0x66: {  	_ =	swait.ge [sflag:s24], $0x2700  }
0x67: {  	s0 =	sld [smem:$0x7FB]  }
0x68: {  	[sflag:s24] =	ssyncset.done $0x0  }
0x69: {  	s11 =	rddreg [dreg:$0xe];
	[sflag:s24] =	ssyncadd.s32 $0xFFFFD900  }
0x6a: {  	[hbm:s11], [sflag:s9] =	dma.local @!p1 [spmem:s0], $0x100  }
0x6b: {  	s9 =	simm.s32 @!p1 $0x13  }
0x6c: {  	_ =	swait.ge @!p1 [sflag:s9], $0x100  }
0x6d: {  	s4 =	sld [smem:$0x7FA];
	_ =	sdelay $0x2  }
0x6e: {  	s25 =	rddreg [dreg:$0xf];
	s4 =	sadd.s32 $0x1, s4  }
0x6f: {  	p2 =	sne.s32 s4, s25  }
.Ltmp1:
0x70: {  	_ = 	snop;
	(pc) =	sbr.rel @!p2 .LBB2_10-.Ltmp1, $3  }
0x71: {  	_ =	sdelay $0x1  }
0x72: {  	[sflag:s9] =	ssyncset.done @!p1 $0x0  }
0x73: {  	s0 =	simm.s32 $0x500;
	[sflag:s9] =	ssyncadd.s32 @!p1 $0xFFFFFF00  }
.LBB2_1:
0x74: {  	s9 =	stileid.u32;
	s25 =	rddreg [dreg:$0x4]  }
.Ltmp2:
0x75: {  	[smem:$0x7FA] =	sst s4;
	(pc) =	sbr.rel @p0 .LBB2_3-.Ltmp2, $4  }
0x76: {  	s24 =	sshll.u32 s9, $0x6;
	s9 =	rddreg [dreg:$0x1a]  }
0x77: {  	s25 =	sshrl.u32 s25, $0x3;
	[smem:$0x7FC] =	sst s24  }
0x78: {  	s11 =	sshrl.u32 @!p1 s9, $0x3;
	[smem:$0x7FD] =	sst s25  }
0x79: {  	[smem:$0x7FB] =	sst s11  }
.Ltmp3:
0x7a: {  	(pc) =	sbr.rel .LBB2_6-.Ltmp3, $4  }
0x7b: {  	s24 =	sor.u32 $0x1C11, s24;
	s9 =	rddreg [dreg:$0xa]  }
0x7c: {  	[spmem:s25], [sflag:s24] =	dma.local [hbm:s9], $0x2700  }
0x7d: {  	s24 =	simm.s32 @!p1 $0x1C12;
	s9 =	rddreg [dreg:$0xb]  }
0x7e: {  	[spmem:s11], [sflag:s24] =	dma.local @!p1 [hbm:s9], $0x100  }
.LBB2_3:
0x7f: {  	s24 =	sshra.s32 s2, $0x2;
	s25 =	sadd.s32 $0x200, s2  }
.LBB2_4:
0x80: {  	p2 =	sne.s32 s25, $0x9E00;
	[tilespmem:s24+$0x8070] =	vst v0  }
0x81: {  	[tilespmem:s24+$0x8000] =	vst v0  }
0x82: {  	[tilespmem:s24+$0x8010] =	vst v0  }
.Ltmp4:
0x83: {  	[tilespmem:s24+$0x8020] =	vst v0;
	(pc) =	sbr.rel @p2 .LBB2_4-.Ltmp4, $4  }
0x84: {  	[tilespmem:s24+$0x8030] =	vst v0  }
0x85: {  	[tilespmem:s24+$0x8040] =	vst v0  }
0x86: {  	[tilespmem:s24+$0x8050] =	vst v0  }
0x87: {  	[tilespmem:s24+$0x8060] =	vst v0;
	s24 =	sshra.s32 s25, $0x2;
	s25 =	sadd.s32 $0x200, s25  }
0x88: {  	[tilespmem:s24+$0x8070] =	vst v0  }
0x89: {  	[tilespmem:s24+$0x8000] =	vst v0  }
0x8a: {  	[tilespmem:s24+$0x8010] =	vst v0  }
0x8b: {  	[tilespmem:s24+$0x8020] =	vst v0  }
0x8c: {  	[tilespmem:s24+$0x8030] =	vst v0  }
0x8d: {  	[tilespmem:s24+$0x8040] =	vst v0  }
0x8e: {  	[tilespmem:s24+$0x8050] =	vst v0  }
0x8f: {  	[tilespmem:s24+$0x8060] =	vst v0;
	s9 =	rddreg [dreg:$0x4]  }
0x90: {  	[spmem:s9] =	stream.linear.scatter [tilespmem:s29], [sflag:$0x11], $0x2800, $0x38;
	[tilespmem:$0x1E080] =	vst v63  }
0x91: {  	s11 =	rddreg [dreg:$0x5]  }
0x92: {  	[spmem:s11] =	stream.linear.scatter [tilespmem:s29], [sflag:$0x11], $0x2800, $0x38;
	[tilespmem:$0x1E080] =	vst v63  }
0x93: {  	s24 =	rddreg [dreg:$0x6]  }
0x94: {  	[spmem:s24] =	stream.linear.scatter [tilespmem:s29], [sflag:$0x11], $0x2800, $0x38;
	[tilespmem:$0x1E080] =	vst v63  }
0x95: {  	s25 =	rddreg [dreg:$0x7]  }
0x96: {  	[spmem:s25] =	stream.linear.scatter [tilespmem:s29], [sflag:$0x11], $0x2800, $0x38;
	[tilespmem:$0x1E080] =	vst v63  }
0x97: {  	s4 =	rddreg [dreg:$0x8]  }
0x98: {  	[spmem:s4] =	stream.linear.scatter [tilespmem:s29], [sflag:$0x11], $0x2800, $0x38;
	[tilespmem:$0x1E080] =	vst v63  }
0x99: {  	s11 =	rddreg [dreg:$0x9]  }
0x9a: {  	[spmem:s11] =	stream.linear.scatter [tilespmem:s29], [sflag:$0x11], $0x2800, $0x38;
	[tilespmem:$0x1E080] =	vst v63  }
0x9b: {  	s24 =	rddreg [dreg:$0x18]  }
0x9c: {  	[spmem:s24] =	stream.linear.scatter [tilespmem:s29], [sflag:$0x11], $0x2800, $0x38;
	[tilespmem:$0x1E080] =	vst v63  }
0x9d: {  	s25 =	rddreg [dreg:$0x19]  }
0x9e: {  	[spmem:s25] =	stream.linear.scatter [tilespmem:s29], [sflag:$0x11], $0x2000, $0x38;
	[tilespmem:$0x1E080] =	vst v63  }
0x9f: {  	s9 =	rddreg [dreg:$0x1a];
	s24 =	simm.s32 @!p1 $0x8000  }
0xa0: {  	[spmem:s9] =	stream.linear.scatter @!p1 [tilespmem:s24], [sflag:$0x12], $0x800, $0x38;
	[tilespmem:$0x1E080] =	vst v63  }
.LBB2_6:
0xa1: {  	s9 =	rddreg [dreg:$0xc]  }
0xa2: {  	[tilespmem:s2], [sflag:$0x1] =	stream.linear.gather [hbm4b:s9+s2], $0x100, $0x38;
	[tilespmem:$0x1E080] =	vst v63  }
0xa3: {  	s25 =	rddreg [dreg:$0x1b];
	s11 =	simm.s32 $0x100  }
0xa4: {  	[tilespmem:s11], [sflag:$0x2] =	stream.linear.gather [hbm4b:s25+s2], $0x100, $0x38;
	[tilespmem:$0x1E080] =	vst v63  }
0xa5: {  	s4 =	rddreg [dreg:$0x1c];
	s24 =	simm.s32 $0x200  }
0xa6: {  	[tilespmem:s24], [sflag:$0x3] =	stream.linear.gather [hbm4b:s4+s2], $0x100, $0x38;
	[tilespmem:$0x1E080] =	vst v63  }
0xa7: {  	s25 =	rddreg [dreg:$0x1d]  }
0xa8: {  	[tilespmem:s13], [sflag:$0x4] =	stream.linear.gather [hbm4b:s25+s2], $0x100, $0x38;
	[tilespmem:$0x1E080] =	vst v63  }
0xa9: {  	s4 =	rddreg [dreg:$0x1e]  }
0xaa: {  	[tilespmem:s12], [sflag:$0x5] =	stream.linear.gather [hbm4b:s4+s2], $0x100, $0x38;
	[tilespmem:$0x1E080] =	vst v63  }
0xab: {  	s13 =	rddreg [dreg:$0x1f];
	s25 =	simm.s32 $0x1  }
0xac: {  	[tilespmem:s0], [sflag:$0x6] =	stream.linear.gather [hbm4b:s13+s2], $0x100, $0x38;
	[tilespmem:$0x1E080] =	vst v63  }
0xad: {  	_ =	swait.ge [sflag:s25], $0x100  }
0xae: {  	[sflag:s25] =	ssyncset.done $0x0  }
0xaf: {  	[sflag:s25] =	ssyncadd.s32 $0xFFFFFF00  }
0xb0: {  	[tilespmem:s28], [sflag:$0x9] =	stream.indirect.gather [hbm4b:s3+s26], $0x80, s2, s26, $0xb8;
	[tilespmem:$0x1E080] =	vst v63  }
0xb1: {  	_ =	swait.ge [sflag:s15], $0x100  }
0xb2: {  	[sflag:s15] =	ssyncset.done $0x0  }
0xb3: {  	[sflag:s15] =	ssyncadd.s32 $0xFFFFFF00  }
0xb4: {  	[tilespmem:s16], [sflag:$0xA] =	stream.indirect.gather [hbm4b:s3+s26], $0x80, s11, s26, $0xb8;
	[tilespmem:$0x1E080] =	vst v63  }
0xb5: {  	_ =	swait.ge [sflag:s6], $0x100  }
0xb6: {  	[sflag:s6] =	ssyncset.done $0x0  }
0xb7: {  	[sflag:s6] =	ssyncadd.s32 $0xFFFFFF00  }
0xb8: {  	[tilespmem:s18], [sflag:$0xB] =	stream.indirect.gather [hbm4b:s3+s26], $0x80, s24, s26, $0xb8;
	[tilespmem:$0x1E080] =	vst v63  }
0xb9: {  	s24 =	simm.s32 @p0 $0x11  }
0xba: {  	_ =	swait.ge @p0 [sflag:s24], $0x2800  }
0xbb: {  	[sflag:s24] =	ssyncset.done @p0 $0x0  }
0xbc: {  	[sflag:s24] =	ssyncadd.s32 @p0 $0xFFFFD800  }
0xbd: {  	_ =	swait.ge @p0 [sflag:s24], $0x2800  }
0xbe: {  	[sflag:s24] =	ssyncset.done @p0 $0x0  }
0xbf: {  	[sflag:s24] =	ssyncadd.s32 @p0 $0xFFFFD800  }
0xc0: {  	_ =	swait.ge @p0 [sflag:s24], $0x2800  }
0xc1: {  	[sflag:s24] =	ssyncset.done @p0 $0x0  }
0xc2: {  	[sflag:s24] =	ssyncadd.s32 @p0 $0xFFFFD800  }
0xc3: {  	_ =	swait.ge @p0 [sflag:s24], $0x2800  }
0xc4: {  	[sflag:s24] =	ssyncset.done @p0 $0x0  }
0xc5: {  	[sflag:s24] =	ssyncadd.s32 @p0 $0xFFFFD800  }
0xc6: {  	_ =	swait.ge @p0 [sflag:s24], $0x2800  }
0xc7: {  	[sflag:s24] =	ssyncset.done @p0 $0x0  }
0xc8: {  	[sflag:s24] =	ssyncadd.s32 @p0 $0xFFFFD800  }
0xc9: {  	_ =	swait.ge @p0 [sflag:s24], $0x2800  }
0xca: {  	[sflag:s24] =	ssyncset.done @p0 $0x0  }
0xcb: {  	[sflag:s24] =	ssyncadd.s32 @p0 $0xFFFFD800  }
0xcc: {  	_ =	swait.ge @p0 [sflag:s24], $0x2800  }
0xcd: {  	[sflag:s24] =	ssyncset.done @p0 $0x0  }
0xce: {  	[sflag:s24] =	ssyncadd.s32 @p0 $0xFFFFD800  }
0xcf: {  	_ =	swait.ge @p0 [sflag:s24], $0x2000  }
0xd0: {  	[sflag:s24] =	ssyncset.done @p0 $0x0  }
0xd1: {  	[sflag:s24] =	ssyncadd.s32 @p0 $0xFFFFE000;
	s24 =	simm.s32 @!p0 $0x11  }
0xd2: {  	_ =	swait.ge @!p0 [sflag:s24], $0x2700  }
0xd3: {  	[sflag:s24] =	ssyncset.done @!p0 $0x0  }
0xd4: {  	[sflag:s24] =	ssyncadd.s32 @!p0 $0xFFFFD900;
	s24 =	simm.s32 @!p1 $0x12  }
0xd5: {  	_ =	swait.ge @!p1 [sflag:s24], $0x100  }
0xd6: {  	[sflag:s24] =	ssyncset.done @!p1 $0x0  }
0xd7: {  	[sflag:s24] =	ssyncadd.s32 @!p1 $0xFFFFFF00  }
0xd8: {  	[bflag:$0x0] =	sbarrier.arrive $0xFFFF  }
0xd9: {  	s6 =	simm.s32 $0x500;
	s24 =	simm.s32 $0x0;
	s25 =	rddreg [dreg:$0x10]  }
.LBB2_7:
0xda: {  	_ =	swait.ge [sflag:s30], $0x2800  }
0xdb: {  	p2 =	seq.s32 s24, $0x0;
	[sflag:s30] =	ssyncset.done $0x0  }
0xdc: {  	s0 =	simm.s32 $0x80;
	s13 =	simm.s32 @!p2 $0xF;
	[sflag:s30] =	ssyncadd.s32 $0xFFFFD800  }
0xdd: {  	[spmem:s1] =	stream.indirect.scatter.add.f32 [tilespmem:s28], [sflag:$0xD], $0x80, s0, s26, $0xb8;
	[tilespmem:$0x1E080] =	vst v63  }
0xde: {  	_ =	swait.ge @!p2 [sflag:s13], $0x2800  }
0xdf: {  	[sflag:s13] =	ssyncset.done @!p2 $0x0  }
0xe0: {  	[sflag:s13] =	ssyncadd.s32 @!p2 $0xFFFFD800;
	s13 =	simm.s32 @!p2 $0x3  }
0xe1: {  	_ =	swait.ge @!p2 [sflag:s13], $0x100  }
0xe2: {  	s9 =	simm.s32 @!p2 $0x200;
	[sflag:s13] =	ssyncset.done @!p2 $0x0  }
0xe3: {  	s11 =	simm.s32 @!p2 $0x5800;
	[sflag:s13] =	ssyncadd.s32 @!p2 $0xFFFFFF00;
	s13 =	simm.s32 @!p2 $0x50  }
0xe4: {  	[tilespmem:s11], [sflag:$0xB] =	stream.indirect.gather @!p2 [hbm4b:s3+s13], $0x80, s9, s13, $0xb8;
	[tilespmem:$0x1E080] =	vst v63  }
0xe5: {  	s11 =	rddreg [dreg:$0x16]  }
0xe6: {  	s13 =	simm.s32 $0x600;
	s9 =	sadd.s32 s24, s11  }
0xe7: {  	[tilespmem:s13], [sflag:$0x7] =	stream.linear.gather [hbm4b:s9+s2], $0x100, $0x38;
	[tilespmem:$0x1E080] =	vst v63  }
0xe8: {  	_ =	swait.ge [sflag:s7], $0x2800  }
0xe9: {  	[sflag:s7] =	ssyncset.done $0x0  }
0xea: {  	s12 =	simm.s32 $0x180;
	s9 =	simm.s32 @!p2 $0x10;
	[sflag:s7] =	ssyncadd.s32 $0xFFFFD800  }
0xeb: {  	[spmem:s1] =	stream.indirect.scatter.add.f32 [tilespmem:s16], [sflag:$0xE], $0x80, s12, s26, $0xb8;
	[tilespmem:$0x1E080] =	vst v63  }
0xec: {  	_ =	swait.ge @!p2 [sflag:s9], $0x2800  }
0xed: {  	[sflag:s9] =	ssyncset.done @!p2 $0x0  }
0xee: {  	[sflag:s9] =	ssyncadd.s32 @!p2 $0xFFFFD800  }
0xef: {  	_ =	swait.ge [sflag:s14], $0x100  }
0xf0: {  	[sflag:s14] =	ssyncset.done $0x0  }
0xf1: {  	s12 =	simm.s32 $0x300;
	s4 =	rddreg [dreg:$0x17];
	[sflag:s14] =	ssyncadd.s32 $0xFFFFFF00  }
0xf2: {  	[tilespmem:s29], [sflag:$0xC] =	stream.indirect.gather [hbm4b:s3+s26], $0x80, s12, s26, $0xb8;
	[tilespmem:$0x1E080] =	vst v63  }
0xf3: {  	s9 =	sadd.s32 s24, s4;
	s4 =	simm.s32 $0x700  }
0xf4: {  	[tilespmem:s4], [sflag:$0x8] =	stream.linear.gather [hbm4b:s9+s2], $0x100, $0x38;
	[tilespmem:$0x1E080] =	vst v63  }
0xf5: {  	_ =	swait.ge [sflag:s17], $0x2800  }
0xf6: {  	[sflag:s17] =	ssyncset.done $0x0  }
0xf7: {  	s9 =	simm.s32 $0x280;
	[sflag:s17] =	ssyncadd.s32 $0xFFFFD800  }
0xf8: {  	[spmem:s1] =	stream.indirect.scatter.add.f32 [tilespmem:s18], [sflag:$0xF], $0x80, s9, s26, $0xb8;
	[tilespmem:$0x1E080] =	vst v63  }
0xf9: {  	_ =	swait.ge [sflag:s8], $0x2800  }
0xfa: {  	[sflag:s8] =	ssyncset.done $0x0  }
0xfb: {  	[sflag:s8] =	ssyncadd.s32 $0xFFFFD800  }
0xfc: {  	_ =	swait.ge [sflag:s31], $0x100  }
0xfd: {  	s0 =	simm.s32 $0x400;
	[sflag:s31] =	ssyncset.done $0x0  }
0xfe: {  	s9 =	sshrl.u32 s25, $0x3;
	s11 =	rddreg [dreg:$0x3];
	[sflag:s31] =	ssyncadd.s32 $0xFFFFFF00  }
0xff: {  	[tilespmem:s28], [sflag:$0x9] =	stream.indirect.gather [hbm4b:s3+s26], $0x80, s0, s26, $0xb8;
	[tilespmem:$0x1E080] =	vst v63  }
0x100: {  	s9 =	sadd.s32 s11, s9  }
0x101: {  	[tilespmem:s2], [sflag:$0x1] =	stream.linear.gather [hbm4b:s9+s2], $0x100, $0x38;
	[tilespmem:$0x1E080] =	vst v63  }
0x102: {  	_ =	swait.ge [sflag:s10], $0x2800  }
0x103: {  	[sflag:s10] =	ssyncset.done $0x0  }
0x104: {  	s11 =	simm.s32 $0x380;
	[sflag:s10] =	ssyncadd.s32 $0xFFFFD800  }
0x105: {  	[spmem:s1] =	stream.indirect.scatter.add.f32 [tilespmem:s29], [sflag:$0x10], $0x80, s11, s26, $0xb8;
	[tilespmem:$0x1E080] =	vst v63  }
0x106: {  	_ =	swait.ge [sflag:s5], $0x2800  }
0x107: {  	[sflag:s5] =	ssyncset.done $0x0  }
0x108: {  	[sflag:s5] =	ssyncadd.s32 $0xFFFFD800  }
0x109: {  	_ =	swait.ge [sflag:s19], $0x100  }
0x10a: {  	[sflag:s19] =	ssyncset.done $0x0  }
0x10b: {  	s11 =	rddreg [dreg:$0x11];
	[sflag:s19] =	ssyncadd.s32 $0xFFFFFF00  }
0x10c: {  	[tilespmem:s16], [sflag:$0xA] =	stream.indirect.gather [hbm4b:s3+s26], $0x80, s6, s26, $0xb8;
	[tilespmem:$0x1E080] =	vst v63  }
0x10d: {  	s9 =	sadd.s32 s24, s11;
	s11 =	simm.s32 $0x100  }
0x10e: {  	[tilespmem:s11], [sflag:$0x2] =	stream.linear.gather [hbm4b:s9+s2], $0x100, $0x38;
	[tilespmem:$0x1E080] =	vst v63  }
0x10f: {  	_ =	swait.ge [sflag:s30], $0x2800  }
0x110: {  	[sflag:s30] =	ssyncset.done $0x0  }
0x111: {  	s9 =	simm.s32 $0x480;
	[sflag:s30] =	ssyncadd.s32 $0xFFFFD800  }
0x112: {  	[spmem:s1] =	stream.indirect.scatter.add.f32 [tilespmem:s28], [sflag:$0xD], $0x80, s9, s26, $0xb8;
	[tilespmem:$0x1E080] =	vst v63  }
0x113: {  	_ =	swait.ge [sflag:s23], $0x2800  }
0x114: {  	[sflag:s23] =	ssyncset.done $0x0  }
0x115: {  	[sflag:s23] =	ssyncadd.s32 $0xFFFFD800  }
0x116: {  	_ =	swait.ge [sflag:s20], $0x100  }
0x117: {  	[sflag:s20] =	ssyncset.done $0x0  }
0x118: {  	[sflag:s20] =	ssyncadd.s32 $0xFFFFFF00  }
0x119: {  	[tilespmem:s18], [sflag:$0xB] =	stream.indirect.gather [hbm4b:s3+s26], $0x80, s13, s26, $0xb8;
	[tilespmem:$0x1E080] =	vst v63  }
0x11a: {  	s13 =	rddreg [dreg:$0x12]  }
0x11b: {  	s9 =	sadd.s32 s24, s13;
	s13 =	simm.s32 $0x200  }
0x11c: {  	[tilespmem:s13], [sflag:$0x3] =	stream.linear.gather [hbm4b:s9+s2], $0x100, $0x38;
	[tilespmem:$0x1E080] =	vst v63  }
0x11d: {  	_ =	swait.ge [sflag:s7], $0x2800  }
0x11e: {  	[sflag:s7] =	ssyncset.done $0x0  }
0x11f: {  	s13 =	simm.s32 $0x580;
	[sflag:s7] =	ssyncadd.s32 $0xFFFFD800  }
0x120: {  	[spmem:s1] =	stream.indirect.scatter.add.f32 [tilespmem:s16], [sflag:$0xE], $0x80, s13, s26, $0xb8;
	[tilespmem:$0x1E080] =	vst v63  }
0x121: {  	_ =	swait.ge [sflag:s21], $0x2800  }
0x122: {  	[sflag:s21] =	ssyncset.done $0x0  }
0x123: {  	[sflag:s21] =	ssyncadd.s32 $0xFFFFD800  }
0x124: {  	_ =	swait.ge [sflag:s22], $0x100  }
0x125: {  	[sflag:s22] =	ssyncset.done $0x0  }
0x126: {  	[sflag:s22] =	ssyncadd.s32 $0xFFFFFF00  }
0x127: {  	[tilespmem:s29], [sflag:$0xC] =	stream.indirect.gather [hbm4b:s3+s26], $0x80, s4, s26, $0xb8;
	[tilespmem:$0x1E080] =	vst v63  }
0x128: {  	s4 =	rddreg [dreg:$0x13]  }
0x129: {  	s9 =	sadd.s32 s24, s4  }
0x12a: {  	[tilespmem:s12], [sflag:$0x4] =	stream.linear.gather [hbm4b:s9+s2], $0x100, $0x38;
	[tilespmem:$0x1E080] =	vst v63  }
0x12b: {  	_ =	swait.ge [sflag:s17], $0x2800  }
0x12c: {  	[sflag:s17] =	ssyncset.done $0x0  }
0x12d: {  	s9 =	simm.s32 $0x680;
	[sflag:s17] =	ssyncadd.s32 $0xFFFFD800  }
0x12e: {  	[spmem:s1] =	stream.indirect.scatter.add.f32 [tilespmem:s18], [sflag:$0xF], $0x80, s9, s26, $0xb8;
	[tilespmem:$0x1E080] =	vst v63  }
0x12f: {  	_ =	swait.ge [sflag:s8], $0x2800  }
0x130: {  	[sflag:s8] =	ssyncset.done $0x0  }
0x131: {  	s12 =	simm.s32 $0x1;
	[sflag:s8] =	ssyncadd.s32 $0xFFFFD800  }
0x132: {  	_ =	swait.ge [sflag:s12], $0x100  }
0x133: {  	[sflag:s12] =	ssyncset.done $0x0  }
0x134: {  	s4 =	rddreg [dreg:$0x14];
	[sflag:s12] =	ssyncadd.s32 $0xFFFFFF00  }
0x135: {  	[tilespmem:s28], [sflag:$0x9] =	stream.indirect.gather [hbm4b:s3+s26], $0x80, s2, s26, $0xb8;
	[tilespmem:$0x1E080] =	vst v63  }
0x136: {  	s9 =	sadd.s32 s24, s4  }
0x137: {  	[tilespmem:s0], [sflag:$0x5] =	stream.linear.gather [hbm4b:s9+s2], $0x100, $0x38;
	[tilespmem:$0x1E080] =	vst v63  }
0x138: {  	_ =	swait.ge [sflag:s10], $0x2800  }
0x139: {  	[sflag:s10] =	ssyncset.done $0x0  }
0x13a: {  	s9 =	simm.s32 $0x780;
	[sflag:s10] =	ssyncadd.s32 $0xFFFFD800  }
0x13b: {  	[spmem:s1] =	stream.indirect.scatter.add.f32 [tilespmem:s29], [sflag:$0x10], $0x80, s9, s26, $0xb8;
	[tilespmem:$0x1E080] =	vst v63  }
0x13c: {  	_ =	swait.ge [sflag:s5], $0x2800  }
0x13d: {  	p2 =	seq.s32 s24, $0xE00;
	[sflag:s5] =	ssyncset.done $0x0  }
.Ltmp5:
0x13e: {  	[sflag:s5] =	ssyncadd.s32 $0xFFFFD800;
	(pc) =	sbr.rel @p2 .LBB2_9-.Ltmp5, $4  }
0x13f: {  	_ =	swait.ge [sflag:s15], $0x100  }
0x140: {  	[sflag:s15] =	ssyncset.done $0x0  }
0x141: {  	s13 =	simm.s32 $0x300;
	s12 =	simm.s32 $0x400;
	[sflag:s15] =	ssyncadd.s32 $0xFFFFFF00  }
0x142: {  	[tilespmem:s16], [sflag:$0xA] =	stream.indirect.gather [hbm4b:s3+s26], $0x80, s11, s26, $0xb8;
	[tilespmem:$0x1E080] =	vst v63  }
.Ltmp6:
0x143: {  	(pc) =	sbr.rel .LBB2_7-.Ltmp6, $4  }
0x144: {  	_ = 	snop  }
0x145: {  	s9 =	rddreg [dreg:$0x15]  }
0x146: {  	s25 =	sadd.s32 $0x800, s25;
	s9 =	sadd.s32 s24, s9;
	s24 =	sadd.s32 $0x100, s24  }
0x147: {  	[tilespmem:s6], [sflag:$0x6] =	stream.linear.gather [hbm4b:s9+s2], $0x100, $0x38;
	[tilespmem:$0x1E080] =	vst v63  }
.LBB2_10:
0x148: {  	_ =	sfence.sel $0x180000  }
0x149: {  	[bflag:$0x0] =	sbarrier.arrive $0xFFFF  }
0x14a: {  	_ =	strace $0x9000004A  }
0x14b: {  	[bflag:$0x2] =	sbarrier.arrive $0xFFFF  }
0x14c: {  	s0 =	rddreg [dreg:$0x2]  }
0x14d: {  	s0 =	sadd.s32 @!p1 $0x100000, s0  }
0x14e: {  	[sflag:s0] =	ssyncadd.tile.s32 @!p1 $0x1;
	_ =	shalt  }
.Lfunc_end2:
_tile_overlayer_lowered:
.L_overlay_start_2:
0x14f: {  	(tag) =	ssettag $0x2  }
0x150: {  	s0 =	rddreg [dreg:$0x0];
	s2 =	stileid.u32  }
0x151: {  	s1 =	rddreg [dreg:$0x1];
	p0 =	sne.s32 s2, $0x0  }
0x152: {  	s3 =	rddreg [dreg:$0x2];
	[bflag:$0x3] =	sbarrier.arrive $0xFFFF;
	s2 =	simm.s32 @!p0 $0x1C13  }
0x153: {  	[timem:s3], [sflag:s2] =	dma.local @!p0 [hbm:s0], s1  }
0x154: {  	s0 =	simm.s32 @!p0 $0x13  }
0x155: {  	_ =	swait.ge @!p0 [sflag:s0], s1  }
0x156: {  	s1 =	ssub.s32 @!p0 $0x0, s1;
	[sflag:s0] =	ssyncset.done @!p0 $0x0  }
0x157: {  	[sflag:s0] =	ssyncadd.s32 @!p0 s1  }
0x158: {  	[bflag:$0x3] =	sbarrier.arrive $0xFFFF  }
0x159: {  	_ =	shalt  }

</sc_bundles>
